<compile_context>
chip_gen: v7x
topology: tpu7x:2x2x1
jax: 0.10.2.dev20260603
libtpu: 0.0.44.dev20260713+nightly
codegen_flags: <defaults>
</compile_context>

<pallas_src>
import jax
import jax.numpy as jnp
from jax import lax
from jax.experimental import pallas as pl
from jax.experimental.pallas import tpu as pltpu
from jax.experimental.pallas import tpu_sc as plsc

_D = 256
_K = 16
_NC = 2
_NS = 16
_NW = _NC * _NS
_BP = 10240
_BW = _BP // _NW
_CH = 8
_NCHUNK = _BW // _CH
_NG = _D // 16


def _sc_body(nodes_hbm, nidx_hbm, emb_hbm, self_hbm, neigh_hbm, embb_hbm,
             nodes_v, nids2_v, nidsf_v, rows0_v, rows1_v, obuf0_v, obuf1_v,
             selfbuf_v, selfbuf2_v, pbin_v, pbout_v,
             sem_n, sem_s, sem_g0, sem_g1, sem_o0, sem_o1):
    c = lax.axis_index("c")
    s = lax.axis_index("s")
    wid = c * _NS + s
    base = wid * _BW

    n_chunks = emb_hbm.shape[0] // 40
    with jax.named_scope("sc_pack"):
        def _pk(j, _):
            cid = j * _NS + s

            @pl.when(cid < n_chunks)
            def _():
                r0 = cid * 40
                pltpu.sync_copy(emb_hbm.at[pl.ds(r0, 40)], pbin_v)

                def _prow(i, _):
                    for cc in range(_D // 32):
                        a = pbin_v[i, pl.ds(cc * 32, 16)]
                        bq = pbin_v[i, pl.ds(cc * 32 + 16, 16)]
                        pk = plsc.pack(a, bq,
                                       format=plsc.PackFormat.INTERLEAVED)
                        pbout_v[i, pl.ds(cc * 16, 16)] = plsc.bitcast(
                            pk, jnp.int32)
                    return 0
                lax.fori_loop(0, 40, _prow, 0)
                pltpu.sync_copy(pbout_v, embb_hbm.at[c, pl.ds(r0, 40)])
            return 0
        lax.fori_loop(0, (n_chunks + _NS - 1) // _NS, _pk, 0)

    with jax.named_scope("sc_nids"):
        pltpu.sync_copy(nodes_hbm.at[pl.ds(base, _BW)], nodes_v)
        for k in range(4):
            pltpu.async_copy(
                nidx_hbm.at[nodes_v.at[pl.ds(k * 80, 80)]], nids2_v, sem_n
            ).wait()

            def _flat(i, _):
                nidsf_v[pl.ds((k * 80 + i) * _K, _K)] = (
                    nids2_v[i, pl.ds(0, _K)])
                return 0
            lax.fori_loop(0, 80, _flat, 0)

    with jax.named_scope("sc_self"):
        sbufs = (selfbuf_v, selfbuf2_v)
        pltpu.async_copy(
            emb_hbm.at[nodes_v.at[pl.ds(0, 80)]], sbufs[0], sem_s)
        for k in range(4):
            pltpu.make_async_copy(
                emb_hbm.at[nodes_v.at[pl.ds(k * 80, 80)]], sbufs[k % 2],
                sem_s).wait()
            if k < 3:
                pltpu.async_copy(
                    emb_hbm.at[nodes_v.at[pl.ds((k + 1) * 80, 80)]],
                    sbufs[(k + 1) % 2], sem_s)
            pltpu.sync_copy(sbufs[k % 2],
                            self_hbm.at[pl.ds(base + k * 80, 80)])

    rows = (rows0_v, rows1_v)
    obufs = (obuf0_v, obuf1_v)
    sems = (sem_g0, sem_g1)
    sems_o = (sem_o0, sem_o1)

    def _fire(ci, b):
        return pltpu.async_copy(
            embb_hbm.at[c].at[nidsf_v.at[pl.ds(ci * (_CH * _K), _CH * _K)]],
            rows[b], sems[b])

    with jax.named_scope("sc_prime"):
        plsc.subcore_barrier()
        _fire(0, 0)
        _fire(1, 1)

    def _pair(p, _):
        for b in range(2):
            ci = p * 2 + b
            @pl.when(ci >= 1)
            def _():
                pltpu.async_copy(
                    obufs[1 - b],
                    neigh_hbm.at[pl.ds(base + (ci - 1) * _CH, _CH)],
                    sems_o[1 - b])
            pltpu.make_async_copy(
                embb_hbm.at[c].at[
                    nidsf_v.at[pl.ds(ci * (_CH * _K), _CH * _K)]],
                rows[b], sems[b]).wait()
            @pl.when(ci >= 2)
            def _():
                pltpu.make_async_copy(
                    obufs[b], neigh_hbm.at[pl.ds(base, _CH)], sems_o[b]
                ).wait()

            def _node(j, _):
                r0 = j * _K
                for cc in range(_D // 32):

                    def _tree(v):
                        while len(v) > 1:
                            v = [v[2 * i] + v[2 * i + 1]
                                 for i in range(len(v) // 2)]
                        return v[0]
                    evens, odds = [], []
                    for r in range(_K):
                        w = rows[b][r0 + r, pl.ds(cc * 16, 16)]
                        e, o = plsc.unpack(
                            plsc.bitcast(w, jnp.bfloat16),
                            format=plsc.PackFormat.INTERLEAVED)
                        evens.append(e)
                        odds.append(o)
                    obufs[b][j, pl.ds(cc * 32, 16)] = _tree(evens)
                    obufs[b][j, pl.ds(cc * 32 + 16, 16)] = _tree(odds)
                return 0
            lax.fori_loop(0, _CH, _node, 0)

            @pl.when(ci + 2 < _NCHUNK)
            def _():
                _fire(ci + 2, b)
        return 0
    with jax.named_scope("sc_main"):
        lax.fori_loop(0, _NCHUNK // 2, _pair, 0)

    with jax.named_scope("sc_drain"):
        pltpu.make_async_copy(
            obufs[0], neigh_hbm.at[pl.ds(base, _CH)], sems_o[0]).wait()
        pl.delay(256)
        pltpu.sync_copy(
            obufs[1],
            neigh_hbm.at[pl.ds(base + (_NCHUNK - 1) * _CH, _CH)])


def _sc_gather(nodes_p, nidx_p, emb):
    mesh = plsc.VectorSubcoreMesh(core_axis_name="c", subcore_axis_name="s")
    f = pl.kernel(
        _sc_body,
        out_type=(
            jax.ShapeDtypeStruct((_BP, _D), jnp.float32),
            jax.ShapeDtypeStruct((_BP, _D), jnp.float32),
            jax.ShapeDtypeStruct((_NC, emb.shape[0], _D // 2), jnp.int32),
        ),
        mesh=mesh,
        compiler_params=pltpu.CompilerParams(needs_layout_passes=False),
        scratch_types=[
            pltpu.VMEM((_BW,), jnp.int32),
            pltpu.VMEM((80, 128), jnp.int32),
            pltpu.VMEM((_BW * _K,), jnp.int32),
            pltpu.VMEM((_CH * _K, _D // 2), jnp.int32),
            pltpu.VMEM((_CH * _K, _D // 2), jnp.int32),
            pltpu.VMEM((_CH, _D), jnp.float32),
            pltpu.VMEM((_CH, _D), jnp.float32),
            pltpu.VMEM((80, _D), jnp.float32),
            pltpu.VMEM((80, _D), jnp.float32),
            pltpu.VMEM((40, _D), jnp.float32),
            pltpu.VMEM((40, _D // 2), jnp.int32),
            pltpu.SemaphoreType.DMA,
            pltpu.SemaphoreType.DMA,
            pltpu.SemaphoreType.DMA,
            pltpu.SemaphoreType.DMA,
            pltpu.SemaphoreType.DMA,
            pltpu.SemaphoreType.DMA,
        ],
    )
    return f(nodes_p, nidx_p, emb)[:2]


def _tc_body(w1_ref, w2_ref, xs_ref, xn_ref, o_ref):
    a = lax.dot_general(w1_ref[...], xs_ref[...],
                        (((1,), (1,)), ((), ())),
                        preferred_element_type=jnp.float32)
    b = lax.dot_general(w2_ref[...], xn_ref[...],
                        (((1,), (1,)), ((), ())),
                        preferred_element_type=jnp.float32)
    o_ref[...] = jnp.maximum(a + b, 0.0)


def _tc_combine(w1, w2, xs, xn, n_out):
    blk = 2048
    grid = _BP // blk
    return pl.pallas_call(
        _tc_body,
        grid=(grid,),
        in_specs=[
            pl.BlockSpec((_D, _D), lambda i: (0, 0)),
            pl.BlockSpec((_D, _D), lambda i: (0, 0)),
            pl.BlockSpec((blk, _D), lambda i: (i, 0)),
            pl.BlockSpec((blk, _D), lambda i: (i, 0)),
        ],
        out_specs=pl.BlockSpec((_D, blk), lambda i: (0, i)),
        out_shape=jax.ShapeDtypeStruct((_D, n_out), jnp.float32),
    )(w1, w2, xs, xn)


def kernel(nodes, emb, neigh_idx, W):
    B = nodes.shape[0]
    nodes32 = nodes.astype(jnp.int32)
    nidx32 = neigh_idx.astype(jnp.int32)
    nidx_p = jnp.pad(nidx32, ((0, 0), (0, 128 - _K)))
    nodes_p = jnp.zeros((_BP,), jnp.int32).at[:B].set(nodes32)
    self_f, neigh_s = _sc_gather(nodes_p, nidx_p, emb)
    w1 = W[:, :_D]
    w2 = W[:, _D:] * (1.0 / _K)
    return _tc_combine(w1, w2, self_f, neigh_s, B)

# --- scband reference (transcript-rebuilt; emitter-appended) ---
"""Pipeline reference for scband-graphsage-encoder-49795850830176 (READ-ONLY COPY).

The authoritative reference and input builder live on the scoring server;
editing this copy changes nothing except your own understanding.
"""

import jax, jax.numpy as jnp
import numpy as np

N_NODES = 10000
D_IN = 256
D_OUT = 256
NUM_SAMPLE = 16
BATCH = 10000


def setup_inputs(seed: int = 0) -> dict:
    key = jax.random.key(seed)
    k1, k2, k3, k4 = jax.random.split(key, 4)
    # node feature / embedding table (self.emb)
    emb = jax.random.normal(k1, (N_NODES, D_IN), dtype=jnp.float32) * 0.1
    # precomputed sampled neighbor ids per node (self.neighbors + num_sample sampling)
    neigh_idx = jax.random.randint(k2, (N_NODES, NUM_SAMPLE), 0, N_NODES, dtype=jnp.int64)
    # self.weight: xavier_uniform_, shape (out, 2*in) since gcn == 0
    fan_in = 2 * D_IN
    fan_out = D_OUT
    limit = float(np.sqrt(6.0 / (fan_in + fan_out)))
    W = jax.random.uniform(k3, (D_OUT, 2 * D_IN), dtype=jnp.float32, minval=-limit, maxval=limit)
    # batch of node ids
    nodes = jax.random.randint(k4, (BATCH,), 0, N_NODES, dtype=jnp.int64)
    return {"nodes": nodes, "emb": emb, "neigh_idx": neigh_idx, "W": W}


def reference(nodes, emb, neigh_idx, W):
    # aggregator.forward: mean over sampled neighbor embeddings
    sampled = neigh_idx[nodes]                 # [B, NUM_SAMPLE] gather of neighbor ids
    neigh_feats = jnp.mean(jnp.take(emb, sampled, axis=0), axis=1)  # [B, D_IN]
    # gcn == 0 branch: concat self embedding with neighbor aggregate
    self_feats = jnp.take(emb, nodes, axis=0)  # [B, D_IN]
    combined = jnp.concatenate([self_feats, neigh_feats], axis=1)   # [B, 2*D_IN]
    # combined = relu(W @ combined.T) -> [D_OUT, B]
    return jax.nn.relu(W @ combined.T)

if __name__ == "__main__":
    import jax
    _d = setup_inputs()
    print(jax.jit(kernel)(*tuple(_d.values())))

</pallas_src>

<mosaic_0001>
#map = affine_map<(d0, d1) -> (0)>
#map1 = affine_map<(d0, d1) -> (0, 0)>
#map2 = affine_map<(d0, d1) -> (0, 0, 0)>
module attributes {stable_mosaic.version = 14 : i64} {
  func.func @_sc_body(%arg0: i32, %arg1: i32, %arg2: memref<10240xi32, #tpu.memory_space<hbm>>, %arg3: memref<10000x128xi32, #tpu.memory_space<hbm>>, %arg4: memref<10000x256xf32, #tpu.memory_space<hbm>>, %arg5: memref<10240x256xf32, #tpu.memory_space<hbm>>, %arg6: memref<10240x256xf32, #tpu.memory_space<hbm>>, %arg7: memref<2x10000x128xi32, #tpu.memory_space<hbm>>, %arg8: memref<320xi32, #tpu.memory_space<vmem>>, %arg9: memref<80x128xi32, #tpu.memory_space<vmem>>, %arg10: memref<5120xi32, #tpu.memory_space<vmem>>, %arg11: memref<128x128xi32, #tpu.memory_space<vmem>>, %arg12: memref<128x128xi32, #tpu.memory_space<vmem>>, %arg13: memref<8x256xf32, #tpu.memory_space<vmem>>, %arg14: memref<8x256xf32, #tpu.memory_space<vmem>>, %arg15: memref<80x256xf32, #tpu.memory_space<vmem>>, %arg16: memref<80x256xf32, #tpu.memory_space<vmem>>, %arg17: memref<40x256xf32, #tpu.memory_space<vmem>>, %arg18: memref<40x128xi32, #tpu.memory_space<vmem>>, %arg19: memref<!tpu.dma_semaphore, #tpu.memory_space<semaphore_mem>>, %arg20: memref<!tpu.dma_semaphore, #tpu.memory_space<semaphore_mem>>, %arg21: memref<!tpu.dma_semaphore, #tpu.memory_space<semaphore_mem>>, %arg22: memref<!tpu.dma_semaphore, #tpu.memory_space<semaphore_mem>>, %arg23: memref<!tpu.dma_semaphore, #tpu.memory_space<semaphore_mem>>, %arg24: memref<!tpu.dma_semaphore, #tpu.memory_space<semaphore_mem>>) attributes {dimension_semantics = [#tpu.dimension_semantics<core_parallel>, #tpu.dimension_semantics<subcore_parallel>], iteration_bounds = array<i64: 2, 16>, scalar_prefetch = 0 : i64, scratch_operands = 17 : i64, tpu.core_type = #tpu.core_type<sc_vector_subcore>, window_params = [{transform_indices = #map}, {transform_indices = #map1}, {transform_indices = #map1}, {transform_indices = #map1}, {transform_indices = #map1}, {transform_indices = #map2}]} {
    %mul3A = arith.constant 16 : i32
    %mul3A_0 = arith.muli %arg0, %mul3A : i32
    %add3A = arith.addi %mul3A_0, %arg1 : i32
    %mul3A_1 = arith.constant 320 : i32
    %mul3A_2 = arith.muli %add3A, %mul3A_1 : i32
    "tpu.trace_start"() <{level = 10 : i32, message = "sc_pack"}> : () -> ()
    %scan3A = arith.constant 0 : i32
    %scan3A_3 = arith.constant 0 : i32
    %scan3A_4 = arith.constant 16 : i32
    %scan3A_5 = arith.addi %scan3A_3, %scan3A_4 : i32
    %scan3A_6 = arith.constant 1 : i32
    %scan3A_7 = scf.for %scan3A_154 = %scan3A_3 to %scan3A_5 step %scan3A_6 iter_args(%scan3A_155 = %scan3A) -> (i32)  : i32 {
      %mul3A_156 = arith.constant 16 : i32
      %mul3A_157 = arith.muli %scan3A_154, %mul3A_156 : i32
      %add3A_158 = arith.addi %mul3A_157, %arg1 : i32
      %lt3A = arith.constant 250 : i32
      %lt3A_159 = arith.cmpi slt, %add3A_158, %lt3A : i32
      %convert_element_type3A = arith.extui %lt3A_159 : i1 to i32
      %cond3A = arith.constant 0 : i32
      %cond3A_160 = arith.cmpi ne, %convert_element_type3A, %cond3A : i32
      scf.if %cond3A_160 {
        %mul3A_162 = arith.constant 40 : i32
        %mul3A_163 = arith.muli %add3A_158, %mul3A_162 : i32
        "tpu.region"() ({
          %run_scoped3A = tpu.sem_alloc : memref<!tpu.dma_semaphore, #tpu.memory_space<semaphore_mem>>
          %dma_start3A_171 = arith.constant 0 : i32
          %dma_start3A_172 = tpu.memref_slice %arg4[%mul3A_163, %dma_start3A_171] : memref<10000x256xf32, #tpu.memory_space<hbm>> -> memref<40x256xf32, #tpu.memory_space<hbm>>
          %dma_start3A_173 = arith.constant 0 : i32
          %dma_start3A_174 = tpu.memref_slice %arg4[%mul3A_163, %dma_start3A_173] : memref<10000x256xf32, #tpu.memory_space<hbm>> -> memref<40x256xf32, #tpu.memory_space<hbm>>
          tpu.enqueue_dma source(%dma_start3A_174 : memref<40x256xf32, #tpu.memory_space<hbm>>) target(%arg17 : memref<40x256xf32, #tpu.memory_space<vmem>>) target_semaphore(%run_scoped3A : memref<!tpu.dma_semaphore, #tpu.memory_space<semaphore_mem>>)
          %dma_wait3A_175 = arith.constant 0 : i32
          %dma_wait3A_176 = tpu.memref_slice %arg4[%mul3A_163, %dma_wait3A_175] : memref<10000x256xf32, #tpu.memory_space<hbm>> -> memref<40x256xf32, #tpu.memory_space<hbm>>
          %dma_wait3A_177 = arith.constant 0 : i32
          %dma_wait3A_178 = tpu.memref_slice %arg4[%mul3A_163, %dma_wait3A_177] : memref<10000x256xf32, #tpu.memory_space<hbm>> -> memref<40x256xf32, #tpu.memory_space<hbm>>
          tpu.wait_dma2 semaphore(%run_scoped3A : memref<!tpu.dma_semaphore, #tpu.memory_space<semaphore_mem>>) src(%dma_wait3A_178 : memref<40x256xf32, #tpu.memory_space<hbm>>) dst(%arg17 : memref<40x256xf32, #tpu.memory_space<vmem>>)
          tpu.yield
        }) : () -> ()
        %scan3A_164 = arith.constant 0 : i32
        %scan3A_165 = arith.constant 0 : i32
        %scan3A_166 = arith.constant 40 : i32
        %scan3A_167 = arith.addi %scan3A_165, %scan3A_166 : i32
        %scan3A_168 = arith.constant 1 : i32
        %scan3A_169 = scf.for %scan3A_171 = %scan3A_165 to %scan3A_167 step %scan3A_168 iter_args(%scan3A_172 = %scan3A_164) -> (i32)  : i32 {
          %get3A = arith.index_cast %scan3A_171 : i32 to index
          %get3A_173 = arith.constant 0 : index
          %get3A_174 = tpu.vector_load %arg17[%get3A, %get3A_173] {strides = array<i32>} : memref<40x256xf32, #tpu.memory_space<vmem>>, vector<16xf32>,
          %get3A_175 = arith.index_cast %scan3A_171 : i32 to index
          %get3A_176 = arith.constant 16 : index
          %get3A_177 = tpu.vector_load %arg17[%get3A_175, %get3A_176] {strides = array<i32>} : memref<40x256xf32, #tpu.memory_space<vmem>>, vector<16xf32>,
          %pack3A = tpu.pack_subelements %get3A_174, %get3A_177 {pack_format = #tpu.pack_format<interleaved>, positions = array<i32: 0, 1>} : vector<16xf32>, vector<16xf32> -> vector<32xbf16>
          %bitcast3A = vector.bitcast %pack3A : vector<32xbf16> to vector<16xi32>
          %swap3A = arith.index_cast %scan3A_171 : i32 to index
          %swap3A_178 = arith.constant 0 : index
          %swap3A_179 = tpu.vector_load %arg18[%swap3A, %swap3A_178] {strides = array<i32>} : memref<40x128xi32, #tpu.memory_space<vmem>>, vector<16xi32>,
          tpu.vector_store %arg18[%swap3A, %swap3A_178], %bitcast3A {strides = array<i32>} : memref<40x128xi32, #tpu.memory_space<vmem>>, vector<16xi32>,
          %get3A_180 = arith.index_cast %scan3A_171 : i32 to index
          %get3A_181 = arith.constant 32 : index
          %get3A_182 = tpu.vector_load %arg17[%get3A_180, %get3A_181] {strides = array<i32>} : memref<40x256xf32, #tpu.memory_space<vmem>>, vector<16xf32>,
          %get3A_183 = arith.index_cast %scan3A_171 : i32 to index
          %get3A_184 = arith.constant 48 : index
          %get3A_185 = tpu.vector_load %arg17[%get3A_183, %get3A_184] {strides = array<i32>} : memref<40x256xf32, #tpu.memory_space<vmem>>, vector<16xf32>,
          %pack3A_186 = tpu.pack_subelements %get3A_182, %get3A_185 {pack_format = #tpu.pack_format<interleaved>, positions = array<i32: 0, 1>} : vector<16xf32>, vector<16xf32> -> vector<32xbf16>
          %bitcast3A_187 = vector.bitcast %pack3A_186 : vector<32xbf16> to vector<16xi32>
          %swap3A_188 = arith.index_cast %scan3A_171 : i32 to index
          %swap3A_189 = arith.constant 16 : index
          %swap3A_190 = tpu.vector_load %arg18[%swap3A_188, %swap3A_189] {strides = array<i32>} : memref<40x128xi32, #tpu.memory_space<vmem>>, vector<16xi32>,
          tpu.vector_store %arg18[%swap3A_188, %swap3A_189], %bitcast3A_187 {strides = array<i32>} : memref<40x128xi32, #tpu.memory_space<vmem>>, vector<16xi32>,
          %get3A_191 = arith.index_cast %scan3A_171 : i32 to index
          %get3A_192 = arith.constant 64 : index
          %get3A_193 = tpu.vector_load %arg17[%get3A_191, %get3A_192] {strides = array<i32>} : memref<40x256xf32, #tpu.memory_space<vmem>>, vector<16xf32>,
          %get3A_194 = arith.index_cast %scan3A_171 : i32 to index
          %get3A_195 = arith.constant 80 : index
          %get3A_196 = tpu.vector_load %arg17[%get3A_194, %get3A_195] {strides = array<i32>} : memref<40x256xf32, #tpu.memory_space<vmem>>, vector<16xf32>,
          %pack3A_197 = tpu.pack_subelements %get3A_193, %get3A_196 {pack_format = #tpu.pack_format<interleaved>, positions = array<i32: 0, 1>} : vector<16xf32>, vector<16xf32> -> vector<32xbf16>
          %bitcast3A_198 = vector.bitcast %pack3A_197 : vector<32xbf16> to vector<16xi32>
          %swap3A_199 = arith.index_cast %scan3A_171 : i32 to index
          %swap3A_200 = arith.constant 32 : index
          %swap3A_201 = tpu.vector_load %arg18[%swap3A_199, %swap3A_200] {strides = array<i32>} : memref<40x128xi32, #tpu.memory_space<vmem>>, vector<16xi32>,
          tpu.vector_store %arg18[%swap3A_199, %swap3A_200], %bitcast3A_198 {strides = array<i32>} : memref<40x128xi32, #tpu.memory_space<vmem>>, vector<16xi32>,
          %get3A_202 = arith.index_cast %scan3A_171 : i32 to index
          %get3A_203 = arith.constant 96 : index
          %get3A_204 = tpu.vector_load %arg17[%get3A_202, %get3A_203] {strides = array<i32>} : memref<40x256xf32, #tpu.memory_space<vmem>>, vector<16xf32>,
          %get3A_205 = arith.index_cast %scan3A_171 : i32 to index
          %get3A_206 = arith.constant 112 : index
          %get3A_207 = tpu.vector_load %arg17[%get3A_205, %get3A_206] {strides = array<i32>} : memref<40x256xf32, #tpu.memory_space<vmem>>, vector<16xf32>,
          %pack3A_208 = tpu.pack_subelements %get3A_204, %get3A_207 {pack_format = #tpu.pack_format<interleaved>, positions = array<i32: 0, 1>} : vector<16xf32>, vector<16xf32> -> vector<32xbf16>
          %bitcast3A_209 = vector.bitcast %pack3A_208 : vector<32xbf16> to vector<16xi32>
          %swap3A_210 = arith.index_cast %scan3A_171 : i32 to index
          %swap3A_211 = arith.constant 48 : index
          %swap3A_212 = tpu.vector_load %arg18[%swap3A_210, %swap3A_211] {strides = array<i32>} : memref<40x128xi32, #tpu.memory_space<vmem>>, vector<16xi32>,
          tpu.vector_store %arg18[%swap3A_210, %swap3A_211], %bitcast3A_209 {strides = array<i32>} : memref<40x128xi32, #tpu.memory_space<vmem>>, vector<16xi32>,
          %get3A_213 = arith.index_cast %scan3A_171 : i32 to index
          %get3A_214 = arith.constant 128 : index
          %get3A_215 = tpu.vector_load %arg17[%get3A_213, %get3A_214] {strides = array<i32>} : memref<40x256xf32, #tpu.memory_space<vmem>>, vector<16xf32>,
          %get3A_216 = arith.index_cast %scan3A_171 : i32 to index
          %get3A_217 = arith.constant 144 : index
          %get3A_218 = tpu.vector_load %arg17[%get3A_216, %get3A_217] {strides = array<i32>} : memref<40x256xf32, #tpu.memory_space<vmem>>, vector<16xf32>,
          %pack3A_219 = tpu.pack_subelements %get3A_215, %get3A_218 {pack_format = #tpu.pack_format<interleaved>, positions = array<i32: 0, 1>} : vector<16xf32>, vector<16xf32> -> vector<32xbf16>
          %bitcast3A_220 = vector.bitcast %pack3A_219 : vector<32xbf16> to vector<16xi32>
          %swap3A_221 = arith.index_cast %scan3A_171 : i32 to index
          %swap3A_222 = arith.constant 64 : index
          %swap3A_223 = tpu.vector_load %arg18[%swap3A_221, %swap3A_222] {strides = array<i32>} : memref<40x128xi32, #tpu.memory_space<vmem>>, vector<16xi32>,
          tpu.vector_store %arg18[%swap3A_221, %swap3A_222], %bitcast3A_220 {strides = array<i32>} : memref<40x128xi32, #tpu.memory_space<vmem>>, vector<16xi32>,
          %get3A_224 = arith.index_cast %scan3A_171 : i32 to index
          %get3A_225 = arith.constant 160 : index
          %get3A_226 = tpu.vector_load %arg17[%get3A_224, %get3A_225] {strides = array<i32>} : memref<40x256xf32, #tpu.memory_space<vmem>>, vector<16xf32>,
          %get3A_227 = arith.index_cast %scan3A_171 : i32 to index
          %get3A_228 = arith.constant 176 : index
          %get3A_229 = tpu.vector_load %arg17[%get3A_227, %get3A_228] {strides = array<i32>} : memref<40x256xf32, #tpu.memory_space<vmem>>, vector<16xf32>,
          %pack3A_230 = tpu.pack_subelements %get3A_226, %get3A_229 {pack_format = #tpu.pack_format<interleaved>, positions = array<i32: 0, 1>} : vector<16xf32>, vector<16xf32> -> vector<32xbf16>
          %bitcast3A_231 = vector.bitcast %pack3A_230 : vector<32xbf16> to vector<16xi32>
          %swap3A_232 = arith.index_cast %scan3A_171 : i32 to index
          %swap3A_233 = arith.constant 80 : index
          %swap3A_234 = tpu.vector_load %arg18[%swap3A_232, %swap3A_233] {strides = array<i32>} : memref<40x128xi32, #tpu.memory_space<vmem>>, vector<16xi32>,
          tpu.vector_store %arg18[%swap3A_232, %swap3A_233], %bitcast3A_231 {strides = array<i32>} : memref<40x128xi32, #tpu.memory_space<vmem>>, vector<16xi32>,
          %get3A_235 = arith.index_cast %scan3A_171 : i32 to index
          %get3A_236 = arith.constant 192 : index
          %get3A_237 = tpu.vector_load %arg17[%get3A_235, %get3A_236] {strides = array<i32>} : memref<40x256xf32, #tpu.memory_space<vmem>>, vector<16xf32>,
          %get3A_238 = arith.index_cast %scan3A_171 : i32 to index
          %get3A_239 = arith.constant 208 : index
          %get3A_240 = tpu.vector_load %arg17[%get3A_238, %get3A_239] {strides = array<i32>} : memref<40x256xf32, #tpu.memory_space<vmem>>, vector<16xf32>,
          %pack3A_241 = tpu.pack_subelements %get3A_237, %get3A_240 {pack_format = #tpu.pack_format<interleaved>, positions = array<i32: 0, 1>} : vector<16xf32>, vector<16xf32> -> vector<32xbf16>
          %bitcast3A_242 = vector.bitcast %pack3A_241 : vector<32xbf16> to vector<16xi32>
          %swap3A_243 = arith.index_cast %scan3A_171 : i32 to index
          %swap3A_244 = arith.constant 96 : index
          %swap3A_245 = tpu.vector_load %arg18[%swap3A_243, %swap3A_244] {strides = array<i32>} : memref<40x128xi32, #tpu.memory_space<vmem>>, vector<16xi32>,
          tpu.vector_store %arg18[%swap3A_243, %swap3A_244], %bitcast3A_242 {strides = array<i32>} : memref<40x128xi32, #tpu.memory_space<vmem>>, vector<16xi32>,
          %get3A_246 = arith.index_cast %scan3A_171 : i32 to index
          %get3A_247 = arith.constant 224 : index
          %get3A_248 = tpu.vector_load %arg17[%get3A_246, %get3A_247] {strides = array<i32>} : memref<40x256xf32, #tpu.memory_space<vmem>>, vector<16xf32>,
          %get3A_249 = arith.index_cast %scan3A_171 : i32 to index
          %get3A_250 = arith.constant 240 : index
          %get3A_251 = tpu.vector_load %arg17[%get3A_249, %get3A_250] {strides = array<i32>} : memref<40x256xf32, #tpu.memory_space<vmem>>, vector<16xf32>,
          %pack3A_252 = tpu.pack_subelements %get3A_248, %get3A_251 {pack_format = #tpu.pack_format<interleaved>, positions = array<i32: 0, 1>} : vector<16xf32>, vector<16xf32> -> vector<32xbf16>
          %bitcast3A_253 = vector.bitcast %pack3A_252 : vector<32xbf16> to vector<16xi32>
          %swap3A_254 = arith.index_cast %scan3A_171 : i32 to index
          %swap3A_255 = arith.constant 112 : index
          %swap3A_256 = tpu.vector_load %arg18[%swap3A_254, %swap3A_255] {strides = array<i32>} : memref<40x128xi32, #tpu.memory_space<vmem>>, vector<16xi32>,
          tpu.vector_store %arg18[%swap3A_254, %swap3A_255], %bitcast3A_253 {strides = array<i32>} : memref<40x128xi32, #tpu.memory_space<vmem>>, vector<16xi32>,
          %scan3A_257 = arith.constant 0 : i32
          scf.yield %scan3A_257 : i32
        }
        %scan3A_170 = arith.constant 40 : i32
        "tpu.region"() ({
          %run_scoped3A = tpu.sem_alloc : memref<!tpu.dma_semaphore, #tpu.memory_space<semaphore_mem>>
          %dma_start3A_171 = arith.constant 0 : i32
          %dma_start3A_172 = tpu.memref_slice %arg7[%arg0, %mul3A_163, %dma_start3A_171] : memref<2x10000x128xi32, #tpu.memory_space<hbm>> -> memref<1x40x128xi32, #tpu.memory_space<hbm>>
          %dma_start3A_173 = tpu.memref_squeeze %dma_start3A_172 : memref<1x40x128xi32, #tpu.memory_space<hbm>> -> memref<40x128xi32, #tpu.memory_space<hbm>>
          %dma_start3A_174 = arith.constant 0 : i32
          %dma_start3A_175 = tpu.memref_slice %arg7[%arg0, %mul3A_163, %dma_start3A_174] : memref<2x10000x128xi32, #tpu.memory_space<hbm>> -> memref<1x40x128xi32, #tpu.memory_space<hbm>>
          %dma_start3A_176 = tpu.memref_squeeze %dma_start3A_175 : memref<1x40x128xi32, #tpu.memory_space<hbm>> -> memref<40x128xi32, #tpu.memory_space<hbm>>
          tpu.enqueue_dma source(%arg18 : memref<40x128xi32, #tpu.memory_space<vmem>>) target(%dma_start3A_176 : memref<40x128xi32, #tpu.memory_space<hbm>>) target_semaphore(%run_scoped3A : memref<!tpu.dma_semaphore, #tpu.memory_space<semaphore_mem>>)
          %dma_wait3A_177 = arith.constant 0 : i32
          %dma_wait3A_178 = tpu.memref_slice %arg7[%arg0, %mul3A_163, %dma_wait3A_177] : memref<2x10000x128xi32, #tpu.memory_space<hbm>> -> memref<1x40x128xi32, #tpu.memory_space<hbm>>
          %dma_wait3A_179 = tpu.memref_squeeze %dma_wait3A_178 : memref<1x40x128xi32, #tpu.memory_space<hbm>> -> memref<40x128xi32, #tpu.memory_space<hbm>>
          %dma_wait3A_180 = arith.constant 0 : i32
          %dma_wait3A_181 = tpu.memref_slice %arg7[%arg0, %mul3A_163, %dma_wait3A_180] : memref<2x10000x128xi32, #tpu.memory_space<hbm>> -> memref<1x40x128xi32, #tpu.memory_space<hbm>>
          %dma_wait3A_182 = tpu.memref_squeeze %dma_wait3A_181 : memref<1x40x128xi32, #tpu.memory_space<hbm>> -> memref<40x128xi32, #tpu.memory_space<hbm>>
          tpu.wait_dma2 semaphore(%run_scoped3A : memref<!tpu.dma_semaphore, #tpu.memory_space<semaphore_mem>>) src(%arg18 : memref<40x128xi32, #tpu.memory_space<vmem>>) dst(%dma_wait3A_182 : memref<40x128xi32, #tpu.memory_space<hbm>>)
          tpu.yield
        }) : () -> ()
      } else {
      }
      %scan3A_161 = arith.constant 0 : i32
      scf.yield %scan3A_161 : i32
    }
    %scan3A_8 = arith.constant 16 : i32
    "tpu.trace_stop"() : () -> ()
    "tpu.trace_start"() <{level = 10 : i32, message = "sc_nids"}> : () -> ()
    "tpu.region"() ({
      %run_scoped3A = tpu.sem_alloc : memref<!tpu.dma_semaphore, #tpu.memory_space<semaphore_mem>>
      %dma_start3A_154 = tpu.memref_slice %arg2[%mul3A_2] : memref<10240xi32, #tpu.memory_space<hbm>> -> memref<320xi32, #tpu.memory_space<hbm>>
      %dma_start3A_155 = tpu.memref_slice %arg2[%mul3A_2] : memref<10240xi32, #tpu.memory_space<hbm>> -> memref<320xi32, #tpu.memory_space<hbm>>
      tpu.enqueue_dma source(%dma_start3A_155 : memref<320xi32, #tpu.memory_space<hbm>>) target(%arg8 : memref<320xi32, #tpu.memory_space<vmem>>) target_semaphore(%run_scoped3A : memref<!tpu.dma_semaphore, #tpu.memory_space<semaphore_mem>>)
      %dma_wait3A_156 = tpu.memref_slice %arg2[%mul3A_2] : memref<10240xi32, #tpu.memory_space<hbm>> -> memref<320xi32, #tpu.memory_space<hbm>>
      %dma_wait3A_157 = tpu.memref_slice %arg2[%mul3A_2] : memref<10240xi32, #tpu.memory_space<hbm>> -> memref<320xi32, #tpu.memory_space<hbm>>
      tpu.wait_dma2 semaphore(%run_scoped3A : memref<!tpu.dma_semaphore, #tpu.memory_space<semaphore_mem>>) src(%dma_wait3A_157 : memref<320xi32, #tpu.memory_space<hbm>>) dst(%arg8 : memref<320xi32, #tpu.memory_space<vmem>>)
      tpu.yield
    }) : () -> ()
    %dma_start3A = arith.constant 0 : i32
    %dma_start3A_9 = tpu.memref_slice %arg8[%dma_start3A] : memref<320xi32, #tpu.memory_space<vmem>> -> memref<80xi32, #tpu.memory_space<vmem>>
    %dma_start3A_10 = arith.constant 0 : i32
    %dma_start3A_11 = arith.constant 0 : i32
    %dma_start3A_12 = tpu.memref_slice %arg3[%dma_start3A_10, %dma_start3A_11] : memref<10000x128xi32, #tpu.memory_space<hbm>> -> memref<10000x128xi32, #tpu.memory_space<hbm>>
    tpu.enqueue_indirect_dma source(%dma_start3A_12 : memref<10000x128xi32, #tpu.memory_space<hbm>>) target(%arg9 : memref<80x128xi32, #tpu.memory_space<vmem>>) offsets(%dma_start3A_9 : memref<80xi32, #tpu.memory_space<vmem>>) semaphore(%arg19 : memref<!tpu.dma_semaphore, #tpu.memory_space<semaphore_mem>>)
    %dma_wait3A = arith.constant 0 : i32
    %dma_wait3A_13 = tpu.memref_slice %arg8[%dma_wait3A] : memref<320xi32, #tpu.memory_space<vmem>> -> memref<80xi32, #tpu.memory_space<vmem>>
    %dma_wait3A_14 = arith.constant 0 : i32
    %dma_wait3A_15 = arith.constant 0 : i32
    %dma_wait3A_16 = tpu.memref_slice %arg3[%dma_wait3A_14, %dma_wait3A_15] : memref<10000x128xi32, #tpu.memory_space<hbm>> -> memref<10000x128xi32, #tpu.memory_space<hbm>>
    tpu.wait_indirect_dma semaphore(%arg19 : memref<!tpu.dma_semaphore, #tpu.memory_space<semaphore_mem>>) src(%dma_wait3A_16 : memref<10000x128xi32, #tpu.memory_space<hbm>>) dst(%arg9 : memref<80x128xi32, #tpu.memory_space<vmem>>)
    %scan3A_17 = arith.constant 0 : i32
    %scan3A_18 = arith.constant 0 : i32
    %scan3A_19 = arith.constant 80 : i32
    %scan3A_20 = arith.addi %scan3A_18, %scan3A_19 : i32
    %scan3A_21 = arith.constant 1 : i32
    %scan3A_22 = scf.for %scan3A_154 = %scan3A_18 to %scan3A_20 step %scan3A_21 iter_args(%scan3A_155 = %scan3A_17) -> (i32)  : i32 {
      %get3A = arith.index_cast %scan3A_154 : i32 to index
      %get3A_156 = arith.constant 0 : index
      %get3A_157 = tpu.vector_load %arg9[%get3A, %get3A_156] {strides = array<i32>} : memref<80x128xi32, #tpu.memory_space<vmem>>, vector<16xi32>,
      %add3A_158 = arith.constant 0 : i32
      %add3A_159 = arith.addi %add3A_158, %scan3A_154 : i32
      %mul3A_160 = arith.constant 16 : i32
      %mul3A_161 = arith.muli %add3A_159, %mul3A_160 : i32
      %swap3A = arith.index_cast %mul3A_161 : i32 to index
      %swap3A_162 = tpu.vector_load %arg10[%swap3A] {strides = array<i32>} : memref<5120xi32, #tpu.memory_space<vmem>>, vector<16xi32>,
      tpu.vector_store %arg10[%swap3A], %get3A_157 {strides = array<i32>} : memref<5120xi32, #tpu.memory_space<vmem>>, vector<16xi32>,
      %scan3A_163 = arith.constant 0 : i32
      scf.yield %scan3A_163 : i32
    }
    %scan3A_23 = arith.constant 80 : i32
    %dma_start3A_24 = arith.constant 80 : i32
    %dma_start3A_25 = tpu.memref_slice %arg8[%dma_start3A_24] : memref<320xi32, #tpu.memory_space<vmem>> -> memref<80xi32, #tpu.memory_space<vmem>>
    %dma_start3A_26 = arith.constant 0 : i32
    %dma_start3A_27 = arith.constant 0 : i32
    %dma_start3A_28 = tpu.memref_slice %arg3[%dma_start3A_26, %dma_start3A_27] : memref<10000x128xi32, #tpu.memory_space<hbm>> -> memref<10000x128xi32, #tpu.memory_space<hbm>>
    tpu.enqueue_indirect_dma source(%dma_start3A_28 : memref<10000x128xi32, #tpu.memory_space<hbm>>) target(%arg9 : memref<80x128xi32, #tpu.memory_space<vmem>>) offsets(%dma_start3A_25 : memref<80xi32, #tpu.memory_space<vmem>>) semaphore(%arg19 : memref<!tpu.dma_semaphore, #tpu.memory_space<semaphore_mem>>)
    %dma_wait3A_29 = arith.constant 80 : i32
    %dma_wait3A_30 = tpu.memref_slice %arg8[%dma_wait3A_29] : memref<320xi32, #tpu.memory_space<vmem>> -> memref<80xi32, #tpu.memory_space<vmem>>
    %dma_wait3A_31 = arith.constant 0 : i32
    %dma_wait3A_32 = arith.constant 0 : i32
    %dma_wait3A_33 = tpu.memref_slice %arg3[%dma_wait3A_31, %dma_wait3A_32] : memref<10000x128xi32, #tpu.memory_space<hbm>> -> memref<10000x128xi32, #tpu.memory_space<hbm>>
    tpu.wait_indirect_dma semaphore(%arg19 : memref<!tpu.dma_semaphore, #tpu.memory_space<semaphore_mem>>) src(%dma_wait3A_33 : memref<10000x128xi32, #tpu.memory_space<hbm>>) dst(%arg9 : memref<80x128xi32, #tpu.memory_space<vmem>>)
    %scan3A_34 = arith.constant 0 : i32
    %scan3A_35 = arith.constant 0 : i32
    %scan3A_36 = arith.constant 80 : i32
    %scan3A_37 = arith.addi %scan3A_35, %scan3A_36 : i32
    %scan3A_38 = arith.constant 1 : i32
    %scan3A_39 = scf.for %scan3A_154 = %scan3A_35 to %scan3A_37 step %scan3A_38 iter_args(%scan3A_155 = %scan3A_34) -> (i32)  : i32 {
      %get3A = arith.index_cast %scan3A_154 : i32 to index
      %get3A_156 = arith.constant 0 : index
      %get3A_157 = tpu.vector_load %arg9[%get3A, %get3A_156] {strides = array<i32>} : memref<80x128xi32, #tpu.memory_space<vmem>>, vector<16xi32>,
      %add3A_158 = arith.constant 80 : i32
      %add3A_159 = arith.addi %add3A_158, %scan3A_154 : i32
      %mul3A_160 = arith.constant 16 : i32
      %mul3A_161 = arith.muli %add3A_159, %mul3A_160 : i32
      %swap3A = arith.index_cast %mul3A_161 : i32 to index
      %swap3A_162 = tpu.vector_load %arg10[%swap3A] {strides = array<i32>} : memref<5120xi32, #tpu.memory_space<vmem>>, vector<16xi32>,
      tpu.vector_store %arg10[%swap3A], %get3A_157 {strides = array<i32>} : memref<5120xi32, #tpu.memory_space<vmem>>, vector<16xi32>,
      %scan3A_163 = arith.constant 0 : i32
      scf.yield %scan3A_163 : i32
    }
    %scan3A_40 = arith.constant 80 : i32
    %dma_start3A_41 = arith.constant 160 : i32
    %dma_start3A_42 = tpu.memref_slice %arg8[%dma_start3A_41] : memref<320xi32, #tpu.memory_space<vmem>> -> memref<80xi32, #tpu.memory_space<vmem>>
    %dma_start3A_43 = arith.constant 0 : i32
    %dma_start3A_44 = arith.constant 0 : i32
    %dma_start3A_45 = tpu.memref_slice %arg3[%dma_start3A_43, %dma_start3A_44] : memref<10000x128xi32, #tpu.memory_space<hbm>> -> memref<10000x128xi32, #tpu.memory_space<hbm>>
    tpu.enqueue_indirect_dma source(%dma_start3A_45 : memref<10000x128xi32, #tpu.memory_space<hbm>>) target(%arg9 : memref<80x128xi32, #tpu.memory_space<vmem>>) offsets(%dma_start3A_42 : memref<80xi32, #tpu.memory_space<vmem>>) semaphore(%arg19 : memref<!tpu.dma_semaphore, #tpu.memory_space<semaphore_mem>>)
    %dma_wait3A_46 = arith.constant 160 : i32
    %dma_wait3A_47 = tpu.memref_slice %arg8[%dma_wait3A_46] : memref<320xi32, #tpu.memory_space<vmem>> -> memref<80xi32, #tpu.memory_space<vmem>>
    %dma_wait3A_48 = arith.constant 0 : i32
    %dma_wait3A_49 = arith.constant 0 : i32
    %dma_wait3A_50 = tpu.memref_slice %arg3[%dma_wait3A_48, %dma_wait3A_49] : memref<10000x128xi32, #tpu.memory_space<hbm>> -> memref<10000x128xi32, #tpu.memory_space<hbm>>
    tpu.wait_indirect_dma semaphore(%arg19 : memref<!tpu.dma_semaphore, #tpu.memory_space<semaphore_mem>>) src(%dma_wait3A_50 : memref<10000x128xi32, #tpu.memory_space<hbm>>) dst(%arg9 : memref<80x128xi32, #tpu.memory_space<vmem>>)
    %scan3A_51 = arith.constant 0 : i32
    %scan3A_52 = arith.constant 0 : i32
    %scan3A_53 = arith.constant 80 : i32
    %scan3A_54 = arith.addi %scan3A_52, %scan3A_53 : i32
    %scan3A_55 = arith.constant 1 : i32
    %scan3A_56 = scf.for %scan3A_154 = %scan3A_52 to %scan3A_54 step %scan3A_55 iter_args(%scan3A_155 = %scan3A_51) -> (i32)  : i32 {
      %get3A = arith.index_cast %scan3A_154 : i32 to index
      %get3A_156 = arith.constant 0 : index
      %get3A_157 = tpu.vector_load %arg9[%get3A, %get3A_156] {strides = array<i32>} : memref<80x128xi32, #tpu.memory_space<vmem>>, vector<16xi32>,
      %add3A_158 = arith.constant 160 : i32
      %add3A_159 = arith.addi %add3A_158, %scan3A_154 : i32
      %mul3A_160 = arith.constant 16 : i32
      %mul3A_161 = arith.muli %add3A_159, %mul3A_160 : i32
      %swap3A = arith.index_cast %mul3A_161 : i32 to index
      %swap3A_162 = tpu.vector_load %arg10[%swap3A] {strides = array<i32>} : memref<5120xi32, #tpu.memory_space<vmem>>, vector<16xi32>,
      tpu.vector_store %arg10[%swap3A], %get3A_157 {strides = array<i32>} : memref<5120xi32, #tpu.memory_space<vmem>>, vector<16xi32>,
      %scan3A_163 = arith.constant 0 : i32
      scf.yield %scan3A_163 : i32
    }
    %scan3A_57 = arith.constant 80 : i32
    %dma_start3A_58 = arith.constant 240 : i32
    %dma_start3A_59 = tpu.memref_slice %arg8[%dma_start3A_58] : memref<320xi32, #tpu.memory_space<vmem>> -> memref<80xi32, #tpu.memory_space<vmem>>
    %dma_start3A_60 = arith.constant 0 : i32
    %dma_start3A_61 = arith.constant 0 : i32
    %dma_start3A_62 = tpu.memref_slice %arg3[%dma_start3A_60, %dma_start3A_61] : memref<10000x128xi32, #tpu.memory_space<hbm>> -> memref<10000x128xi32, #tpu.memory_space<hbm>>
    tpu.enqueue_indirect_dma source(%dma_start3A_62 : memref<10000x128xi32, #tpu.memory_space<hbm>>) target(%arg9 : memref<80x128xi32, #tpu.memory_space<vmem>>) offsets(%dma_start3A_59 : memref<80xi32, #tpu.memory_space<vmem>>) semaphore(%arg19 : memref<!tpu.dma_semaphore, #tpu.memory_space<semaphore_mem>>)
    %dma_wait3A_63 = arith.constant 240 : i32
    %dma_wait3A_64 = tpu.memref_slice %arg8[%dma_wait3A_63] : memref<320xi32, #tpu.memory_space<vmem>> -> memref<80xi32, #tpu.memory_space<vmem>>
    %dma_wait3A_65 = arith.constant 0 : i32
    %dma_wait3A_66 = arith.constant 0 : i32
    %dma_wait3A_67 = tpu.memref_slice %arg3[%dma_wait3A_65, %dma_wait3A_66] : memref<10000x128xi32, #tpu.memory_space<hbm>> -> memref<10000x128xi32, #tpu.memory_space<hbm>>
    tpu.wait_indirect_dma semaphore(%arg19 : memref<!tpu.dma_semaphore, #tpu.memory_space<semaphore_mem>>) src(%dma_wait3A_67 : memref<10000x128xi32, #tpu.memory_space<hbm>>) dst(%arg9 : memref<80x128xi32, #tpu.memory_space<vmem>>)
    %scan3A_68 = arith.constant 0 : i32
    %scan3A_69 = arith.constant 0 : i32
    %scan3A_70 = arith.constant 80 : i32
    %scan3A_71 = arith.addi %scan3A_69, %scan3A_70 : i32
    %scan3A_72 = arith.constant 1 : i32
    %scan3A_73 = scf.for %scan3A_154 = %scan3A_69 to %scan3A_71 step %scan3A_72 iter_args(%scan3A_155 = %scan3A_68) -> (i32)  : i32 {
      %get3A = arith.index_cast %scan3A_154 : i32 to index
      %get3A_156 = arith.constant 0 : index
      %get3A_157 = tpu.vector_load %arg9[%get3A, %get3A_156] {strides = array<i32>} : memref<80x128xi32, #tpu.memory_space<vmem>>, vector<16xi32>,
      %add3A_158 = arith.constant 240 : i32
      %add3A_159 = arith.addi %add3A_158, %scan3A_154 : i32
      %mul3A_160 = arith.constant 16 : i32
      %mul3A_161 = arith.muli %add3A_159, %mul3A_160 : i32
      %swap3A = arith.index_cast %mul3A_161 : i32 to index
      %swap3A_162 = tpu.vector_load %arg10[%swap3A] {strides = array<i32>} : memref<5120xi32, #tpu.memory_space<vmem>>, vector<16xi32>,
      tpu.vector_store %arg10[%swap3A], %get3A_157 {strides = array<i32>} : memref<5120xi32, #tpu.memory_space<vmem>>, vector<16xi32>,
      %scan3A_163 = arith.constant 0 : i32
      scf.yield %scan3A_163 : i32
    }
    %scan3A_74 = arith.constant 80 : i32
    "tpu.trace_stop"() : () -> ()
    "tpu.trace_start"() <{level = 10 : i32, message = "sc_self"}> : () -> ()
    %dma_start3A_75 = arith.constant 0 : i32
    %dma_start3A_76 = tpu.memref_slice %arg8[%dma_start3A_75] : memref<320xi32, #tpu.memory_space<vmem>> -> memref<80xi32, #tpu.memory_space<vmem>>
    %dma_start3A_77 = arith.constant 0 : i32
    %dma_start3A_78 = arith.constant 0 : i32
    %dma_start3A_79 = tpu.memref_slice %arg4[%dma_start3A_77, %dma_start3A_78] : memref<10000x256xf32, #tpu.memory_space<hbm>> -> memref<10000x256xf32, #tpu.memory_space<hbm>>
    tpu.enqueue_indirect_dma source(%dma_start3A_79 : memref<10000x256xf32, #tpu.memory_space<hbm>>) target(%arg15 : memref<80x256xf32, #tpu.memory_space<vmem>>) offsets(%dma_start3A_76 : memref<80xi32, #tpu.memory_space<vmem>>) semaphore(%arg20 : memref<!tpu.dma_semaphore, #tpu.memory_space<semaphore_mem>>)
    %dma_wait3A_80 = arith.constant 0 : i32
    %dma_wait3A_81 = tpu.memref_slice %arg8[%dma_wait3A_80] : memref<320xi32, #tpu.memory_space<vmem>> -> memref<80xi32, #tpu.memory_space<vmem>>
    %dma_wait3A_82 = arith.constant 0 : i32
    %dma_wait3A_83 = arith.constant 0 : i32
    %dma_wait3A_84 = tpu.memref_slice %arg4[%dma_wait3A_82, %dma_wait3A_83] : memref<10000x256xf32, #tpu.memory_space<hbm>> -> memref<10000x256xf32, #tpu.memory_space<hbm>>
    tpu.wait_indirect_dma semaphore(%arg20 : memref<!tpu.dma_semaphore, #tpu.memory_space<semaphore_mem>>) src(%dma_wait3A_84 : memref<10000x256xf32, #tpu.memory_space<hbm>>) dst(%arg15 : memref<80x256xf32, #tpu.memory_space<vmem>>)
    %dma_start3A_85 = arith.constant 80 : i32
    %dma_start3A_86 = tpu.memref_slice %arg8[%dma_start3A_85] : memref<320xi32, #tpu.memory_space<vmem>> -> memref<80xi32, #tpu.memory_space<vmem>>
    %dma_start3A_87 = arith.constant 0 : i32
    %dma_start3A_88 = arith.constant 0 : i32
    %dma_start3A_89 = tpu.memref_slice %arg4[%dma_start3A_87, %dma_start3A_88] : memref<10000x256xf32, #tpu.memory_space<hbm>> -> memref<10000x256xf32, #tpu.memory_space<hbm>>
    tpu.enqueue_indirect_dma source(%dma_start3A_89 : memref<10000x256xf32, #tpu.memory_space<hbm>>) target(%arg16 : memref<80x256xf32, #tpu.memory_space<vmem>>) offsets(%dma_start3A_86 : memref<80xi32, #tpu.memory_space<vmem>>) semaphore(%arg20 : memref<!tpu.dma_semaphore, #tpu.memory_space<semaphore_mem>>)
    %add3A_90 = arith.constant 0 : i32
    %add3A_91 = arith.addi %mul3A_2, %add3A_90 : i32
    "tpu.region"() ({
      %run_scoped3A = tpu.sem_alloc : memref<!tpu.dma_semaphore, #tpu.memory_space<semaphore_mem>>
      %dma_start3A_154 = arith.constant 0 : i32
      %dma_start3A_155 = tpu.memref_slice %arg5[%add3A_91, %dma_start3A_154] : memref<10240x256xf32, #tpu.memory_space<hbm>> -> memref<80x256xf32, #tpu.memory_space<hbm>>
      %dma_start3A_156 = arith.constant 0 : i32
      %dma_start3A_157 = tpu.memref_slice %arg5[%add3A_91, %dma_start3A_156] : memref<10240x256xf32, #tpu.memory_space<hbm>> -> memref<80x256xf32, #tpu.memory_space<hbm>>
      tpu.enqueue_dma source(%arg15 : memref<80x256xf32, #tpu.memory_space<vmem>>) target(%dma_start3A_157 : memref<80x256xf32, #tpu.memory_space<hbm>>) target_semaphore(%run_scoped3A : memref<!tpu.dma_semaphore, #tpu.memory_space<semaphore_mem>>)
      %dma_wait3A_158 = arith.constant 0 : i32
      %dma_wait3A_159 = tpu.memref_slice %arg5[%add3A_91, %dma_wait3A_158] : memref<10240x256xf32, #tpu.memory_space<hbm>> -> memref<80x256xf32, #tpu.memory_space<hbm>>
      %dma_wait3A_160 = arith.constant 0 : i32
      %dma_wait3A_161 = tpu.memref_slice %arg5[%add3A_91, %dma_wait3A_160] : memref<10240x256xf32, #tpu.memory_space<hbm>> -> memref<80x256xf32, #tpu.memory_space<hbm>>
      tpu.wait_dma2 semaphore(%run_scoped3A : memref<!tpu.dma_semaphore, #tpu.memory_space<semaphore_mem>>) src(%arg15 : memref<80x256xf32, #tpu.memory_space<vmem>>) dst(%dma_wait3A_161 : memref<80x256xf32, #tpu.memory_space<hbm>>)
      tpu.yield
    }) : () -> ()
    %dma_wait3A_92 = arith.constant 80 : i32
    %dma_wait3A_93 = tpu.memref_slice %arg8[%dma_wait3A_92] : memref<320xi32, #tpu.memory_space<vmem>> -> memref<80xi32, #tpu.memory_space<vmem>>
    %dma_wait3A_94 = arith.constant 0 : i32
    %dma_wait3A_95 = arith.constant 0 : i32
    %dma_wait3A_96 = tpu.memref_slice %arg4[%dma_wait3A_94, %dma_wait3A_95] : memref<10000x256xf32, #tpu.memory_space<hbm>> -> memref<10000x256xf32, #tpu.memory_space<hbm>>
    tpu.wait_indirect_dma semaphore(%arg20 : memref<!tpu.dma_semaphore, #tpu.memory_space<semaphore_mem>>) src(%dma_wait3A_96 : memref<10000x256xf32, #tpu.memory_space<hbm>>) dst(%arg16 : memref<80x256xf32, #tpu.memory_space<vmem>>)
    %dma_start3A_97 = arith.constant 160 : i32
    %dma_start3A_98 = tpu.memref_slice %arg8[%dma_start3A_97] : memref<320xi32, #tpu.memory_space<vmem>> -> memref<80xi32, #tpu.memory_space<vmem>>
    %dma_start3A_99 = arith.constant 0 : i32
    %dma_start3A_100 = arith.constant 0 : i32
    %dma_start3A_101 = tpu.memref_slice %arg4[%dma_start3A_99, %dma_start3A_100] : memref<10000x256xf32, #tpu.memory_space<hbm>> -> memref<10000x256xf32, #tpu.memory_space<hbm>>
    tpu.enqueue_indirect_dma source(%dma_start3A_101 : memref<10000x256xf32, #tpu.memory_space<hbm>>) target(%arg15 : memref<80x256xf32, #tpu.memory_space<vmem>>) offsets(%dma_start3A_98 : memref<80xi32, #tpu.memory_space<vmem>>) semaphore(%arg20 : memref<!tpu.dma_semaphore, #tpu.memory_space<semaphore_mem>>)
    %add3A_102 = arith.constant 80 : i32
    %add3A_103 = arith.addi %mul3A_2, %add3A_102 : i32
    "tpu.region"() ({
      %run_scoped3A = tpu.sem_alloc : memref<!tpu.dma_semaphore, #tpu.memory_space<semaphore_mem>>
      %dma_start3A_154 = arith.constant 0 : i32
      %dma_start3A_155 = tpu.memref_slice %arg5[%add3A_103, %dma_start3A_154] : memref<10240x256xf32, #tpu.memory_space<hbm>> -> memref<80x256xf32, #tpu.memory_space<hbm>>
      %dma_start3A_156 = arith.constant 0 : i32
      %dma_start3A_157 = tpu.memref_slice %arg5[%add3A_103, %dma_start3A_156] : memref<10240x256xf32, #tpu.memory_space<hbm>> -> memref<80x256xf32, #tpu.memory_space<hbm>>
      tpu.enqueue_dma source(%arg16 : memref<80x256xf32, #tpu.memory_space<vmem>>) target(%dma_start3A_157 : memref<80x256xf32, #tpu.memory_space<hbm>>) target_semaphore(%run_scoped3A : memref<!tpu.dma_semaphore, #tpu.memory_space<semaphore_mem>>)
      %dma_wait3A_158 = arith.constant 0 : i32
      %dma_wait3A_159 = tpu.memref_slice %arg5[%add3A_103, %dma_wait3A_158] : memref<10240x256xf32, #tpu.memory_space<hbm>> -> memref<80x256xf32, #tpu.memory_space<hbm>>
      %dma_wait3A_160 = arith.constant 0 : i32
      %dma_wait3A_161 = tpu.memref_slice %arg5[%add3A_103, %dma_wait3A_160] : memref<10240x256xf32, #tpu.memory_space<hbm>> -> memref<80x256xf32, #tpu.memory_space<hbm>>
      tpu.wait_dma2 semaphore(%run_scoped3A : memref<!tpu.dma_semaphore, #tpu.memory_space<semaphore_mem>>) src(%arg16 : memref<80x256xf32, #tpu.memory_space<vmem>>) dst(%dma_wait3A_161 : memref<80x256xf32, #tpu.memory_space<hbm>>)
      tpu.yield
    }) : () -> ()
    %dma_wait3A_104 = arith.constant 160 : i32
    %dma_wait3A_105 = tpu.memref_slice %arg8[%dma_wait3A_104] : memref<320xi32, #tpu.memory_space<vmem>> -> memref<80xi32, #tpu.memory_space<vmem>>
    %dma_wait3A_106 = arith.constant 0 : i32
    %dma_wait3A_107 = arith.constant 0 : i32
    %dma_wait3A_108 = tpu.memref_slice %arg4[%dma_wait3A_106, %dma_wait3A_107] : memref<10000x256xf32, #tpu.memory_space<hbm>> -> memref<10000x256xf32, #tpu.memory_space<hbm>>
    tpu.wait_indirect_dma semaphore(%arg20 : memref<!tpu.dma_semaphore, #tpu.memory_space<semaphore_mem>>) src(%dma_wait3A_108 : memref<10000x256xf32, #tpu.memory_space<hbm>>) dst(%arg15 : memref<80x256xf32, #tpu.memory_space<vmem>>)
    %dma_start3A_109 = arith.constant 240 : i32
    %dma_start3A_110 = tpu.memref_slice %arg8[%dma_start3A_109] : memref<320xi32, #tpu.memory_space<vmem>> -> memref<80xi32, #tpu.memory_space<vmem>>
    %dma_start3A_111 = arith.constant 0 : i32
    %dma_start3A_112 = arith.constant 0 : i32
    %dma_start3A_113 = tpu.memref_slice %arg4[%dma_start3A_111, %dma_start3A_112] : memref<10000x256xf32, #tpu.memory_space<hbm>> -> memref<10000x256xf32, #tpu.memory_space<hbm>>
    tpu.enqueue_indirect_dma source(%dma_start3A_113 : memref<10000x256xf32, #tpu.memory_space<hbm>>) target(%arg16 : memref<80x256xf32, #tpu.memory_space<vmem>>) offsets(%dma_start3A_110 : memref<80xi32, #tpu.memory_space<vmem>>) semaphore(%arg20 : memref<!tpu.dma_semaphore, #tpu.memory_space<semaphore_mem>>)
    %add3A_114 = arith.constant 160 : i32
    %add3A_115 = arith.addi %mul3A_2, %add3A_114 : i32
    "tpu.region"() ({
      %run_scoped3A = tpu.sem_alloc : memref<!tpu.dma_semaphore, #tpu.memory_space<semaphore_mem>>
      %dma_start3A_154 = arith.constant 0 : i32
      %dma_start3A_155 = tpu.memref_slice %arg5[%add3A_115, %dma_start3A_154] : memref<10240x256xf32, #tpu.memory_space<hbm>> -> memref<80x256xf32, #tpu.memory_space<hbm>>
      %dma_start3A_156 = arith.constant 0 : i32
      %dma_start3A_157 = tpu.memref_slice %arg5[%add3A_115, %dma_start3A_156] : memref<10240x256xf32, #tpu.memory_space<hbm>> -> memref<80x256xf32, #tpu.memory_space<hbm>>
      tpu.enqueue_dma source(%arg15 : memref<80x256xf32, #tpu.memory_space<vmem>>) target(%dma_start3A_157 : memref<80x256xf32, #tpu.memory_space<hbm>>) target_semaphore(%run_scoped3A : memref<!tpu.dma_semaphore, #tpu.memory_space<semaphore_mem>>)
      %dma_wait3A_158 = arith.constant 0 : i32
      %dma_wait3A_159 = tpu.memref_slice %arg5[%add3A_115, %dma_wait3A_158] : memref<10240x256xf32, #tpu.memory_space<hbm>> -> memref<80x256xf32, #tpu.memory_space<hbm>>
      %dma_wait3A_160 = arith.constant 0 : i32
      %dma_wait3A_161 = tpu.memref_slice %arg5[%add3A_115, %dma_wait3A_160] : memref<10240x256xf32, #tpu.memory_space<hbm>> -> memref<80x256xf32, #tpu.memory_space<hbm>>
      tpu.wait_dma2 semaphore(%run_scoped3A : memref<!tpu.dma_semaphore, #tpu.memory_space<semaphore_mem>>) src(%arg15 : memref<80x256xf32, #tpu.memory_space<vmem>>) dst(%dma_wait3A_161 : memref<80x256xf32, #tpu.memory_space<hbm>>)
      tpu.yield
    }) : () -> ()
    %dma_wait3A_116 = arith.constant 240 : i32
    %dma_wait3A_117 = tpu.memref_slice %arg8[%dma_wait3A_116] : memref<320xi32, #tpu.memory_space<vmem>> -> memref<80xi32, #tpu.memory_space<vmem>>
    %dma_wait3A_118 = arith.constant 0 : i32
    %dma_wait3A_119 = arith.constant 0 : i32
    %dma_wait3A_120 = tpu.memref_slice %arg4[%dma_wait3A_118, %dma_wait3A_119] : memref<10000x256xf32, #tpu.memory_space<hbm>> -> memref<10000x256xf32, #tpu.memory_space<hbm>>
    tpu.wait_indirect_dma semaphore(%arg20 : memref<!tpu.dma_semaphore, #tpu.memory_space<semaphore_mem>>) src(%dma_wait3A_120 : memref<10000x256xf32, #tpu.memory_space<hbm>>) dst(%arg16 : memref<80x256xf32, #tpu.memory_space<vmem>>)
    %add3A_121 = arith.constant 240 : i32
    %add3A_122 = arith.addi %mul3A_2, %add3A_121 : i32
    "tpu.region"() ({
      %run_scoped3A = tpu.sem_alloc : memref<!tpu.dma_semaphore, #tpu.memory_space<semaphore_mem>>
      %dma_start3A_154 = arith.constant 0 : i32
      %dma_start3A_155 = tpu.memref_slice %arg5[%add3A_122, %dma_start3A_154] : memref<10240x256xf32, #tpu.memory_space<hbm>> -> memref<80x256xf32, #tpu.memory_space<hbm>>
      %dma_start3A_156 = arith.constant 0 : i32
      %dma_start3A_157 = tpu.memref_slice %arg5[%add3A_122, %dma_start3A_156] : memref<10240x256xf32, #tpu.memory_space<hbm>> -> memref<80x256xf32, #tpu.memory_space<hbm>>
      tpu.enqueue_dma source(%arg16 : memref<80x256xf32, #tpu.memory_space<vmem>>) target(%dma_start3A_157 : memref<80x256xf32, #tpu.memory_space<hbm>>) target_semaphore(%run_scoped3A : memref<!tpu.dma_semaphore, #tpu.memory_space<semaphore_mem>>)
      %dma_wait3A_158 = arith.constant 0 : i32
      %dma_wait3A_159 = tpu.memref_slice %arg5[%add3A_122, %dma_wait3A_158] : memref<10240x256xf32, #tpu.memory_space<hbm>> -> memref<80x256xf32, #tpu.memory_space<hbm>>
      %dma_wait3A_160 = arith.constant 0 : i32
      %dma_wait3A_161 = tpu.memref_slice %arg5[%add3A_122, %dma_wait3A_160] : memref<10240x256xf32, #tpu.memory_space<hbm>> -> memref<80x256xf32, #tpu.memory_space<hbm>>
      tpu.wait_dma2 semaphore(%run_scoped3A : memref<!tpu.dma_semaphore, #tpu.memory_space<semaphore_mem>>) src(%arg16 : memref<80x256xf32, #tpu.memory_space<vmem>>) dst(%dma_wait3A_161 : memref<80x256xf32, #tpu.memory_space<hbm>>)
      tpu.yield
    }) : () -> ()
    "tpu.trace_stop"() : () -> ()
    "tpu.trace_start"() <{level = 10 : i32, message = "sc_prime"}> : () -> ()
    %barrier3A = arith.constant 0 : index
    tpu.barrier barrier_id(%barrier3A)
    %dma_start3A_123 = arith.constant 0 : i32
    %dma_start3A_124 = tpu.memref_slice %arg10[%dma_start3A_123] : memref<5120xi32, #tpu.memory_space<vmem>> -> memref<128xi32, #tpu.memory_space<vmem>>
    %dma_start3A_125 = arith.constant 0 : i32
    %dma_start3A_126 = arith.constant 0 : i32
    %dma_start3A_127 = tpu.memref_slice %arg7[%arg0, %dma_start3A_125, %dma_start3A_126] : memref<2x10000x128xi32, #tpu.memory_space<hbm>> -> memref<1x10000x128xi32, #tpu.memory_space<hbm>>
    %dma_start3A_128 = tpu.memref_squeeze %dma_start3A_127 : memref<1x10000x128xi32, #tpu.memory_space<hbm>> -> memref<10000x128xi32, #tpu.memory_space<hbm>>
    %dma_start3A_129 = arith.constant 0 : i32
    %dma_start3A_130 = arith.constant 0 : i32
    %dma_start3A_131 = tpu.memref_slice %dma_start3A_128[%dma_start3A_129, %dma_start3A_130] : memref<10000x128xi32, #tpu.memory_space<hbm>> -> memref<10000x128xi32, #tpu.memory_space<hbm>>
    tpu.enqueue_indirect_dma source(%dma_start3A_131 : memref<10000x128xi32, #tpu.memory_space<hbm>>) target(%arg11 : memref<128x128xi32, #tpu.memory_space<vmem>>) offsets(%dma_start3A_124 : memref<128xi32, #tpu.memory_space<vmem>>) semaphore(%arg21 : memref<!tpu.dma_semaphore, #tpu.memory_space<semaphore_mem>>)
    %dma_start3A_132 = arith.constant 128 : i32
    %dma_start3A_133 = tpu.memref_slice %arg10[%dma_start3A_132] : memref<5120xi32, #tpu.memory_space<vmem>> -> memref<128xi32, #tpu.memory_space<vmem>>
    %dma_start3A_134 = arith.constant 0 : i32
    %dma_start3A_135 = arith.constant 0 : i32
    %dma_start3A_136 = tpu.memref_slice %arg7[%arg0, %dma_start3A_134, %dma_start3A_135] : memref<2x10000x128xi32, #tpu.memory_space<hbm>> -> memref<1x10000x128xi32, #tpu.memory_space<hbm>>
    %dma_start3A_137 = tpu.memref_squeeze %dma_start3A_136 : memref<1x10000x128xi32, #tpu.memory_space<hbm>> -> memref<10000x128xi32, #tpu.memory_space<hbm>>
    %dma_start3A_138 = arith.constant 0 : i32
    %dma_start3A_139 = arith.constant 0 : i32
    %dma_start3A_140 = tpu.memref_slice %dma_start3A_137[%dma_start3A_138, %dma_start3A_139] : memref<10000x128xi32, #tpu.memory_space<hbm>> -> memref<10000x128xi32, #tpu.memory_space<hbm>>
    tpu.enqueue_indirect_dma source(%dma_start3A_140 : memref<10000x128xi32, #tpu.memory_space<hbm>>) target(%arg12 : memref<128x128xi32, #tpu.memory_space<vmem>>) offsets(%dma_start3A_133 : memref<128xi32, #tpu.memory_space<vmem>>) semaphore(%arg22 : memref<!tpu.dma_semaphore, #tpu.memory_space<semaphore_mem>>)
    "tpu.trace_stop"() : () -> ()
    "tpu.trace_start"() <{level = 10 : i32, message = "sc_main"}> : () -> ()
    %scan3A_141 = arith.constant 0 : i32
    %scan3A_142 = arith.constant 0 : i32
    %scan3A_143 = arith.constant 20 : i32
    %scan3A_144 = arith.addi %scan3A_142, %scan3A_143 : i32
    %scan3A_145 = arith.constant 1 : i32
    %scan3A_146 = scf.for %scan3A_154 = %scan3A_142 to %scan3A_144 step %scan3A_145 iter_args(%scan3A_155 = %scan3A_141) -> (i32)  : i32 {
      %mul3A_156 = arith.constant 2 : i32
      %mul3A_157 = arith.muli %scan3A_154, %mul3A_156 : i32
      %add3A_158 = arith.constant 0 : i32
      %add3A_159 = arith.addi %mul3A_157, %add3A_158 : i32
      %ge3A = arith.constant 1 : i32
      %ge3A_160 = arith.cmpi sge, %add3A_159, %ge3A : i32
      %convert_element_type3A = arith.extui %ge3A_160 : i1 to i32
      %cond3A = arith.constant 0 : i32
      %cond3A_161 = arith.cmpi ne, %convert_element_type3A, %cond3A : i32
      scf.if %cond3A_161 {
        %sub3A = arith.constant 1 : i32
        %sub3A_229 = arith.subi %add3A_159, %sub3A : i32
        %mul3A_230 = arith.constant 8 : i32
        %mul3A_231 = arith.muli %sub3A_229, %mul3A_230 : i32
        %add3A_232 = arith.addi %mul3A_2, %mul3A_231 : i32
        %dma_start3A_233 = arith.constant 0 : i32
        %dma_start3A_234 = tpu.memref_slice %arg6[%add3A_232, %dma_start3A_233] : memref<10240x256xf32, #tpu.memory_space<hbm>> -> memref<8x256xf32, #tpu.memory_space<hbm>>
        %dma_start3A_235 = arith.constant 0 : i32
        %dma_start3A_236 = tpu.memref_slice %arg6[%add3A_232, %dma_start3A_235] : memref<10240x256xf32, #tpu.memory_space<hbm>> -> memref<8x256xf32, #tpu.memory_space<hbm>>
        tpu.enqueue_dma source(%arg14 : memref<8x256xf32, #tpu.memory_space<vmem>>) target(%dma_start3A_236 : memref<8x256xf32, #tpu.memory_space<hbm>>) target_semaphore(%arg24 : memref<!tpu.dma_semaphore, #tpu.memory_space<semaphore_mem>>)
      } else {
      }
      %mul3A_162 = arith.constant 128 : i32
      %mul3A_163 = arith.muli %add3A_159, %mul3A_162 : i32
      %dma_wait3A_164 = tpu.memref_slice %arg10[%mul3A_163] : memref<5120xi32, #tpu.memory_space<vmem>> -> memref<128xi32, #tpu.memory_space<vmem>>
      %dma_wait3A_165 = arith.constant 0 : i32
      %dma_wait3A_166 = arith.constant 0 : i32
      %dma_wait3A_167 = tpu.memref_slice %arg7[%arg0, %dma_wait3A_165, %dma_wait3A_166] : memref<2x10000x128xi32, #tpu.memory_space<hbm>> -> memref<1x10000x128xi32, #tpu.memory_space<hbm>>
      %dma_wait3A_168 = tpu.memref_squeeze %dma_wait3A_167 : memref<1x10000x128xi32, #tpu.memory_space<hbm>> -> memref<10000x128xi32, #tpu.memory_space<hbm>>
      %dma_wait3A_169 = arith.constant 0 : i32
      %dma_wait3A_170 = arith.constant 0 : i32
      %dma_wait3A_171 = tpu.memref_slice %dma_wait3A_168[%dma_wait3A_169, %dma_wait3A_170] : memref<10000x128xi32, #tpu.memory_space<hbm>> -> memref<10000x128xi32, #tpu.memory_space<hbm>>
      tpu.wait_indirect_dma semaphore(%arg21 : memref<!tpu.dma_semaphore, #tpu.memory_space<semaphore_mem>>) src(%dma_wait3A_171 : memref<10000x128xi32, #tpu.memory_space<hbm>>) dst(%arg11 : memref<128x128xi32, #tpu.memory_space<vmem>>)
      %ge3A_172 = arith.constant 2 : i32
      %ge3A_173 = arith.cmpi sge, %add3A_159, %ge3A_172 : i32
      %convert_element_type3A_174 = arith.extui %ge3A_173 : i1 to i32
      %cond3A_175 = arith.constant 0 : i32
      %cond3A_176 = arith.cmpi ne, %convert_element_type3A_174, %cond3A_175 : i32
      scf.if %cond3A_176 {
        %dma_wait3A_229 = arith.constant 0 : i32
        %dma_wait3A_230 = tpu.memref_slice %arg6[%mul3A_2, %dma_wait3A_229] : memref<10240x256xf32, #tpu.memory_space<hbm>> -> memref<8x256xf32, #tpu.memory_space<hbm>>
        %dma_wait3A_231 = arith.constant 0 : i32
        %dma_wait3A_232 = tpu.memref_slice %arg6[%mul3A_2, %dma_wait3A_231] : memref<10240x256xf32, #tpu.memory_space<hbm>> -> memref<8x256xf32, #tpu.memory_space<hbm>>
        tpu.wait_dma2 semaphore(%arg23 : memref<!tpu.dma_semaphore, #tpu.memory_space<semaphore_mem>>) src(%arg13 : memref<8x256xf32, #tpu.memory_space<vmem>>) dst(%dma_wait3A_232 : memref<8x256xf32, #tpu.memory_space<hbm>>)
      } else {
      }
      %scan3A_177 = arith.constant 0 : i32
      %scan3A_178 = arith.constant 0 : i32
      %scan3A_179 = arith.constant 8 : i32
      %scan3A_180 = arith.addi %scan3A_178, %scan3A_179 : i32
      %scan3A_181 = arith.constant 1 : i32
      %scan3A_182 = scf.for %scan3A_229 = %scan3A_178 to %scan3A_180 step %scan3A_181 iter_args(%scan3A_230 = %scan3A_177) -> (i32)  : i32 {
        %mul3A_231 = arith.constant 16 : i32
        %mul3A_232 = arith.muli %scan3A_229, %mul3A_231 : i32
        %add3A_233 = arith.constant 0 : i32
        %add3A_234 = arith.addi %mul3A_232, %add3A_233 : i32
        %get3A = arith.index_cast %add3A_234 : i32 to index
        %get3A_235 = arith.constant 0 : index
        %get3A_236 = tpu.vector_load %arg11[%get3A, %get3A_235] {strides = array<i32>} : memref<128x128xi32, #tpu.memory_space<vmem>>, vector<16xi32>,
        %bitcast3A = vector.bitcast %get3A_236 : vector<16xi32> to vector<32xbf16>
        %unpack3A = tpu.unpack_subelements %bitcast3A, 0 {pack_format = #tpu.pack_format<interleaved>} : vector<32xbf16> -> vector<16xf32>
        %unpack3A_237 = tpu.unpack_subelements %bitcast3A, 1 {pack_format = #tpu.pack_format<interleaved>} : vector<32xbf16> -> vector<16xf32>
        %add3A_238 = arith.constant 1 : i32
        %add3A_239 = arith.addi %mul3A_232, %add3A_238 : i32
        %get3A_240 = arith.index_cast %add3A_239 : i32 to index
        %get3A_241 = arith.constant 0 : index
        %get3A_242 = tpu.vector_load %arg11[%get3A_240, %get3A_241] {strides = array<i32>} : memref<128x128xi32, #tpu.memory_space<vmem>>, vector<16xi32>,
        %bitcast3A_243 = vector.bitcast %get3A_242 : vector<16xi32> to vector<32xbf16>
        %unpack3A_244 = tpu.unpack_subelements %bitcast3A_243, 0 {pack_format = #tpu.pack_format<interleaved>} : vector<32xbf16> -> vector<16xf32>
        %unpack3A_245 = tpu.unpack_subelements %bitcast3A_243, 1 {pack_format = #tpu.pack_format<interleaved>} : vector<32xbf16> -> vector<16xf32>
        %add3A_246 = arith.constant 2 : i32
        %add3A_247 = arith.addi %mul3A_232, %add3A_246 : i32
        %get3A_248 = arith.index_cast %add3A_247 : i32 to index
        %get3A_249 = arith.constant 0 : index
        %get3A_250 = tpu.vector_load %arg11[%get3A_248, %get3A_249] {strides = array<i32>} : memref<128x128xi32, #tpu.memory_space<vmem>>, vector<16xi32>,
        %bitcast3A_251 = vector.bitcast %get3A_250 : vector<16xi32> to vector<32xbf16>
        %unpack3A_252 = tpu.unpack_subelements %bitcast3A_251, 0 {pack_format = #tpu.pack_format<interleaved>} : vector<32xbf16> -> vector<16xf32>
        %unpack3A_253 = tpu.unpack_subelements %bitcast3A_251, 1 {pack_format = #tpu.pack_format<interleaved>} : vector<32xbf16> -> vector<16xf32>
        %add3A_254 = arith.constant 3 : i32
        %add3A_255 = arith.addi %mul3A_232, %add3A_254 : i32
        %get3A_256 = arith.index_cast %add3A_255 : i32 to index
        %get3A_257 = arith.constant 0 : index
        %get3A_258 = tpu.vector_load %arg11[%get3A_256, %get3A_257] {strides = array<i32>} : memref<128x128xi32, #tpu.memory_space<vmem>>, vector<16xi32>,
        %bitcast3A_259 = vector.bitcast %get3A_258 : vector<16xi32> to vector<32xbf16>
        %unpack3A_260 = tpu.unpack_subelements %bitcast3A_259, 0 {pack_format = #tpu.pack_format<interleaved>} : vector<32xbf16> -> vector<16xf32>
        %unpack3A_261 = tpu.unpack_subelements %bitcast3A_259, 1 {pack_format = #tpu.pack_format<interleaved>} : vector<32xbf16> -> vector<16xf32>
        %add3A_262 = arith.constant 4 : i32
        %add3A_263 = arith.addi %mul3A_232, %add3A_262 : i32
        %get3A_264 = arith.index_cast %add3A_263 : i32 to index
        %get3A_265 = arith.constant 0 : index
        %get3A_266 = tpu.vector_load %arg11[%get3A_264, %get3A_265] {strides = array<i32>} : memref<128x128xi32, #tpu.memory_space<vmem>>, vector<16xi32>,
        %bitcast3A_267 = vector.bitcast %get3A_266 : vector<16xi32> to vector<32xbf16>
        %unpack3A_268 = tpu.unpack_subelements %bitcast3A_267, 0 {pack_format = #tpu.pack_format<interleaved>} : vector<32xbf16> -> vector<16xf32>
        %unpack3A_269 = tpu.unpack_subelements %bitcast3A_267, 1 {pack_format = #tpu.pack_format<interleaved>} : vector<32xbf16> -> vector<16xf32>
        %add3A_270 = arith.constant 5 : i32
        %add3A_271 = arith.addi %mul3A_232, %add3A_270 : i32
        %get3A_272 = arith.index_cast %add3A_271 : i32 to index
        %get3A_273 = arith.constant 0 : index
        %get3A_274 = tpu.vector_load %arg11[%get3A_272, %get3A_273] {strides = array<i32>} : memref<128x128xi32, #tpu.memory_space<vmem>>, vector<16xi32>,
        %bitcast3A_275 = vector.bitcast %get3A_274 : vector<16xi32> to vector<32xbf16>
        %unpack3A_276 = tpu.unpack_subelements %bitcast3A_275, 0 {pack_format = #tpu.pack_format<interleaved>} : vector<32xbf16> -> vector<16xf32>
        %unpack3A_277 = tpu.unpack_subelements %bitcast3A_275, 1 {pack_format = #tpu.pack_format<interleaved>} : vector<32xbf16> -> vector<16xf32>
        %add3A_278 = arith.constant 6 : i32
        %add3A_279 = arith.addi %mul3A_232, %add3A_278 : i32
        %get3A_280 = arith.index_cast %add3A_279 : i32 to index
        %get3A_281 = arith.constant 0 : index
        %get3A_282 = tpu.vector_load %arg11[%get3A_280, %get3A_281] {strides = array<i32>} : memref<128x128xi32, #tpu.memory_space<vmem>>, vector<16xi32>,
        %bitcast3A_283 = vector.bitcast %get3A_282 : vector<16xi32> to vector<32xbf16>
        %unpack3A_284 = tpu.unpack_subelements %bitcast3A_283, 0 {pack_format = #tpu.pack_format<interleaved>} : vector<32xbf16> -> vector<16xf32>
        %unpack3A_285 = tpu.unpack_subelements %bitcast3A_283, 1 {pack_format = #tpu.pack_format<interleaved>} : vector<32xbf16> -> vector<16xf32>
        %add3A_286 = arith.constant 7 : i32
        %add3A_287 = arith.addi %mul3A_232, %add3A_286 : i32
        %get3A_288 = arith.index_cast %add3A_287 : i32 to index
        %get3A_289 = arith.constant 0 : index
        %get3A_290 = tpu.vector_load %arg11[%get3A_288, %get3A_289] {strides = array<i32>} : memref<128x128xi32, #tpu.memory_space<vmem>>, vector<16xi32>,
        %bitcast3A_291 = vector.bitcast %get3A_290 : vector<16xi32> to vector<32xbf16>
        %unpack3A_292 = tpu.unpack_subelements %bitcast3A_291, 0 {pack_format = #tpu.pack_format<interleaved>} : vector<32xbf16> -> vector<16xf32>
        %unpack3A_293 = tpu.unpack_subelements %bitcast3A_291, 1 {pack_format = #tpu.pack_format<interleaved>} : vector<32xbf16> -> vector<16xf32>
        %add3A_294 = arith.constant 8 : i32
        %add3A_295 = arith.addi %mul3A_232, %add3A_294 : i32
        %get3A_296 = arith.index_cast %add3A_295 : i32 to index
        %get3A_297 = arith.constant 0 : index
        %get3A_298 = tpu.vector_load %arg11[%get3A_296, %get3A_297] {strides = array<i32>} : memref<128x128xi32, #tpu.memory_space<vmem>>, vector<16xi32>,
        %bitcast3A_299 = vector.bitcast %get3A_298 : vector<16xi32> to vector<32xbf16>
        %unpack3A_300 = tpu.unpack_subelements %bitcast3A_299, 0 {pack_format = #tpu.pack_format<interleaved>} : vector<32xbf16> -> vector<16xf32>
        %unpack3A_301 = tpu.unpack_subelements %bitcast3A_299, 1 {pack_format = #tpu.pack_format<interleaved>} : vector<32xbf16> -> vector<16xf32>
        %add3A_302 = arith.constant 9 : i32
        %add3A_303 = arith.addi %mul3A_232, %add3A_302 : i32
        %get3A_304 = arith.index_cast %add3A_303 : i32 to index
        %get3A_305 = arith.constant 0 : index
        %get3A_306 = tpu.vector_load %arg11[%get3A_304, %get3A_305] {strides = array<i32>} : memref<128x128xi32, #tpu.memory_space<vmem>>, vector<16xi32>,
        %bitcast3A_307 = vector.bitcast %get3A_306 : vector<16xi32> to vector<32xbf16>
        %unpack3A_308 = tpu.unpack_subelements %bitcast3A_307, 0 {pack_format = #tpu.pack_format<interleaved>} : vector<32xbf16> -> vector<16xf32>
        %unpack3A_309 = tpu.unpack_subelements %bitcast3A_307, 1 {pack_format = #tpu.pack_format<interleaved>} : vector<32xbf16> -> vector<16xf32>
        %add3A_310 = arith.constant 10 : i32
        %add3A_311 = arith.addi %mul3A_232, %add3A_310 : i32
        %get3A_312 = arith.index_cast %add3A_311 : i32 to index
        %get3A_313 = arith.constant 0 : index
        %get3A_314 = tpu.vector_load %arg11[%get3A_312, %get3A_313] {strides = array<i32>} : memref<128x128xi32, #tpu.memory_space<vmem>>, vector<16xi32>,
        %bitcast3A_315 = vector.bitcast %get3A_314 : vector<16xi32> to vector<32xbf16>
        %unpack3A_316 = tpu.unpack_subelements %bitcast3A_315, 0 {pack_format = #tpu.pack_format<interleaved>} : vector<32xbf16> -> vector<16xf32>
        %unpack3A_317 = tpu.unpack_subelements %bitcast3A_315, 1 {pack_format = #tpu.pack_format<interleaved>} : vector<32xbf16> -> vector<16xf32>
        %add3A_318 = arith.constant 11 : i32
        %add3A_319 = arith.addi %mul3A_232, %add3A_318 : i32
        %get3A_320 = arith.index_cast %add3A_319 : i32 to index
        %get3A_321 = arith.constant 0 : index
        %get3A_322 = tpu.vector_load %arg11[%get3A_320, %get3A_321] {strides = array<i32>} : memref<128x128xi32, #tpu.memory_space<vmem>>, vector<16xi32>,
        %bitcast3A_323 = vector.bitcast %get3A_322 : vector<16xi32> to vector<32xbf16>
        %unpack3A_324 = tpu.unpack_subelements %bitcast3A_323, 0 {pack_format = #tpu.pack_format<interleaved>} : vector<32xbf16> -> vector<16xf32>
        %unpack3A_325 = tpu.unpack_subelements %bitcast3A_323, 1 {pack_format = #tpu.pack_format<interleaved>} : vector<32xbf16> -> vector<16xf32>
        %add3A_326 = arith.constant 12 : i32
        %add3A_327 = arith.addi %mul3A_232, %add3A_326 : i32
        %get3A_328 = arith.index_cast %add3A_327 : i32 to index
        %get3A_329 = arith.constant 0 : index
        %get3A_330 = tpu.vector_load %arg11[%get3A_328, %get3A_329] {strides = array<i32>} : memref<128x128xi32, #tpu.memory_space<vmem>>, vector<16xi32>,
        %bitcast3A_331 = vector.bitcast %get3A_330 : vector<16xi32> to vector<32xbf16>
        %unpack3A_332 = tpu.unpack_subelements %bitcast3A_331, 0 {pack_format = #tpu.pack_format<interleaved>} : vector<32xbf16> -> vector<16xf32>
        %unpack3A_333 = tpu.unpack_subelements %bitcast3A_331, 1 {pack_format = #tpu.pack_format<interleaved>} : vector<32xbf16> -> vector<16xf32>
        %add3A_334 = arith.constant 13 : i32
        %add3A_335 = arith.addi %mul3A_232, %add3A_334 : i32
        %get3A_336 = arith.index_cast %add3A_335 : i32 to index
        %get3A_337 = arith.constant 0 : index
        %get3A_338 = tpu.vector_load %arg11[%get3A_336, %get3A_337] {strides = array<i32>} : memref<128x128xi32, #tpu.memory_space<vmem>>, vector<16xi32>,
        %bitcast3A_339 = vector.bitcast %get3A_338 : vector<16xi32> to vector<32xbf16>
        %unpack3A_340 = tpu.unpack_subelements %bitcast3A_339, 0 {pack_format = #tpu.pack_format<interleaved>} : vector<32xbf16> -> vector<16xf32>
        %unpack3A_341 = tpu.unpack_subelements %bitcast3A_339, 1 {pack_format = #tpu.pack_format<interleaved>} : vector<32xbf16> -> vector<16xf32>
        %add3A_342 = arith.constant 14 : i32
        %add3A_343 = arith.addi %mul3A_232, %add3A_342 : i32
        %get3A_344 = arith.index_cast %add3A_343 : i32 to index
        %get3A_345 = arith.constant 0 : index
        %get3A_346 = tpu.vector_load %arg11[%get3A_344, %get3A_345] {strides = array<i32>} : memref<128x128xi32, #tpu.memory_space<vmem>>, vector<16xi32>,
        %bitcast3A_347 = vector.bitcast %get3A_346 : vector<16xi32> to vector<32xbf16>
        %unpack3A_348 = tpu.unpack_subelements %bitcast3A_347, 0 {pack_format = #tpu.pack_format<interleaved>} : vector<32xbf16> -> vector<16xf32>
        %unpack3A_349 = tpu.unpack_subelements %bitcast3A_347, 1 {pack_format = #tpu.pack_format<interleaved>} : vector<32xbf16> -> vector<16xf32>
        %add3A_350 = arith.constant 15 : i32
        %add3A_351 = arith.addi %mul3A_232, %add3A_350 : i32
        %get3A_352 = arith.index_cast %add3A_351 : i32 to index
        %get3A_353 = arith.constant 0 : index
        %get3A_354 = tpu.vector_load %arg11[%get3A_352, %get3A_353] {strides = array<i32>} : memref<128x128xi32, #tpu.memory_space<vmem>>, vector<16xi32>,
        %bitcast3A_355 = vector.bitcast %get3A_354 : vector<16xi32> to vector<32xbf16>
        %unpack3A_356 = tpu.unpack_subelements %bitcast3A_355, 0 {pack_format = #tpu.pack_format<interleaved>} : vector<32xbf16> -> vector<16xf32>
        %unpack3A_357 = tpu.unpack_subelements %bitcast3A_355, 1 {pack_format = #tpu.pack_format<interleaved>} : vector<32xbf16> -> vector<16xf32>
        %add3A_358 = arith.addf %unpack3A, %unpack3A_244 : vector<16xf32>
        %add3A_359 = arith.addf %unpack3A_252, %unpack3A_260 : vector<16xf32>
        %add3A_360 = arith.addf %unpack3A_268, %unpack3A_276 : vector<16xf32>
        %add3A_361 = arith.addf %unpack3A_284, %unpack3A_292 : vector<16xf32>
        %add3A_362 = arith.addf %unpack3A_300, %unpack3A_308 : vector<16xf32>
        %add3A_363 = arith.addf %unpack3A_316, %unpack3A_324 : vector<16xf32>
        %add3A_364 = arith.addf %unpack3A_332, %unpack3A_340 : vector<16xf32>
        %add3A_365 = arith.addf %unpack3A_348, %unpack3A_356 : vector<16xf32>
        %add3A_366 = arith.addf %add3A_358, %add3A_359 : vector<16xf32>
        %add3A_367 = arith.addf %add3A_360, %add3A_361 : vector<16xf32>
        %add3A_368 = arith.addf %add3A_362, %add3A_363 : vector<16xf32>
        %add3A_369 = arith.addf %add3A_364, %add3A_365 : vector<16xf32>
        %add3A_370 = arith.addf %add3A_366, %add3A_367 : vector<16xf32>
        %add3A_371 = arith.addf %add3A_368, %add3A_369 : vector<16xf32>
        %add3A_372 = arith.addf %add3A_370, %add3A_371 : vector<16xf32>
        %swap3A = arith.index_cast %scan3A_229 : i32 to index
        %swap3A_373 = arith.constant 0 : index
        %swap3A_374 = tpu.vector_load %arg13[%swap3A, %swap3A_373] {strides = array<i32>} : memref<8x256xf32, #tpu.memory_space<vmem>>, vector<16xf32>,
        tpu.vector_store %arg13[%swap3A, %swap3A_373], %add3A_372 {strides = array<i32>} : memref<8x256xf32, #tpu.memory_space<vmem>>, vector<16xf32>,
        %add3A_375 = arith.addf %unpack3A_237, %unpack3A_245 : vector<16xf32>
        %add3A_376 = arith.addf %unpack3A_253, %unpack3A_261 : vector<16xf32>
        %add3A_377 = arith.addf %unpack3A_269, %unpack3A_277 : vector<16xf32>
        %add3A_378 = arith.addf %unpack3A_285, %unpack3A_293 : vector<16xf32>
        %add3A_379 = arith.addf %unpack3A_301, %unpack3A_309 : vector<16xf32>
        %add3A_380 = arith.addf %unpack3A_317, %unpack3A_325 : vector<16xf32>
        %add3A_381 = arith.addf %unpack3A_333, %unpack3A_341 : vector<16xf32>
        %add3A_382 = arith.addf %unpack3A_349, %unpack3A_357 : vector<16xf32>
        %add3A_383 = arith.addf %add3A_375, %add3A_376 : vector<16xf32>
        %add3A_384 = arith.addf %add3A_377, %add3A_378 : vector<16xf32>
        %add3A_385 = arith.addf %add3A_379, %add3A_380 : vector<16xf32>
        %add3A_386 = arith.addf %add3A_381, %add3A_382 : vector<16xf32>
        %add3A_387 = arith.addf %add3A_383, %add3A_384 : vector<16xf32>
        %add3A_388 = arith.addf %add3A_385, %add3A_386 : vector<16xf32>
        %add3A_389 = arith.addf %add3A_387, %add3A_388 : vector<16xf32>
        %swap3A_390 = arith.index_cast %scan3A_229 : i32 to index
        %swap3A_391 = arith.constant 16 : index
        %swap3A_392 = tpu.vector_load %arg13[%swap3A_390, %swap3A_391] {strides = array<i32>} : memref<8x256xf32, #tpu.memory_space<vmem>>, vector<16xf32>,
        tpu.vector_store %arg13[%swap3A_390, %swap3A_391], %add3A_389 {strides = array<i32>} : memref<8x256xf32, #tpu.memory_space<vmem>>, vector<16xf32>,
        %add3A_393 = arith.constant 0 : i32
        %add3A_394 = arith.addi %mul3A_232, %add3A_393 : i32
        %get3A_395 = arith.index_cast %add3A_394 : i32 to index
        %get3A_396 = arith.constant 16 : index
        %get3A_397 = tpu.vector_load %arg11[%get3A_395, %get3A_396] {strides = array<i32>} : memref<128x128xi32, #tpu.memory_space<vmem>>, vector<16xi32>,
        %bitcast3A_398 = vector.bitcast %get3A_397 : vector<16xi32> to vector<32xbf16>
        %unpack3A_399 = tpu.unpack_subelements %bitcast3A_398, 0 {pack_format = #tpu.pack_format<interleaved>} : vector<32xbf16> -> vector<16xf32>
        %unpack3A_400 = tpu.unpack_subelements %bitcast3A_398, 1 {pack_format = #tpu.pack_format<interleaved>} : vector<32xbf16> -> vector<16xf32>
        %add3A_401 = arith.constant 1 : i32
        %add3A_402 = arith.addi %mul3A_232, %add3A_401 : i32
        %get3A_403 = arith.index_cast %add3A_402 : i32 to index
        %get3A_404 = arith.constant 16 : index
        %get3A_405 = tpu.vector_load %arg11[%get3A_403, %get3A_404] {strides = array<i32>} : memref<128x128xi32, #tpu.memory_space<vmem>>, vector<16xi32>,
        %bitcast3A_406 = vector.bitcast %get3A_405 : vector<16xi32> to vector<32xbf16>
        %unpack3A_407 = tpu.unpack_subelements %bitcast3A_406, 0 {pack_format = #tpu.pack_format<interleaved>} : vector<32xbf16> -> vector<16xf32>
        %unpack3A_408 = tpu.unpack_subelements %bitcast3A_406, 1 {pack_format = #tpu.pack_format<interleaved>} : vector<32xbf16> -> vector<16xf32>
        %add3A_409 = arith.constant 2 : i32
        %add3A_410 = arith.addi %mul3A_232, %add3A_409 : i32
        %get3A_411 = arith.index_cast %add3A_410 : i32 to index
        %get3A_412 = arith.constant 16 : index
        %get3A_413 = tpu.vector_load %arg11[%get3A_411, %get3A_412] {strides = array<i32>} : memref<128x128xi32, #tpu.memory_space<vmem>>, vector<16xi32>,
        %bitcast3A_414 = vector.bitcast %get3A_413 : vector<16xi32> to vector<32xbf16>
        %unpack3A_415 = tpu.unpack_subelements %bitcast3A_414, 0 {pack_format = #tpu.pack_format<interleaved>} : vector<32xbf16> -> vector<16xf32>
        %unpack3A_416 = tpu.unpack_subelements %bitcast3A_414, 1 {pack_format = #tpu.pack_format<interleaved>} : vector<32xbf16> -> vector<16xf32>
        %add3A_417 = arith.constant 3 : i32
        %add3A_418 = arith.addi %mul3A_232, %add3A_417 : i32
        %get3A_419 = arith.index_cast %add3A_418 : i32 to index
        %get3A_420 = arith.constant 16 : index
        %get3A_421 = tpu.vector_load %arg11[%get3A_419, %get3A_420] {strides = array<i32>} : memref<128x128xi32, #tpu.memory_space<vmem>>, vector<16xi32>,
        %bitcast3A_422 = vector.bitcast %get3A_421 : vector<16xi32> to vector<32xbf16>
        %unpack3A_423 = tpu.unpack_subelements %bitcast3A_422, 0 {pack_format = #tpu.pack_format<interleaved>} : vector<32xbf16> -> vector<16xf32>
        %unpack3A_424 = tpu.unpack_subelements %bitcast3A_422, 1 {pack_format = #tpu.pack_format<interleaved>} : vector<32xbf16> -> vector<16xf32>
        %add3A_425 = arith.constant 4 : i32
        %add3A_426 = arith.addi %mul3A_232, %add3A_425 : i32
        %get3A_427 = arith.index_cast %add3A_426 : i32 to index
        %get3A_428 = arith.constant 16 : index
        %get3A_429 = tpu.vector_load %arg11[%get3A_427, %get3A_428] {strides = array<i32>} : memref<128x128xi32, #tpu.memory_space<vmem>>, vector<16xi32>,
        %bitcast3A_430 = vector.bitcast %get3A_429 : vector<16xi32> to vector<32xbf16>
        %unpack3A_431 = tpu.unpack_subelements %bitcast3A_430, 0 {pack_format = #tpu.pack_format<interleaved>} : vector<32xbf16> -> vector<16xf32>
        %unpack3A_432 = tpu.unpack_subelements %bitcast3A_430, 1 {pack_format = #tpu.pack_format<interleaved>} : vector<32xbf16> -> vector<16xf32>
        %add3A_433 = arith.constant 5 : i32
        %add3A_434 = arith.addi %mul3A_232, %add3A_433 : i32
        %get3A_435 = arith.index_cast %add3A_434 : i32 to index
        %get3A_436 = arith.constant 16 : index
        %get3A_437 = tpu.vector_load %arg11[%get3A_435, %get3A_436] {strides = array<i32>} : memref<128x128xi32, #tpu.memory_space<vmem>>, vector<16xi32>,
        %bitcast3A_438 = vector.bitcast %get3A_437 : vector<16xi32> to vector<32xbf16>
        %unpack3A_439 = tpu.unpack_subelements %bitcast3A_438, 0 {pack_format = #tpu.pack_format<interleaved>} : vector<32xbf16> -> vector<16xf32>
        %unpack3A_440 = tpu.unpack_subelements %bitcast3A_438, 1 {pack_format = #tpu.pack_format<interleaved>} : vector<32xbf16> -> vector<16xf32>
        %add3A_441 = arith.constant 6 : i32
        %add3A_442 = arith.addi %mul3A_232, %add3A_441 : i32
        %get3A_443 = arith.index_cast %add3A_442 : i32 to index
        %get3A_444 = arith.constant 16 : index
        %get3A_445 = tpu.vector_load %arg11[%get3A_443, %get3A_444] {strides = array<i32>} : memref<128x128xi32, #tpu.memory_space<vmem>>, vector<16xi32>,
        %bitcast3A_446 = vector.bitcast %get3A_445 : vector<16xi32> to vector<32xbf16>
        %unpack3A_447 = tpu.unpack_subelements %bitcast3A_446, 0 {pack_format = #tpu.pack_format<interleaved>} : vector<32xbf16> -> vector<16xf32>
        %unpack3A_448 = tpu.unpack_subelements %bitcast3A_446, 1 {pack_format = #tpu.pack_format<interleaved>} : vector<32xbf16> -> vector<16xf32>
        %add3A_449 = arith.constant 7 : i32
        %add3A_450 = arith.addi %mul3A_232, %add3A_449 : i32
        %get3A_451 = arith.index_cast %add3A_450 : i32 to index
        %get3A_452 = arith.constant 16 : index
        %get3A_453 = tpu.vector_load %arg11[%get3A_451, %get3A_452] {strides = array<i32>} : memref<128x128xi32, #tpu.memory_space<vmem>>, vector<16xi32>,
        %bitcast3A_454 = vector.bitcast %get3A_453 : vector<16xi32> to vector<32xbf16>
        %unpack3A_455 = tpu.unpack_subelements %bitcast3A_454, 0 {pack_format = #tpu.pack_format<interleaved>} : vector<32xbf16> -> vector<16xf32>
        %unpack3A_456 = tpu.unpack_subelements %bitcast3A_454, 1 {pack_format = #tpu.pack_format<interleaved>} : vector<32xbf16> -> vector<16xf32>
        %add3A_457 = arith.constant 8 : i32
        %add3A_458 = arith.addi %mul3A_232, %add3A_457 : i32
        %get3A_459 = arith.index_cast %add3A_458 : i32 to index
        %get3A_460 = arith.constant 16 : index
        %get3A_461 = tpu.vector_load %arg11[%get3A_459, %get3A_460] {strides = array<i32>} : memref<128x128xi32, #tpu.memory_space<vmem>>, vector<16xi32>,
        %bitcast3A_462 = vector.bitcast %get3A_461 : vector<16xi32> to vector<32xbf16>
        %unpack3A_463 = tpu.unpack_subelements %bitcast3A_462, 0 {pack_format = #tpu.pack_format<interleaved>} : vector<32xbf16> -> vector<16xf32>
        %unpack3A_464 = tpu.unpack_subelements %bitcast3A_462, 1 {pack_format = #tpu.pack_format<interleaved>} : vector<32xbf16> -> vector<16xf32>
        %add3A_465 = arith.constant 9 : i32
        %add3A_466 = arith.addi %mul3A_232, %add3A_465 : i32
        %get3A_467 = arith.index_cast %add3A_466 : i32 to index
        %get3A_468 = arith.constant 16 : index
        %get3A_469 = tpu.vector_load %arg11[%get3A_467, %get3A_468] {strides = array<i32>} : memref<128x128xi32, #tpu.memory_space<vmem>>, vector<16xi32>,
        %bitcast3A_470 = vector.bitcast %get3A_469 : vector<16xi32> to vector<32xbf16>
        %unpack3A_471 = tpu.unpack_subelements %bitcast3A_470, 0 {pack_format = #tpu.pack_format<interleaved>} : vector<32xbf16> -> vector<16xf32>
        %unpack3A_472 = tpu.unpack_subelements %bitcast3A_470, 1 {pack_format = #tpu.pack_format<interleaved>} : vector<32xbf16> -> vector<16xf32>
        %add3A_473 = arith.constant 10 : i32
        %add3A_474 = arith.addi %mul3A_232, %add3A_473 : i32
        %get3A_475 = arith.index_cast %add3A_474 : i32 to index
        %get3A_476 = arith.constant 16 : index
        %get3A_477 = tpu.vector_load %arg11[%get3A_475, %get3A_476] {strides = array<i32>} : memref<128x128xi32, #tpu.memory_space<vmem>>, vector<16xi32>,
        %bitcast3A_478 = vector.bitcast %get3A_477 : vector<16xi32> to vector<32xbf16>
        %unpack3A_479 = tpu.unpack_subelements %bitcast3A_478, 0 {pack_format = #tpu.pack_format<interleaved>} : vector<32xbf16> -> vector<16xf32>
        %unpack3A_480 = tpu.unpack_subelements %bitcast3A_478, 1 {pack_format = #tpu.pack_format<interleaved>} : vector<32xbf16> -> vector<16xf32>
        %add3A_481 = arith.constant 11 : i32
        %add3A_482 = arith.addi %mul3A_232, %add3A_481 : i32
        %get3A_483 = arith.index_cast %add3A_482 : i32 to index
        %get3A_484 = arith.constant 16 : index
        %get3A_485 = tpu.vector_load %arg11[%get3A_483, %get3A_484] {strides = array<i32>} : memref<128x128xi32, #tpu.memory_space<vmem>>, vector<16xi32>,
        %bitcast3A_486 = vector.bitcast %get3A_485 : vector<16xi32> to vector<32xbf16>
        %unpack3A_487 = tpu.unpack_subelements %bitcast3A_486, 0 {pack_format = #tpu.pack_format<interleaved>} : vector<32xbf16> -> vector<16xf32>
        %unpack3A_488 = tpu.unpack_subelements %bitcast3A_486, 1 {pack_format = #tpu.pack_format<interleaved>} : vector<32xbf16> -> vector<16xf32>
        %add3A_489 = arith.constant 12 : i32
        %add3A_490 = arith.addi %mul3A_232, %add3A_489 : i32
        %get3A_491 = arith.index_cast %add3A_490 : i32 to index
        %get3A_492 = arith.constant 16 : index
        %get3A_493 = tpu.vector_load %arg11[%get3A_491, %get3A_492] {strides = array<i32>} : memref<128x128xi32, #tpu.memory_space<vmem>>, vector<16xi32>,
        %bitcast3A_494 = vector.bitcast %get3A_493 : vector<16xi32> to vector<32xbf16>
        %unpack3A_495 = tpu.unpack_subelements %bitcast3A_494, 0 {pack_format = #tpu.pack_format<interleaved>} : vector<32xbf16> -> vector<16xf32>
        %unpack3A_496 = tpu.unpack_subelements %bitcast3A_494, 1 {pack_format = #tpu.pack_format<interleaved>} : vector<32xbf16> -> vector<16xf32>
        %add3A_497 = arith.constant 13 : i32
        %add3A_498 = arith.addi %mul3A_232, %add3A_497 : i32
        %get3A_499 = arith.index_cast %add3A_498 : i32 to index
        %get3A_500 = arith.constant 16 : index
        %get3A_501 = tpu.vector_load %arg11[%get3A_499, %get3A_500] {strides = array<i32>} : memref<128x128xi32, #tpu.memory_space<vmem>>, vector<16xi32>,
        %bitcast3A_502 = vector.bitcast %get3A_501 : vector<16xi32> to vector<32xbf16>
        %unpack3A_503 = tpu.unpack_subelements %bitcast3A_502, 0 {pack_format = #tpu.pack_format<interleaved>} : vector<32xbf16> -> vector<16xf32>
        %unpack3A_504 = tpu.unpack_subelements %bitcast3A_502, 1 {pack_format = #tpu.pack_format<interleaved>} : vector<32xbf16> -> vector<16xf32>
        %add3A_505 = arith.constant 14 : i32
        %add3A_506 = arith.addi %mul3A_232, %add3A_505 : i32
        %get3A_507 = arith.index_cast %add3A_506 : i32 to index
        %get3A_508 = arith.constant 16 : index
        %get3A_509 = tpu.vector_load %arg11[%get3A_507, %get3A_508] {strides = array<i32>} : memref<128x128xi32, #tpu.memory_space<vmem>>, vector<16xi32>,
        %bitcast3A_510 = vector.bitcast %get3A_509 : vector<16xi32> to vector<32xbf16>
        %unpack3A_511 = tpu.unpack_subelements %bitcast3A_510, 0 {pack_format = #tpu.pack_format<interleaved>} : vector<32xbf16> -> vector<16xf32>
        %unpack3A_512 = tpu.unpack_subelements %bitcast3A_510, 1 {pack_format = #tpu.pack_format<interleaved>} : vector<32xbf16> -> vector<16xf32>
        %add3A_513 = arith.constant 15 : i32
        %add3A_514 = arith.addi %mul3A_232, %add3A_513 : i32
        %get3A_515 = arith.index_cast %add3A_514 : i32 to index
        %get3A_516 = arith.constant 16 : index
        %get3A_517 = tpu.vector_load %arg11[%get3A_515, %get3A_516] {strides = array<i32>} : memref<128x128xi32, #tpu.memory_space<vmem>>, vector<16xi32>,
        %bitcast3A_518 = vector.bitcast %get3A_517 : vector<16xi32> to vector<32xbf16>
        %unpack3A_519 = tpu.unpack_subelements %bitcast3A_518, 0 {pack_format = #tpu.pack_format<interleaved>} : vector<32xbf16> -> vector<16xf32>
        %unpack3A_520 = tpu.unpack_subelements %bitcast3A_518, 1 {pack_format = #tpu.pack_format<interleaved>} : vector<32xbf16> -> vector<16xf32>
        %add3A_521 = arith.addf %unpack3A_399, %unpack3A_407 : vector<16xf32>
        %add3A_522 = arith.addf %unpack3A_415, %unpack3A_423 : vector<16xf32>
        %add3A_523 = arith.addf %unpack3A_431, %unpack3A_439 : vector<16xf32>
        %add3A_524 = arith.addf %unpack3A_447, %unpack3A_455 : vector<16xf32>
        %add3A_525 = arith.addf %unpack3A_463, %unpack3A_471 : vector<16xf32>
        %add3A_526 = arith.addf %unpack3A_479, %unpack3A_487 : vector<16xf32>
        %add3A_527 = arith.addf %unpack3A_495, %unpack3A_503 : vector<16xf32>
        %add3A_528 = arith.addf %unpack3A_511, %unpack3A_519 : vector<16xf32>
        %add3A_529 = arith.addf %add3A_521, %add3A_522 : vector<16xf32>
        %add3A_530 = arith.addf %add3A_523, %add3A_524 : vector<16xf32>
        %add3A_531 = arith.addf %add3A_525, %add3A_526 : vector<16xf32>
        %add3A_532 = arith.addf %add3A_527, %add3A_528 : vector<16xf32>
        %add3A_533 = arith.addf %add3A_529, %add3A_530 : vector<16xf32>
        %add3A_534 = arith.addf %add3A_531, %add3A_532 : vector<16xf32>
        %add3A_535 = arith.addf %add3A_533, %add3A_534 : vector<16xf32>
        %swap3A_536 = arith.index_cast %scan3A_229 : i32 to index
        %swap3A_537 = arith.constant 32 : index
        %swap3A_538 = tpu.vector_load %arg13[%swap3A_536, %swap3A_537] {strides = array<i32>} : memref<8x256xf32, #tpu.memory_space<vmem>>, vector<16xf32>,
        tpu.vector_store %arg13[%swap3A_536, %swap3A_537], %add3A_535 {strides = array<i32>} : memref<8x256xf32, #tpu.memory_space<vmem>>, vector<16xf32>,
        %add3A_539 = arith.addf %unpack3A_400, %unpack3A_408 : vector<16xf32>
        %add3A_540 = arith.addf %unpack3A_416, %unpack3A_424 : vector<16xf32>
        %add3A_541 = arith.addf %unpack3A_432, %unpack3A_440 : vector<16xf32>
        %add3A_542 = arith.addf %unpack3A_448, %unpack3A_456 : vector<16xf32>
        %add3A_543 = arith.addf %unpack3A_464, %unpack3A_472 : vector<16xf32>
        %add3A_544 = arith.addf %unpack3A_480, %unpack3A_488 : vector<16xf32>
        %add3A_545 = arith.addf %unpack3A_496, %unpack3A_504 : vector<16xf32>
        %add3A_546 = arith.addf %unpack3A_512, %unpack3A_520 : vector<16xf32>
        %add3A_547 = arith.addf %add3A_539, %add3A_540 : vector<16xf32>
        %add3A_548 = arith.addf %add3A_541, %add3A_542 : vector<16xf32>
        %add3A_549 = arith.addf %add3A_543, %add3A_544 : vector<16xf32>
        %add3A_550 = arith.addf %add3A_545, %add3A_546 : vector<16xf32>
        %add3A_551 = arith.addf %add3A_547, %add3A_548 : vector<16xf32>
        %add3A_552 = arith.addf %add3A_549, %add3A_550 : vector<16xf32>
        %add3A_553 = arith.addf %add3A_551, %add3A_552 : vector<16xf32>
        %swap3A_554 = arith.index_cast %scan3A_229 : i32 to index
        %swap3A_555 = arith.constant 48 : index
        %swap3A_556 = tpu.vector_load %arg13[%swap3A_554, %swap3A_555] {strides = array<i32>} : memref<8x256xf32, #tpu.memory_space<vmem>>, vector<16xf32>,
        tpu.vector_store %arg13[%swap3A_554, %swap3A_555], %add3A_553 {strides = array<i32>} : memref<8x256xf32, #tpu.memory_space<vmem>>, vector<16xf32>,
        %add3A_557 = arith.constant 0 : i32
        %add3A_558 = arith.addi %mul3A_232, %add3A_557 : i32
        %get3A_559 = arith.index_cast %add3A_558 : i32 to index
        %get3A_560 = arith.constant 32 : index
        %get3A_561 = tpu.vector_load %arg11[%get3A_559, %get3A_560] {strides = array<i32>} : memref<128x128xi32, #tpu.memory_space<vmem>>, vector<16xi32>,
        %bitcast3A_562 = vector.bitcast %get3A_561 : vector<16xi32> to vector<32xbf16>
        %unpack3A_563 = tpu.unpack_subelements %bitcast3A_562, 0 {pack_format = #tpu.pack_format<interleaved>} : vector<32xbf16> -> vector<16xf32>
        %unpack3A_564 = tpu.unpack_subelements %bitcast3A_562, 1 {pack_format = #tpu.pack_format<interleaved>} : vector<32xbf16> -> vector<16xf32>
        %add3A_565 = arith.constant 1 : i32
        %add3A_566 = arith.addi %mul3A_232, %add3A_565 : i32
        %get3A_567 = arith.index_cast %add3A_566 : i32 to index
        %get3A_568 = arith.constant 32 : index
        %get3A_569 = tpu.vector_load %arg11[%get3A_567, %get3A_568] {strides = array<i32>} : memref<128x128xi32, #tpu.memory_space<vmem>>, vector<16xi32>,
        %bitcast3A_570 = vector.bitcast %get3A_569 : vector<16xi32> to vector<32xbf16>
        %unpack3A_571 = tpu.unpack_subelements %bitcast3A_570, 0 {pack_format = #tpu.pack_format<interleaved>} : vector<32xbf16> -> vector<16xf32>
        %unpack3A_572 = tpu.unpack_subelements %bitcast3A_570, 1 {pack_format = #tpu.pack_format<interleaved>} : vector<32xbf16> -> vector<16xf32>
        %add3A_573 = arith.constant 2 : i32
        %add3A_574 = arith.addi %mul3A_232, %add3A_573 : i32
        %get3A_575 = arith.index_cast %add3A_574 : i32 to index
        %get3A_576 = arith.constant 32 : index
        %get3A_577 = tpu.vector_load %arg11[%get3A_575, %get3A_576] {strides = array<i32>} : memref<128x128xi32, #tpu.memory_space<vmem>>, vector<16xi32>,
        %bitcast3A_578 = vector.bitcast %get3A_577 : vector<16xi32> to vector<32xbf16>
        %unpack3A_579 = tpu.unpack_subelements %bitcast3A_578, 0 {pack_format = #tpu.pack_format<interleaved>} : vector<32xbf16> -> vector<16xf32>
        %unpack3A_580 = tpu.unpack_subelements %bitcast3A_578, 1 {pack_format = #tpu.pack_format<interleaved>} : vector<32xbf16> -> vector<16xf32>
        %add3A_581 = arith.constant 3 : i32
        %add3A_582 = arith.addi %mul3A_232, %add3A_581 : i32
        %get3A_583 = arith.index_cast %add3A_582 : i32 to index
        %get3A_584 = arith.constant 32 : index
        %get3A_585 = tpu.vector_load %arg11[%get3A_583, %get3A_584] {strides = array<i32>} : memref<128x128xi32, #tpu.memory_space<vmem>>, vector<16xi32>,
        %bitcast3A_586 = vector.bitcast %get3A_585 : vector<16xi32> to vector<32xbf16>
        %unpack3A_587 = tpu.unpack_subelements %bitcast3A_586, 0 {pack_format = #tpu.pack_format<interleaved>} : vector<32xbf16> -> vector<16xf32>
        %unpack3A_588 = tpu.unpack_subelements %bitcast3A_586, 1 {pack_format = #tpu.pack_format<interleaved>} : vector<32xbf16> -> vector<16xf32>
        %add3A_589 = arith.constant 4 : i32
        %add3A_590 = arith.addi %mul3A_232, %add3A_589 : i32
        %get3A_591 = arith.index_cast %add3A_590 : i32 to index
        %get3A_592 = arith.constant 32 : index
        %get3A_593 = tpu.vector_load %arg11[%get3A_591, %get3A_592] {strides = array<i32>} : memref<128x128xi32, #tpu.memory_space<vmem>>, vector<16xi32>,
        %bitcast3A_594 = vector.bitcast %get3A_593 : vector<16xi32> to vector<32xbf16>
        %unpack3A_595 = tpu.unpack_subelements %bitcast3A_594, 0 {pack_format = #tpu.pack_format<interleaved>} : vector<32xbf16> -> vector<16xf32>
        %unpack3A_596 = tpu.unpack_subelements %bitcast3A_594, 1 {pack_format = #tpu.pack_format<interleaved>} : vector<32xbf16> -> vector<16xf32>
        %add3A_597 = arith.constant 5 : i32
        %add3A_598 = arith.addi %mul3A_232, %add3A_597 : i32
        %get3A_599 = arith.index_cast %add3A_598 : i32 to index
        %get3A_600 = arith.constant 32 : index
        %get3A_601 = tpu.vector_load %arg11[%get3A_599, %get3A_600] {strides = array<i32>} : memref<128x128xi32, #tpu.memory_space<vmem>>, vector<16xi32>,
        %bitcast3A_602 = vector.bitcast %get3A_601 : vector<16xi32> to vector<32xbf16>
        %unpack3A_603 = tpu.unpack_subelements %bitcast3A_602, 0 {pack_format = #tpu.pack_format<interleaved>} : vector<32xbf16> -> vector<16xf32>
        %unpack3A_604 = tpu.unpack_subelements %bitcast3A_602, 1 {pack_format = #tpu.pack_format<interleaved>} : vector<32xbf16> -> vector<16xf32>
        %add3A_605 = arith.constant 6 : i32
        %add3A_606 = arith.addi %mul3A_232, %add3A_605 : i32
        %get3A_607 = arith.index_cast %add3A_606 : i32 to index
        %get3A_608 = arith.constant 32 : index
        %get3A_609 = tpu.vector_load %arg11[%get3A_607, %get3A_608] {strides = array<i32>} : memref<128x128xi32, #tpu.memory_space<vmem>>, vector<16xi32>,
        %bitcast3A_610 = vector.bitcast %get3A_609 : vector<16xi32> to vector<32xbf16>
        %unpack3A_611 = tpu.unpack_subelements %bitcast3A_610, 0 {pack_format = #tpu.pack_format<interleaved>} : vector<32xbf16> -> vector<16xf32>
        %unpack3A_612 = tpu.unpack_subelements %bitcast3A_610, 1 {pack_format = #tpu.pack_format<interleaved>} : vector<32xbf16> -> vector<16xf32>
        %add3A_613 = arith.constant 7 : i32
        %add3A_614 = arith.addi %mul3A_232, %add3A_613 : i32
        %get3A_615 = arith.index_cast %add3A_614 : i32 to index
        %get3A_616 = arith.constant 32 : index
        %get3A_617 = tpu.vector_load %arg11[%get3A_615, %get3A_616] {strides = array<i32>} : memref<128x128xi32, #tpu.memory_space<vmem>>, vector<16xi32>,
        %bitcast3A_618 = vector.bitcast %get3A_617 : vector<16xi32> to vector<32xbf16>
        %unpack3A_619 = tpu.unpack_subelements %bitcast3A_618, 0 {pack_format = #tpu.pack_format<interleaved>} : vector<32xbf16> -> vector<16xf32>
        %unpack3A_620 = tpu.unpack_subelements %bitcast3A_618, 1 {pack_format = #tpu.pack_format<interleaved>} : vector<32xbf16> -> vector<16xf32>
        %add3A_621 = arith.constant 8 : i32
        %add3A_622 = arith.addi %mul3A_232, %add3A_621 : i32
        %get3A_623 = arith.index_cast %add3A_622 : i32 to index
        %get3A_624 = arith.constant 32 : index
        %get3A_625 = tpu.vector_load %arg11[%get3A_623, %get3A_624] {strides = array<i32>} : memref<128x128xi32, #tpu.memory_space<vmem>>, vector<16xi32>,
        %bitcast3A_626 = vector.bitcast %get3A_625 : vector<16xi32> to vector<32xbf16>
        %unpack3A_627 = tpu.unpack_subelements %bitcast3A_626, 0 {pack_format = #tpu.pack_format<interleaved>} : vector<32xbf16> -> vector<16xf32>
        %unpack3A_628 = tpu.unpack_subelements %bitcast3A_626, 1 {pack_format = #tpu.pack_format<interleaved>} : vector<32xbf16> -> vector<16xf32>
        %add3A_629 = arith.constant 9 : i32
        %add3A_630 = arith.addi %mul3A_232, %add3A_629 : i32
        %get3A_631 = arith.index_cast %add3A_630 : i32 to index
        %get3A_632 = arith.constant 32 : index
        %get3A_633 = tpu.vector_load %arg11[%get3A_631, %get3A_632] {strides = array<i32>} : memref<128x128xi32, #tpu.memory_space<vmem>>, vector<16xi32>,
        %bitcast3A_634 = vector.bitcast %get3A_633 : vector<16xi32> to vector<32xbf16>
        %unpack3A_635 = tpu.unpack_subelements %bitcast3A_634, 0 {pack_format = #tpu.pack_format<interleaved>} : vector<32xbf16> -> vector<16xf32>
        %unpack3A_636 = tpu.unpack_subelements %bitcast3A_634, 1 {pack_format = #tpu.pack_format<interleaved>} : vector<32xbf16> -> vector<16xf32>
        %add3A_637 = arith.constant 10 : i32
        %add3A_638 = arith.addi %mul3A_232, %add3A_637 : i32
        %get3A_639 = arith.index_cast %add3A_638 : i32 to index
        %get3A_640 = arith.constant 32 : index
        %get3A_641 = tpu.vector_load %arg11[%get3A_639, %get3A_640] {strides = array<i32>} : memref<128x128xi32, #tpu.memory_space<vmem>>, vector<16xi32>,
        %bitcast3A_642 = vector.bitcast %get3A_641 : vector<16xi32> to vector<32xbf16>
        %unpack3A_643 = tpu.unpack_subelements %bitcast3A_642, 0 {pack_format = #tpu.pack_format<interleaved>} : vector<32xbf16> -> vector<16xf32>
        %unpack3A_644 = tpu.unpack_subelements %bitcast3A_642, 1 {pack_format = #tpu.pack_format<interleaved>} : vector<32xbf16> -> vector<16xf32>
        %add3A_645 = arith.constant 11 : i32
        %add3A_646 = arith.addi %mul3A_232, %add3A_645 : i32
        %get3A_647 = arith.index_cast %add3A_646 : i32 to index
        %get3A_648 = arith.constant 32 : index
        %get3A_649 = tpu.vector_load %arg11[%get3A_647, %get3A_648] {strides = array<i32>} : memref<128x128xi32, #tpu.memory_space<vmem>>, vector<16xi32>,
        %bitcast3A_650 = vector.bitcast %get3A_649 : vector<16xi32> to vector<32xbf16>
        %unpack3A_651 = tpu.unpack_subelements %bitcast3A_650, 0 {pack_format = #tpu.pack_format<interleaved>} : vector<32xbf16> -> vector<16xf32>
        %unpack3A_652 = tpu.unpack_subelements %bitcast3A_650, 1 {pack_format = #tpu.pack_format<interleaved>} : vector<32xbf16> -> vector<16xf32>
        %add3A_653 = arith.constant 12 : i32
        %add3A_654 = arith.addi %mul3A_232, %add3A_653 : i32
        %get3A_655 = arith.index_cast %add3A_654 : i32 to index
        %get3A_656 = arith.constant 32 : index
        %get3A_657 = tpu.vector_load %arg11[%get3A_655, %get3A_656] {strides = array<i32>} : memref<128x128xi32, #tpu.memory_space<vmem>>, vector<16xi32>,
        %bitcast3A_658 = vector.bitcast %get3A_657 : vector<16xi32> to vector<32xbf16>
        %unpack3A_659 = tpu.unpack_subelements %bitcast3A_658, 0 {pack_format = #tpu.pack_format<interleaved>} : vector<32xbf16> -> vector<16xf32>
        %unpack3A_660 = tpu.unpack_subelements %bitcast3A_658, 1 {pack_format = #tpu.pack_format<interleaved>} : vector<32xbf16> -> vector<16xf32>
        %add3A_661 = arith.constant 13 : i32
        %add3A_662 = arith.addi %mul3A_232, %add3A_661 : i32
        %get3A_663 = arith.index_cast %add3A_662 : i32 to index
        %get3A_664 = arith.constant 32 : index
        %get3A_665 = tpu.vector_load %arg11[%get3A_663, %get3A_664] {strides = array<i32>} : memref<128x128xi32, #tpu.memory_space<vmem>>, vector<16xi32>,
        %bitcast3A_666 = vector.bitcast %get3A_665 : vector<16xi32> to vector<32xbf16>
        %unpack3A_667 = tpu.unpack_subelements %bitcast3A_666, 0 {pack_format = #tpu.pack_format<interleaved>} : vector<32xbf16> -> vector<16xf32>
        %unpack3A_668 = tpu.unpack_subelements %bitcast3A_666, 1 {pack_format = #tpu.pack_format<interleaved>} : vector<32xbf16> -> vector<16xf32>
        %add3A_669 = arith.constant 14 : i32
        %add3A_670 = arith.addi %mul3A_232, %add3A_669 : i32
        %get3A_671 = arith.index_cast %add3A_670 : i32 to index
        %get3A_672 = arith.constant 32 : index
        %get3A_673 = tpu.vector_load %arg11[%get3A_671, %get3A_672] {strides = array<i32>} : memref<128x128xi32, #tpu.memory_space<vmem>>, vector<16xi32>,
        %bitcast3A_674 = vector.bitcast %get3A_673 : vector<16xi32> to vector<32xbf16>
        %unpack3A_675 = tpu.unpack_subelements %bitcast3A_674, 0 {pack_format = #tpu.pack_format<interleaved>} : vector<32xbf16> -> vector<16xf32>
        %unpack3A_676 = tpu.unpack_subelements %bitcast3A_674, 1 {pack_format = #tpu.pack_format<interleaved>} : vector<32xbf16> -> vector<16xf32>
        %add3A_677 = arith.constant 15 : i32
        %add3A_678 = arith.addi %mul3A_232, %add3A_677 : i32
        %get3A_679 = arith.index_cast %add3A_678 : i32 to index
        %get3A_680 = arith.constant 32 : index
        %get3A_681 = tpu.vector_load %arg11[%get3A_679, %get3A_680] {strides = array<i32>} : memref<128x128xi32, #tpu.memory_space<vmem>>, vector<16xi32>,
        %bitcast3A_682 = vector.bitcast %get3A_681 : vector<16xi32> to vector<32xbf16>
        %unpack3A_683 = tpu.unpack_subelements %bitcast3A_682, 0 {pack_format = #tpu.pack_format<interleaved>} : vector<32xbf16> -> vector<16xf32>
        %unpack3A_684 = tpu.unpack_subelements %bitcast3A_682, 1 {pack_format = #tpu.pack_format<interleaved>} : vector<32xbf16> -> vector<16xf32>
        %add3A_685 = arith.addf %unpack3A_563, %unpack3A_571 : vector<16xf32>
        %add3A_686 = arith.addf %unpack3A_579, %unpack3A_587 : vector<16xf32>
        %add3A_687 = arith.addf %unpack3A_595, %unpack3A_603 : vector<16xf32>
        %add3A_688 = arith.addf %unpack3A_611, %unpack3A_619 : vector<16xf32>
        %add3A_689 = arith.addf %unpack3A_627, %unpack3A_635 : vector<16xf32>
        %add3A_690 = arith.addf %unpack3A_643, %unpack3A_651 : vector<16xf32>
        %add3A_691 = arith.addf %unpack3A_659, %unpack3A_667 : vector<16xf32>
        %add3A_692 = arith.addf %unpack3A_675, %unpack3A_683 : vector<16xf32>
        %add3A_693 = arith.addf %add3A_685, %add3A_686 : vector<16xf32>
        %add3A_694 = arith.addf %add3A_687, %add3A_688 : vector<16xf32>
        %add3A_695 = arith.addf %add3A_689, %add3A_690 : vector<16xf32>
        %add3A_696 = arith.addf %add3A_691, %add3A_692 : vector<16xf32>
        %add3A_697 = arith.addf %add3A_693, %add3A_694 : vector<16xf32>
        %add3A_698 = arith.addf %add3A_695, %add3A_696 : vector<16xf32>
        %add3A_699 = arith.addf %add3A_697, %add3A_698 : vector<16xf32>
        %swap3A_700 = arith.index_cast %scan3A_229 : i32 to index
        %swap3A_701 = arith.constant 64 : index
        %swap3A_702 = tpu.vector_load %arg13[%swap3A_700, %swap3A_701] {strides = array<i32>} : memref<8x256xf32, #tpu.memory_space<vmem>>, vector<16xf32>,
        tpu.vector_store %arg13[%swap3A_700, %swap3A_701], %add3A_699 {strides = array<i32>} : memref<8x256xf32, #tpu.memory_space<vmem>>, vector<16xf32>,
        %add3A_703 = arith.addf %unpack3A_564, %unpack3A_572 : vector<16xf32>
        %add3A_704 = arith.addf %unpack3A_580, %unpack3A_588 : vector<16xf32>
        %add3A_705 = arith.addf %unpack3A_596, %unpack3A_604 : vector<16xf32>
        %add3A_706 = arith.addf %unpack3A_612, %unpack3A_620 : vector<16xf32>
        %add3A_707 = arith.addf %unpack3A_628, %unpack3A_636 : vector<16xf32>
        %add3A_708 = arith.addf %unpack3A_644, %unpack3A_652 : vector<16xf32>
        %add3A_709 = arith.addf %unpack3A_660, %unpack3A_668 : vector<16xf32>
        %add3A_710 = arith.addf %unpack3A_676, %unpack3A_684 : vector<16xf32>
        %add3A_711 = arith.addf %add3A_703, %add3A_704 : vector<16xf32>
        %add3A_712 = arith.addf %add3A_705, %add3A_706 : vector<16xf32>
        %add3A_713 = arith.addf %add3A_707, %add3A_708 : vector<16xf32>
        %add3A_714 = arith.addf %add3A_709, %add3A_710 : vector<16xf32>
        %add3A_715 = arith.addf %add3A_711, %add3A_712 : vector<16xf32>
        %add3A_716 = arith.addf %add3A_713, %add3A_714 : vector<16xf32>
        %add3A_717 = arith.addf %add3A_715, %add3A_716 : vector<16xf32>
        %swap3A_718 = arith.index_cast %scan3A_229 : i32 to index
        %swap3A_719 = arith.constant 80 : index
        %swap3A_720 = tpu.vector_load %arg13[%swap3A_718, %swap3A_719] {strides = array<i32>} : memref<8x256xf32, #tpu.memory_space<vmem>>, vector<16xf32>,
        tpu.vector_store %arg13[%swap3A_718, %swap3A_719], %add3A_717 {strides = array<i32>} : memref<8x256xf32, #tpu.memory_space<vmem>>, vector<16xf32>,
        %add3A_721 = arith.constant 0 : i32
        %add3A_722 = arith.addi %mul3A_232, %add3A_721 : i32
        %get3A_723 = arith.index_cast %add3A_722 : i32 to index
        %get3A_724 = arith.constant 48 : index
        %get3A_725 = tpu.vector_load %arg11[%get3A_723, %get3A_724] {strides = array<i32>} : memref<128x128xi32, #tpu.memory_space<vmem>>, vector<16xi32>,
        %bitcast3A_726 = vector.bitcast %get3A_725 : vector<16xi32> to vector<32xbf16>
        %unpack3A_727 = tpu.unpack_subelements %bitcast3A_726, 0 {pack_format = #tpu.pack_format<interleaved>} : vector<32xbf16> -> vector<16xf32>
        %unpack3A_728 = tpu.unpack_subelements %bitcast3A_726, 1 {pack_format = #tpu.pack_format<interleaved>} : vector<32xbf16> -> vector<16xf32>
        %add3A_729 = arith.constant 1 : i32
        %add3A_730 = arith.addi %mul3A_232, %add3A_729 : i32
        %get3A_731 = arith.index_cast %add3A_730 : i32 to index
        %get3A_732 = arith.constant 48 : index
        %get3A_733 = tpu.vector_load %arg11[%get3A_731, %get3A_732] {strides = array<i32>} : memref<128x128xi32, #tpu.memory_space<vmem>>, vector<16xi32>,
        %bitcast3A_734 = vector.bitcast %get3A_733 : vector<16xi32> to vector<32xbf16>
        %unpack3A_735 = tpu.unpack_subelements %bitcast3A_734, 0 {pack_format = #tpu.pack_format<interleaved>} : vector<32xbf16> -> vector<16xf32>
        %unpack3A_736 = tpu.unpack_subelements %bitcast3A_734, 1 {pack_format = #tpu.pack_format<interleaved>} : vector<32xbf16> -> vector<16xf32>
        %add3A_737 = arith.constant 2 : i32
        %add3A_738 = arith.addi %mul3A_232, %add3A_737 : i32
        %get3A_739 = arith.index_cast %add3A_738 : i32 to index
        %get3A_740 = arith.constant 48 : index
        %get3A_741 = tpu.vector_load %arg11[%get3A_739, %get3A_740] {strides = array<i32>} : memref<128x128xi32, #tpu.memory_space<vmem>>, vector<16xi32>,
        %bitcast3A_742 = vector.bitcast %get3A_741 : vector<16xi32> to vector<32xbf16>
        %unpack3A_743 = tpu.unpack_subelements %bitcast3A_742, 0 {pack_format = #tpu.pack_format<interleaved>} : vector<32xbf16> -> vector<16xf32>
        %unpack3A_744 = tpu.unpack_subelements %bitcast3A_742, 1 {pack_format = #tpu.pack_format<interleaved>} : vector<32xbf16> -> vector<16xf32>
        %add3A_745 = arith.constant 3 : i32
        %add3A_746 = arith.addi %mul3A_232, %add3A_745 : i32
        %get3A_747 = arith.index_cast %add3A_746 : i32 to index
        %get3A_748 = arith.constant 48 : index
        %get3A_749 = tpu.vector_load %arg11[%get3A_747, %get3A_748] {strides = array<i32>} : memref<128x128xi32, #tpu.memory_space<vmem>>, vector<16xi32>,
        %bitcast3A_750 = vector.bitcast %get3A_749 : vector<16xi32> to vector<32xbf16>
        %unpack3A_751 = tpu.unpack_subelements %bitcast3A_750, 0 {pack_format = #tpu.pack_format<interleaved>} : vector<32xbf16> -> vector<16xf32>
        %unpack3A_752 = tpu.unpack_subelements %bitcast3A_750, 1 {pack_format = #tpu.pack_format<interleaved>} : vector<32xbf16> -> vector<16xf32>
        %add3A_753 = arith.constant 4 : i32
        %add3A_754 = arith.addi %mul3A_232, %add3A_753 : i32
        %get3A_755 = arith.index_cast %add3A_754 : i32 to index
        %get3A_756 = arith.constant 48 : index
        %get3A_757 = tpu.vector_load %arg11[%get3A_755, %get3A_756] {strides = array<i32>} : memref<128x128xi32, #tpu.memory_space<vmem>>, vector<16xi32>,
        %bitcast3A_758 = vector.bitcast %get3A_757 : vector<16xi32> to vector<32xbf16>
        %unpack3A_759 = tpu.unpack_subelements %bitcast3A_758, 0 {pack_format = #tpu.pack_format<interleaved>} : vector<32xbf16> -> vector<16xf32>
        %unpack3A_760 = tpu.unpack_subelements %bitcast3A_758, 1 {pack_format = #tpu.pack_format<interleaved>} : vector<32xbf16> -> vector<16xf32>
        %add3A_761 = arith.constant 5 : i32
        %add3A_762 = arith.addi %mul3A_232, %add3A_761 : i32
        %get3A_763 = arith.index_cast %add3A_762 : i32 to index
        %get3A_764 = arith.constant 48 : index
        %get3A_765 = tpu.vector_load %arg11[%get3A_763, %get3A_764] {strides = array<i32>} : memref<128x128xi32, #tpu.memory_space<vmem>>, vector<16xi32>,
        %bitcast3A_766 = vector.bitcast %get3A_765 : vector<16xi32> to vector<32xbf16>
        %unpack3A_767 = tpu.unpack_subelements %bitcast3A_766, 0 {pack_format = #tpu.pack_format<interleaved>} : vector<32xbf16> -> vector<16xf32>
        %unpack3A_768 = tpu.unpack_subelements %bitcast3A_766, 1 {pack_format = #tpu.pack_format<interleaved>} : vector<32xbf16> -> vector<16xf32>
        %add3A_769 = arith.constant 6 : i32
        %add3A_770 = arith.addi %mul3A_232, %add3A_769 : i32
        %get3A_771 = arith.index_cast %add3A_770 : i32 to index
        %get3A_772 = arith.constant 48 : index
        %get3A_773 = tpu.vector_load %arg11[%get3A_771, %get3A_772] {strides = array<i32>} : memref<128x128xi32, #tpu.memory_space<vmem>>, vector<16xi32>,
        %bitcast3A_774 = vector.bitcast %get3A_773 : vector<16xi32> to vector<32xbf16>
        %unpack3A_775 = tpu.unpack_subelements %bitcast3A_774, 0 {pack_format = #tpu.pack_format<interleaved>} : vector<32xbf16> -> vector<16xf32>
        %unpack3A_776 = tpu.unpack_subelements %bitcast3A_774, 1 {pack_format = #tpu.pack_format<interleaved>} : vector<32xbf16> -> vector<16xf32>
        %add3A_777 = arith.constant 7 : i32
        %add3A_778 = arith.addi %mul3A_232, %add3A_777 : i32
        %get3A_779 = arith.index_cast %add3A_778 : i32 to index
        %get3A_780 = arith.constant 48 : index
        %get3A_781 = tpu.vector_load %arg11[%get3A_779, %get3A_780] {strides = array<i32>} : memref<128x128xi32, #tpu.memory_space<vmem>>, vector<16xi32>,
        %bitcast3A_782 = vector.bitcast %get3A_781 : vector<16xi32> to vector<32xbf16>
        %unpack3A_783 = tpu.unpack_subelements %bitcast3A_782, 0 {pack_format = #tpu.pack_format<interleaved>} : vector<32xbf16> -> vector<16xf32>
        %unpack3A_784 = tpu.unpack_subelements %bitcast3A_782, 1 {pack_format = #tpu.pack_format<interleaved>} : vector<32xbf16> -> vector<16xf32>
        %add3A_785 = arith.constant 8 : i32
        %add3A_786 = arith.addi %mul3A_232, %add3A_785 : i32
        %get3A_787 = arith.index_cast %add3A_786 : i32 to index
        %get3A_788 = arith.constant 48 : index
        %get3A_789 = tpu.vector_load %arg11[%get3A_787, %get3A_788] {strides = array<i32>} : memref<128x128xi32, #tpu.memory_space<vmem>>, vector<16xi32>,
        %bitcast3A_790 = vector.bitcast %get3A_789 : vector<16xi32> to vector<32xbf16>
        %unpack3A_791 = tpu.unpack_subelements %bitcast3A_790, 0 {pack_format = #tpu.pack_format<interleaved>} : vector<32xbf16> -> vector<16xf32>
        %unpack3A_792 = tpu.unpack_subelements %bitcast3A_790, 1 {pack_format = #tpu.pack_format<interleaved>} : vector<32xbf16> -> vector<16xf32>
        %add3A_793 = arith.constant 9 : i32
        %add3A_794 = arith.addi %mul3A_232, %add3A_793 : i32
        %get3A_795 = arith.index_cast %add3A_794 : i32 to index
        %get3A_796 = arith.constant 48 : index
        %get3A_797 = tpu.vector_load %arg11[%get3A_795, %get3A_796] {strides = array<i32>} : memref<128x128xi32, #tpu.memory_space<vmem>>, vector<16xi32>,
        %bitcast3A_798 = vector.bitcast %get3A_797 : vector<16xi32> to vector<32xbf16>
        %unpack3A_799 = tpu.unpack_subelements %bitcast3A_798, 0 {pack_format = #tpu.pack_format<interleaved>} : vector<32xbf16> -> vector<16xf32>
        %unpack3A_800 = tpu.unpack_subelements %bitcast3A_798, 1 {pack_format = #tpu.pack_format<interleaved>} : vector<32xbf16> -> vector<16xf32>
        %add3A_801 = arith.constant 10 : i32
        %add3A_802 = arith.addi %mul3A_232, %add3A_801 : i32
        %get3A_803 = arith.index_cast %add3A_802 : i32 to index
        %get3A_804 = arith.constant 48 : index
        %get3A_805 = tpu.vector_load %arg11[%get3A_803, %get3A_804] {strides = array<i32>} : memref<128x128xi32, #tpu.memory_space<vmem>>, vector<16xi32>,
        %bitcast3A_806 = vector.bitcast %get3A_805 : vector<16xi32> to vector<32xbf16>
        %unpack3A_807 = tpu.unpack_subelements %bitcast3A_806, 0 {pack_format = #tpu.pack_format<interleaved>} : vector<32xbf16> -> vector<16xf32>
        %unpack3A_808 = tpu.unpack_subelements %bitcast3A_806, 1 {pack_format = #tpu.pack_format<interleaved>} : vector<32xbf16> -> vector<16xf32>
        %add3A_809 = arith.constant 11 : i32
        %add3A_810 = arith.addi %mul3A_232, %add3A_809 : i32
        %get3A_811 = arith.index_cast %add3A_810 : i32 to index
        %get3A_812 = arith.constant 48 : index
        %get3A_813 = tpu.vector_load %arg11[%get3A_811, %get3A_812] {strides = array<i32>} : memref<128x128xi32, #tpu.memory_space<vmem>>, vector<16xi32>,
        %bitcast3A_814 = vector.bitcast %get3A_813 : vector<16xi32> to vector<32xbf16>
        %unpack3A_815 = tpu.unpack_subelements %bitcast3A_814, 0 {pack_format = #tpu.pack_format<interleaved>} : vector<32xbf16> -> vector<16xf32>
        %unpack3A_816 = tpu.unpack_subelements %bitcast3A_814, 1 {pack_format = #tpu.pack_format<interleaved>} : vector<32xbf16> -> vector<16xf32>
        %add3A_817 = arith.constant 12 : i32
        %add3A_818 = arith.addi %mul3A_232, %add3A_817 : i32
        %get3A_819 = arith.index_cast %add3A_818 : i32 to index
        %get3A_820 = arith.constant 48 : index
        %get3A_821 = tpu.vector_load %arg11[%get3A_819, %get3A_820] {strides = array<i32>} : memref<128x128xi32, #tpu.memory_space<vmem>>, vector<16xi32>,
        %bitcast3A_822 = vector.bitcast %get3A_821 : vector<16xi32> to vector<32xbf16>
        %unpack3A_823 = tpu.unpack_subelements %bitcast3A_822, 0 {pack_format = #tpu.pack_format<interleaved>} : vector<32xbf16> -> vector<16xf32>
        %unpack3A_824 = tpu.unpack_subelements %bitcast3A_822, 1 {pack_format = #tpu.pack_format<interleaved>} : vector<32xbf16> -> vector<16xf32>
        %add3A_825 = arith.constant 13 : i32
        %add3A_826 = arith.addi %mul3A_232, %add3A_825 : i32
        %get3A_827 = arith.index_cast %add3A_826 : i32 to index
        %get3A_828 = arith.constant 48 : index
        %get3A_829 = tpu.vector_load %arg11[%get3A_827, %get3A_828] {strides = array<i32>} : memref<128x128xi32, #tpu.memory_space<vmem>>, vector<16xi32>,
        %bitcast3A_830 = vector.bitcast %get3A_829 : vector<16xi32> to vector<32xbf16>
        %unpack3A_831 = tpu.unpack_subelements %bitcast3A_830, 0 {pack_format = #tpu.pack_format<interleaved>} : vector<32xbf16> -> vector<16xf32>
        %unpack3A_832 = tpu.unpack_subelements %bitcast3A_830, 1 {pack_format = #tpu.pack_format<interleaved>} : vector<32xbf16> -> vector<16xf32>
        %add3A_833 = arith.constant 14 : i32
        %add3A_834 = arith.addi %mul3A_232, %add3A_833 : i32
        %get3A_835 = arith.index_cast %add3A_834 : i32 to index
        %get3A_836 = arith.constant 48 : index
        %get3A_837 = tpu.vector_load %arg11[%get3A_835, %get3A_836] {strides = array<i32>} : memref<128x128xi32, #tpu.memory_space<vmem>>, vector<16xi32>,
        %bitcast3A_838 = vector.bitcast %get3A_837 : vector<16xi32> to vector<32xbf16>
        %unpack3A_839 = tpu.unpack_subelements %bitcast3A_838, 0 {pack_format = #tpu.pack_format<interleaved>} : vector<32xbf16> -> vector<16xf32>
        %unpack3A_840 = tpu.unpack_subelements %bitcast3A_838, 1 {pack_format = #tpu.pack_format<interleaved>} : vector<32xbf16> -> vector<16xf32>
        %add3A_841 = arith.constant 15 : i32
        %add3A_842 = arith.addi %mul3A_232, %add3A_841 : i32
        %get3A_843 = arith.index_cast %add3A_842 : i32 to index
        %get3A_844 = arith.constant 48 : index
        %get3A_845 = tpu.vector_load %arg11[%get3A_843, %get3A_844] {strides = array<i32>} : memref<128x128xi32, #tpu.memory_space<vmem>>, vector<16xi32>,
        %bitcast3A_846 = vector.bitcast %get3A_845 : vector<16xi32> to vector<32xbf16>
        %unpack3A_847 = tpu.unpack_subelements %bitcast3A_846, 0 {pack_format = #tpu.pack_format<interleaved>} : vector<32xbf16> -> vector<16xf32>
        %unpack3A_848 = tpu.unpack_subelements %bitcast3A_846, 1 {pack_format = #tpu.pack_format<interleaved>} : vector<32xbf16> -> vector<16xf32>
        %add3A_849 = arith.addf %unpack3A_727, %unpack3A_735 : vector<16xf32>
        %add3A_850 = arith.addf %unpack3A_743, %unpack3A_751 : vector<16xf32>
        %add3A_851 = arith.addf %unpack3A_759, %unpack3A_767 : vector<16xf32>
        %add3A_852 = arith.addf %unpack3A_775, %unpack3A_783 : vector<16xf32>
        %add3A_853 = arith.addf %unpack3A_791, %unpack3A_799 : vector<16xf32>
        %add3A_854 = arith.addf %unpack3A_807, %unpack3A_815 : vector<16xf32>
        %add3A_855 = arith.addf %unpack3A_823, %unpack3A_831 : vector<16xf32>
        %add3A_856 = arith.addf %unpack3A_839, %unpack3A_847 : vector<16xf32>
        %add3A_857 = arith.addf %add3A_849, %add3A_850 : vector<16xf32>
        %add3A_858 = arith.addf %add3A_851, %add3A_852 : vector<16xf32>
        %add3A_859 = arith.addf %add3A_853, %add3A_854 : vector<16xf32>
        %add3A_860 = arith.addf %add3A_855, %add3A_856 : vector<16xf32>
        %add3A_861 = arith.addf %add3A_857, %add3A_858 : vector<16xf32>
        %add3A_862 = arith.addf %add3A_859, %add3A_860 : vector<16xf32>
        %add3A_863 = arith.addf %add3A_861, %add3A_862 : vector<16xf32>
        %swap3A_864 = arith.index_cast %scan3A_229 : i32 to index
        %swap3A_865 = arith.constant 96 : index
        %swap3A_866 = tpu.vector_load %arg13[%swap3A_864, %swap3A_865] {strides = array<i32>} : memref<8x256xf32, #tpu.memory_space<vmem>>, vector<16xf32>,
        tpu.vector_store %arg13[%swap3A_864, %swap3A_865], %add3A_863 {strides = array<i32>} : memref<8x256xf32, #tpu.memory_space<vmem>>, vector<16xf32>,
        %add3A_867 = arith.addf %unpack3A_728, %unpack3A_736 : vector<16xf32>
        %add3A_868 = arith.addf %unpack3A_744, %unpack3A_752 : vector<16xf32>
        %add3A_869 = arith.addf %unpack3A_760, %unpack3A_768 : vector<16xf32>
        %add3A_870 = arith.addf %unpack3A_776, %unpack3A_784 : vector<16xf32>
        %add3A_871 = arith.addf %unpack3A_792, %unpack3A_800 : vector<16xf32>
        %add3A_872 = arith.addf %unpack3A_808, %unpack3A_816 : vector<16xf32>
        %add3A_873 = arith.addf %unpack3A_824, %unpack3A_832 : vector<16xf32>
        %add3A_874 = arith.addf %unpack3A_840, %unpack3A_848 : vector<16xf32>
        %add3A_875 = arith.addf %add3A_867, %add3A_868 : vector<16xf32>
        %add3A_876 = arith.addf %add3A_869, %add3A_870 : vector<16xf32>
        %add3A_877 = arith.addf %add3A_871, %add3A_872 : vector<16xf32>
        %add3A_878 = arith.addf %add3A_873, %add3A_874 : vector<16xf32>
        %add3A_879 = arith.addf %add3A_875, %add3A_876 : vector<16xf32>
        %add3A_880 = arith.addf %add3A_877, %add3A_878 : vector<16xf32>
        %add3A_881 = arith.addf %add3A_879, %add3A_880 : vector<16xf32>
        %swap3A_882 = arith.index_cast %scan3A_229 : i32 to index
        %swap3A_883 = arith.constant 112 : index
        %swap3A_884 = tpu.vector_load %arg13[%swap3A_882, %swap3A_883] {strides = array<i32>} : memref<8x256xf32, #tpu.memory_space<vmem>>, vector<16xf32>,
        tpu.vector_store %arg13[%swap3A_882, %swap3A_883], %add3A_881 {strides = array<i32>} : memref<8x256xf32, #tpu.memory_space<vmem>>, vector<16xf32>,
        %add3A_885 = arith.constant 0 : i32
        %add3A_886 = arith.addi %mul3A_232, %add3A_885 : i32
        %get3A_887 = arith.index_cast %add3A_886 : i32 to index
        %get3A_888 = arith.constant 64 : index
        %get3A_889 = tpu.vector_load %arg11[%get3A_887, %get3A_888] {strides = array<i32>} : memref<128x128xi32, #tpu.memory_space<vmem>>, vector<16xi32>,
        %bitcast3A_890 = vector.bitcast %get3A_889 : vector<16xi32> to vector<32xbf16>
        %unpack3A_891 = tpu.unpack_subelements %bitcast3A_890, 0 {pack_format = #tpu.pack_format<interleaved>} : vector<32xbf16> -> vector<16xf32>
        %unpack3A_892 = tpu.unpack_subelements %bitcast3A_890, 1 {pack_format = #tpu.pack_format<interleaved>} : vector<32xbf16> -> vector<16xf32>
        %add3A_893 = arith.constant 1 : i32
        %add3A_894 = arith.addi %mul3A_232, %add3A_893 : i32
        %get3A_895 = arith.index_cast %add3A_894 : i32 to index
        %get3A_896 = arith.constant 64 : index
        %get3A_897 = tpu.vector_load %arg11[%get3A_895, %get3A_896] {strides = array<i32>} : memref<128x128xi32, #tpu.memory_space<vmem>>, vector<16xi32>,
        %bitcast3A_898 = vector.bitcast %get3A_897 : vector<16xi32> to vector<32xbf16>
        %unpack3A_899 = tpu.unpack_subelements %bitcast3A_898, 0 {pack_format = #tpu.pack_format<interleaved>} : vector<32xbf16> -> vector<16xf32>
        %unpack3A_900 = tpu.unpack_subelements %bitcast3A_898, 1 {pack_format = #tpu.pack_format<interleaved>} : vector<32xbf16> -> vector<16xf32>
        %add3A_901 = arith.constant 2 : i32
        %add3A_902 = arith.addi %mul3A_232, %add3A_901 : i32
        %get3A_903 = arith.index_cast %add3A_902 : i32 to index
        %get3A_904 = arith.constant 64 : index
        %get3A_905 = tpu.vector_load %arg11[%get3A_903, %get3A_904] {strides = array<i32>} : memref<128x128xi32, #tpu.memory_space<vmem>>, vector<16xi32>,
        %bitcast3A_906 = vector.bitcast %get3A_905 : vector<16xi32> to vector<32xbf16>
        %unpack3A_907 = tpu.unpack_subelements %bitcast3A_906, 0 {pack_format = #tpu.pack_format<interleaved>} : vector<32xbf16> -> vector<16xf32>
        %unpack3A_908 = tpu.unpack_subelements %bitcast3A_906, 1 {pack_format = #tpu.pack_format<interleaved>} : vector<32xbf16> -> vector<16xf32>
        %add3A_909 = arith.constant 3 : i32
        %add3A_910 = arith.addi %mul3A_232, %add3A_909 : i32
        %get3A_911 = arith.index_cast %add3A_910 : i32 to index
        %get3A_912 = arith.constant 64 : index
        %get3A_913 = tpu.vector_load %arg11[%get3A_911, %get3A_912] {strides = array<i32>} : memref<128x128xi32, #tpu.memory_space<vmem>>, vector<16xi32>,
        %bitcast3A_914 = vector.bitcast %get3A_913 : vector<16xi32> to vector<32xbf16>
        %unpack3A_915 = tpu.unpack_subelements %bitcast3A_914, 0 {pack_format = #tpu.pack_format<interleaved>} : vector<32xbf16> -> vector<16xf32>
        %unpack3A_916 = tpu.unpack_subelements %bitcast3A_914, 1 {pack_format = #tpu.pack_format<interleaved>} : vector<32xbf16> -> vector<16xf32>
        %add3A_917 = arith.constant 4 : i32
        %add3A_918 = arith.addi %mul3A_232, %add3A_917 : i32
        %get3A_919 = arith.index_cast %add3A_918 : i32 to index
        %get3A_920 = arith.constant 64 : index
        %get3A_921 = tpu.vector_load %arg11[%get3A_919, %get3A_920] {strides = array<i32>} : memref<128x128xi32, #tpu.memory_space<vmem>>, vector<16xi32>,
        %bitcast3A_922 = vector.bitcast %get3A_921 : vector<16xi32> to vector<32xbf16>
        %unpack3A_923 = tpu.unpack_subelements %bitcast3A_922, 0 {pack_format = #tpu.pack_format<interleaved>} : vector<32xbf16> -> vector<16xf32>
        %unpack3A_924 = tpu.unpack_subelements %bitcast3A_922, 1 {pack_format = #tpu.pack_format<interleaved>} : vector<32xbf16> -> vector<16xf32>
        %add3A_925 = arith.constant 5 : i32
        %add3A_926 = arith.addi %mul3A_232, %add3A_925 : i32
        %get3A_927 = arith.index_cast %add3A_926 : i32 to index
        %get3A_928 = arith.constant 64 : index
        %get3A_929 = tpu.vector_load %arg11[%get3A_927, %get3A_928] {strides = array<i32>} : memref<128x128xi32, #tpu.memory_space<vmem>>, vector<16xi32>,
        %bitcast3A_930 = vector.bitcast %get3A_929 : vector<16xi32> to vector<32xbf16>
        %unpack3A_931 = tpu.unpack_subelements %bitcast3A_930, 0 {pack_format = #tpu.pack_format<interleaved>} : vector<32xbf16> -> vector<16xf32>
        %unpack3A_932 = tpu.unpack_subelements %bitcast3A_930, 1 {pack_format = #tpu.pack_format<interleaved>} : vector<32xbf16> -> vector<16xf32>
        %add3A_933 = arith.constant 6 : i32
        %add3A_934 = arith.addi %mul3A_232, %add3A_933 : i32
        %get3A_935 = arith.index_cast %add3A_934 : i32 to index
        %get3A_936 = arith.constant 64 : index
        %get3A_937 = tpu.vector_load %arg11[%get3A_935, %get3A_936] {strides = array<i32>} : memref<128x128xi32, #tpu.memory_space<vmem>>, vector<16xi32>,
        %bitcast3A_938 = vector.bitcast %get3A_937 : vector<16xi32> to vector<32xbf16>
        %unpack3A_939 = tpu.unpack_subelements %bitcast3A_938, 0 {pack_format = #tpu.pack_format<interleaved>} : vector<32xbf16> -> vector<16xf32>
        %unpack3A_940 = tpu.unpack_subelements %bitcast3A_938, 1 {pack_format = #tpu.pack_format<interleaved>} : vector<32xbf16> -> vector<16xf32>
        %add3A_941 = arith.constant 7 : i32
        %add3A_942 = arith.addi %mul3A_232, %add3A_941 : i32
        %get3A_943 = arith.index_cast %add3A_942 : i32 to index
        %get3A_944 = arith.constant 64 : index
        %get3A_945 = tpu.vector_load %arg11[%get3A_943, %get3A_944] {strides = array<i32>} : memref<128x128xi32, #tpu.memory_space<vmem>>, vector<16xi32>,
        %bitcast3A_946 = vector.bitcast %get3A_945 : vector<16xi32> to vector<32xbf16>
        %unpack3A_947 = tpu.unpack_subelements %bitcast3A_946, 0 {pack_format = #tpu.pack_format<interleaved>} : vector<32xbf16> -> vector<16xf32>
        %unpack3A_948 = tpu.unpack_subelements %bitcast3A_946, 1 {pack_format = #tpu.pack_format<interleaved>} : vector<32xbf16> -> vector<16xf32>
        %add3A_949 = arith.constant 8 : i32
        %add3A_950 = arith.addi %mul3A_232, %add3A_949 : i32
        %get3A_951 = arith.index_cast %add3A_950 : i32 to index
        %get3A_952 = arith.constant 64 : index
        %get3A_953 = tpu.vector_load %arg11[%get3A_951, %get3A_952] {strides = array<i32>} : memref<128x128xi32, #tpu.memory_space<vmem>>, vector<16xi32>,
        %bitcast3A_954 = vector.bitcast %get3A_953 : vector<16xi32> to vector<32xbf16>
        %unpack3A_955 = tpu.unpack_subelements %bitcast3A_954, 0 {pack_format = #tpu.pack_format<interleaved>} : vector<32xbf16> -> vector<16xf32>
        %unpack3A_956 = tpu.unpack_subelements %bitcast3A_954, 1 {pack_format = #tpu.pack_format<interleaved>} : vector<32xbf16> -> vector<16xf32>
        %add3A_957 = arith.constant 9 : i32
        %add3A_958 = arith.addi %mul3A_232, %add3A_957 : i32
        %get3A_959 = arith.index_cast %add3A_958 : i32 to index
        %get3A_960 = arith.constant 64 : index
        %get3A_961 = tpu.vector_load %arg11[%get3A_959, %get3A_960] {strides = array<i32>} : memref<128x128xi32, #tpu.memory_space<vmem>>, vector<16xi32>,
        %bitcast3A_962 = vector.bitcast %get3A_961 : vector<16xi32> to vector<32xbf16>
        %unpack3A_963 = tpu.unpack_subelements %bitcast3A_962, 0 {pack_format = #tpu.pack_format<interleaved>} : vector<32xbf16> -> vector<16xf32>
        %unpack3A_964 = tpu.unpack_subelements %bitcast3A_962, 1 {pack_format = #tpu.pack_format<interleaved>} : vector<32xbf16> -> vector<16xf32>
        %add3A_965 = arith.constant 10 : i32
        %add3A_966 = arith.addi %mul3A_232, %add3A_965 : i32
        %get3A_967 = arith.index_cast %add3A_966 : i32 to index
        %get3A_968 = arith.constant 64 : index
        %get3A_969 = tpu.vector_load %arg11[%get3A_967, %get3A_968] {strides = array<i32>} : memref<128x128xi32, #tpu.memory_space<vmem>>, vector<16xi32>,
        %bitcast3A_970 = vector.bitcast %get3A_969 : vector<16xi32> to vector<32xbf16>
        %unpack3A_971 = tpu.unpack_subelements %bitcast3A_970, 0 {pack_format = #tpu.pack_format<interleaved>} : vector<32xbf16> -> vector<16xf32>
        %unpack3A_972 = tpu.unpack_subelements %bitcast3A_970, 1 {pack_format = #tpu.pack_format<interleaved>} : vector<32xbf16> -> vector<16xf32>
        %add3A_973 = arith.constant 11 : i32
        %add3A_974 = arith.addi %mul3A_232, %add3A_973 : i32
        %get3A_975 = arith.index_cast %add3A_974 : i32 to index
        %get3A_976 = arith.constant 64 : index
        %get3A_977 = tpu.vector_load %arg11[%get3A_975, %get3A_976] {strides = array<i32>} : memref<128x128xi32, #tpu.memory_space<vmem>>, vector<16xi32>,
        %bitcast3A_978 = vector.bitcast %get3A_977 : vector<16xi32> to vector<32xbf16>
        %unpack3A_979 = tpu.unpack_subelements %bitcast3A_978, 0 {pack_format = #tpu.pack_format<interleaved>} : vector<32xbf16> -> vector<16xf32>
        %unpack3A_980 = tpu.unpack_subelements %bitcast3A_978, 1 {pack_format = #tpu.pack_format<interleaved>} : vector<32xbf16> -> vector<16xf32>
        %add3A_981 = arith.constant 12 : i32
        %add3A_982 = arith.addi %mul3A_232, %add3A_981 : i32
        %get3A_983 = arith.index_cast %add3A_982 : i32 to index
        %get3A_984 = arith.constant 64 : index
        %get3A_985 = tpu.vector_load %arg11[%get3A_983, %get3A_984] {strides = array<i32>} : memref<128x128xi32, #tpu.memory_space<vmem>>, vector<16xi32>,
        %bitcast3A_986 = vector.bitcast %get3A_985 : vector<16xi32> to vector<32xbf16>
        %unpack3A_987 = tpu.unpack_subelements %bitcast3A_986, 0 {pack_format = #tpu.pack_format<interleaved>} : vector<32xbf16> -> vector<16xf32>
        %unpack3A_988 = tpu.unpack_subelements %bitcast3A_986, 1 {pack_format = #tpu.pack_format<interleaved>} : vector<32xbf16> -> vector<16xf32>
        %add3A_989 = arith.constant 13 : i32
        %add3A_990 = arith.addi %mul3A_232, %add3A_989 : i32
        %get3A_991 = arith.index_cast %add3A_990 : i32 to index
        %get3A_992 = arith.constant 64 : index
        %get3A_993 = tpu.vector_load %arg11[%get3A_991, %get3A_992] {strides = array<i32>} : memref<128x128xi32, #tpu.memory_space<vmem>>, vector<16xi32>,
        %bitcast3A_994 = vector.bitcast %get3A_993 : vector<16xi32> to vector<32xbf16>
        %unpack3A_995 = tpu.unpack_subelements %bitcast3A_994, 0 {pack_format = #tpu.pack_format<interleaved>} : vector<32xbf16> -> vector<16xf32>
        %unpack3A_996 = tpu.unpack_subelements %bitcast3A_994, 1 {pack_format = #tpu.pack_format<interleaved>} : vector<32xbf16> -> vector<16xf32>
        %add3A_997 = arith.constant 14 : i32
        %add3A_998 = arith.addi %mul3A_232, %add3A_997 : i32
        %get3A_999 = arith.index_cast %add3A_998 : i32 to index
        %get3A_1000 = arith.constant 64 : index
        %get3A_1001 = tpu.vector_load %arg11[%get3A_999, %get3A_1000] {strides = array<i32>} : memref<128x128xi32, #tpu.memory_space<vmem>>, vector<16xi32>,
        %bitcast3A_1002 = vector.bitcast %get3A_1001 : vector<16xi32> to vector<32xbf16>
        %unpack3A_1003 = tpu.unpack_subelements %bitcast3A_1002, 0 {pack_format = #tpu.pack_format<interleaved>} : vector<32xbf16> -> vector<16xf32>
        %unpack3A_1004 = tpu.unpack_subelements %bitcast3A_1002, 1 {pack_format = #tpu.pack_format<interleaved>} : vector<32xbf16> -> vector<16xf32>
        %add3A_1005 = arith.constant 15 : i32
        %add3A_1006 = arith.addi %mul3A_232, %add3A_1005 : i32
        %get3A_1007 = arith.index_cast %add3A_1006 : i32 to index
        %get3A_1008 = arith.constant 64 : index
        %get3A_1009 = tpu.vector_load %arg11[%get3A_1007, %get3A_1008] {strides = array<i32>} : memref<128x128xi32, #tpu.memory_space<vmem>>, vector<16xi32>,
        %bitcast3A_1010 = vector.bitcast %get3A_1009 : vector<16xi32> to vector<32xbf16>
        %unpack3A_1011 = tpu.unpack_subelements %bitcast3A_1010, 0 {pack_format = #tpu.pack_format<interleaved>} : vector<32xbf16> -> vector<16xf32>
        %unpack3A_1012 = tpu.unpack_subelements %bitcast3A_1010, 1 {pack_format = #tpu.pack_format<interleaved>} : vector<32xbf16> -> vector<16xf32>
        %add3A_1013 = arith.addf %unpack3A_891, %unpack3A_899 : vector<16xf32>
        %add3A_1014 = arith.addf %unpack3A_907, %unpack3A_915 : vector<16xf32>
        %add3A_1015 = arith.addf %unpack3A_923, %unpack3A_931 : vector<16xf32>
        %add3A_1016 = arith.addf %unpack3A_939, %unpack3A_947 : vector<16xf32>
        %add3A_1017 = arith.addf %unpack3A_955, %unpack3A_963 : vector<16xf32>
        %add3A_1018 = arith.addf %unpack3A_971, %unpack3A_979 : vector<16xf32>
        %add3A_1019 = arith.addf %unpack3A_987, %unpack3A_995 : vector<16xf32>
        %add3A_1020 = arith.addf %unpack3A_1003, %unpack3A_1011 : vector<16xf32>
        %add3A_1021 = arith.addf %add3A_1013, %add3A_1014 : vector<16xf32>
        %add3A_1022 = arith.addf %add3A_1015, %add3A_1016 : vector<16xf32>
        %add3A_1023 = arith.addf %add3A_1017, %add3A_1018 : vector<16xf32>
        %add3A_1024 = arith.addf %add3A_1019, %add3A_1020 : vector<16xf32>
        %add3A_1025 = arith.addf %add3A_1021, %add3A_1022 : vector<16xf32>
        %add3A_1026 = arith.addf %add3A_1023, %add3A_1024 : vector<16xf32>
        %add3A_1027 = arith.addf %add3A_1025, %add3A_1026 : vector<16xf32>
        %swap3A_1028 = arith.index_cast %scan3A_229 : i32 to index
        %swap3A_1029 = arith.constant 128 : index
        %swap3A_1030 = tpu.vector_load %arg13[%swap3A_1028, %swap3A_1029] {strides = array<i32>} : memref<8x256xf32, #tpu.memory_space<vmem>>, vector<16xf32>,
        tpu.vector_store %arg13[%swap3A_1028, %swap3A_1029], %add3A_1027 {strides = array<i32>} : memref<8x256xf32, #tpu.memory_space<vmem>>, vector<16xf32>,
        %add3A_1031 = arith.addf %unpack3A_892, %unpack3A_900 : vector<16xf32>
        %add3A_1032 = arith.addf %unpack3A_908, %unpack3A_916 : vector<16xf32>
        %add3A_1033 = arith.addf %unpack3A_924, %unpack3A_932 : vector<16xf32>
        %add3A_1034 = arith.addf %unpack3A_940, %unpack3A_948 : vector<16xf32>
        %add3A_1035 = arith.addf %unpack3A_956, %unpack3A_964 : vector<16xf32>
        %add3A_1036 = arith.addf %unpack3A_972, %unpack3A_980 : vector<16xf32>
        %add3A_1037 = arith.addf %unpack3A_988, %unpack3A_996 : vector<16xf32>
        %add3A_1038 = arith.addf %unpack3A_1004, %unpack3A_1012 : vector<16xf32>
        %add3A_1039 = arith.addf %add3A_1031, %add3A_1032 : vector<16xf32>
        %add3A_1040 = arith.addf %add3A_1033, %add3A_1034 : vector<16xf32>
        %add3A_1041 = arith.addf %add3A_1035, %add3A_1036 : vector<16xf32>
        %add3A_1042 = arith.addf %add3A_1037, %add3A_1038 : vector<16xf32>
        %add3A_1043 = arith.addf %add3A_1039, %add3A_1040 : vector<16xf32>
        %add3A_1044 = arith.addf %add3A_1041, %add3A_1042 : vector<16xf32>
        %add3A_1045 = arith.addf %add3A_1043, %add3A_1044 : vector<16xf32>
        %swap3A_1046 = arith.index_cast %scan3A_229 : i32 to index
        %swap3A_1047 = arith.constant 144 : index
        %swap3A_1048 = tpu.vector_load %arg13[%swap3A_1046, %swap3A_1047] {strides = array<i32>} : memref<8x256xf32, #tpu.memory_space<vmem>>, vector<16xf32>,
        tpu.vector_store %arg13[%swap3A_1046, %swap3A_1047], %add3A_1045 {strides = array<i32>} : memref<8x256xf32, #tpu.memory_space<vmem>>, vector<16xf32>,
        %add3A_1049 = arith.constant 0 : i32
        %add3A_1050 = arith.addi %mul3A_232, %add3A_1049 : i32
        %get3A_1051 = arith.index_cast %add3A_1050 : i32 to index
        %get3A_1052 = arith.constant 80 : index
        %get3A_1053 = tpu.vector_load %arg11[%get3A_1051, %get3A_1052] {strides = array<i32>} : memref<128x128xi32, #tpu.memory_space<vmem>>, vector<16xi32>,
        %bitcast3A_1054 = vector.bitcast %get3A_1053 : vector<16xi32> to vector<32xbf16>
        %unpack3A_1055 = tpu.unpack_subelements %bitcast3A_1054, 0 {pack_format = #tpu.pack_format<interleaved>} : vector<32xbf16> -> vector<16xf32>
        %unpack3A_1056 = tpu.unpack_subelements %bitcast3A_1054, 1 {pack_format = #tpu.pack_format<interleaved>} : vector<32xbf16> -> vector<16xf32>
        %add3A_1057 = arith.constant 1 : i32
        %add3A_1058 = arith.addi %mul3A_232, %add3A_1057 : i32
        %get3A_1059 = arith.index_cast %add3A_1058 : i32 to index
        %get3A_1060 = arith.constant 80 : index
        %get3A_1061 = tpu.vector_load %arg11[%get3A_1059, %get3A_1060] {strides = array<i32>} : memref<128x128xi32, #tpu.memory_space<vmem>>, vector<16xi32>,
        %bitcast3A_1062 = vector.bitcast %get3A_1061 : vector<16xi32> to vector<32xbf16>
        %unpack3A_1063 = tpu.unpack_subelements %bitcast3A_1062, 0 {pack_format = #tpu.pack_format<interleaved>} : vector<32xbf16> -> vector<16xf32>
        %unpack3A_1064 = tpu.unpack_subelements %bitcast3A_1062, 1 {pack_format = #tpu.pack_format<interleaved>} : vector<32xbf16> -> vector<16xf32>
        %add3A_1065 = arith.constant 2 : i32
        %add3A_1066 = arith.addi %mul3A_232, %add3A_1065 : i32
        %get3A_1067 = arith.index_cast %add3A_1066 : i32 to index
        %get3A_1068 = arith.constant 80 : index
        %get3A_1069 = tpu.vector_load %arg11[%get3A_1067, %get3A_1068] {strides = array<i32>} : memref<128x128xi32, #tpu.memory_space<vmem>>, vector<16xi32>,
        %bitcast3A_1070 = vector.bitcast %get3A_1069 : vector<16xi32> to vector<32xbf16>
        %unpack3A_1071 = tpu.unpack_subelements %bitcast3A_1070, 0 {pack_format = #tpu.pack_format<interleaved>} : vector<32xbf16> -> vector<16xf32>
        %unpack3A_1072 = tpu.unpack_subelements %bitcast3A_1070, 1 {pack_format = #tpu.pack_format<interleaved>} : vector<32xbf16> -> vector<16xf32>
        %add3A_1073 = arith.constant 3 : i32
        %add3A_1074 = arith.addi %mul3A_232, %add3A_1073 : i32
        %get3A_1075 = arith.index_cast %add3A_1074 : i32 to index
        %get3A_1076 = arith.constant 80 : index
        %get3A_1077 = tpu.vector_load %arg11[%get3A_1075, %get3A_1076] {strides = array<i32>} : memref<128x128xi32, #tpu.memory_space<vmem>>, vector<16xi32>,
        %bitcast3A_1078 = vector.bitcast %get3A_1077 : vector<16xi32> to vector<32xbf16>
        %unpack3A_1079 = tpu.unpack_subelements %bitcast3A_1078, 0 {pack_format = #tpu.pack_format<interleaved>} : vector<32xbf16> -> vector<16xf32>
        %unpack3A_1080 = tpu.unpack_subelements %bitcast3A_1078, 1 {pack_format = #tpu.pack_format<interleaved>} : vector<32xbf16> -> vector<16xf32>
        %add3A_1081 = arith.constant 4 : i32
        %add3A_1082 = arith.addi %mul3A_232, %add3A_1081 : i32
        %get3A_1083 = arith.index_cast %add3A_1082 : i32 to index
        %get3A_1084 = arith.constant 80 : index
        %get3A_1085 = tpu.vector_load %arg11[%get3A_1083, %get3A_1084] {strides = array<i32>} : memref<128x128xi32, #tpu.memory_space<vmem>>, vector<16xi32>,
        %bitcast3A_1086 = vector.bitcast %get3A_1085 : vector<16xi32> to vector<32xbf16>
        %unpack3A_1087 = tpu.unpack_subelements %bitcast3A_1086, 0 {pack_format = #tpu.pack_format<interleaved>} : vector<32xbf16> -> vector<16xf32>
        %unpack3A_1088 = tpu.unpack_subelements %bitcast3A_1086, 1 {pack_format = #tpu.pack_format<interleaved>} : vector<32xbf16> -> vector<16xf32>
        %add3A_1089 = arith.constant 5 : i32
        %add3A_1090 = arith.addi %mul3A_232, %add3A_1089 : i32
        %get3A_1091 = arith.index_cast %add3A_1090 : i32 to index
        %get3A_1092 = arith.constant 80 : index
        %get3A_1093 = tpu.vector_load %arg11[%get3A_1091, %get3A_1092] {strides = array<i32>} : memref<128x128xi32, #tpu.memory_space<vmem>>, vector<16xi32>,
        %bitcast3A_1094 = vector.bitcast %get3A_1093 : vector<16xi32> to vector<32xbf16>
        %unpack3A_1095 = tpu.unpack_subelements %bitcast3A_1094, 0 {pack_format = #tpu.pack_format<interleaved>} : vector<32xbf16> -> vector<16xf32>
        %unpack3A_1096 = tpu.unpack_subelements %bitcast3A_1094, 1 {pack_format = #tpu.pack_format<interleaved>} : vector<32xbf16> -> vector<16xf32>
        %add3A_1097 = arith.constant 6 : i32
        %add3A_1098 = arith.addi %mul3A_232, %add3A_1097 : i32
        %get3A_1099 = arith.index_cast %add3A_1098 : i32 to index
        %get3A_1100 = arith.constant 80 : index
        %get3A_1101 = tpu.vector_load %arg11[%get3A_1099, %get3A_1100] {strides = array<i32>} : memref<128x128xi32, #tpu.memory_space<vmem>>, vector<16xi32>,
        %bitcast3A_1102 = vector.bitcast %get3A_1101 : vector<16xi32> to vector<32xbf16>
        %unpack3A_1103 = tpu.unpack_subelements %bitcast3A_1102, 0 {pack_format = #tpu.pack_format<interleaved>} : vector<32xbf16> -> vector<16xf32>
        %unpack3A_1104 = tpu.unpack_subelements %bitcast3A_1102, 1 {pack_format = #tpu.pack_format<interleaved>} : vector<32xbf16> -> vector<16xf32>
        %add3A_1105 = arith.constant 7 : i32
        %add3A_1106 = arith.addi %mul3A_232, %add3A_1105 : i32
        %get3A_1107 = arith.index_cast %add3A_1106 : i32 to index
        %get3A_1108 = arith.constant 80 : index
        %get3A_1109 = tpu.vector_load %arg11[%get3A_1107, %get3A_1108] {strides = array<i32>} : memref<128x128xi32, #tpu.memory_space<vmem>>, vector<16xi32>,
        %bitcast3A_1110 = vector.bitcast %get3A_1109 : vector<16xi32> to vector<32xbf16>
        %unpack3A_1111 = tpu.unpack_subelements %bitcast3A_1110, 0 {pack_format = #tpu.pack_format<interleaved>} : vector<32xbf16> -> vector<16xf32>
        %unpack3A_1112 = tpu.unpack_subelements %bitcast3A_1110, 1 {pack_format = #tpu.pack_format<interleaved>} : vector<32xbf16> -> vector<16xf32>
        %add3A_1113 = arith.constant 8 : i32
        %add3A_1114 = arith.addi %mul3A_232, %add3A_1113 : i32
        %get3A_1115 = arith.index_cast %add3A_1114 : i32 to index
        %get3A_1116 = arith.constant 80 : index
        %get3A_1117 = tpu.vector_load %arg11[%get3A_1115, %get3A_1116] {strides = array<i32>} : memref<128x128xi32, #tpu.memory_space<vmem>>, vector<16xi32>,
        %bitcast3A_1118 = vector.bitcast %get3A_1117 : vector<16xi32> to vector<32xbf16>
        %unpack3A_1119 = tpu.unpack_subelements %bitcast3A_1118, 0 {pack_format = #tpu.pack_format<interleaved>} : vector<32xbf16> -> vector<16xf32>
        %unpack3A_1120 = tpu.unpack_subelements %bitcast3A_1118, 1 {pack_format = #tpu.pack_format<interleaved>} : vector<32xbf16> -> vector<16xf32>
        %add3A_1121 = arith.constant 9 : i32
        %add3A_1122 = arith.addi %mul3A_232, %add3A_1121 : i32
        %get3A_1123 = arith.index_cast %add3A_1122 : i32 to index
        %get3A_1124 = arith.constant 80 : index
        %get3A_1125 = tpu.vector_load %arg11[%get3A_1123, %get3A_1124] {strides = array<i32>} : memref<128x128xi32, #tpu.memory_space<vmem>>, vector<16xi32>,
        %bitcast3A_1126 = vector.bitcast %get3A_1125 : vector<16xi32> to vector<32xbf16>
        %unpack3A_1127 = tpu.unpack_subelements %bitcast3A_1126, 0 {pack_format = #tpu.pack_format<interleaved>} : vector<32xbf16> -> vector<16xf32>
        %unpack3A_1128 = tpu.unpack_subelements %bitcast3A_1126, 1 {pack_format = #tpu.pack_format<interleaved>} : vector<32xbf16> -> vector<16xf32>
        %add3A_1129 = arith.constant 10 : i32
        %add3A_1130 = arith.addi %mul3A_232, %add3A_1129 : i32
        %get3A_1131 = arith.index_cast %add3A_1130 : i32 to index
        %get3A_1132 = arith.constant 80 : index
        %get3A_1133 = tpu.vector_load %arg11[%get3A_1131, %get3A_1132] {strides = array<i32>} : memref<128x128xi32, #tpu.memory_space<vmem>>, vector<16xi32>,
        %bitcast3A_1134 = vector.bitcast %get3A_1133 : vector<16xi32> to vector<32xbf16>
        %unpack3A_1135 = tpu.unpack_subelements %bitcast3A_1134, 0 {pack_format = #tpu.pack_format<interleaved>} : vector<32xbf16> -> vector<16xf32>
        %unpack3A_1136 = tpu.unpack_subelements %bitcast3A_1134, 1 {pack_format = #tpu.pack_format<interleaved>} : vector<32xbf16> -> vector<16xf32>
        %add3A_1137 = arith.constant 11 : i32
        %add3A_1138 = arith.addi %mul3A_232, %add3A_1137 : i32
        %get3A_1139 = arith.index_cast %add3A_1138 : i32 to index
        %get3A_1140 = arith.constant 80 : index
        %get3A_1141 = tpu.vector_load %arg11[%get3A_1139, %get3A_1140] {strides = array<i32>} : memref<128x128xi32, #tpu.memory_space<vmem>>, vector<16xi32>,
        %bitcast3A_1142 = vector.bitcast %get3A_1141 : vector<16xi32> to vector<32xbf16>
        %unpack3A_1143 = tpu.unpack_subelements %bitcast3A_1142, 0 {pack_format = #tpu.pack_format<interleaved>} : vector<32xbf16> -> vector<16xf32>
        %unpack3A_1144 = tpu.unpack_subelements %bitcast3A_1142, 1 {pack_format = #tpu.pack_format<interleaved>} : vector<32xbf16> -> vector<16xf32>
        %add3A_1145 = arith.constant 12 : i32
        %add3A_1146 = arith.addi %mul3A_232, %add3A_1145 : i32
        %get3A_1147 = arith.index_cast %add3A_1146 : i32 to index
        %get3A_1148 = arith.constant 80 : index
        %get3A_1149 = tpu.vector_load %arg11[%get3A_1147, %get3A_1148] {strides = array<i32>} : memref<128x128xi32, #tpu.memory_space<vmem>>, vector<16xi32>,
        %bitcast3A_1150 = vector.bitcast %get3A_1149 : vector<16xi32> to vector<32xbf16>
        %unpack3A_1151 = tpu.unpack_subelements %bitcast3A_1150, 0 {pack_format = #tpu.pack_format<interleaved>} : vector<32xbf16> -> vector<16xf32>
        %unpack3A_1152 = tpu.unpack_subelements %bitcast3A_1150, 1 {pack_format = #tpu.pack_format<interleaved>} : vector<32xbf16> -> vector<16xf32>
        %add3A_1153 = arith.constant 13 : i32
        %add3A_1154 = arith.addi %mul3A_232, %add3A_1153 : i32
        %get3A_1155 = arith.index_cast %add3A_1154 : i32 to index
        %get3A_1156 = arith.constant 80 : index
        %get3A_1157 = tpu.vector_load %arg11[%get3A_1155, %get3A_1156] {strides = array<i32>} : memref<128x128xi32, #tpu.memory_space<vmem>>, vector<16xi32>,
        %bitcast3A_1158 = vector.bitcast %get3A_1157 : vector<16xi32> to vector<32xbf16>
        %unpack3A_1159 = tpu.unpack_subelements %bitcast3A_1158, 0 {pack_format = #tpu.pack_format<interleaved>} : vector<32xbf16> -> vector<16xf32>
        %unpack3A_1160 = tpu.unpack_subelements %bitcast3A_1158, 1 {pack_format = #tpu.pack_format<interleaved>} : vector<32xbf16> -> vector<16xf32>
        %add3A_1161 = arith.constant 14 : i32
        %add3A_1162 = arith.addi %mul3A_232, %add3A_1161 : i32
        %get3A_1163 = arith.index_cast %add3A_1162 : i32 to index
        %get3A_1164 = arith.constant 80 : index
        %get3A_1165 = tpu.vector_load %arg11[%get3A_1163, %get3A_1164] {strides = array<i32>} : memref<128x128xi32, #tpu.memory_space<vmem>>, vector<16xi32>,
        %bitcast3A_1166 = vector.bitcast %get3A_1165 : vector<16xi32> to vector<32xbf16>
        %unpack3A_1167 = tpu.unpack_subelements %bitcast3A_1166, 0 {pack_format = #tpu.pack_format<interleaved>} : vector<32xbf16> -> vector<16xf32>
        %unpack3A_1168 = tpu.unpack_subelements %bitcast3A_1166, 1 {pack_format = #tpu.pack_format<interleaved>} : vector<32xbf16> -> vector<16xf32>
        %add3A_1169 = arith.constant 15 : i32
        %add3A_1170 = arith.addi %mul3A_232, %add3A_1169 : i32
        %get3A_1171 = arith.index_cast %add3A_1170 : i32 to index
        %get3A_1172 = arith.constant 80 : index
        %get3A_1173 = tpu.vector_load %arg11[%get3A_1171, %get3A_1172] {strides = array<i32>} : memref<128x128xi32, #tpu.memory_space<vmem>>, vector<16xi32>,
        %bitcast3A_1174 = vector.bitcast %get3A_1173 : vector<16xi32> to vector<32xbf16>
        %unpack3A_1175 = tpu.unpack_subelements %bitcast3A_1174, 0 {pack_format = #tpu.pack_format<interleaved>} : vector<32xbf16> -> vector<16xf32>
        %unpack3A_1176 = tpu.unpack_subelements %bitcast3A_1174, 1 {pack_format = #tpu.pack_format<interleaved>} : vector<32xbf16> -> vector<16xf32>
        %add3A_1177 = arith.addf %unpack3A_1055, %unpack3A_1063 : vector<16xf32>
        %add3A_1178 = arith.addf %unpack3A_1071, %unpack3A_1079 : vector<16xf32>
        %add3A_1179 = arith.addf %unpack3A_1087, %unpack3A_1095 : vector<16xf32>
        %add3A_1180 = arith.addf %unpack3A_1103, %unpack3A_1111 : vector<16xf32>
        %add3A_1181 = arith.addf %unpack3A_1119, %unpack3A_1127 : vector<16xf32>
        %add3A_1182 = arith.addf %unpack3A_1135, %unpack3A_1143 : vector<16xf32>
        %add3A_1183 = arith.addf %unpack3A_1151, %unpack3A_1159 : vector<16xf32>
        %add3A_1184 = arith.addf %unpack3A_1167, %unpack3A_1175 : vector<16xf32>
        %add3A_1185 = arith.addf %add3A_1177, %add3A_1178 : vector<16xf32>
        %add3A_1186 = arith.addf %add3A_1179, %add3A_1180 : vector<16xf32>
        %add3A_1187 = arith.addf %add3A_1181, %add3A_1182 : vector<16xf32>
        %add3A_1188 = arith.addf %add3A_1183, %add3A_1184 : vector<16xf32>
        %add3A_1189 = arith.addf %add3A_1185, %add3A_1186 : vector<16xf32>
        %add3A_1190 = arith.addf %add3A_1187, %add3A_1188 : vector<16xf32>
        %add3A_1191 = arith.addf %add3A_1189, %add3A_1190 : vector<16xf32>
        %swap3A_1192 = arith.index_cast %scan3A_229 : i32 to index
        %swap3A_1193 = arith.constant 160 : index
        %swap3A_1194 = tpu.vector_load %arg13[%swap3A_1192, %swap3A_1193] {strides = array<i32>} : memref<8x256xf32, #tpu.memory_space<vmem>>, vector<16xf32>,
        tpu.vector_store %arg13[%swap3A_1192, %swap3A_1193], %add3A_1191 {strides = array<i32>} : memref<8x256xf32, #tpu.memory_space<vmem>>, vector<16xf32>,
        %add3A_1195 = arith.addf %unpack3A_1056, %unpack3A_1064 : vector<16xf32>
        %add3A_1196 = arith.addf %unpack3A_1072, %unpack3A_1080 : vector<16xf32>
        %add3A_1197 = arith.addf %unpack3A_1088, %unpack3A_1096 : vector<16xf32>
        %add3A_1198 = arith.addf %unpack3A_1104, %unpack3A_1112 : vector<16xf32>
        %add3A_1199 = arith.addf %unpack3A_1120, %unpack3A_1128 : vector<16xf32>
        %add3A_1200 = arith.addf %unpack3A_1136, %unpack3A_1144 : vector<16xf32>
        %add3A_1201 = arith.addf %unpack3A_1152, %unpack3A_1160 : vector<16xf32>
        %add3A_1202 = arith.addf %unpack3A_1168, %unpack3A_1176 : vector<16xf32>
        %add3A_1203 = arith.addf %add3A_1195, %add3A_1196 : vector<16xf32>
        %add3A_1204 = arith.addf %add3A_1197, %add3A_1198 : vector<16xf32>
        %add3A_1205 = arith.addf %add3A_1199, %add3A_1200 : vector<16xf32>
        %add3A_1206 = arith.addf %add3A_1201, %add3A_1202 : vector<16xf32>
        %add3A_1207 = arith.addf %add3A_1203, %add3A_1204 : vector<16xf32>
        %add3A_1208 = arith.addf %add3A_1205, %add3A_1206 : vector<16xf32>
        %add3A_1209 = arith.addf %add3A_1207, %add3A_1208 : vector<16xf32>
        %swap3A_1210 = arith.index_cast %scan3A_229 : i32 to index
        %swap3A_1211 = arith.constant 176 : index
        %swap3A_1212 = tpu.vector_load %arg13[%swap3A_1210, %swap3A_1211] {strides = array<i32>} : memref<8x256xf32, #tpu.memory_space<vmem>>, vector<16xf32>,
        tpu.vector_store %arg13[%swap3A_1210, %swap3A_1211], %add3A_1209 {strides = array<i32>} : memref<8x256xf32, #tpu.memory_space<vmem>>, vector<16xf32>,
        %add3A_1213 = arith.constant 0 : i32
        %add3A_1214 = arith.addi %mul3A_232, %add3A_1213 : i32
        %get3A_1215 = arith.index_cast %add3A_1214 : i32 to index
        %get3A_1216 = arith.constant 96 : index
        %get3A_1217 = tpu.vector_load %arg11[%get3A_1215, %get3A_1216] {strides = array<i32>} : memref<128x128xi32, #tpu.memory_space<vmem>>, vector<16xi32>,
        %bitcast3A_1218 = vector.bitcast %get3A_1217 : vector<16xi32> to vector<32xbf16>
        %unpack3A_1219 = tpu.unpack_subelements %bitcast3A_1218, 0 {pack_format = #tpu.pack_format<interleaved>} : vector<32xbf16> -> vector<16xf32>
        %unpack3A_1220 = tpu.unpack_subelements %bitcast3A_1218, 1 {pack_format = #tpu.pack_format<interleaved>} : vector<32xbf16> -> vector<16xf32>
        %add3A_1221 = arith.constant 1 : i32
        %add3A_1222 = arith.addi %mul3A_232, %add3A_1221 : i32
        %get3A_1223 = arith.index_cast %add3A_1222 : i32 to index
        %get3A_1224 = arith.constant 96 : index
        %get3A_1225 = tpu.vector_load %arg11[%get3A_1223, %get3A_1224] {strides = array<i32>} : memref<128x128xi32, #tpu.memory_space<vmem>>, vector<16xi32>,
        %bitcast3A_1226 = vector.bitcast %get3A_1225 : vector<16xi32> to vector<32xbf16>
        %unpack3A_1227 = tpu.unpack_subelements %bitcast3A_1226, 0 {pack_format = #tpu.pack_format<interleaved>} : vector<32xbf16> -> vector<16xf32>
        %unpack3A_1228 = tpu.unpack_subelements %bitcast3A_1226, 1 {pack_format = #tpu.pack_format<interleaved>} : vector<32xbf16> -> vector<16xf32>
        %add3A_1229 = arith.constant 2 : i32
        %add3A_1230 = arith.addi %mul3A_232, %add3A_1229 : i32
        %get3A_1231 = arith.index_cast %add3A_1230 : i32 to index
        %get3A_1232 = arith.constant 96 : index
        %get3A_1233 = tpu.vector_load %arg11[%get3A_1231, %get3A_1232] {strides = array<i32>} : memref<128x128xi32, #tpu.memory_space<vmem>>, vector<16xi32>,
        %bitcast3A_1234 = vector.bitcast %get3A_1233 : vector<16xi32> to vector<32xbf16>
        %unpack3A_1235 = tpu.unpack_subelements %bitcast3A_1234, 0 {pack_format = #tpu.pack_format<interleaved>} : vector<32xbf16> -> vector<16xf32>
        %unpack3A_1236 = tpu.unpack_subelements %bitcast3A_1234, 1 {pack_format = #tpu.pack_format<interleaved>} : vector<32xbf16> -> vector<16xf32>
        %add3A_1237 = arith.constant 3 : i32
        %add3A_1238 = arith.addi %mul3A_232, %add3A_1237 : i32
        %get3A_1239 = arith.index_cast %add3A_1238 : i32 to index
        %get3A_1240 = arith.constant 96 : index
        %get3A_1241 = tpu.vector_load %arg11[%get3A_1239, %get3A_1240] {strides = array<i32>} : memref<128x128xi32, #tpu.memory_space<vmem>>, vector<16xi32>,
        %bitcast3A_1242 = vector.bitcast %get3A_1241 : vector<16xi32> to vector<32xbf16>
        %unpack3A_1243 = tpu.unpack_subelements %bitcast3A_1242, 0 {pack_format = #tpu.pack_format<interleaved>} : vector<32xbf16> -> vector<16xf32>
        %unpack3A_1244 = tpu.unpack_subelements %bitcast3A_1242, 1 {pack_format = #tpu.pack_format<interleaved>} : vector<32xbf16> -> vector<16xf32>
        %add3A_1245 = arith.constant 4 : i32
        %add3A_1246 = arith.addi %mul3A_232, %add3A_1245 : i32
        %get3A_1247 = arith.index_cast %add3A_1246 : i32 to index
        %get3A_1248 = arith.constant 96 : index
        %get3A_1249 = tpu.vector_load %arg11[%get3A_1247, %get3A_1248] {strides = array<i32>} : memref<128x128xi32, #tpu.memory_space<vmem>>, vector<16xi32>,
        %bitcast3A_1250 = vector.bitcast %get3A_1249 : vector<16xi32> to vector<32xbf16>
        %unpack3A_1251 = tpu.unpack_subelements %bitcast3A_1250, 0 {pack_format = #tpu.pack_format<interleaved>} : vector<32xbf16> -> vector<16xf32>
        %unpack3A_1252 = tpu.unpack_subelements %bitcast3A_1250, 1 {pack_format = #tpu.pack_format<interleaved>} : vector<32xbf16> -> vector<16xf32>
        %add3A_1253 = arith.constant 5 : i32
        %add3A_1254 = arith.addi %mul3A_232, %add3A_1253 : i32
        %get3A_1255 = arith.index_cast %add3A_1254 : i32 to index
        %get3A_1256 = arith.constant 96 : index
        %get3A_1257 = tpu.vector_load %arg11[%get3A_1255, %get3A_1256] {strides = array<i32>} : memref<128x128xi32, #tpu.memory_space<vmem>>, vector<16xi32>,
        %bitcast3A_1258 = vector.bitcast %get3A_1257 : vector<16xi32> to vector<32xbf16>
        %unpack3A_1259 = tpu.unpack_subelements %bitcast3A_1258, 0 {pack_format = #tpu.pack_format<interleaved>} : vector<32xbf16> -> vector<16xf32>
        %unpack3A_1260 = tpu.unpack_subelements %bitcast3A_1258, 1 {pack_format = #tpu.pack_format<interleaved>} : vector<32xbf16> -> vector<16xf32>
        %add3A_1261 = arith.constant 6 : i32
        %add3A_1262 = arith.addi %mul3A_232, %add3A_1261 : i32
        %get3A_1263 = arith.index_cast %add3A_1262 : i32 to index
        %get3A_1264 = arith.constant 96 : index
        %get3A_1265 = tpu.vector_load %arg11[%get3A_1263, %get3A_1264] {strides = array<i32>} : memref<128x128xi32, #tpu.memory_space<vmem>>, vector<16xi32>,
        %bitcast3A_1266 = vector.bitcast %get3A_1265 : vector<16xi32> to vector<32xbf16>
        %unpack3A_1267 = tpu.unpack_subelements %bitcast3A_1266, 0 {pack_format = #tpu.pack_format<interleaved>} : vector<32xbf16> -> vector<16xf32>
        %unpack3A_1268 = tpu.unpack_subelements %bitcast3A_1266, 1 {pack_format = #tpu.pack_format<interleaved>} : vector<32xbf16> -> vector<16xf32>
        %add3A_1269 = arith.constant 7 : i32
        %add3A_1270 = arith.addi %mul3A_232, %add3A_1269 : i32
        %get3A_1271 = arith.index_cast %add3A_1270 : i32 to index
        %get3A_1272 = arith.constant 96 : index
        %get3A_1273 = tpu.vector_load %arg11[%get3A_1271, %get3A_1272] {strides = array<i32>} : memref<128x128xi32, #tpu.memory_space<vmem>>, vector<16xi32>,
        %bitcast3A_1274 = vector.bitcast %get3A_1273 : vector<16xi32> to vector<32xbf16>
        %unpack3A_1275 = tpu.unpack_subelements %bitcast3A_1274, 0 {pack_format = #tpu.pack_format<interleaved>} : vector<32xbf16> -> vector<16xf32>
        %unpack3A_1276 = tpu.unpack_subelements %bitcast3A_1274, 1 {pack_format = #tpu.pack_format<interleaved>} : vector<32xbf16> -> vector<16xf32>
        %add3A_1277 = arith.constant 8 : i32
        %add3A_1278 = arith.addi %mul3A_232, %add3A_1277 : i32
        %get3A_1279 = arith.index_cast %add3A_1278 : i32 to index
        %get3A_1280 = arith.constant 96 : index
        %get3A_1281 = tpu.vector_load %arg11[%get3A_1279, %get3A_1280] {strides = array<i32>} : memref<128x128xi32, #tpu.memory_space<vmem>>, vector<16xi32>,
        %bitcast3A_1282 = vector.bitcast %get3A_1281 : vector<16xi32> to vector<32xbf16>
        %unpack3A_1283 = tpu.unpack_subelements %bitcast3A_1282, 0 {pack_format = #tpu.pack_format<interleaved>} : vector<32xbf16> -> vector<16xf32>
        %unpack3A_1284 = tpu.unpack_subelements %bitcast3A_1282, 1 {pack_format = #tpu.pack_format<interleaved>} : vector<32xbf16> -> vector<16xf32>
        %add3A_1285 = arith.constant 9 : i32
        %add3A_1286 = arith.addi %mul3A_232, %add3A_1285 : i32
        %get3A_1287 = arith.index_cast %add3A_1286 : i32 to index
        %get3A_1288 = arith.constant 96 : index
        %get3A_1289 = tpu.vector_load %arg11[%get3A_1287, %get3A_1288] {strides = array<i32>} : memref<128x128xi32, #tpu.memory_space<vmem>>, vector<16xi32>,
        %bitcast3A_1290 = vector.bitcast %get3A_1289 : vector<16xi32> to vector<32xbf16>
        %unpack3A_1291 = tpu.unpack_subelements %bitcast3A_1290, 0 {pack_format = #tpu.pack_format<interleaved>} : vector<32xbf16> -> vector<16xf32>
        %unpack3A_1292 = tpu.unpack_subelements %bitcast3A_1290, 1 {pack_format = #tpu.pack_format<interleaved>} : vector<32xbf16> -> vector<16xf32>
        %add3A_1293 = arith.constant 10 : i32
        %add3A_1294 = arith.addi %mul3A_232, %add3A_1293 : i32
        %get3A_1295 = arith.index_cast %add3A_1294 : i32 to index
        %get3A_1296 = arith.constant 96 : index
        %get3A_1297 = tpu.vector_load %arg11[%get3A_1295, %get3A_1296] {strides = array<i32>} : memref<128x128xi32, #tpu.memory_space<vmem>>, vector<16xi32>,
        %bitcast3A_1298 = vector.bitcast %get3A_1297 : vector<16xi32> to vector<32xbf16>
        %unpack3A_1299 = tpu.unpack_subelements %bitcast3A_1298, 0 {pack_format = #tpu.pack_format<interleaved>} : vector<32xbf16> -> vector<16xf32>
        %unpack3A_1300 = tpu.unpack_subelements %bitcast3A_1298, 1 {pack_format = #tpu.pack_format<interleaved>} : vector<32xbf16> -> vector<16xf32>
        %add3A_1301 = arith.constant 11 : i32
        %add3A_1302 = arith.addi %mul3A_232, %add3A_1301 : i32
        %get3A_1303 = arith.index_cast %add3A_1302 : i32 to index
        %get3A_1304 = arith.constant 96 : index
        %get3A_1305 = tpu.vector_load %arg11[%get3A_1303, %get3A_1304] {strides = array<i32>} : memref<128x128xi32, #tpu.memory_space<vmem>>, vector<16xi32>,
        %bitcast3A_1306 = vector.bitcast %get3A_1305 : vector<16xi32> to vector<32xbf16>
        %unpack3A_1307 = tpu.unpack_subelements %bitcast3A_1306, 0 {pack_format = #tpu.pack_format<interleaved>} : vector<32xbf16> -> vector<16xf32>
        %unpack3A_1308 = tpu.unpack_subelements %bitcast3A_1306, 1 {pack_format = #tpu.pack_format<interleaved>} : vector<32xbf16> -> vector<16xf32>
        %add3A_1309 = arith.constant 12 : i32
        %add3A_1310 = arith.addi %mul3A_232, %add3A_1309 : i32
        %get3A_1311 = arith.index_cast %add3A_1310 : i32 to index
        %get3A_1312 = arith.constant 96 : index
        %get3A_1313 = tpu.vector_load %arg11[%get3A_1311, %get3A_1312] {strides = array<i32>} : memref<128x128xi32, #tpu.memory_space<vmem>>, vector<16xi32>,
        %bitcast3A_1314 = vector.bitcast %get3A_1313 : vector<16xi32> to vector<32xbf16>
        %unpack3A_1315 = tpu.unpack_subelements %bitcast3A_1314, 0 {pack_format = #tpu.pack_format<interleaved>} : vector<32xbf16> -> vector<16xf32>
        %unpack3A_1316 = tpu.unpack_subelements %bitcast3A_1314, 1 {pack_format = #tpu.pack_format<interleaved>} : vector<32xbf16> -> vector<16xf32>
        %add3A_1317 = arith.constant 13 : i32
        %add3A_1318 = arith.addi %mul3A_232, %add3A_1317 : i32
        %get3A_1319 = arith.index_cast %add3A_1318 : i32 to index
        %get3A_1320 = arith.constant 96 : index
        %get3A_1321 = tpu.vector_load %arg11[%get3A_1319, %get3A_1320] {strides = array<i32>} : memref<128x128xi32, #tpu.memory_space<vmem>>, vector<16xi32>,
        %bitcast3A_1322 = vector.bitcast %get3A_1321 : vector<16xi32> to vector<32xbf16>
        %unpack3A_1323 = tpu.unpack_subelements %bitcast3A_1322, 0 {pack_format = #tpu.pack_format<interleaved>} : vector<32xbf16> -> vector<16xf32>
        %unpack3A_1324 = tpu.unpack_subelements %bitcast3A_1322, 1 {pack_format = #tpu.pack_format<interleaved>} : vector<32xbf16> -> vector<16xf32>
        %add3A_1325 = arith.constant 14 : i32
        %add3A_1326 = arith.addi %mul3A_232, %add3A_1325 : i32
        %get3A_1327 = arith.index_cast %add3A_1326 : i32 to index
        %get3A_1328 = arith.constant 96 : index
        %get3A_1329 = tpu.vector_load %arg11[%get3A_1327, %get3A_1328] {strides = array<i32>} : memref<128x128xi32, #tpu.memory_space<vmem>>, vector<16xi32>,
        %bitcast3A_1330 = vector.bitcast %get3A_1329 : vector<16xi32> to vector<32xbf16>
        %unpack3A_1331 = tpu.unpack_subelements %bitcast3A_1330, 0 {pack_format = #tpu.pack_format<interleaved>} : vector<32xbf16> -> vector<16xf32>
        %unpack3A_1332 = tpu.unpack_subelements %bitcast3A_1330, 1 {pack_format = #tpu.pack_format<interleaved>} : vector<32xbf16> -> vector<16xf32>
        %add3A_1333 = arith.constant 15 : i32
        %add3A_1334 = arith.addi %mul3A_232, %add3A_1333 : i32
        %get3A_1335 = arith.index_cast %add3A_1334 : i32 to index
        %get3A_1336 = arith.constant 96 : index
        %get3A_1337 = tpu.vector_load %arg11[%get3A_1335, %get3A_1336] {strides = array<i32>} : memref<128x128xi32, #tpu.memory_space<vmem>>, vector<16xi32>,
        %bitcast3A_1338 = vector.bitcast %get3A_1337 : vector<16xi32> to vector<32xbf16>
        %unpack3A_1339 = tpu.unpack_subelements %bitcast3A_1338, 0 {pack_format = #tpu.pack_format<interleaved>} : vector<32xbf16> -> vector<16xf32>
        %unpack3A_1340 = tpu.unpack_subelements %bitcast3A_1338, 1 {pack_format = #tpu.pack_format<interleaved>} : vector<32xbf16> -> vector<16xf32>
        %add3A_1341 = arith.addf %unpack3A_1219, %unpack3A_1227 : vector<16xf32>
        %add3A_1342 = arith.addf %unpack3A_1235, %unpack3A_1243 : vector<16xf32>
        %add3A_1343 = arith.addf %unpack3A_1251, %unpack3A_1259 : vector<16xf32>
        %add3A_1344 = arith.addf %unpack3A_1267, %unpack3A_1275 : vector<16xf32>
        %add3A_1345 = arith.addf %unpack3A_1283, %unpack3A_1291 : vector<16xf32>
        %add3A_1346 = arith.addf %unpack3A_1299, %unpack3A_1307 : vector<16xf32>
        %add3A_1347 = arith.addf %unpack3A_1315, %unpack3A_1323 : vector<16xf32>
        %add3A_1348 = arith.addf %unpack3A_1331, %unpack3A_1339 : vector<16xf32>
        %add3A_1349 = arith.addf %add3A_1341, %add3A_1342 : vector<16xf32>
        %add3A_1350 = arith.addf %add3A_1343, %add3A_1344 : vector<16xf32>
        %add3A_1351 = arith.addf %add3A_1345, %add3A_1346 : vector<16xf32>
        %add3A_1352 = arith.addf %add3A_1347, %add3A_1348 : vector<16xf32>
        %add3A_1353 = arith.addf %add3A_1349, %add3A_1350 : vector<16xf32>
        %add3A_1354 = arith.addf %add3A_1351, %add3A_1352 : vector<16xf32>
        %add3A_1355 = arith.addf %add3A_1353, %add3A_1354 : vector<16xf32>
        %swap3A_1356 = arith.index_cast %scan3A_229 : i32 to index
        %swap3A_1357 = arith.constant 192 : index
        %swap3A_1358 = tpu.vector_load %arg13[%swap3A_1356, %swap3A_1357] {strides = array<i32>} : memref<8x256xf32, #tpu.memory_space<vmem>>, vector<16xf32>,
        tpu.vector_store %arg13[%swap3A_1356, %swap3A_1357], %add3A_1355 {strides = array<i32>} : memref<8x256xf32, #tpu.memory_space<vmem>>, vector<16xf32>,
        %add3A_1359 = arith.addf %unpack3A_1220, %unpack3A_1228 : vector<16xf32>
        %add3A_1360 = arith.addf %unpack3A_1236, %unpack3A_1244 : vector<16xf32>
        %add3A_1361 = arith.addf %unpack3A_1252, %unpack3A_1260 : vector<16xf32>
        %add3A_1362 = arith.addf %unpack3A_1268, %unpack3A_1276 : vector<16xf32>
        %add3A_1363 = arith.addf %unpack3A_1284, %unpack3A_1292 : vector<16xf32>
        %add3A_1364 = arith.addf %unpack3A_1300, %unpack3A_1308 : vector<16xf32>
        %add3A_1365 = arith.addf %unpack3A_1316, %unpack3A_1324 : vector<16xf32>
        %add3A_1366 = arith.addf %unpack3A_1332, %unpack3A_1340 : vector<16xf32>
        %add3A_1367 = arith.addf %add3A_1359, %add3A_1360 : vector<16xf32>
        %add3A_1368 = arith.addf %add3A_1361, %add3A_1362 : vector<16xf32>
        %add3A_1369 = arith.addf %add3A_1363, %add3A_1364 : vector<16xf32>
        %add3A_1370 = arith.addf %add3A_1365, %add3A_1366 : vector<16xf32>
        %add3A_1371 = arith.addf %add3A_1367, %add3A_1368 : vector<16xf32>
        %add3A_1372 = arith.addf %add3A_1369, %add3A_1370 : vector<16xf32>
        %add3A_1373 = arith.addf %add3A_1371, %add3A_1372 : vector<16xf32>
        %swap3A_1374 = arith.index_cast %scan3A_229 : i32 to index
        %swap3A_1375 = arith.constant 208 : index
        %swap3A_1376 = tpu.vector_load %arg13[%swap3A_1374, %swap3A_1375] {strides = array<i32>} : memref<8x256xf32, #tpu.memory_space<vmem>>, vector<16xf32>,
        tpu.vector_store %arg13[%swap3A_1374, %swap3A_1375], %add3A_1373 {strides = array<i32>} : memref<8x256xf32, #tpu.memory_space<vmem>>, vector<16xf32>,
        %add3A_1377 = arith.constant 0 : i32
        %add3A_1378 = arith.addi %mul3A_232, %add3A_1377 : i32
        %get3A_1379 = arith.index_cast %add3A_1378 : i32 to index
        %get3A_1380 = arith.constant 112 : index
        %get3A_1381 = tpu.vector_load %arg11[%get3A_1379, %get3A_1380] {strides = array<i32>} : memref<128x128xi32, #tpu.memory_space<vmem>>, vector<16xi32>,
        %bitcast3A_1382 = vector.bitcast %get3A_1381 : vector<16xi32> to vector<32xbf16>
        %unpack3A_1383 = tpu.unpack_subelements %bitcast3A_1382, 0 {pack_format = #tpu.pack_format<interleaved>} : vector<32xbf16> -> vector<16xf32>
        %unpack3A_1384 = tpu.unpack_subelements %bitcast3A_1382, 1 {pack_format = #tpu.pack_format<interleaved>} : vector<32xbf16> -> vector<16xf32>
        %add3A_1385 = arith.constant 1 : i32
        %add3A_1386 = arith.addi %mul3A_232, %add3A_1385 : i32
        %get3A_1387 = arith.index_cast %add3A_1386 : i32 to index
        %get3A_1388 = arith.constant 112 : index
        %get3A_1389 = tpu.vector_load %arg11[%get3A_1387, %get3A_1388] {strides = array<i32>} : memref<128x128xi32, #tpu.memory_space<vmem>>, vector<16xi32>,
        %bitcast3A_1390 = vector.bitcast %get3A_1389 : vector<16xi32> to vector<32xbf16>
        %unpack3A_1391 = tpu.unpack_subelements %bitcast3A_1390, 0 {pack_format = #tpu.pack_format<interleaved>} : vector<32xbf16> -> vector<16xf32>
        %unpack3A_1392 = tpu.unpack_subelements %bitcast3A_1390, 1 {pack_format = #tpu.pack_format<interleaved>} : vector<32xbf16> -> vector<16xf32>
        %add3A_1393 = arith.constant 2 : i32
        %add3A_1394 = arith.addi %mul3A_232, %add3A_1393 : i32
        %get3A_1395 = arith.index_cast %add3A_1394 : i32 to index
        %get3A_1396 = arith.constant 112 : index
        %get3A_1397 = tpu.vector_load %arg11[%get3A_1395, %get3A_1396] {strides = array<i32>} : memref<128x128xi32, #tpu.memory_space<vmem>>, vector<16xi32>,
        %bitcast3A_1398 = vector.bitcast %get3A_1397 : vector<16xi32> to vector<32xbf16>
        %unpack3A_1399 = tpu.unpack_subelements %bitcast3A_1398, 0 {pack_format = #tpu.pack_format<interleaved>} : vector<32xbf16> -> vector<16xf32>
        %unpack3A_1400 = tpu.unpack_subelements %bitcast3A_1398, 1 {pack_format = #tpu.pack_format<interleaved>} : vector<32xbf16> -> vector<16xf32>
        %add3A_1401 = arith.constant 3 : i32
        %add3A_1402 = arith.addi %mul3A_232, %add3A_1401 : i32
        %get3A_1403 = arith.index_cast %add3A_1402 : i32 to index
        %get3A_1404 = arith.constant 112 : index
        %get3A_1405 = tpu.vector_load %arg11[%get3A_1403, %get3A_1404] {strides = array<i32>} : memref<128x128xi32, #tpu.memory_space<vmem>>, vector<16xi32>,
        %bitcast3A_1406 = vector.bitcast %get3A_1405 : vector<16xi32> to vector<32xbf16>
        %unpack3A_1407 = tpu.unpack_subelements %bitcast3A_1406, 0 {pack_format = #tpu.pack_format<interleaved>} : vector<32xbf16> -> vector<16xf32>
        %unpack3A_1408 = tpu.unpack_subelements %bitcast3A_1406, 1 {pack_format = #tpu.pack_format<interleaved>} : vector<32xbf16> -> vector<16xf32>
        %add3A_1409 = arith.constant 4 : i32
        %add3A_1410 = arith.addi %mul3A_232, %add3A_1409 : i32
        %get3A_1411 = arith.index_cast %add3A_1410 : i32 to index
        %get3A_1412 = arith.constant 112 : index
        %get3A_1413 = tpu.vector_load %arg11[%get3A_1411, %get3A_1412] {strides = array<i32>} : memref<128x128xi32, #tpu.memory_space<vmem>>, vector<16xi32>,
        %bitcast3A_1414 = vector.bitcast %get3A_1413 : vector<16xi32> to vector<32xbf16>
        %unpack3A_1415 = tpu.unpack_subelements %bitcast3A_1414, 0 {pack_format = #tpu.pack_format<interleaved>} : vector<32xbf16> -> vector<16xf32>
        %unpack3A_1416 = tpu.unpack_subelements %bitcast3A_1414, 1 {pack_format = #tpu.pack_format<interleaved>} : vector<32xbf16> -> vector<16xf32>
        %add3A_1417 = arith.constant 5 : i32
        %add3A_1418 = arith.addi %mul3A_232, %add3A_1417 : i32
        %get3A_1419 = arith.index_cast %add3A_1418 : i32 to index
        %get3A_1420 = arith.constant 112 : index
        %get3A_1421 = tpu.vector_load %arg11[%get3A_1419, %get3A_1420] {strides = array<i32>} : memref<128x128xi32, #tpu.memory_space<vmem>>, vector<16xi32>,
        %bitcast3A_1422 = vector.bitcast %get3A_1421 : vector<16xi32> to vector<32xbf16>
        %unpack3A_1423 = tpu.unpack_subelements %bitcast3A_1422, 0 {pack_format = #tpu.pack_format<interleaved>} : vector<32xbf16> -> vector<16xf32>
        %unpack3A_1424 = tpu.unpack_subelements %bitcast3A_1422, 1 {pack_format = #tpu.pack_format<interleaved>} : vector<32xbf16> -> vector<16xf32>
        %add3A_1425 = arith.constant 6 : i32
        %add3A_1426 = arith.addi %mul3A_232, %add3A_1425 : i32
        %get3A_1427 = arith.index_cast %add3A_1426 : i32 to index
        %get3A_1428 = arith.constant 112 : index
        %get3A_1429 = tpu.vector_load %arg11[%get3A_1427, %get3A_1428] {strides = array<i32>} : memref<128x128xi32, #tpu.memory_space<vmem>>, vector<16xi32>,
        %bitcast3A_1430 = vector.bitcast %get3A_1429 : vector<16xi32> to vector<32xbf16>
        %unpack3A_1431 = tpu.unpack_subelements %bitcast3A_1430, 0 {pack_format = #tpu.pack_format<interleaved>} : vector<32xbf16> -> vector<16xf32>
        %unpack3A_1432 = tpu.unpack_subelements %bitcast3A_1430, 1 {pack_format = #tpu.pack_format<interleaved>} : vector<32xbf16> -> vector<16xf32>
        %add3A_1433 = arith.constant 7 : i32
        %add3A_1434 = arith.addi %mul3A_232, %add3A_1433 : i32
        %get3A_1435 = arith.index_cast %add3A_1434 : i32 to index
        %get3A_1436 = arith.constant 112 : index
        %get3A_1437 = tpu.vector_load %arg11[%get3A_1435, %get3A_1436] {strides = array<i32>} : memref<128x128xi32, #tpu.memory_space<vmem>>, vector<16xi32>,
        %bitcast3A_1438 = vector.bitcast %get3A_1437 : vector<16xi32> to vector<32xbf16>
        %unpack3A_1439 = tpu.unpack_subelements %bitcast3A_1438, 0 {pack_format = #tpu.pack_format<interleaved>} : vector<32xbf16> -> vector<16xf32>
        %unpack3A_1440 = tpu.unpack_subelements %bitcast3A_1438, 1 {pack_format = #tpu.pack_format<interleaved>} : vector<32xbf16> -> vector<16xf32>
        %add3A_1441 = arith.constant 8 : i32
        %add3A_1442 = arith.addi %mul3A_232, %add3A_1441 : i32
        %get3A_1443 = arith.index_cast %add3A_1442 : i32 to index
        %get3A_1444 = arith.constant 112 : index
        %get3A_1445 = tpu.vector_load %arg11[%get3A_1443, %get3A_1444] {strides = array<i32>} : memref<128x128xi32, #tpu.memory_space<vmem>>, vector<16xi32>,
        %bitcast3A_1446 = vector.bitcast %get3A_1445 : vector<16xi32> to vector<32xbf16>
        %unpack3A_1447 = tpu.unpack_subelements %bitcast3A_1446, 0 {pack_format = #tpu.pack_format<interleaved>} : vector<32xbf16> -> vector<16xf32>
        %unpack3A_1448 = tpu.unpack_subelements %bitcast3A_1446, 1 {pack_format = #tpu.pack_format<interleaved>} : vector<32xbf16> -> vector<16xf32>
        %add3A_1449 = arith.constant 9 : i32
        %add3A_1450 = arith.addi %mul3A_232, %add3A_1449 : i32
        %get3A_1451 = arith.index_cast %add3A_1450 : i32 to index
        %get3A_1452 = arith.constant 112 : index
        %get3A_1453 = tpu.vector_load %arg11[%get3A_1451, %get3A_1452] {strides = array<i32>} : memref<128x128xi32, #tpu.memory_space<vmem>>, vector<16xi32>,
        %bitcast3A_1454 = vector.bitcast %get3A_1453 : vector<16xi32> to vector<32xbf16>
        %unpack3A_1455 = tpu.unpack_subelements %bitcast3A_1454, 0 {pack_format = #tpu.pack_format<interleaved>} : vector<32xbf16> -> vector<16xf32>
        %unpack3A_1456 = tpu.unpack_subelements %bitcast3A_1454, 1 {pack_format = #tpu.pack_format<interleaved>} : vector<32xbf16> -> vector<16xf32>
        %add3A_1457 = arith.constant 10 : i32
        %add3A_1458 = arith.addi %mul3A_232, %add3A_1457 : i32
        %get3A_1459 = arith.index_cast %add3A_1458 : i32 to index
        %get3A_1460 = arith.constant 112 : index
        %get3A_1461 = tpu.vector_load %arg11[%get3A_1459, %get3A_1460] {strides = array<i32>} : memref<128x128xi32, #tpu.memory_space<vmem>>, vector<16xi32>,
        %bitcast3A_1462 = vector.bitcast %get3A_1461 : vector<16xi32> to vector<32xbf16>
        %unpack3A_1463 = tpu.unpack_subelements %bitcast3A_1462, 0 {pack_format = #tpu.pack_format<interleaved>} : vector<32xbf16> -> vector<16xf32>
        %unpack3A_1464 = tpu.unpack_subelements %bitcast3A_1462, 1 {pack_format = #tpu.pack_format<interleaved>} : vector<32xbf16> -> vector<16xf32>
        %add3A_1465 = arith.constant 11 : i32
        %add3A_1466 = arith.addi %mul3A_232, %add3A_1465 : i32
        %get3A_1467 = arith.index_cast %add3A_1466 : i32 to index
        %get3A_1468 = arith.constant 112 : index
        %get3A_1469 = tpu.vector_load %arg11[%get3A_1467, %get3A_1468] {strides = array<i32>} : memref<128x128xi32, #tpu.memory_space<vmem>>, vector<16xi32>,
        %bitcast3A_1470 = vector.bitcast %get3A_1469 : vector<16xi32> to vector<32xbf16>
        %unpack3A_1471 = tpu.unpack_subelements %bitcast3A_1470, 0 {pack_format = #tpu.pack_format<interleaved>} : vector<32xbf16> -> vector<16xf32>
        %unpack3A_1472 = tpu.unpack_subelements %bitcast3A_1470, 1 {pack_format = #tpu.pack_format<interleaved>} : vector<32xbf16> -> vector<16xf32>
        %add3A_1473 = arith.constant 12 : i32
        %add3A_1474 = arith.addi %mul3A_232, %add3A_1473 : i32
        %get3A_1475 = arith.index_cast %add3A_1474 : i32 to index
        %get3A_1476 = arith.constant 112 : index
        %get3A_1477 = tpu.vector_load %arg11[%get3A_1475, %get3A_1476] {strides = array<i32>} : memref<128x128xi32, #tpu.memory_space<vmem>>, vector<16xi32>,
        %bitcast3A_1478 = vector.bitcast %get3A_1477 : vector<16xi32> to vector<32xbf16>
        %unpack3A_1479 = tpu.unpack_subelements %bitcast3A_1478, 0 {pack_format = #tpu.pack_format<interleaved>} : vector<32xbf16> -> vector<16xf32>
        %unpack3A_1480 = tpu.unpack_subelements %bitcast3A_1478, 1 {pack_format = #tpu.pack_format<interleaved>} : vector<32xbf16> -> vector<16xf32>
        %add3A_1481 = arith.constant 13 : i32
        %add3A_1482 = arith.addi %mul3A_232, %add3A_1481 : i32
        %get3A_1483 = arith.index_cast %add3A_1482 : i32 to index
        %get3A_1484 = arith.constant 112 : index
        %get3A_1485 = tpu.vector_load %arg11[%get3A_1483, %get3A_1484] {strides = array<i32>} : memref<128x128xi32, #tpu.memory_space<vmem>>, vector<16xi32>,
        %bitcast3A_1486 = vector.bitcast %get3A_1485 : vector<16xi32> to vector<32xbf16>
        %unpack3A_1487 = tpu.unpack_subelements %bitcast3A_1486, 0 {pack_format = #tpu.pack_format<interleaved>} : vector<32xbf16> -> vector<16xf32>
        %unpack3A_1488 = tpu.unpack_subelements %bitcast3A_1486, 1 {pack_format = #tpu.pack_format<interleaved>} : vector<32xbf16> -> vector<16xf32>
        %add3A_1489 = arith.constant 14 : i32
        %add3A_1490 = arith.addi %mul3A_232, %add3A_1489 : i32
        %get3A_1491 = arith.index_cast %add3A_1490 : i32 to index
        %get3A_1492 = arith.constant 112 : index
        %get3A_1493 = tpu.vector_load %arg11[%get3A_1491, %get3A_1492] {strides = array<i32>} : memref<128x128xi32, #tpu.memory_space<vmem>>, vector<16xi32>,
        %bitcast3A_1494 = vector.bitcast %get3A_1493 : vector<16xi32> to vector<32xbf16>
        %unpack3A_1495 = tpu.unpack_subelements %bitcast3A_1494, 0 {pack_format = #tpu.pack_format<interleaved>} : vector<32xbf16> -> vector<16xf32>
        %unpack3A_1496 = tpu.unpack_subelements %bitcast3A_1494, 1 {pack_format = #tpu.pack_format<interleaved>} : vector<32xbf16> -> vector<16xf32>
        %add3A_1497 = arith.constant 15 : i32
        %add3A_1498 = arith.addi %mul3A_232, %add3A_1497 : i32
        %get3A_1499 = arith.index_cast %add3A_1498 : i32 to index
        %get3A_1500 = arith.constant 112 : index
        %get3A_1501 = tpu.vector_load %arg11[%get3A_1499, %get3A_1500] {strides = array<i32>} : memref<128x128xi32, #tpu.memory_space<vmem>>, vector<16xi32>,
        %bitcast3A_1502 = vector.bitcast %get3A_1501 : vector<16xi32> to vector<32xbf16>
        %unpack3A_1503 = tpu.unpack_subelements %bitcast3A_1502, 0 {pack_format = #tpu.pack_format<interleaved>} : vector<32xbf16> -> vector<16xf32>
        %unpack3A_1504 = tpu.unpack_subelements %bitcast3A_1502, 1 {pack_format = #tpu.pack_format<interleaved>} : vector<32xbf16> -> vector<16xf32>
        %add3A_1505 = arith.addf %unpack3A_1383, %unpack3A_1391 : vector<16xf32>
        %add3A_1506 = arith.addf %unpack3A_1399, %unpack3A_1407 : vector<16xf32>
        %add3A_1507 = arith.addf %unpack3A_1415, %unpack3A_1423 : vector<16xf32>
        %add3A_1508 = arith.addf %unpack3A_1431, %unpack3A_1439 : vector<16xf32>
        %add3A_1509 = arith.addf %unpack3A_1447, %unpack3A_1455 : vector<16xf32>
        %add3A_1510 = arith.addf %unpack3A_1463, %unpack3A_1471 : vector<16xf32>
        %add3A_1511 = arith.addf %unpack3A_1479, %unpack3A_1487 : vector<16xf32>
        %add3A_1512 = arith.addf %unpack3A_1495, %unpack3A_1503 : vector<16xf32>
        %add3A_1513 = arith.addf %add3A_1505, %add3A_1506 : vector<16xf32>
        %add3A_1514 = arith.addf %add3A_1507, %add3A_1508 : vector<16xf32>
        %add3A_1515 = arith.addf %add3A_1509, %add3A_1510 : vector<16xf32>
        %add3A_1516 = arith.addf %add3A_1511, %add3A_1512 : vector<16xf32>
        %add3A_1517 = arith.addf %add3A_1513, %add3A_1514 : vector<16xf32>
        %add3A_1518 = arith.addf %add3A_1515, %add3A_1516 : vector<16xf32>
        %add3A_1519 = arith.addf %add3A_1517, %add3A_1518 : vector<16xf32>
        %swap3A_1520 = arith.index_cast %scan3A_229 : i32 to index
        %swap3A_1521 = arith.constant 224 : index
        %swap3A_1522 = tpu.vector_load %arg13[%swap3A_1520, %swap3A_1521] {strides = array<i32>} : memref<8x256xf32, #tpu.memory_space<vmem>>, vector<16xf32>,
        tpu.vector_store %arg13[%swap3A_1520, %swap3A_1521], %add3A_1519 {strides = array<i32>} : memref<8x256xf32, #tpu.memory_space<vmem>>, vector<16xf32>,
        %add3A_1523 = arith.addf %unpack3A_1384, %unpack3A_1392 : vector<16xf32>
        %add3A_1524 = arith.addf %unpack3A_1400, %unpack3A_1408 : vector<16xf32>
        %add3A_1525 = arith.addf %unpack3A_1416, %unpack3A_1424 : vector<16xf32>
        %add3A_1526 = arith.addf %unpack3A_1432, %unpack3A_1440 : vector<16xf32>
        %add3A_1527 = arith.addf %unpack3A_1448, %unpack3A_1456 : vector<16xf32>
        %add3A_1528 = arith.addf %unpack3A_1464, %unpack3A_1472 : vector<16xf32>
        %add3A_1529 = arith.addf %unpack3A_1480, %unpack3A_1488 : vector<16xf32>
        %add3A_1530 = arith.addf %unpack3A_1496, %unpack3A_1504 : vector<16xf32>
        %add3A_1531 = arith.addf %add3A_1523, %add3A_1524 : vector<16xf32>
        %add3A_1532 = arith.addf %add3A_1525, %add3A_1526 : vector<16xf32>
        %add3A_1533 = arith.addf %add3A_1527, %add3A_1528 : vector<16xf32>
        %add3A_1534 = arith.addf %add3A_1529, %add3A_1530 : vector<16xf32>
        %add3A_1535 = arith.addf %add3A_1531, %add3A_1532 : vector<16xf32>
        %add3A_1536 = arith.addf %add3A_1533, %add3A_1534 : vector<16xf32>
        %add3A_1537 = arith.addf %add3A_1535, %add3A_1536 : vector<16xf32>
        %swap3A_1538 = arith.index_cast %scan3A_229 : i32 to index
        %swap3A_1539 = arith.constant 240 : index
        %swap3A_1540 = tpu.vector_load %arg13[%swap3A_1538, %swap3A_1539] {strides = array<i32>} : memref<8x256xf32, #tpu.memory_space<vmem>>, vector<16xf32>,
        tpu.vector_store %arg13[%swap3A_1538, %swap3A_1539], %add3A_1537 {strides = array<i32>} : memref<8x256xf32, #tpu.memory_space<vmem>>, vector<16xf32>,
        %scan3A_1541 = arith.constant 0 : i32
        scf.yield %scan3A_1541 : i32
      }
      %scan3A_183 = arith.constant 8 : i32
      %add3A_184 = arith.constant 2 : i32
      %add3A_185 = arith.addi %add3A_159, %add3A_184 : i32
      %lt3A = arith.constant 40 : i32
      %lt3A_186 = arith.cmpi slt, %add3A_185, %lt3A : i32
      %convert_element_type3A_187 = arith.extui %lt3A_186 : i1 to i32
      %cond3A_188 = arith.constant 0 : i32
      %cond3A_189 = arith.cmpi ne, %convert_element_type3A_187, %cond3A_188 : i32
      scf.if %cond3A_189 {
        %add3A_229 = arith.constant 2 : i32
        %add3A_230 = arith.addi %add3A_159, %add3A_229 : i32
        %mul3A_231 = arith.constant 128 : i32
        %mul3A_232 = arith.muli %add3A_230, %mul3A_231 : i32
        %dma_start3A_233 = tpu.memref_slice %arg10[%mul3A_232] : memref<5120xi32, #tpu.memory_space<vmem>> -> memref<128xi32, #tpu.memory_space<vmem>>
        %dma_start3A_234 = arith.constant 0 : i32
        %dma_start3A_235 = arith.constant 0 : i32
        %dma_start3A_236 = tpu.memref_slice %arg7[%arg0, %dma_start3A_234, %dma_start3A_235] : memref<2x10000x128xi32, #tpu.memory_space<hbm>> -> memref<1x10000x128xi32, #tpu.memory_space<hbm>>
        %dma_start3A_237 = tpu.memref_squeeze %dma_start3A_236 : memref<1x10000x128xi32, #tpu.memory_space<hbm>> -> memref<10000x128xi32, #tpu.memory_space<hbm>>
        %dma_start3A_238 = arith.constant 0 : i32
        %dma_start3A_239 = arith.constant 0 : i32
        %dma_start3A_240 = tpu.memref_slice %dma_start3A_237[%dma_start3A_238, %dma_start3A_239] : memref<10000x128xi32, #tpu.memory_space<hbm>> -> memref<10000x128xi32, #tpu.memory_space<hbm>>
        tpu.enqueue_indirect_dma source(%dma_start3A_240 : memref<10000x128xi32, #tpu.memory_space<hbm>>) target(%arg11 : memref<128x128xi32, #tpu.memory_space<vmem>>) offsets(%dma_start3A_233 : memref<128xi32, #tpu.memory_space<vmem>>) semaphore(%arg21 : memref<!tpu.dma_semaphore, #tpu.memory_space<semaphore_mem>>)
      } else {
      }
      %mul3A_190 = arith.constant 2 : i32
      %mul3A_191 = arith.muli %scan3A_154, %mul3A_190 : i32
      %add3A_192 = arith.constant 1 : i32
      %add3A_193 = arith.addi %mul3A_191, %add3A_192 : i32
      %ge3A_194 = arith.constant 1 : i32
      %ge3A_195 = arith.cmpi sge, %add3A_193, %ge3A_194 : i32
      %convert_element_type3A_196 = arith.extui %ge3A_195 : i1 to i32
      %cond3A_197 = arith.constant 0 : i32
      %cond3A_198 = arith.cmpi ne, %convert_element_type3A_196, %cond3A_197 : i32
      scf.if %cond3A_198 {
        %sub3A = arith.constant 1 : i32
        %sub3A_229 = arith.subi %add3A_193, %sub3A : i32
        %mul3A_230 = arith.constant 8 : i32
        %mul3A_231 = arith.muli %sub3A_229, %mul3A_230 : i32
        %add3A_232 = arith.addi %mul3A_2, %mul3A_231 : i32
        %dma_start3A_233 = arith.constant 0 : i32
        %dma_start3A_234 = tpu.memref_slice %arg6[%add3A_232, %dma_start3A_233] : memref<10240x256xf32, #tpu.memory_space<hbm>> -> memref<8x256xf32, #tpu.memory_space<hbm>>
        %dma_start3A_235 = arith.constant 0 : i32
        %dma_start3A_236 = tpu.memref_slice %arg6[%add3A_232, %dma_start3A_235] : memref<10240x256xf32, #tpu.memory_space<hbm>> -> memref<8x256xf32, #tpu.memory_space<hbm>>
        tpu.enqueue_dma source(%arg13 : memref<8x256xf32, #tpu.memory_space<vmem>>) target(%dma_start3A_236 : memref<8x256xf32, #tpu.memory_space<hbm>>) target_semaphore(%arg23 : memref<!tpu.dma_semaphore, #tpu.memory_space<semaphore_mem>>)
      } else {
      }
      %mul3A_199 = arith.constant 128 : i32
      %mul3A_200 = arith.muli %add3A_193, %mul3A_199 : i32
      %dma_wait3A_201 = tpu.memref_slice %arg10[%mul3A_200] : memref<5120xi32, #tpu.memory_space<vmem>> -> memref<128xi32, #tpu.memory_space<vmem>>
      %dma_wait3A_202 = arith.constant 0 : i32
      %dma_wait3A_203 = arith.constant 0 : i32
      %dma_wait3A_204 = tpu.memref_slice %arg7[%arg0, %dma_wait3A_202, %dma_wait3A_203] : memref<2x10000x128xi32, #tpu.memory_space<hbm>> -> memref<1x10000x128xi32, #tpu.memory_space<hbm>>
      %dma_wait3A_205 = tpu.memref_squeeze %dma_wait3A_204 : memref<1x10000x128xi32, #tpu.memory_space<hbm>> -> memref<10000x128xi32, #tpu.memory_space<hbm>>
      %dma_wait3A_206 = arith.constant 0 : i32
      %dma_wait3A_207 = arith.constant 0 : i32
      %dma_wait3A_208 = tpu.memref_slice %dma_wait3A_205[%dma_wait3A_206, %dma_wait3A_207] : memref<10000x128xi32, #tpu.memory_space<hbm>> -> memref<10000x128xi32, #tpu.memory_space<hbm>>
      tpu.wait_indirect_dma semaphore(%arg22 : memref<!tpu.dma_semaphore, #tpu.memory_space<semaphore_mem>>) src(%dma_wait3A_208 : memref<10000x128xi32, #tpu.memory_space<hbm>>) dst(%arg12 : memref<128x128xi32, #tpu.memory_space<vmem>>)
      %ge3A_209 = arith.constant 2 : i32
      %ge3A_210 = arith.cmpi sge, %add3A_193, %ge3A_209 : i32
      %convert_element_type3A_211 = arith.extui %ge3A_210 : i1 to i32
      %cond3A_212 = arith.constant 0 : i32
      %cond3A_213 = arith.cmpi ne, %convert_element_type3A_211, %cond3A_212 : i32
      scf.if %cond3A_213 {
        %dma_wait3A_229 = arith.constant 0 : i32
        %dma_wait3A_230 = tpu.memref_slice %arg6[%mul3A_2, %dma_wait3A_229] : memref<10240x256xf32, #tpu.memory_space<hbm>> -> memref<8x256xf32, #tpu.memory_space<hbm>>
        %dma_wait3A_231 = arith.constant 0 : i32
        %dma_wait3A_232 = tpu.memref_slice %arg6[%mul3A_2, %dma_wait3A_231] : memref<10240x256xf32, #tpu.memory_space<hbm>> -> memref<8x256xf32, #tpu.memory_space<hbm>>
        tpu.wait_dma2 semaphore(%arg24 : memref<!tpu.dma_semaphore, #tpu.memory_space<semaphore_mem>>) src(%arg14 : memref<8x256xf32, #tpu.memory_space<vmem>>) dst(%dma_wait3A_232 : memref<8x256xf32, #tpu.memory_space<hbm>>)
      } else {
      }
      %scan3A_214 = arith.constant 0 : i32
      %scan3A_215 = arith.constant 0 : i32
      %scan3A_216 = arith.constant 8 : i32
      %scan3A_217 = arith.addi %scan3A_215, %scan3A_216 : i32
      %scan3A_218 = arith.constant 1 : i32
      %scan3A_219 = scf.for %scan3A_229 = %scan3A_215 to %scan3A_217 step %scan3A_218 iter_args(%scan3A_230 = %scan3A_214) -> (i32)  : i32 {
        %mul3A_231 = arith.constant 16 : i32
        %mul3A_232 = arith.muli %scan3A_229, %mul3A_231 : i32
        %add3A_233 = arith.constant 0 : i32
        %add3A_234 = arith.addi %mul3A_232, %add3A_233 : i32
        %get3A = arith.index_cast %add3A_234 : i32 to index
        %get3A_235 = arith.constant 0 : index
        %get3A_236 = tpu.vector_load %arg12[%get3A, %get3A_235] {strides = array<i32>} : memref<128x128xi32, #tpu.memory_space<vmem>>, vector<16xi32>,
        %bitcast3A = vector.bitcast %get3A_236 : vector<16xi32> to vector<32xbf16>
        %unpack3A = tpu.unpack_subelements %bitcast3A, 0 {pack_format = #tpu.pack_format<interleaved>} : vector<32xbf16> -> vector<16xf32>
        %unpack3A_237 = tpu.unpack_subelements %bitcast3A, 1 {pack_format = #tpu.pack_format<interleaved>} : vector<32xbf16> -> vector<16xf32>
        %add3A_238 = arith.constant 1 : i32
        %add3A_239 = arith.addi %mul3A_232, %add3A_238 : i32
        %get3A_240 = arith.index_cast %add3A_239 : i32 to index
        %get3A_241 = arith.constant 0 : index
        %get3A_242 = tpu.vector_load %arg12[%get3A_240, %get3A_241] {strides = array<i32>} : memref<128x128xi32, #tpu.memory_space<vmem>>, vector<16xi32>,
        %bitcast3A_243 = vector.bitcast %get3A_242 : vector<16xi32> to vector<32xbf16>
        %unpack3A_244 = tpu.unpack_subelements %bitcast3A_243, 0 {pack_format = #tpu.pack_format<interleaved>} : vector<32xbf16> -> vector<16xf32>
        %unpack3A_245 = tpu.unpack_subelements %bitcast3A_243, 1 {pack_format = #tpu.pack_format<interleaved>} : vector<32xbf16> -> vector<16xf32>
        %add3A_246 = arith.constant 2 : i32
        %add3A_247 = arith.addi %mul3A_232, %add3A_246 : i32
        %get3A_248 = arith.index_cast %add3A_247 : i32 to index
        %get3A_249 = arith.constant 0 : index
        %get3A_250 = tpu.vector_load %arg12[%get3A_248, %get3A_249] {strides = array<i32>} : memref<128x128xi32, #tpu.memory_space<vmem>>, vector<16xi32>,
        %bitcast3A_251 = vector.bitcast %get3A_250 : vector<16xi32> to vector<32xbf16>
        %unpack3A_252 = tpu.unpack_subelements %bitcast3A_251, 0 {pack_format = #tpu.pack_format<interleaved>} : vector<32xbf16> -> vector<16xf32>
        %unpack3A_253 = tpu.unpack_subelements %bitcast3A_251, 1 {pack_format = #tpu.pack_format<interleaved>} : vector<32xbf16> -> vector<16xf32>
        %add3A_254 = arith.constant 3 : i32
        %add3A_255 = arith.addi %mul3A_232, %add3A_254 : i32
        %get3A_256 = arith.index_cast %add3A_255 : i32 to index
        %get3A_257 = arith.constant 0 : index
        %get3A_258 = tpu.vector_load %arg12[%get3A_256, %get3A_257] {strides = array<i32>} : memref<128x128xi32, #tpu.memory_space<vmem>>, vector<16xi32>,
        %bitcast3A_259 = vector.bitcast %get3A_258 : vector<16xi32> to vector<32xbf16>
        %unpack3A_260 = tpu.unpack_subelements %bitcast3A_259, 0 {pack_format = #tpu.pack_format<interleaved>} : vector<32xbf16> -> vector<16xf32>
        %unpack3A_261 = tpu.unpack_subelements %bitcast3A_259, 1 {pack_format = #tpu.pack_format<interleaved>} : vector<32xbf16> -> vector<16xf32>
        %add3A_262 = arith.constant 4 : i32
        %add3A_263 = arith.addi %mul3A_232, %add3A_262 : i32
        %get3A_264 = arith.index_cast %add3A_263 : i32 to index
        %get3A_265 = arith.constant 0 : index
        %get3A_266 = tpu.vector_load %arg12[%get3A_264, %get3A_265] {strides = array<i32>} : memref<128x128xi32, #tpu.memory_space<vmem>>, vector<16xi32>,
        %bitcast3A_267 = vector.bitcast %get3A_266 : vector<16xi32> to vector<32xbf16>
        %unpack3A_268 = tpu.unpack_subelements %bitcast3A_267, 0 {pack_format = #tpu.pack_format<interleaved>} : vector<32xbf16> -> vector<16xf32>
        %unpack3A_269 = tpu.unpack_subelements %bitcast3A_267, 1 {pack_format = #tpu.pack_format<interleaved>} : vector<32xbf16> -> vector<16xf32>
        %add3A_270 = arith.constant 5 : i32
        %add3A_271 = arith.addi %mul3A_232, %add3A_270 : i32
        %get3A_272 = arith.index_cast %add3A_271 : i32 to index
        %get3A_273 = arith.constant 0 : index
        %get3A_274 = tpu.vector_load %arg12[%get3A_272, %get3A_273] {strides = array<i32>} : memref<128x128xi32, #tpu.memory_space<vmem>>, vector<16xi32>,
        %bitcast3A_275 = vector.bitcast %get3A_274 : vector<16xi32> to vector<32xbf16>
        %unpack3A_276 = tpu.unpack_subelements %bitcast3A_275, 0 {pack_format = #tpu.pack_format<interleaved>} : vector<32xbf16> -> vector<16xf32>
        %unpack3A_277 = tpu.unpack_subelements %bitcast3A_275, 1 {pack_format = #tpu.pack_format<interleaved>} : vector<32xbf16> -> vector<16xf32>
        %add3A_278 = arith.constant 6 : i32
        %add3A_279 = arith.addi %mul3A_232, %add3A_278 : i32
        %get3A_280 = arith.index_cast %add3A_279 : i32 to index
        %get3A_281 = arith.constant 0 : index
        %get3A_282 = tpu.vector_load %arg12[%get3A_280, %get3A_281] {strides = array<i32>} : memref<128x128xi32, #tpu.memory_space<vmem>>, vector<16xi32>,
        %bitcast3A_283 = vector.bitcast %get3A_282 : vector<16xi32> to vector<32xbf16>
        %unpack3A_284 = tpu.unpack_subelements %bitcast3A_283, 0 {pack_format = #tpu.pack_format<interleaved>} : vector<32xbf16> -> vector<16xf32>
        %unpack3A_285 = tpu.unpack_subelements %bitcast3A_283, 1 {pack_format = #tpu.pack_format<interleaved>} : vector<32xbf16> -> vector<16xf32>
        %add3A_286 = arith.constant 7 : i32
        %add3A_287 = arith.addi %mul3A_232, %add3A_286 : i32
        %get3A_288 = arith.index_cast %add3A_287 : i32 to index
        %get3A_289 = arith.constant 0 : index
        %get3A_290 = tpu.vector_load %arg12[%get3A_288, %get3A_289] {strides = array<i32>} : memref<128x128xi32, #tpu.memory_space<vmem>>, vector<16xi32>,
        %bitcast3A_291 = vector.bitcast %get3A_290 : vector<16xi32> to vector<32xbf16>
        %unpack3A_292 = tpu.unpack_subelements %bitcast3A_291, 0 {pack_format = #tpu.pack_format<interleaved>} : vector<32xbf16> -> vector<16xf32>
        %unpack3A_293 = tpu.unpack_subelements %bitcast3A_291, 1 {pack_format = #tpu.pack_format<interleaved>} : vector<32xbf16> -> vector<16xf32>
        %add3A_294 = arith.constant 8 : i32
        %add3A_295 = arith.addi %mul3A_232, %add3A_294 : i32
        %get3A_296 = arith.index_cast %add3A_295 : i32 to index
        %get3A_297 = arith.constant 0 : index
        %get3A_298 = tpu.vector_load %arg12[%get3A_296, %get3A_297] {strides = array<i32>} : memref<128x128xi32, #tpu.memory_space<vmem>>, vector<16xi32>,
        %bitcast3A_299 = vector.bitcast %get3A_298 : vector<16xi32> to vector<32xbf16>
        %unpack3A_300 = tpu.unpack_subelements %bitcast3A_299, 0 {pack_format = #tpu.pack_format<interleaved>} : vector<32xbf16> -> vector<16xf32>
        %unpack3A_301 = tpu.unpack_subelements %bitcast3A_299, 1 {pack_format = #tpu.pack_format<interleaved>} : vector<32xbf16> -> vector<16xf32>
        %add3A_302 = arith.constant 9 : i32
        %add3A_303 = arith.addi %mul3A_232, %add3A_302 : i32
        %get3A_304 = arith.index_cast %add3A_303 : i32 to index
        %get3A_305 = arith.constant 0 : index
        %get3A_306 = tpu.vector_load %arg12[%get3A_304, %get3A_305] {strides = array<i32>} : memref<128x128xi32, #tpu.memory_space<vmem>>, vector<16xi32>,
        %bitcast3A_307 = vector.bitcast %get3A_306 : vector<16xi32> to vector<32xbf16>
        %unpack3A_308 = tpu.unpack_subelements %bitcast3A_307, 0 {pack_format = #tpu.pack_format<interleaved>} : vector<32xbf16> -> vector<16xf32>
        %unpack3A_309 = tpu.unpack_subelements %bitcast3A_307, 1 {pack_format = #tpu.pack_format<interleaved>} : vector<32xbf16> -> vector<16xf32>
        %add3A_310 = arith.constant 10 : i32
        %add3A_311 = arith.addi %mul3A_232, %add3A_310 : i32
        %get3A_312 = arith.index_cast %add3A_311 : i32 to index
        %get3A_313 = arith.constant 0 : index
        %get3A_314 = tpu.vector_load %arg12[%get3A_312, %get3A_313] {strides = array<i32>} : memref<128x128xi32, #tpu.memory_space<vmem>>, vector<16xi32>,
        %bitcast3A_315 = vector.bitcast %get3A_314 : vector<16xi32> to vector<32xbf16>
        %unpack3A_316 = tpu.unpack_subelements %bitcast3A_315, 0 {pack_format = #tpu.pack_format<interleaved>} : vector<32xbf16> -> vector<16xf32>
        %unpack3A_317 = tpu.unpack_subelements %bitcast3A_315, 1 {pack_format = #tpu.pack_format<interleaved>} : vector<32xbf16> -> vector<16xf32>
        %add3A_318 = arith.constant 11 : i32
        %add3A_319 = arith.addi %mul3A_232, %add3A_318 : i32
        %get3A_320 = arith.index_cast %add3A_319 : i32 to index
        %get3A_321 = arith.constant 0 : index
        %get3A_322 = tpu.vector_load %arg12[%get3A_320, %get3A_321] {strides = array<i32>} : memref<128x128xi32, #tpu.memory_space<vmem>>, vector<16xi32>,
        %bitcast3A_323 = vector.bitcast %get3A_322 : vector<16xi32> to vector<32xbf16>
        %unpack3A_324 = tpu.unpack_subelements %bitcast3A_323, 0 {pack_format = #tpu.pack_format<interleaved>} : vector<32xbf16> -> vector<16xf32>
        %unpack3A_325 = tpu.unpack_subelements %bitcast3A_323, 1 {pack_format = #tpu.pack_format<interleaved>} : vector<32xbf16> -> vector<16xf32>
        %add3A_326 = arith.constant 12 : i32
        %add3A_327 = arith.addi %mul3A_232, %add3A_326 : i32
        %get3A_328 = arith.index_cast %add3A_327 : i32 to index
        %get3A_329 = arith.constant 0 : index
        %get3A_330 = tpu.vector_load %arg12[%get3A_328, %get3A_329] {strides = array<i32>} : memref<128x128xi32, #tpu.memory_space<vmem>>, vector<16xi32>,
        %bitcast3A_331 = vector.bitcast %get3A_330 : vector<16xi32> to vector<32xbf16>
        %unpack3A_332 = tpu.unpack_subelements %bitcast3A_331, 0 {pack_format = #tpu.pack_format<interleaved>} : vector<32xbf16> -> vector<16xf32>
        %unpack3A_333 = tpu.unpack_subelements %bitcast3A_331, 1 {pack_format = #tpu.pack_format<interleaved>} : vector<32xbf16> -> vector<16xf32>
        %add3A_334 = arith.constant 13 : i32
        %add3A_335 = arith.addi %mul3A_232, %add3A_334 : i32
        %get3A_336 = arith.index_cast %add3A_335 : i32 to index
        %get3A_337 = arith.constant 0 : index
        %get3A_338 = tpu.vector_load %arg12[%get3A_336, %get3A_337] {strides = array<i32>} : memref<128x128xi32, #tpu.memory_space<vmem>>, vector<16xi32>,
        %bitcast3A_339 = vector.bitcast %get3A_338 : vector<16xi32> to vector<32xbf16>
        %unpack3A_340 = tpu.unpack_subelements %bitcast3A_339, 0 {pack_format = #tpu.pack_format<interleaved>} : vector<32xbf16> -> vector<16xf32>
        %unpack3A_341 = tpu.unpack_subelements %bitcast3A_339, 1 {pack_format = #tpu.pack_format<interleaved>} : vector<32xbf16> -> vector<16xf32>
        %add3A_342 = arith.constant 14 : i32
        %add3A_343 = arith.addi %mul3A_232, %add3A_342 : i32
        %get3A_344 = arith.index_cast %add3A_343 : i32 to index
        %get3A_345 = arith.constant 0 : index
        %get3A_346 = tpu.vector_load %arg12[%get3A_344, %get3A_345] {strides = array<i32>} : memref<128x128xi32, #tpu.memory_space<vmem>>, vector<16xi32>,
        %bitcast3A_347 = vector.bitcast %get3A_346 : vector<16xi32> to vector<32xbf16>
        %unpack3A_348 = tpu.unpack_subelements %bitcast3A_347, 0 {pack_format = #tpu.pack_format<interleaved>} : vector<32xbf16> -> vector<16xf32>
        %unpack3A_349 = tpu.unpack_subelements %bitcast3A_347, 1 {pack_format = #tpu.pack_format<interleaved>} : vector<32xbf16> -> vector<16xf32>
        %add3A_350 = arith.constant 15 : i32
        %add3A_351 = arith.addi %mul3A_232, %add3A_350 : i32
        %get3A_352 = arith.index_cast %add3A_351 : i32 to index
        %get3A_353 = arith.constant 0 : index
        %get3A_354 = tpu.vector_load %arg12[%get3A_352, %get3A_353] {strides = array<i32>} : memref<128x128xi32, #tpu.memory_space<vmem>>, vector<16xi32>,
        %bitcast3A_355 = vector.bitcast %get3A_354 : vector<16xi32> to vector<32xbf16>
        %unpack3A_356 = tpu.unpack_subelements %bitcast3A_355, 0 {pack_format = #tpu.pack_format<interleaved>} : vector<32xbf16> -> vector<16xf32>
        %unpack3A_357 = tpu.unpack_subelements %bitcast3A_355, 1 {pack_format = #tpu.pack_format<interleaved>} : vector<32xbf16> -> vector<16xf32>
        %add3A_358 = arith.addf %unpack3A, %unpack3A_244 : vector<16xf32>
        %add3A_359 = arith.addf %unpack3A_252, %unpack3A_260 : vector<16xf32>
        %add3A_360 = arith.addf %unpack3A_268, %unpack3A_276 : vector<16xf32>
        %add3A_361 = arith.addf %unpack3A_284, %unpack3A_292 : vector<16xf32>
        %add3A_362 = arith.addf %unpack3A_300, %unpack3A_308 : vector<16xf32>
        %add3A_363 = arith.addf %unpack3A_316, %unpack3A_324 : vector<16xf32>
        %add3A_364 = arith.addf %unpack3A_332, %unpack3A_340 : vector<16xf32>
        %add3A_365 = arith.addf %unpack3A_348, %unpack3A_356 : vector<16xf32>
        %add3A_366 = arith.addf %add3A_358, %add3A_359 : vector<16xf32>
        %add3A_367 = arith.addf %add3A_360, %add3A_361 : vector<16xf32>
        %add3A_368 = arith.addf %add3A_362, %add3A_363 : vector<16xf32>
        %add3A_369 = arith.addf %add3A_364, %add3A_365 : vector<16xf32>
        %add3A_370 = arith.addf %add3A_366, %add3A_367 : vector<16xf32>
        %add3A_371 = arith.addf %add3A_368, %add3A_369 : vector<16xf32>
        %add3A_372 = arith.addf %add3A_370, %add3A_371 : vector<16xf32>
        %swap3A = arith.index_cast %scan3A_229 : i32 to index
        %swap3A_373 = arith.constant 0 : index
        %swap3A_374 = tpu.vector_load %arg14[%swap3A, %swap3A_373] {strides = array<i32>} : memref<8x256xf32, #tpu.memory_space<vmem>>, vector<16xf32>,
        tpu.vector_store %arg14[%swap3A, %swap3A_373], %add3A_372 {strides = array<i32>} : memref<8x256xf32, #tpu.memory_space<vmem>>, vector<16xf32>,
        %add3A_375 = arith.addf %unpack3A_237, %unpack3A_245 : vector<16xf32>
        %add3A_376 = arith.addf %unpack3A_253, %unpack3A_261 : vector<16xf32>
        %add3A_377 = arith.addf %unpack3A_269, %unpack3A_277 : vector<16xf32>
        %add3A_378 = arith.addf %unpack3A_285, %unpack3A_293 : vector<16xf32>
        %add3A_379 = arith.addf %unpack3A_301, %unpack3A_309 : vector<16xf32>
        %add3A_380 = arith.addf %unpack3A_317, %unpack3A_325 : vector<16xf32>
        %add3A_381 = arith.addf %unpack3A_333, %unpack3A_341 : vector<16xf32>
        %add3A_382 = arith.addf %unpack3A_349, %unpack3A_357 : vector<16xf32>
        %add3A_383 = arith.addf %add3A_375, %add3A_376 : vector<16xf32>
        %add3A_384 = arith.addf %add3A_377, %add3A_378 : vector<16xf32>
        %add3A_385 = arith.addf %add3A_379, %add3A_380 : vector<16xf32>
        %add3A_386 = arith.addf %add3A_381, %add3A_382 : vector<16xf32>
        %add3A_387 = arith.addf %add3A_383, %add3A_384 : vector<16xf32>
        %add3A_388 = arith.addf %add3A_385, %add3A_386 : vector<16xf32>
        %add3A_389 = arith.addf %add3A_387, %add3A_388 : vector<16xf32>
        %swap3A_390 = arith.index_cast %scan3A_229 : i32 to index
        %swap3A_391 = arith.constant 16 : index
        %swap3A_392 = tpu.vector_load %arg14[%swap3A_390, %swap3A_391] {strides = array<i32>} : memref<8x256xf32, #tpu.memory_space<vmem>>, vector<16xf32>,
        tpu.vector_store %arg14[%swap3A_390, %swap3A_391], %add3A_389 {strides = array<i32>} : memref<8x256xf32, #tpu.memory_space<vmem>>, vector<16xf32>,
        %add3A_393 = arith.constant 0 : i32
        %add3A_394 = arith.addi %mul3A_232, %add3A_393 : i32
        %get3A_395 = arith.index_cast %add3A_394 : i32 to index
        %get3A_396 = arith.constant 16 : index
        %get3A_397 = tpu.vector_load %arg12[%get3A_395, %get3A_396] {strides = array<i32>} : memref<128x128xi32, #tpu.memory_space<vmem>>, vector<16xi32>,
        %bitcast3A_398 = vector.bitcast %get3A_397 : vector<16xi32> to vector<32xbf16>
        %unpack3A_399 = tpu.unpack_subelements %bitcast3A_398, 0 {pack_format = #tpu.pack_format<interleaved>} : vector<32xbf16> -> vector<16xf32>
        %unpack3A_400 = tpu.unpack_subelements %bitcast3A_398, 1 {pack_format = #tpu.pack_format<interleaved>} : vector<32xbf16> -> vector<16xf32>
        %add3A_401 = arith.constant 1 : i32
        %add3A_402 = arith.addi %mul3A_232, %add3A_401 : i32
        %get3A_403 = arith.index_cast %add3A_402 : i32 to index
        %get3A_404 = arith.constant 16 : index
        %get3A_405 = tpu.vector_load %arg12[%get3A_403, %get3A_404] {strides = array<i32>} : memref<128x128xi32, #tpu.memory_space<vmem>>, vector<16xi32>,
        %bitcast3A_406 = vector.bitcast %get3A_405 : vector<16xi32> to vector<32xbf16>
        %unpack3A_407 = tpu.unpack_subelements %bitcast3A_406, 0 {pack_format = #tpu.pack_format<interleaved>} : vector<32xbf16> -> vector<16xf32>
        %unpack3A_408 = tpu.unpack_subelements %bitcast3A_406, 1 {pack_format = #tpu.pack_format<interleaved>} : vector<32xbf16> -> vector<16xf32>
        %add3A_409 = arith.constant 2 : i32
        %add3A_410 = arith.addi %mul3A_232, %add3A_409 : i32
        %get3A_411 = arith.index_cast %add3A_410 : i32 to index
        %get3A_412 = arith.constant 16 : index
        %get3A_413 = tpu.vector_load %arg12[%get3A_411, %get3A_412] {strides = array<i32>} : memref<128x128xi32, #tpu.memory_space<vmem>>, vector<16xi32>,
        %bitcast3A_414 = vector.bitcast %get3A_413 : vector<16xi32> to vector<32xbf16>
        %unpack3A_415 = tpu.unpack_subelements %bitcast3A_414, 0 {pack_format = #tpu.pack_format<interleaved>} : vector<32xbf16> -> vector<16xf32>
        %unpack3A_416 = tpu.unpack_subelements %bitcast3A_414, 1 {pack_format = #tpu.pack_format<interleaved>} : vector<32xbf16> -> vector<16xf32>
        %add3A_417 = arith.constant 3 : i32
        %add3A_418 = arith.addi %mul3A_232, %add3A_417 : i32
        %get3A_419 = arith.index_cast %add3A_418 : i32 to index
        %get3A_420 = arith.constant 16 : index
        %get3A_421 = tpu.vector_load %arg12[%get3A_419, %get3A_420] {strides = array<i32>} : memref<128x128xi32, #tpu.memory_space<vmem>>, vector<16xi32>,
        %bitcast3A_422 = vector.bitcast %get3A_421 : vector<16xi32> to vector<32xbf16>
        %unpack3A_423 = tpu.unpack_subelements %bitcast3A_422, 0 {pack_format = #tpu.pack_format<interleaved>} : vector<32xbf16> -> vector<16xf32>
        %unpack3A_424 = tpu.unpack_subelements %bitcast3A_422, 1 {pack_format = #tpu.pack_format<interleaved>} : vector<32xbf16> -> vector<16xf32>
        %add3A_425 = arith.constant 4 : i32
        %add3A_426 = arith.addi %mul3A_232, %add3A_425 : i32
        %get3A_427 = arith.index_cast %add3A_426 : i32 to index
        %get3A_428 = arith.constant 16 : index
        %get3A_429 = tpu.vector_load %arg12[%get3A_427, %get3A_428] {strides = array<i32>} : memref<128x128xi32, #tpu.memory_space<vmem>>, vector<16xi32>,
        %bitcast3A_430 = vector.bitcast %get3A_429 : vector<16xi32> to vector<32xbf16>
        %unpack3A_431 = tpu.unpack_subelements %bitcast3A_430, 0 {pack_format = #tpu.pack_format<interleaved>} : vector<32xbf16> -> vector<16xf32>
        %unpack3A_432 = tpu.unpack_subelements %bitcast3A_430, 1 {pack_format = #tpu.pack_format<interleaved>} : vector<32xbf16> -> vector<16xf32>
        %add3A_433 = arith.constant 5 : i32
        %add3A_434 = arith.addi %mul3A_232, %add3A_433 : i32
        %get3A_435 = arith.index_cast %add3A_434 : i32 to index
        %get3A_436 = arith.constant 16 : index
        %get3A_437 = tpu.vector_load %arg12[%get3A_435, %get3A_436] {strides = array<i32>} : memref<128x128xi32, #tpu.memory_space<vmem>>, vector<16xi32>,
        %bitcast3A_438 = vector.bitcast %get3A_437 : vector<16xi32> to vector<32xbf16>
        %unpack3A_439 = tpu.unpack_subelements %bitcast3A_438, 0 {pack_format = #tpu.pack_format<interleaved>} : vector<32xbf16> -> vector<16xf32>
        %unpack3A_440 = tpu.unpack_subelements %bitcast3A_438, 1 {pack_format = #tpu.pack_format<interleaved>} : vector<32xbf16> -> vector<16xf32>
        %add3A_441 = arith.constant 6 : i32
        %add3A_442 = arith.addi %mul3A_232, %add3A_441 : i32
        %get3A_443 = arith.index_cast %add3A_442 : i32 to index
        %get3A_444 = arith.constant 16 : index
        %get3A_445 = tpu.vector_load %arg12[%get3A_443, %get3A_444] {strides = array<i32>} : memref<128x128xi32, #tpu.memory_space<vmem>>, vector<16xi32>,
        %bitcast3A_446 = vector.bitcast %get3A_445 : vector<16xi32> to vector<32xbf16>
        %unpack3A_447 = tpu.unpack_subelements %bitcast3A_446, 0 {pack_format = #tpu.pack_format<interleaved>} : vector<32xbf16> -> vector<16xf32>
        %unpack3A_448 = tpu.unpack_subelements %bitcast3A_446, 1 {pack_format = #tpu.pack_format<interleaved>} : vector<32xbf16> -> vector<16xf32>
        %add3A_449 = arith.constant 7 : i32
        %add3A_450 = arith.addi %mul3A_232, %add3A_449 : i32
        %get3A_451 = arith.index_cast %add3A_450 : i32 to index
        %get3A_452 = arith.constant 16 : index
        %get3A_453 = tpu.vector_load %arg12[%get3A_451, %get3A_452] {strides = array<i32>} : memref<128x128xi32, #tpu.memory_space<vmem>>, vector<16xi32>,
        %bitcast3A_454 = vector.bitcast %get3A_453 : vector<16xi32> to vector<32xbf16>
        %unpack3A_455 = tpu.unpack_subelements %bitcast3A_454, 0 {pack_format = #tpu.pack_format<interleaved>} : vector<32xbf16> -> vector<16xf32>
        %unpack3A_456 = tpu.unpack_subelements %bitcast3A_454, 1 {pack_format = #tpu.pack_format<interleaved>} : vector<32xbf16> -> vector<16xf32>
        %add3A_457 = arith.constant 8 : i32
        %add3A_458 = arith.addi %mul3A_232, %add3A_457 : i32
        %get3A_459 = arith.index_cast %add3A_458 : i32 to index
        %get3A_460 = arith.constant 16 : index
        %get3A_461 = tpu.vector_load %arg12[%get3A_459, %get3A_460] {strides = array<i32>} : memref<128x128xi32, #tpu.memory_space<vmem>>, vector<16xi32>,
        %bitcast3A_462 = vector.bitcast %get3A_461 : vector<16xi32> to vector<32xbf16>
        %unpack3A_463 = tpu.unpack_subelements %bitcast3A_462, 0 {pack_format = #tpu.pack_format<interleaved>} : vector<32xbf16> -> vector<16xf32>
        %unpack3A_464 = tpu.unpack_subelements %bitcast3A_462, 1 {pack_format = #tpu.pack_format<interleaved>} : vector<32xbf16> -> vector<16xf32>
        %add3A_465 = arith.constant 9 : i32
        %add3A_466 = arith.addi %mul3A_232, %add3A_465 : i32
        %get3A_467 = arith.index_cast %add3A_466 : i32 to index
        %get3A_468 = arith.constant 16 : index
        %get3A_469 = tpu.vector_load %arg12[%get3A_467, %get3A_468] {strides = array<i32>} : memref<128x128xi32, #tpu.memory_space<vmem>>, vector<16xi32>,
        %bitcast3A_470 = vector.bitcast %get3A_469 : vector<16xi32> to vector<32xbf16>
        %unpack3A_471 = tpu.unpack_subelements %bitcast3A_470, 0 {pack_format = #tpu.pack_format<interleaved>} : vector<32xbf16> -> vector<16xf32>
        %unpack3A_472 = tpu.unpack_subelements %bitcast3A_470, 1 {pack_format = #tpu.pack_format<interleaved>} : vector<32xbf16> -> vector<16xf32>
        %add3A_473 = arith.constant 10 : i32
        %add3A_474 = arith.addi %mul3A_232, %add3A_473 : i32
        %get3A_475 = arith.index_cast %add3A_474 : i32 to index
        %get3A_476 = arith.constant 16 : index
        %get3A_477 = tpu.vector_load %arg12[%get3A_475, %get3A_476] {strides = array<i32>} : memref<128x128xi32, #tpu.memory_space<vmem>>, vector<16xi32>,
        %bitcast3A_478 = vector.bitcast %get3A_477 : vector<16xi32> to vector<32xbf16>
        %unpack3A_479 = tpu.unpack_subelements %bitcast3A_478, 0 {pack_format = #tpu.pack_format<interleaved>} : vector<32xbf16> -> vector<16xf32>
        %unpack3A_480 = tpu.unpack_subelements %bitcast3A_478, 1 {pack_format = #tpu.pack_format<interleaved>} : vector<32xbf16> -> vector<16xf32>
        %add3A_481 = arith.constant 11 : i32
        %add3A_482 = arith.addi %mul3A_232, %add3A_481 : i32
        %get3A_483 = arith.index_cast %add3A_482 : i32 to index
        %get3A_484 = arith.constant 16 : index
        %get3A_485 = tpu.vector_load %arg12[%get3A_483, %get3A_484] {strides = array<i32>} : memref<128x128xi32, #tpu.memory_space<vmem>>, vector<16xi32>,
        %bitcast3A_486 = vector.bitcast %get3A_485 : vector<16xi32> to vector<32xbf16>
        %unpack3A_487 = tpu.unpack_subelements %bitcast3A_486, 0 {pack_format = #tpu.pack_format<interleaved>} : vector<32xbf16> -> vector<16xf32>
        %unpack3A_488 = tpu.unpack_subelements %bitcast3A_486, 1 {pack_format = #tpu.pack_format<interleaved>} : vector<32xbf16> -> vector<16xf32>
        %add3A_489 = arith.constant 12 : i32
        %add3A_490 = arith.addi %mul3A_232, %add3A_489 : i32
        %get3A_491 = arith.index_cast %add3A_490 : i32 to index
        %get3A_492 = arith.constant 16 : index
        %get3A_493 = tpu.vector_load %arg12[%get3A_491, %get3A_492] {strides = array<i32>} : memref<128x128xi32, #tpu.memory_space<vmem>>, vector<16xi32>,
        %bitcast3A_494 = vector.bitcast %get3A_493 : vector<16xi32> to vector<32xbf16>
        %unpack3A_495 = tpu.unpack_subelements %bitcast3A_494, 0 {pack_format = #tpu.pack_format<interleaved>} : vector<32xbf16> -> vector<16xf32>
        %unpack3A_496 = tpu.unpack_subelements %bitcast3A_494, 1 {pack_format = #tpu.pack_format<interleaved>} : vector<32xbf16> -> vector<16xf32>
        %add3A_497 = arith.constant 13 : i32
        %add3A_498 = arith.addi %mul3A_232, %add3A_497 : i32
        %get3A_499 = arith.index_cast %add3A_498 : i32 to index
        %get3A_500 = arith.constant 16 : index
        %get3A_501 = tpu.vector_load %arg12[%get3A_499, %get3A_500] {strides = array<i32>} : memref<128x128xi32, #tpu.memory_space<vmem>>, vector<16xi32>,
        %bitcast3A_502 = vector.bitcast %get3A_501 : vector<16xi32> to vector<32xbf16>
        %unpack3A_503 = tpu.unpack_subelements %bitcast3A_502, 0 {pack_format = #tpu.pack_format<interleaved>} : vector<32xbf16> -> vector<16xf32>
        %unpack3A_504 = tpu.unpack_subelements %bitcast3A_502, 1 {pack_format = #tpu.pack_format<interleaved>} : vector<32xbf16> -> vector<16xf32>
        %add3A_505 = arith.constant 14 : i32
        %add3A_506 = arith.addi %mul3A_232, %add3A_505 : i32
        %get3A_507 = arith.index_cast %add3A_506 : i32 to index
        %get3A_508 = arith.constant 16 : index
        %get3A_509 = tpu.vector_load %arg12[%get3A_507, %get3A_508] {strides = array<i32>} : memref<128x128xi32, #tpu.memory_space<vmem>>, vector<16xi32>,
        %bitcast3A_510 = vector.bitcast %get3A_509 : vector<16xi32> to vector<32xbf16>
        %unpack3A_511 = tpu.unpack_subelements %bitcast3A_510, 0 {pack_format = #tpu.pack_format<interleaved>} : vector<32xbf16> -> vector<16xf32>
        %unpack3A_512 = tpu.unpack_subelements %bitcast3A_510, 1 {pack_format = #tpu.pack_format<interleaved>} : vector<32xbf16> -> vector<16xf32>
        %add3A_513 = arith.constant 15 : i32
        %add3A_514 = arith.addi %mul3A_232, %add3A_513 : i32
        %get3A_515 = arith.index_cast %add3A_514 : i32 to index
        %get3A_516 = arith.constant 16 : index
        %get3A_517 = tpu.vector_load %arg12[%get3A_515, %get3A_516] {strides = array<i32>} : memref<128x128xi32, #tpu.memory_space<vmem>>, vector<16xi32>,
        %bitcast3A_518 = vector.bitcast %get3A_517 : vector<16xi32> to vector<32xbf16>
        %unpack3A_519 = tpu.unpack_subelements %bitcast3A_518, 0 {pack_format = #tpu.pack_format<interleaved>} : vector<32xbf16> -> vector<16xf32>
        %unpack3A_520 = tpu.unpack_subelements %bitcast3A_518, 1 {pack_format = #tpu.pack_format<interleaved>} : vector<32xbf16> -> vector<16xf32>
        %add3A_521 = arith.addf %unpack3A_399, %unpack3A_407 : vector<16xf32>
        %add3A_522 = arith.addf %unpack3A_415, %unpack3A_423 : vector<16xf32>
        %add3A_523 = arith.addf %unpack3A_431, %unpack3A_439 : vector<16xf32>
        %add3A_524 = arith.addf %unpack3A_447, %unpack3A_455 : vector<16xf32>
        %add3A_525 = arith.addf %unpack3A_463, %unpack3A_471 : vector<16xf32>
        %add3A_526 = arith.addf %unpack3A_479, %unpack3A_487 : vector<16xf32>
        %add3A_527 = arith.addf %unpack3A_495, %unpack3A_503 : vector<16xf32>
        %add3A_528 = arith.addf %unpack3A_511, %unpack3A_519 : vector<16xf32>
        %add3A_529 = arith.addf %add3A_521, %add3A_522 : vector<16xf32>
        %add3A_530 = arith.addf %add3A_523, %add3A_524 : vector<16xf32>
        %add3A_531 = arith.addf %add3A_525, %add3A_526 : vector<16xf32>
        %add3A_532 = arith.addf %add3A_527, %add3A_528 : vector<16xf32>
        %add3A_533 = arith.addf %add3A_529, %add3A_530 : vector<16xf32>
        %add3A_534 = arith.addf %add3A_531, %add3A_532 : vector<16xf32>
        %add3A_535 = arith.addf %add3A_533, %add3A_534 : vector<16xf32>
        %swap3A_536 = arith.index_cast %scan3A_229 : i32 to index
        %swap3A_537 = arith.constant 32 : index
        %swap3A_538 = tpu.vector_load %arg14[%swap3A_536, %swap3A_537] {strides = array<i32>} : memref<8x256xf32, #tpu.memory_space<vmem>>, vector<16xf32>,
        tpu.vector_store %arg14[%swap3A_536, %swap3A_537], %add3A_535 {strides = array<i32>} : memref<8x256xf32, #tpu.memory_space<vmem>>, vector<16xf32>,
        %add3A_539 = arith.addf %unpack3A_400, %unpack3A_408 : vector<16xf32>
        %add3A_540 = arith.addf %unpack3A_416, %unpack3A_424 : vector<16xf32>
        %add3A_541 = arith.addf %unpack3A_432, %unpack3A_440 : vector<16xf32>
        %add3A_542 = arith.addf %unpack3A_448, %unpack3A_456 : vector<16xf32>
        %add3A_543 = arith.addf %unpack3A_464, %unpack3A_472 : vector<16xf32>
        %add3A_544 = arith.addf %unpack3A_480, %unpack3A_488 : vector<16xf32>
        %add3A_545 = arith.addf %unpack3A_496, %unpack3A_504 : vector<16xf32>
        %add3A_546 = arith.addf %unpack3A_512, %unpack3A_520 : vector<16xf32>
        %add3A_547 = arith.addf %add3A_539, %add3A_540 : vector<16xf32>
        %add3A_548 = arith.addf %add3A_541, %add3A_542 : vector<16xf32>
        %add3A_549 = arith.addf %add3A_543, %add3A_544 : vector<16xf32>
        %add3A_550 = arith.addf %add3A_545, %add3A_546 : vector<16xf32>
        %add3A_551 = arith.addf %add3A_547, %add3A_548 : vector<16xf32>
        %add3A_552 = arith.addf %add3A_549, %add3A_550 : vector<16xf32>
        %add3A_553 = arith.addf %add3A_551, %add3A_552 : vector<16xf32>
        %swap3A_554 = arith.index_cast %scan3A_229 : i32 to index
        %swap3A_555 = arith.constant 48 : index
        %swap3A_556 = tpu.vector_load %arg14[%swap3A_554, %swap3A_555] {strides = array<i32>} : memref<8x256xf32, #tpu.memory_space<vmem>>, vector<16xf32>,
        tpu.vector_store %arg14[%swap3A_554, %swap3A_555], %add3A_553 {strides = array<i32>} : memref<8x256xf32, #tpu.memory_space<vmem>>, vector<16xf32>,
        %add3A_557 = arith.constant 0 : i32
        %add3A_558 = arith.addi %mul3A_232, %add3A_557 : i32
        %get3A_559 = arith.index_cast %add3A_558 : i32 to index
        %get3A_560 = arith.constant 32 : index
        %get3A_561 = tpu.vector_load %arg12[%get3A_559, %get3A_560] {strides = array<i32>} : memref<128x128xi32, #tpu.memory_space<vmem>>, vector<16xi32>,
        %bitcast3A_562 = vector.bitcast %get3A_561 : vector<16xi32> to vector<32xbf16>
        %unpack3A_563 = tpu.unpack_subelements %bitcast3A_562, 0 {pack_format = #tpu.pack_format<interleaved>} : vector<32xbf16> -> vector<16xf32>
        %unpack3A_564 = tpu.unpack_subelements %bitcast3A_562, 1 {pack_format = #tpu.pack_format<interleaved>} : vector<32xbf16> -> vector<16xf32>
        %add3A_565 = arith.constant 1 : i32
        %add3A_566 = arith.addi %mul3A_232, %add3A_565 : i32
        %get3A_567 = arith.index_cast %add3A_566 : i32 to index
        %get3A_568 = arith.constant 32 : index
        %get3A_569 = tpu.vector_load %arg12[%get3A_567, %get3A_568] {strides = array<i32>} : memref<128x128xi32, #tpu.memory_space<vmem>>, vector<16xi32>,
        %bitcast3A_570 = vector.bitcast %get3A_569 : vector<16xi32> to vector<32xbf16>
        %unpack3A_571 = tpu.unpack_subelements %bitcast3A_570, 0 {pack_format = #tpu.pack_format<interleaved>} : vector<32xbf16> -> vector<16xf32>
        %unpack3A_572 = tpu.unpack_subelements %bitcast3A_570, 1 {pack_format = #tpu.pack_format<interleaved>} : vector<32xbf16> -> vector<16xf32>
        %add3A_573 = arith.constant 2 : i32
        %add3A_574 = arith.addi %mul3A_232, %add3A_573 : i32
        %get3A_575 = arith.index_cast %add3A_574 : i32 to index
        %get3A_576 = arith.constant 32 : index
        %get3A_577 = tpu.vector_load %arg12[%get3A_575, %get3A_576] {strides = array<i32>} : memref<128x128xi32, #tpu.memory_space<vmem>>, vector<16xi32>,
        %bitcast3A_578 = vector.bitcast %get3A_577 : vector<16xi32> to vector<32xbf16>
        %unpack3A_579 = tpu.unpack_subelements %bitcast3A_578, 0 {pack_format = #tpu.pack_format<interleaved>} : vector<32xbf16> -> vector<16xf32>
        %unpack3A_580 = tpu.unpack_subelements %bitcast3A_578, 1 {pack_format = #tpu.pack_format<interleaved>} : vector<32xbf16> -> vector<16xf32>
        %add3A_581 = arith.constant 3 : i32
        %add3A_582 = arith.addi %mul3A_232, %add3A_581 : i32
        %get3A_583 = arith.index_cast %add3A_582 : i32 to index
        %get3A_584 = arith.constant 32 : index
        %get3A_585 = tpu.vector_load %arg12[%get3A_583, %get3A_584] {strides = array<i32>} : memref<128x128xi32, #tpu.memory_space<vmem>>, vector<16xi32>,
        %bitcast3A_586 = vector.bitcast %get3A_585 : vector<16xi32> to vector<32xbf16>
        %unpack3A_587 = tpu.unpack_subelements %bitcast3A_586, 0 {pack_format = #tpu.pack_format<interleaved>} : vector<32xbf16> -> vector<16xf32>
        %unpack3A_588 = tpu.unpack_subelements %bitcast3A_586, 1 {pack_format = #tpu.pack_format<interleaved>} : vector<32xbf16> -> vector<16xf32>
        %add3A_589 = arith.constant 4 : i32
        %add3A_590 = arith.addi %mul3A_232, %add3A_589 : i32
        %get3A_591 = arith.index_cast %add3A_590 : i32 to index
        %get3A_592 = arith.constant 32 : index
        %get3A_593 = tpu.vector_load %arg12[%get3A_591, %get3A_592] {strides = array<i32>} : memref<128x128xi32, #tpu.memory_space<vmem>>, vector<16xi32>,
        %bitcast3A_594 = vector.bitcast %get3A_593 : vector<16xi32> to vector<32xbf16>
        %unpack3A_595 = tpu.unpack_subelements %bitcast3A_594, 0 {pack_format = #tpu.pack_format<interleaved>} : vector<32xbf16> -> vector<16xf32>
        %unpack3A_596 = tpu.unpack_subelements %bitcast3A_594, 1 {pack_format = #tpu.pack_format<interleaved>} : vector<32xbf16> -> vector<16xf32>
        %add3A_597 = arith.constant 5 : i32
        %add3A_598 = arith.addi %mul3A_232, %add3A_597 : i32
        %get3A_599 = arith.index_cast %add3A_598 : i32 to index
        %get3A_600 = arith.constant 32 : index
        %get3A_601 = tpu.vector_load %arg12[%get3A_599, %get3A_600] {strides = array<i32>} : memref<128x128xi32, #tpu.memory_space<vmem>>, vector<16xi32>,
        %bitcast3A_602 = vector.bitcast %get3A_601 : vector<16xi32> to vector<32xbf16>
        %unpack3A_603 = tpu.unpack_subelements %bitcast3A_602, 0 {pack_format = #tpu.pack_format<interleaved>} : vector<32xbf16> -> vector<16xf32>
        %unpack3A_604 = tpu.unpack_subelements %bitcast3A_602, 1 {pack_format = #tpu.pack_format<interleaved>} : vector<32xbf16> -> vector<16xf32>
        %add3A_605 = arith.constant 6 : i32
        %add3A_606 = arith.addi %mul3A_232, %add3A_605 : i32
        %get3A_607 = arith.index_cast %add3A_606 : i32 to index
        %get3A_608 = arith.constant 32 : index
        %get3A_609 = tpu.vector_load %arg12[%get3A_607, %get3A_608] {strides = array<i32>} : memref<128x128xi32, #tpu.memory_space<vmem>>, vector<16xi32>,
        %bitcast3A_610 = vector.bitcast %get3A_609 : vector<16xi32> to vector<32xbf16>
        %unpack3A_611 = tpu.unpack_subelements %bitcast3A_610, 0 {pack_format = #tpu.pack_format<interleaved>} : vector<32xbf16> -> vector<16xf32>
        %unpack3A_612 = tpu.unpack_subelements %bitcast3A_610, 1 {pack_format = #tpu.pack_format<interleaved>} : vector<32xbf16> -> vector<16xf32>
        %add3A_613 = arith.constant 7 : i32
        %add3A_614 = arith.addi %mul3A_232, %add3A_613 : i32
        %get3A_615 = arith.index_cast %add3A_614 : i32 to index
        %get3A_616 = arith.constant 32 : index
        %get3A_617 = tpu.vector_load %arg12[%get3A_615, %get3A_616] {strides = array<i32>} : memref<128x128xi32, #tpu.memory_space<vmem>>, vector<16xi32>,
        %bitcast3A_618 = vector.bitcast %get3A_617 : vector<16xi32> to vector<32xbf16>
        %unpack3A_619 = tpu.unpack_subelements %bitcast3A_618, 0 {pack_format = #tpu.pack_format<interleaved>} : vector<32xbf16> -> vector<16xf32>
        %unpack3A_620 = tpu.unpack_subelements %bitcast3A_618, 1 {pack_format = #tpu.pack_format<interleaved>} : vector<32xbf16> -> vector<16xf32>
        %add3A_621 = arith.constant 8 : i32
        %add3A_622 = arith.addi %mul3A_232, %add3A_621 : i32
        %get3A_623 = arith.index_cast %add3A_622 : i32 to index
        %get3A_624 = arith.constant 32 : index
        %get3A_625 = tpu.vector_load %arg12[%get3A_623, %get3A_624] {strides = array<i32>} : memref<128x128xi32, #tpu.memory_space<vmem>>, vector<16xi32>,
        %bitcast3A_626 = vector.bitcast %get3A_625 : vector<16xi32> to vector<32xbf16>
        %unpack3A_627 = tpu.unpack_subelements %bitcast3A_626, 0 {pack_format = #tpu.pack_format<interleaved>} : vector<32xbf16> -> vector<16xf32>
        %unpack3A_628 = tpu.unpack_subelements %bitcast3A_626, 1 {pack_format = #tpu.pack_format<interleaved>} : vector<32xbf16> -> vector<16xf32>
        %add3A_629 = arith.constant 9 : i32
        %add3A_630 = arith.addi %mul3A_232, %add3A_629 : i32
        %get3A_631 = arith.index_cast %add3A_630 : i32 to index
        %get3A_632 = arith.constant 32 : index
        %get3A_633 = tpu.vector_load %arg12[%get3A_631, %get3A_632] {strides = array<i32>} : memref<128x128xi32, #tpu.memory_space<vmem>>, vector<16xi32>,
        %bitcast3A_634 = vector.bitcast %get3A_633 : vector<16xi32> to vector<32xbf16>
        %unpack3A_635 = tpu.unpack_subelements %bitcast3A_634, 0 {pack_format = #tpu.pack_format<interleaved>} : vector<32xbf16> -> vector<16xf32>
        %unpack3A_636 = tpu.unpack_subelements %bitcast3A_634, 1 {pack_format = #tpu.pack_format<interleaved>} : vector<32xbf16> -> vector<16xf32>
        %add3A_637 = arith.constant 10 : i32
        %add3A_638 = arith.addi %mul3A_232, %add3A_637 : i32
        %get3A_639 = arith.index_cast %add3A_638 : i32 to index
        %get3A_640 = arith.constant 32 : index
        %get3A_641 = tpu.vector_load %arg12[%get3A_639, %get3A_640] {strides = array<i32>} : memref<128x128xi32, #tpu.memory_space<vmem>>, vector<16xi32>,
        %bitcast3A_642 = vector.bitcast %get3A_641 : vector<16xi32> to vector<32xbf16>
        %unpack3A_643 = tpu.unpack_subelements %bitcast3A_642, 0 {pack_format = #tpu.pack_format<interleaved>} : vector<32xbf16> -> vector<16xf32>
        %unpack3A_644 = tpu.unpack_subelements %bitcast3A_642, 1 {pack_format = #tpu.pack_format<interleaved>} : vector<32xbf16> -> vector<16xf32>
        %add3A_645 = arith.constant 11 : i32
        %add3A_646 = arith.addi %mul3A_232, %add3A_645 : i32
        %get3A_647 = arith.index_cast %add3A_646 : i32 to index
        %get3A_648 = arith.constant 32 : index
        %get3A_649 = tpu.vector_load %arg12[%get3A_647, %get3A_648] {strides = array<i32>} : memref<128x128xi32, #tpu.memory_space<vmem>>, vector<16xi32>,
        %bitcast3A_650 = vector.bitcast %get3A_649 : vector<16xi32> to vector<32xbf16>
        %unpack3A_651 = tpu.unpack_subelements %bitcast3A_650, 0 {pack_format = #tpu.pack_format<interleaved>} : vector<32xbf16> -> vector<16xf32>
        %unpack3A_652 = tpu.unpack_subelements %bitcast3A_650, 1 {pack_format = #tpu.pack_format<interleaved>} : vector<32xbf16> -> vector<16xf32>
        %add3A_653 = arith.constant 12 : i32
        %add3A_654 = arith.addi %mul3A_232, %add3A_653 : i32
        %get3A_655 = arith.index_cast %add3A_654 : i32 to index
        %get3A_656 = arith.constant 32 : index
        %get3A_657 = tpu.vector_load %arg12[%get3A_655, %get3A_656] {strides = array<i32>} : memref<128x128xi32, #tpu.memory_space<vmem>>, vector<16xi32>,
        %bitcast3A_658 = vector.bitcast %get3A_657 : vector<16xi32> to vector<32xbf16>
        %unpack3A_659 = tpu.unpack_subelements %bitcast3A_658, 0 {pack_format = #tpu.pack_format<interleaved>} : vector<32xbf16> -> vector<16xf32>
        %unpack3A_660 = tpu.unpack_subelements %bitcast3A_658, 1 {pack_format = #tpu.pack_format<interleaved>} : vector<32xbf16> -> vector<16xf32>
        %add3A_661 = arith.constant 13 : i32
        %add3A_662 = arith.addi %mul3A_232, %add3A_661 : i32
        %get3A_663 = arith.index_cast %add3A_662 : i32 to index
        %get3A_664 = arith.constant 32 : index
        %get3A_665 = tpu.vector_load %arg12[%get3A_663, %get3A_664] {strides = array<i32>} : memref<128x128xi32, #tpu.memory_space<vmem>>, vector<16xi32>,
        %bitcast3A_666 = vector.bitcast %get3A_665 : vector<16xi32> to vector<32xbf16>
        %unpack3A_667 = tpu.unpack_subelements %bitcast3A_666, 0 {pack_format = #tpu.pack_format<interleaved>} : vector<32xbf16> -> vector<16xf32>
        %unpack3A_668 = tpu.unpack_subelements %bitcast3A_666, 1 {pack_format = #tpu.pack_format<interleaved>} : vector<32xbf16> -> vector<16xf32>
        %add3A_669 = arith.constant 14 : i32
        %add3A_670 = arith.addi %mul3A_232, %add3A_669 : i32
        %get3A_671 = arith.index_cast %add3A_670 : i32 to index
        %get3A_672 = arith.constant 32 : index
        %get3A_673 = tpu.vector_load %arg12[%get3A_671, %get3A_672] {strides = array<i32>} : memref<128x128xi32, #tpu.memory_space<vmem>>, vector<16xi32>,
        %bitcast3A_674 = vector.bitcast %get3A_673 : vector<16xi32> to vector<32xbf16>
        %unpack3A_675 = tpu.unpack_subelements %bitcast3A_674, 0 {pack_format = #tpu.pack_format<interleaved>} : vector<32xbf16> -> vector<16xf32>
        %unpack3A_676 = tpu.unpack_subelements %bitcast3A_674, 1 {pack_format = #tpu.pack_format<interleaved>} : vector<32xbf16> -> vector<16xf32>
        %add3A_677 = arith.constant 15 : i32
        %add3A_678 = arith.addi %mul3A_232, %add3A_677 : i32
        %get3A_679 = arith.index_cast %add3A_678 : i32 to index
        %get3A_680 = arith.constant 32 : index
        %get3A_681 = tpu.vector_load %arg12[%get3A_679, %get3A_680] {strides = array<i32>} : memref<128x128xi32, #tpu.memory_space<vmem>>, vector<16xi32>,
        %bitcast3A_682 = vector.bitcast %get3A_681 : vector<16xi32> to vector<32xbf16>
        %unpack3A_683 = tpu.unpack_subelements %bitcast3A_682, 0 {pack_format = #tpu.pack_format<interleaved>} : vector<32xbf16> -> vector<16xf32>
        %unpack3A_684 = tpu.unpack_subelements %bitcast3A_682, 1 {pack_format = #tpu.pack_format<interleaved>} : vector<32xbf16> -> vector<16xf32>
        %add3A_685 = arith.addf %unpack3A_563, %unpack3A_571 : vector<16xf32>
        %add3A_686 = arith.addf %unpack3A_579, %unpack3A_587 : vector<16xf32>
        %add3A_687 = arith.addf %unpack3A_595, %unpack3A_603 : vector<16xf32>
        %add3A_688 = arith.addf %unpack3A_611, %unpack3A_619 : vector<16xf32>
        %add3A_689 = arith.addf %unpack3A_627, %unpack3A_635 : vector<16xf32>
        %add3A_690 = arith.addf %unpack3A_643, %unpack3A_651 : vector<16xf32>
        %add3A_691 = arith.addf %unpack3A_659, %unpack3A_667 : vector<16xf32>
        %add3A_692 = arith.addf %unpack3A_675, %unpack3A_683 : vector<16xf32>
        %add3A_693 = arith.addf %add3A_685, %add3A_686 : vector<16xf32>
        %add3A_694 = arith.addf %add3A_687, %add3A_688 : vector<16xf32>
        %add3A_695 = arith.addf %add3A_689, %add3A_690 : vector<16xf32>
        %add3A_696 = arith.addf %add3A_691, %add3A_692 : vector<16xf32>
        %add3A_697 = arith.addf %add3A_693, %add3A_694 : vector<16xf32>
        %add3A_698 = arith.addf %add3A_695, %add3A_696 : vector<16xf32>
        %add3A_699 = arith.addf %add3A_697, %add3A_698 : vector<16xf32>
        %swap3A_700 = arith.index_cast %scan3A_229 : i32 to index
        %swap3A_701 = arith.constant 64 : index
        %swap3A_702 = tpu.vector_load %arg14[%swap3A_700, %swap3A_701] {strides = array<i32>} : memref<8x256xf32, #tpu.memory_space<vmem>>, vector<16xf32>,
        tpu.vector_store %arg14[%swap3A_700, %swap3A_701], %add3A_699 {strides = array<i32>} : memref<8x256xf32, #tpu.memory_space<vmem>>, vector<16xf32>,
        %add3A_703 = arith.addf %unpack3A_564, %unpack3A_572 : vector<16xf32>
        %add3A_704 = arith.addf %unpack3A_580, %unpack3A_588 : vector<16xf32>
        %add3A_705 = arith.addf %unpack3A_596, %unpack3A_604 : vector<16xf32>
        %add3A_706 = arith.addf %unpack3A_612, %unpack3A_620 : vector<16xf32>
        %add3A_707 = arith.addf %unpack3A_628, %unpack3A_636 : vector<16xf32>
        %add3A_708 = arith.addf %unpack3A_644, %unpack3A_652 : vector<16xf32>
        %add3A_709 = arith.addf %unpack3A_660, %unpack3A_668 : vector<16xf32>
        %add3A_710 = arith.addf %unpack3A_676, %unpack3A_684 : vector<16xf32>
        %add3A_711 = arith.addf %add3A_703, %add3A_704 : vector<16xf32>
        %add3A_712 = arith.addf %add3A_705, %add3A_706 : vector<16xf32>
        %add3A_713 = arith.addf %add3A_707, %add3A_708 : vector<16xf32>
        %add3A_714 = arith.addf %add3A_709, %add3A_710 : vector<16xf32>
        %add3A_715 = arith.addf %add3A_711, %add3A_712 : vector<16xf32>
        %add3A_716 = arith.addf %add3A_713, %add3A_714 : vector<16xf32>
        %add3A_717 = arith.addf %add3A_715, %add3A_716 : vector<16xf32>
        %swap3A_718 = arith.index_cast %scan3A_229 : i32 to index
        %swap3A_719 = arith.constant 80 : index
        %swap3A_720 = tpu.vector_load %arg14[%swap3A_718, %swap3A_719] {strides = array<i32>} : memref<8x256xf32, #tpu.memory_space<vmem>>, vector<16xf32>,
        tpu.vector_store %arg14[%swap3A_718, %swap3A_719], %add3A_717 {strides = array<i32>} : memref<8x256xf32, #tpu.memory_space<vmem>>, vector<16xf32>,
        %add3A_721 = arith.constant 0 : i32
        %add3A_722 = arith.addi %mul3A_232, %add3A_721 : i32
        %get3A_723 = arith.index_cast %add3A_722 : i32 to index
        %get3A_724 = arith.constant 48 : index
        %get3A_725 = tpu.vector_load %arg12[%get3A_723, %get3A_724] {strides = array<i32>} : memref<128x128xi32, #tpu.memory_space<vmem>>, vector<16xi32>,
        %bitcast3A_726 = vector.bitcast %get3A_725 : vector<16xi32> to vector<32xbf16>
        %unpack3A_727 = tpu.unpack_subelements %bitcast3A_726, 0 {pack_format = #tpu.pack_format<interleaved>} : vector<32xbf16> -> vector<16xf32>
        %unpack3A_728 = tpu.unpack_subelements %bitcast3A_726, 1 {pack_format = #tpu.pack_format<interleaved>} : vector<32xbf16> -> vector<16xf32>
        %add3A_729 = arith.constant 1 : i32
        %add3A_730 = arith.addi %mul3A_232, %add3A_729 : i32
        %get3A_731 = arith.index_cast %add3A_730 : i32 to index
        %get3A_732 = arith.constant 48 : index
        %get3A_733 = tpu.vector_load %arg12[%get3A_731, %get3A_732] {strides = array<i32>} : memref<128x128xi32, #tpu.memory_space<vmem>>, vector<16xi32>,
        %bitcast3A_734 = vector.bitcast %get3A_733 : vector<16xi32> to vector<32xbf16>
        %unpack3A_735 = tpu.unpack_subelements %bitcast3A_734, 0 {pack_format = #tpu.pack_format<interleaved>} : vector<32xbf16> -> vector<16xf32>
        %unpack3A_736 = tpu.unpack_subelements %bitcast3A_734, 1 {pack_format = #tpu.pack_format<interleaved>} : vector<32xbf16> -> vector<16xf32>
        %add3A_737 = arith.constant 2 : i32
        %add3A_738 = arith.addi %mul3A_232, %add3A_737 : i32
        %get3A_739 = arith.index_cast %add3A_738 : i32 to index
        %get3A_740 = arith.constant 48 : index
        %get3A_741 = tpu.vector_load %arg12[%get3A_739, %get3A_740] {strides = array<i32>} : memref<128x128xi32, #tpu.memory_space<vmem>>, vector<16xi32>,
        %bitcast3A_742 = vector.bitcast %get3A_741 : vector<16xi32> to vector<32xbf16>
        %unpack3A_743 = tpu.unpack_subelements %bitcast3A_742, 0 {pack_format = #tpu.pack_format<interleaved>} : vector<32xbf16> -> vector<16xf32>
        %unpack3A_744 = tpu.unpack_subelements %bitcast3A_742, 1 {pack_format = #tpu.pack_format<interleaved>} : vector<32xbf16> -> vector<16xf32>
        %add3A_745 = arith.constant 3 : i32
        %add3A_746 = arith.addi %mul3A_232, %add3A_745 : i32
        %get3A_747 = arith.index_cast %add3A_746 : i32 to index
        %get3A_748 = arith.constant 48 : index
        %get3A_749 = tpu.vector_load %arg12[%get3A_747, %get3A_748] {strides = array<i32>} : memref<128x128xi32, #tpu.memory_space<vmem>>, vector<16xi32>,
        %bitcast3A_750 = vector.bitcast %get3A_749 : vector<16xi32> to vector<32xbf16>
        %unpack3A_751 = tpu.unpack_subelements %bitcast3A_750, 0 {pack_format = #tpu.pack_format<interleaved>} : vector<32xbf16> -> vector<16xf32>
        %unpack3A_752 = tpu.unpack_subelements %bitcast3A_750, 1 {pack_format = #tpu.pack_format<interleaved>} : vector<32xbf16> -> vector<16xf32>
        %add3A_753 = arith.constant 4 : i32
        %add3A_754 = arith.addi %mul3A_232, %add3A_753 : i32
        %get3A_755 = arith.index_cast %add3A_754 : i32 to index
        %get3A_756 = arith.constant 48 : index
        %get3A_757 = tpu.vector_load %arg12[%get3A_755, %get3A_756] {strides = array<i32>} : memref<128x128xi32, #tpu.memory_space<vmem>>, vector<16xi32>,
        %bitcast3A_758 = vector.bitcast %get3A_757 : vector<16xi32> to vector<32xbf16>
        %unpack3A_759 = tpu.unpack_subelements %bitcast3A_758, 0 {pack_format = #tpu.pack_format<interleaved>} : vector<32xbf16> -> vector<16xf32>
        %unpack3A_760 = tpu.unpack_subelements %bitcast3A_758, 1 {pack_format = #tpu.pack_format<interleaved>} : vector<32xbf16> -> vector<16xf32>
        %add3A_761 = arith.constant 5 : i32
        %add3A_762 = arith.addi %mul3A_232, %add3A_761 : i32
        %get3A_763 = arith.index_cast %add3A_762 : i32 to index
        %get3A_764 = arith.constant 48 : index
        %get3A_765 = tpu.vector_load %arg12[%get3A_763, %get3A_764] {strides = array<i32>} : memref<128x128xi32, #tpu.memory_space<vmem>>, vector<16xi32>,
        %bitcast3A_766 = vector.bitcast %get3A_765 : vector<16xi32> to vector<32xbf16>
        %unpack3A_767 = tpu.unpack_subelements %bitcast3A_766, 0 {pack_format = #tpu.pack_format<interleaved>} : vector<32xbf16> -> vector<16xf32>
        %unpack3A_768 = tpu.unpack_subelements %bitcast3A_766, 1 {pack_format = #tpu.pack_format<interleaved>} : vector<32xbf16> -> vector<16xf32>
        %add3A_769 = arith.constant 6 : i32
        %add3A_770 = arith.addi %mul3A_232, %add3A_769 : i32
        %get3A_771 = arith.index_cast %add3A_770 : i32 to index
        %get3A_772 = arith.constant 48 : index
        %get3A_773 = tpu.vector_load %arg12[%get3A_771, %get3A_772] {strides = array<i32>} : memref<128x128xi32, #tpu.memory_space<vmem>>, vector<16xi32>,
        %bitcast3A_774 = vector.bitcast %get3A_773 : vector<16xi32> to vector<32xbf16>
        %unpack3A_775 = tpu.unpack_subelements %bitcast3A_774, 0 {pack_format = #tpu.pack_format<interleaved>} : vector<32xbf16> -> vector<16xf32>
        %unpack3A_776 = tpu.unpack_subelements %bitcast3A_774, 1 {pack_format = #tpu.pack_format<interleaved>} : vector<32xbf16> -> vector<16xf32>
        %add3A_777 = arith.constant 7 : i32
        %add3A_778 = arith.addi %mul3A_232, %add3A_777 : i32
        %get3A_779 = arith.index_cast %add3A_778 : i32 to index
        %get3A_780 = arith.constant 48 : index
        %get3A_781 = tpu.vector_load %arg12[%get3A_779, %get3A_780] {strides = array<i32>} : memref<128x128xi32, #tpu.memory_space<vmem>>, vector<16xi32>,
        %bitcast3A_782 = vector.bitcast %get3A_781 : vector<16xi32> to vector<32xbf16>
        %unpack3A_783 = tpu.unpack_subelements %bitcast3A_782, 0 {pack_format = #tpu.pack_format<interleaved>} : vector<32xbf16> -> vector<16xf32>
        %unpack3A_784 = tpu.unpack_subelements %bitcast3A_782, 1 {pack_format = #tpu.pack_format<interleaved>} : vector<32xbf16> -> vector<16xf32>
        %add3A_785 = arith.constant 8 : i32
        %add3A_786 = arith.addi %mul3A_232, %add3A_785 : i32
        %get3A_787 = arith.index_cast %add3A_786 : i32 to index
        %get3A_788 = arith.constant 48 : index
        %get3A_789 = tpu.vector_load %arg12[%get3A_787, %get3A_788] {strides = array<i32>} : memref<128x128xi32, #tpu.memory_space<vmem>>, vector<16xi32>,
        %bitcast3A_790 = vector.bitcast %get3A_789 : vector<16xi32> to vector<32xbf16>
        %unpack3A_791 = tpu.unpack_subelements %bitcast3A_790, 0 {pack_format = #tpu.pack_format<interleaved>} : vector<32xbf16> -> vector<16xf32>
        %unpack3A_792 = tpu.unpack_subelements %bitcast3A_790, 1 {pack_format = #tpu.pack_format<interleaved>} : vector<32xbf16> -> vector<16xf32>
        %add3A_793 = arith.constant 9 : i32
        %add3A_794 = arith.addi %mul3A_232, %add3A_793 : i32
        %get3A_795 = arith.index_cast %add3A_794 : i32 to index
        %get3A_796 = arith.constant 48 : index
        %get3A_797 = tpu.vector_load %arg12[%get3A_795, %get3A_796] {strides = array<i32>} : memref<128x128xi32, #tpu.memory_space<vmem>>, vector<16xi32>,
        %bitcast3A_798 = vector.bitcast %get3A_797 : vector<16xi32> to vector<32xbf16>
        %unpack3A_799 = tpu.unpack_subelements %bitcast3A_798, 0 {pack_format = #tpu.pack_format<interleaved>} : vector<32xbf16> -> vector<16xf32>
        %unpack3A_800 = tpu.unpack_subelements %bitcast3A_798, 1 {pack_format = #tpu.pack_format<interleaved>} : vector<32xbf16> -> vector<16xf32>
        %add3A_801 = arith.constant 10 : i32
        %add3A_802 = arith.addi %mul3A_232, %add3A_801 : i32
        %get3A_803 = arith.index_cast %add3A_802 : i32 to index
        %get3A_804 = arith.constant 48 : index
        %get3A_805 = tpu.vector_load %arg12[%get3A_803, %get3A_804] {strides = array<i32>} : memref<128x128xi32, #tpu.memory_space<vmem>>, vector<16xi32>,
        %bitcast3A_806 = vector.bitcast %get3A_805 : vector<16xi32> to vector<32xbf16>
        %unpack3A_807 = tpu.unpack_subelements %bitcast3A_806, 0 {pack_format = #tpu.pack_format<interleaved>} : vector<32xbf16> -> vector<16xf32>
        %unpack3A_808 = tpu.unpack_subelements %bitcast3A_806, 1 {pack_format = #tpu.pack_format<interleaved>} : vector<32xbf16> -> vector<16xf32>
        %add3A_809 = arith.constant 11 : i32
        %add3A_810 = arith.addi %mul3A_232, %add3A_809 : i32
        %get3A_811 = arith.index_cast %add3A_810 : i32 to index
        %get3A_812 = arith.constant 48 : index
        %get3A_813 = tpu.vector_load %arg12[%get3A_811, %get3A_812] {strides = array<i32>} : memref<128x128xi32, #tpu.memory_space<vmem>>, vector<16xi32>,
        %bitcast3A_814 = vector.bitcast %get3A_813 : vector<16xi32> to vector<32xbf16>
        %unpack3A_815 = tpu.unpack_subelements %bitcast3A_814, 0 {pack_format = #tpu.pack_format<interleaved>} : vector<32xbf16> -> vector<16xf32>
        %unpack3A_816 = tpu.unpack_subelements %bitcast3A_814, 1 {pack_format = #tpu.pack_format<interleaved>} : vector<32xbf16> -> vector<16xf32>
        %add3A_817 = arith.constant 12 : i32
        %add3A_818 = arith.addi %mul3A_232, %add3A_817 : i32
        %get3A_819 = arith.index_cast %add3A_818 : i32 to index
        %get3A_820 = arith.constant 48 : index
        %get3A_821 = tpu.vector_load %arg12[%get3A_819, %get3A_820] {strides = array<i32>} : memref<128x128xi32, #tpu.memory_space<vmem>>, vector<16xi32>,
        %bitcast3A_822 = vector.bitcast %get3A_821 : vector<16xi32> to vector<32xbf16>
        %unpack3A_823 = tpu.unpack_subelements %bitcast3A_822, 0 {pack_format = #tpu.pack_format<interleaved>} : vector<32xbf16> -> vector<16xf32>
        %unpack3A_824 = tpu.unpack_subelements %bitcast3A_822, 1 {pack_format = #tpu.pack_format<interleaved>} : vector<32xbf16> -> vector<16xf32>
        %add3A_825 = arith.constant 13 : i32
        %add3A_826 = arith.addi %mul3A_232, %add3A_825 : i32
        %get3A_827 = arith.index_cast %add3A_826 : i32 to index
        %get3A_828 = arith.constant 48 : index
        %get3A_829 = tpu.vector_load %arg12[%get3A_827, %get3A_828] {strides = array<i32>} : memref<128x128xi32, #tpu.memory_space<vmem>>, vector<16xi32>,
        %bitcast3A_830 = vector.bitcast %get3A_829 : vector<16xi32> to vector<32xbf16>
        %unpack3A_831 = tpu.unpack_subelements %bitcast3A_830, 0 {pack_format = #tpu.pack_format<interleaved>} : vector<32xbf16> -> vector<16xf32>
        %unpack3A_832 = tpu.unpack_subelements %bitcast3A_830, 1 {pack_format = #tpu.pack_format<interleaved>} : vector<32xbf16> -> vector<16xf32>
        %add3A_833 = arith.constant 14 : i32
        %add3A_834 = arith.addi %mul3A_232, %add3A_833 : i32
        %get3A_835 = arith.index_cast %add3A_834 : i32 to index
        %get3A_836 = arith.constant 48 : index
        %get3A_837 = tpu.vector_load %arg12[%get3A_835, %get3A_836] {strides = array<i32>} : memref<128x128xi32, #tpu.memory_space<vmem>>, vector<16xi32>,
        %bitcast3A_838 = vector.bitcast %get3A_837 : vector<16xi32> to vector<32xbf16>
        %unpack3A_839 = tpu.unpack_subelements %bitcast3A_838, 0 {pack_format = #tpu.pack_format<interleaved>} : vector<32xbf16> -> vector<16xf32>
        %unpack3A_840 = tpu.unpack_subelements %bitcast3A_838, 1 {pack_format = #tpu.pack_format<interleaved>} : vector<32xbf16> -> vector<16xf32>
        %add3A_841 = arith.constant 15 : i32
        %add3A_842 = arith.addi %mul3A_232, %add3A_841 : i32
        %get3A_843 = arith.index_cast %add3A_842 : i32 to index
        %get3A_844 = arith.constant 48 : index
        %get3A_845 = tpu.vector_load %arg12[%get3A_843, %get3A_844] {strides = array<i32>} : memref<128x128xi32, #tpu.memory_space<vmem>>, vector<16xi32>,
        %bitcast3A_846 = vector.bitcast %get3A_845 : vector<16xi32> to vector<32xbf16>
        %unpack3A_847 = tpu.unpack_subelements %bitcast3A_846, 0 {pack_format = #tpu.pack_format<interleaved>} : vector<32xbf16> -> vector<16xf32>
        %unpack3A_848 = tpu.unpack_subelements %bitcast3A_846, 1 {pack_format = #tpu.pack_format<interleaved>} : vector<32xbf16> -> vector<16xf32>
        %add3A_849 = arith.addf %unpack3A_727, %unpack3A_735 : vector<16xf32>
        %add3A_850 = arith.addf %unpack3A_743, %unpack3A_751 : vector<16xf32>
        %add3A_851 = arith.addf %unpack3A_759, %unpack3A_767 : vector<16xf32>
        %add3A_852 = arith.addf %unpack3A_775, %unpack3A_783 : vector<16xf32>
        %add3A_853 = arith.addf %unpack3A_791, %unpack3A_799 : vector<16xf32>
        %add3A_854 = arith.addf %unpack3A_807, %unpack3A_815 : vector<16xf32>
        %add3A_855 = arith.addf %unpack3A_823, %unpack3A_831 : vector<16xf32>
        %add3A_856 = arith.addf %unpack3A_839, %unpack3A_847 : vector<16xf32>
        %add3A_857 = arith.addf %add3A_849, %add3A_850 : vector<16xf32>
        %add3A_858 = arith.addf %add3A_851, %add3A_852 : vector<16xf32>
        %add3A_859 = arith.addf %add3A_853, %add3A_854 : vector<16xf32>
        %add3A_860 = arith.addf %add3A_855, %add3A_856 : vector<16xf32>
        %add3A_861 = arith.addf %add3A_857, %add3A_858 : vector<16xf32>
        %add3A_862 = arith.addf %add3A_859, %add3A_860 : vector<16xf32>
        %add3A_863 = arith.addf %add3A_861, %add3A_862 : vector<16xf32>
        %swap3A_864 = arith.index_cast %scan3A_229 : i32 to index
        %swap3A_865 = arith.constant 96 : index
        %swap3A_866 = tpu.vector_load %arg14[%swap3A_864, %swap3A_865] {strides = array<i32>} : memref<8x256xf32, #tpu.memory_space<vmem>>, vector<16xf32>,
        tpu.vector_store %arg14[%swap3A_864, %swap3A_865], %add3A_863 {strides = array<i32>} : memref<8x256xf32, #tpu.memory_space<vmem>>, vector<16xf32>,
        %add3A_867 = arith.addf %unpack3A_728, %unpack3A_736 : vector<16xf32>
        %add3A_868 = arith.addf %unpack3A_744, %unpack3A_752 : vector<16xf32>
        %add3A_869 = arith.addf %unpack3A_760, %unpack3A_768 : vector<16xf32>
        %add3A_870 = arith.addf %unpack3A_776, %unpack3A_784 : vector<16xf32>
        %add3A_871 = arith.addf %unpack3A_792, %unpack3A_800 : vector<16xf32>
        %add3A_872 = arith.addf %unpack3A_808, %unpack3A_816 : vector<16xf32>
        %add3A_873 = arith.addf %unpack3A_824, %unpack3A_832 : vector<16xf32>
        %add3A_874 = arith.addf %unpack3A_840, %unpack3A_848 : vector<16xf32>
        %add3A_875 = arith.addf %add3A_867, %add3A_868 : vector<16xf32>
        %add3A_876 = arith.addf %add3A_869, %add3A_870 : vector<16xf32>
        %add3A_877 = arith.addf %add3A_871, %add3A_872 : vector<16xf32>
        %add3A_878 = arith.addf %add3A_873, %add3A_874 : vector<16xf32>
        %add3A_879 = arith.addf %add3A_875, %add3A_876 : vector<16xf32>
        %add3A_880 = arith.addf %add3A_877, %add3A_878 : vector<16xf32>
        %add3A_881 = arith.addf %add3A_879, %add3A_880 : vector<16xf32>
        %swap3A_882 = arith.index_cast %scan3A_229 : i32 to index
        %swap3A_883 = arith.constant 112 : index
        %swap3A_884 = tpu.vector_load %arg14[%swap3A_882, %swap3A_883] {strides = array<i32>} : memref<8x256xf32, #tpu.memory_space<vmem>>, vector<16xf32>,
        tpu.vector_store %arg14[%swap3A_882, %swap3A_883], %add3A_881 {strides = array<i32>} : memref<8x256xf32, #tpu.memory_space<vmem>>, vector<16xf32>,
        %add3A_885 = arith.constant 0 : i32
        %add3A_886 = arith.addi %mul3A_232, %add3A_885 : i32
        %get3A_887 = arith.index_cast %add3A_886 : i32 to index
        %get3A_888 = arith.constant 64 : index
        %get3A_889 = tpu.vector_load %arg12[%get3A_887, %get3A_888] {strides = array<i32>} : memref<128x128xi32, #tpu.memory_space<vmem>>, vector<16xi32>,
        %bitcast3A_890 = vector.bitcast %get3A_889 : vector<16xi32> to vector<32xbf16>
        %unpack3A_891 = tpu.unpack_subelements %bitcast3A_890, 0 {pack_format = #tpu.pack_format<interleaved>} : vector<32xbf16> -> vector<16xf32>
        %unpack3A_892 = tpu.unpack_subelements %bitcast3A_890, 1 {pack_format = #tpu.pack_format<interleaved>} : vector<32xbf16> -> vector<16xf32>
        %add3A_893 = arith.constant 1 : i32
        %add3A_894 = arith.addi %mul3A_232, %add3A_893 : i32
        %get3A_895 = arith.index_cast %add3A_894 : i32 to index
        %get3A_896 = arith.constant 64 : index
        %get3A_897 = tpu.vector_load %arg12[%get3A_895, %get3A_896] {strides = array<i32>} : memref<128x128xi32, #tpu.memory_space<vmem>>, vector<16xi32>,
        %bitcast3A_898 = vector.bitcast %get3A_897 : vector<16xi32> to vector<32xbf16>
        %unpack3A_899 = tpu.unpack_subelements %bitcast3A_898, 0 {pack_format = #tpu.pack_format<interleaved>} : vector<32xbf16> -> vector<16xf32>
        %unpack3A_900 = tpu.unpack_subelements %bitcast3A_898, 1 {pack_format = #tpu.pack_format<interleaved>} : vector<32xbf16> -> vector<16xf32>
        %add3A_901 = arith.constant 2 : i32
        %add3A_902 = arith.addi %mul3A_232, %add3A_901 : i32
        %get3A_903 = arith.index_cast %add3A_902 : i32 to index
        %get3A_904 = arith.constant 64 : index
        %get3A_905 = tpu.vector_load %arg12[%get3A_903, %get3A_904] {strides = array<i32>} : memref<128x128xi32, #tpu.memory_space<vmem>>, vector<16xi32>,
        %bitcast3A_906 = vector.bitcast %get3A_905 : vector<16xi32> to vector<32xbf16>
        %unpack3A_907 = tpu.unpack_subelements %bitcast3A_906, 0 {pack_format = #tpu.pack_format<interleaved>} : vector<32xbf16> -> vector<16xf32>
        %unpack3A_908 = tpu.unpack_subelements %bitcast3A_906, 1 {pack_format = #tpu.pack_format<interleaved>} : vector<32xbf16> -> vector<16xf32>
        %add3A_909 = arith.constant 3 : i32
        %add3A_910 = arith.addi %mul3A_232, %add3A_909 : i32
        %get3A_911 = arith.index_cast %add3A_910 : i32 to index
        %get3A_912 = arith.constant 64 : index
        %get3A_913 = tpu.vector_load %arg12[%get3A_911, %get3A_912] {strides = array<i32>} : memref<128x128xi32, #tpu.memory_space<vmem>>, vector<16xi32>,
        %bitcast3A_914 = vector.bitcast %get3A_913 : vector<16xi32> to vector<32xbf16>
        %unpack3A_915 = tpu.unpack_subelements %bitcast3A_914, 0 {pack_format = #tpu.pack_format<interleaved>} : vector<32xbf16> -> vector<16xf32>
        %unpack3A_916 = tpu.unpack_subelements %bitcast3A_914, 1 {pack_format = #tpu.pack_format<interleaved>} : vector<32xbf16> -> vector<16xf32>
        %add3A_917 = arith.constant 4 : i32
        %add3A_918 = arith.addi %mul3A_232, %add3A_917 : i32
        %get3A_919 = arith.index_cast %add3A_918 : i32 to index
        %get3A_920 = arith.constant 64 : index
        %get3A_921 = tpu.vector_load %arg12[%get3A_919, %get3A_920] {strides = array<i32>} : memref<128x128xi32, #tpu.memory_space<vmem>>, vector<16xi32>,
        %bitcast3A_922 = vector.bitcast %get3A_921 : vector<16xi32> to vector<32xbf16>
        %unpack3A_923 = tpu.unpack_subelements %bitcast3A_922, 0 {pack_format = #tpu.pack_format<interleaved>} : vector<32xbf16> -> vector<16xf32>
        %unpack3A_924 = tpu.unpack_subelements %bitcast3A_922, 1 {pack_format = #tpu.pack_format<interleaved>} : vector<32xbf16> -> vector<16xf32>
        %add3A_925 = arith.constant 5 : i32
        %add3A_926 = arith.addi %mul3A_232, %add3A_925 : i32
        %get3A_927 = arith.index_cast %add3A_926 : i32 to index
        %get3A_928 = arith.constant 64 : index
        %get3A_929 = tpu.vector_load %arg12[%get3A_927, %get3A_928] {strides = array<i32>} : memref<128x128xi32, #tpu.memory_space<vmem>>, vector<16xi32>,
        %bitcast3A_930 = vector.bitcast %get3A_929 : vector<16xi32> to vector<32xbf16>
        %unpack3A_931 = tpu.unpack_subelements %bitcast3A_930, 0 {pack_format = #tpu.pack_format<interleaved>} : vector<32xbf16> -> vector<16xf32>
        %unpack3A_932 = tpu.unpack_subelements %bitcast3A_930, 1 {pack_format = #tpu.pack_format<interleaved>} : vector<32xbf16> -> vector<16xf32>
        %add3A_933 = arith.constant 6 : i32
        %add3A_934 = arith.addi %mul3A_232, %add3A_933 : i32
        %get3A_935 = arith.index_cast %add3A_934 : i32 to index
        %get3A_936 = arith.constant 64 : index
        %get3A_937 = tpu.vector_load %arg12[%get3A_935, %get3A_936] {strides = array<i32>} : memref<128x128xi32, #tpu.memory_space<vmem>>, vector<16xi32>,
        %bitcast3A_938 = vector.bitcast %get3A_937 : vector<16xi32> to vector<32xbf16>
        %unpack3A_939 = tpu.unpack_subelements %bitcast3A_938, 0 {pack_format = #tpu.pack_format<interleaved>} : vector<32xbf16> -> vector<16xf32>
        %unpack3A_940 = tpu.unpack_subelements %bitcast3A_938, 1 {pack_format = #tpu.pack_format<interleaved>} : vector<32xbf16> -> vector<16xf32>
        %add3A_941 = arith.constant 7 : i32
        %add3A_942 = arith.addi %mul3A_232, %add3A_941 : i32
        %get3A_943 = arith.index_cast %add3A_942 : i32 to index
        %get3A_944 = arith.constant 64 : index
        %get3A_945 = tpu.vector_load %arg12[%get3A_943, %get3A_944] {strides = array<i32>} : memref<128x128xi32, #tpu.memory_space<vmem>>, vector<16xi32>,
        %bitcast3A_946 = vector.bitcast %get3A_945 : vector<16xi32> to vector<32xbf16>
        %unpack3A_947 = tpu.unpack_subelements %bitcast3A_946, 0 {pack_format = #tpu.pack_format<interleaved>} : vector<32xbf16> -> vector<16xf32>
        %unpack3A_948 = tpu.unpack_subelements %bitcast3A_946, 1 {pack_format = #tpu.pack_format<interleaved>} : vector<32xbf16> -> vector<16xf32>
        %add3A_949 = arith.constant 8 : i32
        %add3A_950 = arith.addi %mul3A_232, %add3A_949 : i32
        %get3A_951 = arith.index_cast %add3A_950 : i32 to index
        %get3A_952 = arith.constant 64 : index
        %get3A_953 = tpu.vector_load %arg12[%get3A_951, %get3A_952] {strides = array<i32>} : memref<128x128xi32, #tpu.memory_space<vmem>>, vector<16xi32>,
        %bitcast3A_954 = vector.bitcast %get3A_953 : vector<16xi32> to vector<32xbf16>
        %unpack3A_955 = tpu.unpack_subelements %bitcast3A_954, 0 {pack_format = #tpu.pack_format<interleaved>} : vector<32xbf16> -> vector<16xf32>
        %unpack3A_956 = tpu.unpack_subelements %bitcast3A_954, 1 {pack_format = #tpu.pack_format<interleaved>} : vector<32xbf16> -> vector<16xf32>
        %add3A_957 = arith.constant 9 : i32
        %add3A_958 = arith.addi %mul3A_232, %add3A_957 : i32
        %get3A_959 = arith.index_cast %add3A_958 : i32 to index
        %get3A_960 = arith.constant 64 : index
        %get3A_961 = tpu.vector_load %arg12[%get3A_959, %get3A_960] {strides = array<i32>} : memref<128x128xi32, #tpu.memory_space<vmem>>, vector<16xi32>,
        %bitcast3A_962 = vector.bitcast %get3A_961 : vector<16xi32> to vector<32xbf16>
        %unpack3A_963 = tpu.unpack_subelements %bitcast3A_962, 0 {pack_format = #tpu.pack_format<interleaved>} : vector<32xbf16> -> vector<16xf32>
        %unpack3A_964 = tpu.unpack_subelements %bitcast3A_962, 1 {pack_format = #tpu.pack_format<interleaved>} : vector<32xbf16> -> vector<16xf32>
        %add3A_965 = arith.constant 10 : i32
        %add3A_966 = arith.addi %mul3A_232, %add3A_965 : i32
        %get3A_967 = arith.index_cast %add3A_966 : i32 to index
        %get3A_968 = arith.constant 64 : index
        %get3A_969 = tpu.vector_load %arg12[%get3A_967, %get3A_968] {strides = array<i32>} : memref<128x128xi32, #tpu.memory_space<vmem>>, vector<16xi32>,
        %bitcast3A_970 = vector.bitcast %get3A_969 : vector<16xi32> to vector<32xbf16>
        %unpack3A_971 = tpu.unpack_subelements %bitcast3A_970, 0 {pack_format = #tpu.pack_format<interleaved>} : vector<32xbf16> -> vector<16xf32>
        %unpack3A_972 = tpu.unpack_subelements %bitcast3A_970, 1 {pack_format = #tpu.pack_format<interleaved>} : vector<32xbf16> -> vector<16xf32>
        %add3A_973 = arith.constant 11 : i32
        %add3A_974 = arith.addi %mul3A_232, %add3A_973 : i32
        %get3A_975 = arith.index_cast %add3A_974 : i32 to index
        %get3A_976 = arith.constant 64 : index
        %get3A_977 = tpu.vector_load %arg12[%get3A_975, %get3A_976] {strides = array<i32>} : memref<128x128xi32, #tpu.memory_space<vmem>>, vector<16xi32>,
        %bitcast3A_978 = vector.bitcast %get3A_977 : vector<16xi32> to vector<32xbf16>
        %unpack3A_979 = tpu.unpack_subelements %bitcast3A_978, 0 {pack_format = #tpu.pack_format<interleaved>} : vector<32xbf16> -> vector<16xf32>
        %unpack3A_980 = tpu.unpack_subelements %bitcast3A_978, 1 {pack_format = #tpu.pack_format<interleaved>} : vector<32xbf16> -> vector<16xf32>
        %add3A_981 = arith.constant 12 : i32
        %add3A_982 = arith.addi %mul3A_232, %add3A_981 : i32
        %get3A_983 = arith.index_cast %add3A_982 : i32 to index
        %get3A_984 = arith.constant 64 : index
        %get3A_985 = tpu.vector_load %arg12[%get3A_983, %get3A_984] {strides = array<i32>} : memref<128x128xi32, #tpu.memory_space<vmem>>, vector<16xi32>,
        %bitcast3A_986 = vector.bitcast %get3A_985 : vector<16xi32> to vector<32xbf16>
        %unpack3A_987 = tpu.unpack_subelements %bitcast3A_986, 0 {pack_format = #tpu.pack_format<interleaved>} : vector<32xbf16> -> vector<16xf32>
        %unpack3A_988 = tpu.unpack_subelements %bitcast3A_986, 1 {pack_format = #tpu.pack_format<interleaved>} : vector<32xbf16> -> vector<16xf32>
        %add3A_989 = arith.constant 13 : i32
        %add3A_990 = arith.addi %mul3A_232, %add3A_989 : i32
        %get3A_991 = arith.index_cast %add3A_990 : i32 to index
        %get3A_992 = arith.constant 64 : index
        %get3A_993 = tpu.vector_load %arg12[%get3A_991, %get3A_992] {strides = array<i32>} : memref<128x128xi32, #tpu.memory_space<vmem>>, vector<16xi32>,
        %bitcast3A_994 = vector.bitcast %get3A_993 : vector<16xi32> to vector<32xbf16>
        %unpack3A_995 = tpu.unpack_subelements %bitcast3A_994, 0 {pack_format = #tpu.pack_format<interleaved>} : vector<32xbf16> -> vector<16xf32>
        %unpack3A_996 = tpu.unpack_subelements %bitcast3A_994, 1 {pack_format = #tpu.pack_format<interleaved>} : vector<32xbf16> -> vector<16xf32>
        %add3A_997 = arith.constant 14 : i32
        %add3A_998 = arith.addi %mul3A_232, %add3A_997 : i32
        %get3A_999 = arith.index_cast %add3A_998 : i32 to index
        %get3A_1000 = arith.constant 64 : index
        %get3A_1001 = tpu.vector_load %arg12[%get3A_999, %get3A_1000] {strides = array<i32>} : memref<128x128xi32, #tpu.memory_space<vmem>>, vector<16xi32>,
        %bitcast3A_1002 = vector.bitcast %get3A_1001 : vector<16xi32> to vector<32xbf16>
        %unpack3A_1003 = tpu.unpack_subelements %bitcast3A_1002, 0 {pack_format = #tpu.pack_format<interleaved>} : vector<32xbf16> -> vector<16xf32>
        %unpack3A_1004 = tpu.unpack_subelements %bitcast3A_1002, 1 {pack_format = #tpu.pack_format<interleaved>} : vector<32xbf16> -> vector<16xf32>
        %add3A_1005 = arith.constant 15 : i32
        %add3A_1006 = arith.addi %mul3A_232, %add3A_1005 : i32
        %get3A_1007 = arith.index_cast %add3A_1006 : i32 to index
        %get3A_1008 = arith.constant 64 : index
        %get3A_1009 = tpu.vector_load %arg12[%get3A_1007, %get3A_1008] {strides = array<i32>} : memref<128x128xi32, #tpu.memory_space<vmem>>, vector<16xi32>,
        %bitcast3A_1010 = vector.bitcast %get3A_1009 : vector<16xi32> to vector<32xbf16>
        %unpack3A_1011 = tpu.unpack_subelements %bitcast3A_1010, 0 {pack_format = #tpu.pack_format<interleaved>} : vector<32xbf16> -> vector<16xf32>
        %unpack3A_1012 = tpu.unpack_subelements %bitcast3A_1010, 1 {pack_format = #tpu.pack_format<interleaved>} : vector<32xbf16> -> vector<16xf32>
        %add3A_1013 = arith.addf %unpack3A_891, %unpack3A_899 : vector<16xf32>
        %add3A_1014 = arith.addf %unpack3A_907, %unpack3A_915 : vector<16xf32>
        %add3A_1015 = arith.addf %unpack3A_923, %unpack3A_931 : vector<16xf32>
        %add3A_1016 = arith.addf %unpack3A_939, %unpack3A_947 : vector<16xf32>
        %add3A_1017 = arith.addf %unpack3A_955, %unpack3A_963 : vector<16xf32>
        %add3A_1018 = arith.addf %unpack3A_971, %unpack3A_979 : vector<16xf32>
        %add3A_1019 = arith.addf %unpack3A_987, %unpack3A_995 : vector<16xf32>
        %add3A_1020 = arith.addf %unpack3A_1003, %unpack3A_1011 : vector<16xf32>
        %add3A_1021 = arith.addf %add3A_1013, %add3A_1014 : vector<16xf32>
        %add3A_1022 = arith.addf %add3A_1015, %add3A_1016 : vector<16xf32>
        %add3A_1023 = arith.addf %add3A_1017, %add3A_1018 : vector<16xf32>
        %add3A_1024 = arith.addf %add3A_1019, %add3A_1020 : vector<16xf32>
        %add3A_1025 = arith.addf %add3A_1021, %add3A_1022 : vector<16xf32>
        %add3A_1026 = arith.addf %add3A_1023, %add3A_1024 : vector<16xf32>
        %add3A_1027 = arith.addf %add3A_1025, %add3A_1026 : vector<16xf32>
        %swap3A_1028 = arith.index_cast %scan3A_229 : i32 to index
        %swap3A_1029 = arith.constant 128 : index
        %swap3A_1030 = tpu.vector_load %arg14[%swap3A_1028, %swap3A_1029] {strides = array<i32>} : memref<8x256xf32, #tpu.memory_space<vmem>>, vector<16xf32>,
        tpu.vector_store %arg14[%swap3A_1028, %swap3A_1029], %add3A_1027 {strides = array<i32>} : memref<8x256xf32, #tpu.memory_space<vmem>>, vector<16xf32>,
        %add3A_1031 = arith.addf %unpack3A_892, %unpack3A_900 : vector<16xf32>
        %add3A_1032 = arith.addf %unpack3A_908, %unpack3A_916 : vector<16xf32>
        %add3A_1033 = arith.addf %unpack3A_924, %unpack3A_932 : vector<16xf32>
        %add3A_1034 = arith.addf %unpack3A_940, %unpack3A_948 : vector<16xf32>
        %add3A_1035 = arith.addf %unpack3A_956, %unpack3A_964 : vector<16xf32>
        %add3A_1036 = arith.addf %unpack3A_972, %unpack3A_980 : vector<16xf32>
        %add3A_1037 = arith.addf %unpack3A_988, %unpack3A_996 : vector<16xf32>
        %add3A_1038 = arith.addf %unpack3A_1004, %unpack3A_1012 : vector<16xf32>
        %add3A_1039 = arith.addf %add3A_1031, %add3A_1032 : vector<16xf32>
        %add3A_1040 = arith.addf %add3A_1033, %add3A_1034 : vector<16xf32>
        %add3A_1041 = arith.addf %add3A_1035, %add3A_1036 : vector<16xf32>
        %add3A_1042 = arith.addf %add3A_1037, %add3A_1038 : vector<16xf32>
        %add3A_1043 = arith.addf %add3A_1039, %add3A_1040 : vector<16xf32>
        %add3A_1044 = arith.addf %add3A_1041, %add3A_1042 : vector<16xf32>
        %add3A_1045 = arith.addf %add3A_1043, %add3A_1044 : vector<16xf32>
        %swap3A_1046 = arith.index_cast %scan3A_229 : i32 to index
        %swap3A_1047 = arith.constant 144 : index
        %swap3A_1048 = tpu.vector_load %arg14[%swap3A_1046, %swap3A_1047] {strides = array<i32>} : memref<8x256xf32, #tpu.memory_space<vmem>>, vector<16xf32>,
        tpu.vector_store %arg14[%swap3A_1046, %swap3A_1047], %add3A_1045 {strides = array<i32>} : memref<8x256xf32, #tpu.memory_space<vmem>>, vector<16xf32>,
        %add3A_1049 = arith.constant 0 : i32
        %add3A_1050 = arith.addi %mul3A_232, %add3A_1049 : i32
        %get3A_1051 = arith.index_cast %add3A_1050 : i32 to index
        %get3A_1052 = arith.constant 80 : index
        %get3A_1053 = tpu.vector_load %arg12[%get3A_1051, %get3A_1052] {strides = array<i32>} : memref<128x128xi32, #tpu.memory_space<vmem>>, vector<16xi32>,
        %bitcast3A_1054 = vector.bitcast %get3A_1053 : vector<16xi32> to vector<32xbf16>
        %unpack3A_1055 = tpu.unpack_subelements %bitcast3A_1054, 0 {pack_format = #tpu.pack_format<interleaved>} : vector<32xbf16> -> vector<16xf32>
        %unpack3A_1056 = tpu.unpack_subelements %bitcast3A_1054, 1 {pack_format = #tpu.pack_format<interleaved>} : vector<32xbf16> -> vector<16xf32>
        %add3A_1057 = arith.constant 1 : i32
        %add3A_1058 = arith.addi %mul3A_232, %add3A_1057 : i32
        %get3A_1059 = arith.index_cast %add3A_1058 : i32 to index
        %get3A_1060 = arith.constant 80 : index
        %get3A_1061 = tpu.vector_load %arg12[%get3A_1059, %get3A_1060] {strides = array<i32>} : memref<128x128xi32, #tpu.memory_space<vmem>>, vector<16xi32>,
        %bitcast3A_1062 = vector.bitcast %get3A_1061 : vector<16xi32> to vector<32xbf16>
        %unpack3A_1063 = tpu.unpack_subelements %bitcast3A_1062, 0 {pack_format = #tpu.pack_format<interleaved>} : vector<32xbf16> -> vector<16xf32>
        %unpack3A_1064 = tpu.unpack_subelements %bitcast3A_1062, 1 {pack_format = #tpu.pack_format<interleaved>} : vector<32xbf16> -> vector<16xf32>
        %add3A_1065 = arith.constant 2 : i32
        %add3A_1066 = arith.addi %mul3A_232, %add3A_1065 : i32
        %get3A_1067 = arith.index_cast %add3A_1066 : i32 to index
        %get3A_1068 = arith.constant 80 : index
        %get3A_1069 = tpu.vector_load %arg12[%get3A_1067, %get3A_1068] {strides = array<i32>} : memref<128x128xi32, #tpu.memory_space<vmem>>, vector<16xi32>,
        %bitcast3A_1070 = vector.bitcast %get3A_1069 : vector<16xi32> to vector<32xbf16>
        %unpack3A_1071 = tpu.unpack_subelements %bitcast3A_1070, 0 {pack_format = #tpu.pack_format<interleaved>} : vector<32xbf16> -> vector<16xf32>
        %unpack3A_1072 = tpu.unpack_subelements %bitcast3A_1070, 1 {pack_format = #tpu.pack_format<interleaved>} : vector<32xbf16> -> vector<16xf32>
        %add3A_1073 = arith.constant 3 : i32
        %add3A_1074 = arith.addi %mul3A_232, %add3A_1073 : i32
        %get3A_1075 = arith.index_cast %add3A_1074 : i32 to index
        %get3A_1076 = arith.constant 80 : index
        %get3A_1077 = tpu.vector_load %arg12[%get3A_1075, %get3A_1076] {strides = array<i32>} : memref<128x128xi32, #tpu.memory_space<vmem>>, vector<16xi32>,
        %bitcast3A_1078 = vector.bitcast %get3A_1077 : vector<16xi32> to vector<32xbf16>
        %unpack3A_1079 = tpu.unpack_subelements %bitcast3A_1078, 0 {pack_format = #tpu.pack_format<interleaved>} : vector<32xbf16> -> vector<16xf32>
        %unpack3A_1080 = tpu.unpack_subelements %bitcast3A_1078, 1 {pack_format = #tpu.pack_format<interleaved>} : vector<32xbf16> -> vector<16xf32>
        %add3A_1081 = arith.constant 4 : i32
        %add3A_1082 = arith.addi %mul3A_232, %add3A_1081 : i32
        %get3A_1083 = arith.index_cast %add3A_1082 : i32 to index
        %get3A_1084 = arith.constant 80 : index
        %get3A_1085 = tpu.vector_load %arg12[%get3A_1083, %get3A_1084] {strides = array<i32>} : memref<128x128xi32, #tpu.memory_space<vmem>>, vector<16xi32>,
        %bitcast3A_1086 = vector.bitcast %get3A_1085 : vector<16xi32> to vector<32xbf16>
        %unpack3A_1087 = tpu.unpack_subelements %bitcast3A_1086, 0 {pack_format = #tpu.pack_format<interleaved>} : vector<32xbf16> -> vector<16xf32>
        %unpack3A_1088 = tpu.unpack_subelements %bitcast3A_1086, 1 {pack_format = #tpu.pack_format<interleaved>} : vector<32xbf16> -> vector<16xf32>
        %add3A_1089 = arith.constant 5 : i32
        %add3A_1090 = arith.addi %mul3A_232, %add3A_1089 : i32
        %get3A_1091 = arith.index_cast %add3A_1090 : i32 to index
        %get3A_1092 = arith.constant 80 : index
        %get3A_1093 = tpu.vector_load %arg12[%get3A_1091, %get3A_1092] {strides = array<i32>} : memref<128x128xi32, #tpu.memory_space<vmem>>, vector<16xi32>,
        %bitcast3A_1094 = vector.bitcast %get3A_1093 : vector<16xi32> to vector<32xbf16>
        %unpack3A_1095 = tpu.unpack_subelements %bitcast3A_1094, 0 {pack_format = #tpu.pack_format<interleaved>} : vector<32xbf16> -> vector<16xf32>
        %unpack3A_1096 = tpu.unpack_subelements %bitcast3A_1094, 1 {pack_format = #tpu.pack_format<interleaved>} : vector<32xbf16> -> vector<16xf32>
        %add3A_1097 = arith.constant 6 : i32
        %add3A_1098 = arith.addi %mul3A_232, %add3A_1097 : i32
        %get3A_1099 = arith.index_cast %add3A_1098 : i32 to index
        %get3A_1100 = arith.constant 80 : index
        %get3A_1101 = tpu.vector_load %arg12[%get3A_1099, %get3A_1100] {strides = array<i32>} : memref<128x128xi32, #tpu.memory_space<vmem>>, vector<16xi32>,
        %bitcast3A_1102 = vector.bitcast %get3A_1101 : vector<16xi32> to vector<32xbf16>
        %unpack3A_1103 = tpu.unpack_subelements %bitcast3A_1102, 0 {pack_format = #tpu.pack_format<interleaved>} : vector<32xbf16> -> vector<16xf32>
        %unpack3A_1104 = tpu.unpack_subelements %bitcast3A_1102, 1 {pack_format = #tpu.pack_format<interleaved>} : vector<32xbf16> -> vector<16xf32>
        %add3A_1105 = arith.constant 7 : i32
        %add3A_1106 = arith.addi %mul3A_232, %add3A_1105 : i32
        %get3A_1107 = arith.index_cast %add3A_1106 : i32 to index
        %get3A_1108 = arith.constant 80 : index
        %get3A_1109 = tpu.vector_load %arg12[%get3A_1107, %get3A_1108] {strides = array<i32>} : memref<128x128xi32, #tpu.memory_space<vmem>>, vector<16xi32>,
        %bitcast3A_1110 = vector.bitcast %get3A_1109 : vector<16xi32> to vector<32xbf16>
        %unpack3A_1111 = tpu.unpack_subelements %bitcast3A_1110, 0 {pack_format = #tpu.pack_format<interleaved>} : vector<32xbf16> -> vector<16xf32>
        %unpack3A_1112 = tpu.unpack_subelements %bitcast3A_1110, 1 {pack_format = #tpu.pack_format<interleaved>} : vector<32xbf16> -> vector<16xf32>
        %add3A_1113 = arith.constant 8 : i32
        %add3A_1114 = arith.addi %mul3A_232, %add3A_1113 : i32
        %get3A_1115 = arith.index_cast %add3A_1114 : i32 to index
        %get3A_1116 = arith.constant 80 : index
        %get3A_1117 = tpu.vector_load %arg12[%get3A_1115, %get3A_1116] {strides = array<i32>} : memref<128x128xi32, #tpu.memory_space<vmem>>, vector<16xi32>,
        %bitcast3A_1118 = vector.bitcast %get3A_1117 : vector<16xi32> to vector<32xbf16>
        %unpack3A_1119 = tpu.unpack_subelements %bitcast3A_1118, 0 {pack_format = #tpu.pack_format<interleaved>} : vector<32xbf16> -> vector<16xf32>
        %unpack3A_1120 = tpu.unpack_subelements %bitcast3A_1118, 1 {pack_format = #tpu.pack_format<interleaved>} : vector<32xbf16> -> vector<16xf32>
        %add3A_1121 = arith.constant 9 : i32
        %add3A_1122 = arith.addi %mul3A_232, %add3A_1121 : i32
        %get3A_1123 = arith.index_cast %add3A_1122 : i32 to index
        %get3A_1124 = arith.constant 80 : index
        %get3A_1125 = tpu.vector_load %arg12[%get3A_1123, %get3A_1124] {strides = array<i32>} : memref<128x128xi32, #tpu.memory_space<vmem>>, vector<16xi32>,
        %bitcast3A_1126 = vector.bitcast %get3A_1125 : vector<16xi32> to vector<32xbf16>
        %unpack3A_1127 = tpu.unpack_subelements %bitcast3A_1126, 0 {pack_format = #tpu.pack_format<interleaved>} : vector<32xbf16> -> vector<16xf32>
        %unpack3A_1128 = tpu.unpack_subelements %bitcast3A_1126, 1 {pack_format = #tpu.pack_format<interleaved>} : vector<32xbf16> -> vector<16xf32>
        %add3A_1129 = arith.constant 10 : i32
        %add3A_1130 = arith.addi %mul3A_232, %add3A_1129 : i32
        %get3A_1131 = arith.index_cast %add3A_1130 : i32 to index
        %get3A_1132 = arith.constant 80 : index
        %get3A_1133 = tpu.vector_load %arg12[%get3A_1131, %get3A_1132] {strides = array<i32>} : memref<128x128xi32, #tpu.memory_space<vmem>>, vector<16xi32>,
        %bitcast3A_1134 = vector.bitcast %get3A_1133 : vector<16xi32> to vector<32xbf16>
        %unpack3A_1135 = tpu.unpack_subelements %bitcast3A_1134, 0 {pack_format = #tpu.pack_format<interleaved>} : vector<32xbf16> -> vector<16xf32>
        %unpack3A_1136 = tpu.unpack_subelements %bitcast3A_1134, 1 {pack_format = #tpu.pack_format<interleaved>} : vector<32xbf16> -> vector<16xf32>
        %add3A_1137 = arith.constant 11 : i32
        %add3A_1138 = arith.addi %mul3A_232, %add3A_1137 : i32
        %get3A_1139 = arith.index_cast %add3A_1138 : i32 to index
        %get3A_1140 = arith.constant 80 : index
        %get3A_1141 = tpu.vector_load %arg12[%get3A_1139, %get3A_1140] {strides = array<i32>} : memref<128x128xi32, #tpu.memory_space<vmem>>, vector<16xi32>,
        %bitcast3A_1142 = vector.bitcast %get3A_1141 : vector<16xi32> to vector<32xbf16>
        %unpack3A_1143 = tpu.unpack_subelements %bitcast3A_1142, 0 {pack_format = #tpu.pack_format<interleaved>} : vector<32xbf16> -> vector<16xf32>
        %unpack3A_1144 = tpu.unpack_subelements %bitcast3A_1142, 1 {pack_format = #tpu.pack_format<interleaved>} : vector<32xbf16> -> vector<16xf32>
        %add3A_1145 = arith.constant 12 : i32
        %add3A_1146 = arith.addi %mul3A_232, %add3A_1145 : i32
        %get3A_1147 = arith.index_cast %add3A_1146 : i32 to index
        %get3A_1148 = arith.constant 80 : index
        %get3A_1149 = tpu.vector_load %arg12[%get3A_1147, %get3A_1148] {strides = array<i32>} : memref<128x128xi32, #tpu.memory_space<vmem>>, vector<16xi32>,
        %bitcast3A_1150 = vector.bitcast %get3A_1149 : vector<16xi32> to vector<32xbf16>
        %unpack3A_1151 = tpu.unpack_subelements %bitcast3A_1150, 0 {pack_format = #tpu.pack_format<interleaved>} : vector<32xbf16> -> vector<16xf32>
        %unpack3A_1152 = tpu.unpack_subelements %bitcast3A_1150, 1 {pack_format = #tpu.pack_format<interleaved>} : vector<32xbf16> -> vector<16xf32>
        %add3A_1153 = arith.constant 13 : i32
        %add3A_1154 = arith.addi %mul3A_232, %add3A_1153 : i32
        %get3A_1155 = arith.index_cast %add3A_1154 : i32 to index
        %get3A_1156 = arith.constant 80 : index
        %get3A_1157 = tpu.vector_load %arg12[%get3A_1155, %get3A_1156] {strides = array<i32>} : memref<128x128xi32, #tpu.memory_space<vmem>>, vector<16xi32>,
        %bitcast3A_1158 = vector.bitcast %get3A_1157 : vector<16xi32> to vector<32xbf16>
        %unpack3A_1159 = tpu.unpack_subelements %bitcast3A_1158, 0 {pack_format = #tpu.pack_format<interleaved>} : vector<32xbf16> -> vector<16xf32>
        %unpack3A_1160 = tpu.unpack_subelements %bitcast3A_1158, 1 {pack_format = #tpu.pack_format<interleaved>} : vector<32xbf16> -> vector<16xf32>
        %add3A_1161 = arith.constant 14 : i32
        %add3A_1162 = arith.addi %mul3A_232, %add3A_1161 : i32
        %get3A_1163 = arith.index_cast %add3A_1162 : i32 to index
        %get3A_1164 = arith.constant 80 : index
        %get3A_1165 = tpu.vector_load %arg12[%get3A_1163, %get3A_1164] {strides = array<i32>} : memref<128x128xi32, #tpu.memory_space<vmem>>, vector<16xi32>,
        %bitcast3A_1166 = vector.bitcast %get3A_1165 : vector<16xi32> to vector<32xbf16>
        %unpack3A_1167 = tpu.unpack_subelements %bitcast3A_1166, 0 {pack_format = #tpu.pack_format<interleaved>} : vector<32xbf16> -> vector<16xf32>
        %unpack3A_1168 = tpu.unpack_subelements %bitcast3A_1166, 1 {pack_format = #tpu.pack_format<interleaved>} : vector<32xbf16> -> vector<16xf32>
        %add3A_1169 = arith.constant 15 : i32
        %add3A_1170 = arith.addi %mul3A_232, %add3A_1169 : i32
        %get3A_1171 = arith.index_cast %add3A_1170 : i32 to index
        %get3A_1172 = arith.constant 80 : index
        %get3A_1173 = tpu.vector_load %arg12[%get3A_1171, %get3A_1172] {strides = array<i32>} : memref<128x128xi32, #tpu.memory_space<vmem>>, vector<16xi32>,
        %bitcast3A_1174 = vector.bitcast %get3A_1173 : vector<16xi32> to vector<32xbf16>
        %unpack3A_1175 = tpu.unpack_subelements %bitcast3A_1174, 0 {pack_format = #tpu.pack_format<interleaved>} : vector<32xbf16> -> vector<16xf32>
        %unpack3A_1176 = tpu.unpack_subelements %bitcast3A_1174, 1 {pack_format = #tpu.pack_format<interleaved>} : vector<32xbf16> -> vector<16xf32>
        %add3A_1177 = arith.addf %unpack3A_1055, %unpack3A_1063 : vector<16xf32>
        %add3A_1178 = arith.addf %unpack3A_1071, %unpack3A_1079 : vector<16xf32>
        %add3A_1179 = arith.addf %unpack3A_1087, %unpack3A_1095 : vector<16xf32>
        %add3A_1180 = arith.addf %unpack3A_1103, %unpack3A_1111 : vector<16xf32>
        %add3A_1181 = arith.addf %unpack3A_1119, %unpack3A_1127 : vector<16xf32>
        %add3A_1182 = arith.addf %unpack3A_1135, %unpack3A_1143 : vector<16xf32>
        %add3A_1183 = arith.addf %unpack3A_1151, %unpack3A_1159 : vector<16xf32>
        %add3A_1184 = arith.addf %unpack3A_1167, %unpack3A_1175 : vector<16xf32>
        %add3A_1185 = arith.addf %add3A_1177, %add3A_1178 : vector<16xf32>
        %add3A_1186 = arith.addf %add3A_1179, %add3A_1180 : vector<16xf32>
        %add3A_1187 = arith.addf %add3A_1181, %add3A_1182 : vector<16xf32>
        %add3A_1188 = arith.addf %add3A_1183, %add3A_1184 : vector<16xf32>
        %add3A_1189 = arith.addf %add3A_1185, %add3A_1186 : vector<16xf32>
        %add3A_1190 = arith.addf %add3A_1187, %add3A_1188 : vector<16xf32>
        %add3A_1191 = arith.addf %add3A_1189, %add3A_1190 : vector<16xf32>
        %swap3A_1192 = arith.index_cast %scan3A_229 : i32 to index
        %swap3A_1193 = arith.constant 160 : index
        %swap3A_1194 = tpu.vector_load %arg14[%swap3A_1192, %swap3A_1193] {strides = array<i32>} : memref<8x256xf32, #tpu.memory_space<vmem>>, vector<16xf32>,
        tpu.vector_store %arg14[%swap3A_1192, %swap3A_1193], %add3A_1191 {strides = array<i32>} : memref<8x256xf32, #tpu.memory_space<vmem>>, vector<16xf32>,
        %add3A_1195 = arith.addf %unpack3A_1056, %unpack3A_1064 : vector<16xf32>
        %add3A_1196 = arith.addf %unpack3A_1072, %unpack3A_1080 : vector<16xf32>
        %add3A_1197 = arith.addf %unpack3A_1088, %unpack3A_1096 : vector<16xf32>
        %add3A_1198 = arith.addf %unpack3A_1104, %unpack3A_1112 : vector<16xf32>
        %add3A_1199 = arith.addf %unpack3A_1120, %unpack3A_1128 : vector<16xf32>
        %add3A_1200 = arith.addf %unpack3A_1136, %unpack3A_1144 : vector<16xf32>
        %add3A_1201 = arith.addf %unpack3A_1152, %unpack3A_1160 : vector<16xf32>
        %add3A_1202 = arith.addf %unpack3A_1168, %unpack3A_1176 : vector<16xf32>
        %add3A_1203 = arith.addf %add3A_1195, %add3A_1196 : vector<16xf32>
        %add3A_1204 = arith.addf %add3A_1197, %add3A_1198 : vector<16xf32>
        %add3A_1205 = arith.addf %add3A_1199, %add3A_1200 : vector<16xf32>
        %add3A_1206 = arith.addf %add3A_1201, %add3A_1202 : vector<16xf32>
        %add3A_1207 = arith.addf %add3A_1203, %add3A_1204 : vector<16xf32>
        %add3A_1208 = arith.addf %add3A_1205, %add3A_1206 : vector<16xf32>
        %add3A_1209 = arith.addf %add3A_1207, %add3A_1208 : vector<16xf32>
        %swap3A_1210 = arith.index_cast %scan3A_229 : i32 to index
        %swap3A_1211 = arith.constant 176 : index
        %swap3A_1212 = tpu.vector_load %arg14[%swap3A_1210, %swap3A_1211] {strides = array<i32>} : memref<8x256xf32, #tpu.memory_space<vmem>>, vector<16xf32>,
        tpu.vector_store %arg14[%swap3A_1210, %swap3A_1211], %add3A_1209 {strides = array<i32>} : memref<8x256xf32, #tpu.memory_space<vmem>>, vector<16xf32>,
        %add3A_1213 = arith.constant 0 : i32
        %add3A_1214 = arith.addi %mul3A_232, %add3A_1213 : i32
        %get3A_1215 = arith.index_cast %add3A_1214 : i32 to index
        %get3A_1216 = arith.constant 96 : index
        %get3A_1217 = tpu.vector_load %arg12[%get3A_1215, %get3A_1216] {strides = array<i32>} : memref<128x128xi32, #tpu.memory_space<vmem>>, vector<16xi32>,
        %bitcast3A_1218 = vector.bitcast %get3A_1217 : vector<16xi32> to vector<32xbf16>
        %unpack3A_1219 = tpu.unpack_subelements %bitcast3A_1218, 0 {pack_format = #tpu.pack_format<interleaved>} : vector<32xbf16> -> vector<16xf32>
        %unpack3A_1220 = tpu.unpack_subelements %bitcast3A_1218, 1 {pack_format = #tpu.pack_format<interleaved>} : vector<32xbf16> -> vector<16xf32>
        %add3A_1221 = arith.constant 1 : i32
        %add3A_1222 = arith.addi %mul3A_232, %add3A_1221 : i32
        %get3A_1223 = arith.index_cast %add3A_1222 : i32 to index
        %get3A_1224 = arith.constant 96 : index
        %get3A_1225 = tpu.vector_load %arg12[%get3A_1223, %get3A_1224] {strides = array<i32>} : memref<128x128xi32, #tpu.memory_space<vmem>>, vector<16xi32>,
        %bitcast3A_1226 = vector.bitcast %get3A_1225 : vector<16xi32> to vector<32xbf16>
        %unpack3A_1227 = tpu.unpack_subelements %bitcast3A_1226, 0 {pack_format = #tpu.pack_format<interleaved>} : vector<32xbf16> -> vector<16xf32>
        %unpack3A_1228 = tpu.unpack_subelements %bitcast3A_1226, 1 {pack_format = #tpu.pack_format<interleaved>} : vector<32xbf16> -> vector<16xf32>
        %add3A_1229 = arith.constant 2 : i32
        %add3A_1230 = arith.addi %mul3A_232, %add3A_1229 : i32
        %get3A_1231 = arith.index_cast %add3A_1230 : i32 to index
        %get3A_1232 = arith.constant 96 : index
        %get3A_1233 = tpu.vector_load %arg12[%get3A_1231, %get3A_1232] {strides = array<i32>} : memref<128x128xi32, #tpu.memory_space<vmem>>, vector<16xi32>,
        %bitcast3A_1234 = vector.bitcast %get3A_1233 : vector<16xi32> to vector<32xbf16>
        %unpack3A_1235 = tpu.unpack_subelements %bitcast3A_1234, 0 {pack_format = #tpu.pack_format<interleaved>} : vector<32xbf16> -> vector<16xf32>
        %unpack3A_1236 = tpu.unpack_subelements %bitcast3A_1234, 1 {pack_format = #tpu.pack_format<interleaved>} : vector<32xbf16> -> vector<16xf32>
        %add3A_1237 = arith.constant 3 : i32
        %add3A_1238 = arith.addi %mul3A_232, %add3A_1237 : i32
        %get3A_1239 = arith.index_cast %add3A_1238 : i32 to index
        %get3A_1240 = arith.constant 96 : index
        %get3A_1241 = tpu.vector_load %arg12[%get3A_1239, %get3A_1240] {strides = array<i32>} : memref<128x128xi32, #tpu.memory_space<vmem>>, vector<16xi32>,
        %bitcast3A_1242 = vector.bitcast %get3A_1241 : vector<16xi32> to vector<32xbf16>
        %unpack3A_1243 = tpu.unpack_subelements %bitcast3A_1242, 0 {pack_format = #tpu.pack_format<interleaved>} : vector<32xbf16> -> vector<16xf32>
        %unpack3A_1244 = tpu.unpack_subelements %bitcast3A_1242, 1 {pack_format = #tpu.pack_format<interleaved>} : vector<32xbf16> -> vector<16xf32>
        %add3A_1245 = arith.constant 4 : i32
        %add3A_1246 = arith.addi %mul3A_232, %add3A_1245 : i32
        %get3A_1247 = arith.index_cast %add3A_1246 : i32 to index
        %get3A_1248 = arith.constant 96 : index
        %get3A_1249 = tpu.vector_load %arg12[%get3A_1247, %get3A_1248] {strides = array<i32>} : memref<128x128xi32, #tpu.memory_space<vmem>>, vector<16xi32>,
        %bitcast3A_1250 = vector.bitcast %get3A_1249 : vector<16xi32> to vector<32xbf16>
        %unpack3A_1251 = tpu.unpack_subelements %bitcast3A_1250, 0 {pack_format = #tpu.pack_format<interleaved>} : vector<32xbf16> -> vector<16xf32>
        %unpack3A_1252 = tpu.unpack_subelements %bitcast3A_1250, 1 {pack_format = #tpu.pack_format<interleaved>} : vector<32xbf16> -> vector<16xf32>
        %add3A_1253 = arith.constant 5 : i32
        %add3A_1254 = arith.addi %mul3A_232, %add3A_1253 : i32
        %get3A_1255 = arith.index_cast %add3A_1254 : i32 to index
        %get3A_1256 = arith.constant 96 : index
        %get3A_1257 = tpu.vector_load %arg12[%get3A_1255, %get3A_1256] {strides = array<i32>} : memref<128x128xi32, #tpu.memory_space<vmem>>, vector<16xi32>,
        %bitcast3A_1258 = vector.bitcast %get3A_1257 : vector<16xi32> to vector<32xbf16>
        %unpack3A_1259 = tpu.unpack_subelements %bitcast3A_1258, 0 {pack_format = #tpu.pack_format<interleaved>} : vector<32xbf16> -> vector<16xf32>
        %unpack3A_1260 = tpu.unpack_subelements %bitcast3A_1258, 1 {pack_format = #tpu.pack_format<interleaved>} : vector<32xbf16> -> vector<16xf32>
        %add3A_1261 = arith.constant 6 : i32
        %add3A_1262 = arith.addi %mul3A_232, %add3A_1261 : i32
        %get3A_1263 = arith.index_cast %add3A_1262 : i32 to index
        %get3A_1264 = arith.constant 96 : index
        %get3A_1265 = tpu.vector_load %arg12[%get3A_1263, %get3A_1264] {strides = array<i32>} : memref<128x128xi32, #tpu.memory_space<vmem>>, vector<16xi32>,
        %bitcast3A_1266 = vector.bitcast %get3A_1265 : vector<16xi32> to vector<32xbf16>
        %unpack3A_1267 = tpu.unpack_subelements %bitcast3A_1266, 0 {pack_format = #tpu.pack_format<interleaved>} : vector<32xbf16> -> vector<16xf32>
        %unpack3A_1268 = tpu.unpack_subelements %bitcast3A_1266, 1 {pack_format = #tpu.pack_format<interleaved>} : vector<32xbf16> -> vector<16xf32>
        %add3A_1269 = arith.constant 7 : i32
        %add3A_1270 = arith.addi %mul3A_232, %add3A_1269 : i32
        %get3A_1271 = arith.index_cast %add3A_1270 : i32 to index
        %get3A_1272 = arith.constant 96 : index
        %get3A_1273 = tpu.vector_load %arg12[%get3A_1271, %get3A_1272] {strides = array<i32>} : memref<128x128xi32, #tpu.memory_space<vmem>>, vector<16xi32>,
        %bitcast3A_1274 = vector.bitcast %get3A_1273 : vector<16xi32> to vector<32xbf16>
        %unpack3A_1275 = tpu.unpack_subelements %bitcast3A_1274, 0 {pack_format = #tpu.pack_format<interleaved>} : vector<32xbf16> -> vector<16xf32>
        %unpack3A_1276 = tpu.unpack_subelements %bitcast3A_1274, 1 {pack_format = #tpu.pack_format<interleaved>} : vector<32xbf16> -> vector<16xf32>
        %add3A_1277 = arith.constant 8 : i32
        %add3A_1278 = arith.addi %mul3A_232, %add3A_1277 : i32
        %get3A_1279 = arith.index_cast %add3A_1278 : i32 to index
        %get3A_1280 = arith.constant 96 : index
        %get3A_1281 = tpu.vector_load %arg12[%get3A_1279, %get3A_1280] {strides = array<i32>} : memref<128x128xi32, #tpu.memory_space<vmem>>, vector<16xi32>,
        %bitcast3A_1282 = vector.bitcast %get3A_1281 : vector<16xi32> to vector<32xbf16>
        %unpack3A_1283 = tpu.unpack_subelements %bitcast3A_1282, 0 {pack_format = #tpu.pack_format<interleaved>} : vector<32xbf16> -> vector<16xf32>
        %unpack3A_1284 = tpu.unpack_subelements %bitcast3A_1282, 1 {pack_format = #tpu.pack_format<interleaved>} : vector<32xbf16> -> vector<16xf32>
        %add3A_1285 = arith.constant 9 : i32
        %add3A_1286 = arith.addi %mul3A_232, %add3A_1285 : i32
        %get3A_1287 = arith.index_cast %add3A_1286 : i32 to index
        %get3A_1288 = arith.constant 96 : index
        %get3A_1289 = tpu.vector_load %arg12[%get3A_1287, %get3A_1288] {strides = array<i32>} : memref<128x128xi32, #tpu.memory_space<vmem>>, vector<16xi32>,
        %bitcast3A_1290 = vector.bitcast %get3A_1289 : vector<16xi32> to vector<32xbf16>
        %unpack3A_1291 = tpu.unpack_subelements %bitcast3A_1290, 0 {pack_format = #tpu.pack_format<interleaved>} : vector<32xbf16> -> vector<16xf32>
        %unpack3A_1292 = tpu.unpack_subelements %bitcast3A_1290, 1 {pack_format = #tpu.pack_format<interleaved>} : vector<32xbf16> -> vector<16xf32>
        %add3A_1293 = arith.constant 10 : i32
        %add3A_1294 = arith.addi %mul3A_232, %add3A_1293 : i32
        %get3A_1295 = arith.index_cast %add3A_1294 : i32 to index
        %get3A_1296 = arith.constant 96 : index
        %get3A_1297 = tpu.vector_load %arg12[%get3A_1295, %get3A_1296] {strides = array<i32>} : memref<128x128xi32, #tpu.memory_space<vmem>>, vector<16xi32>,
        %bitcast3A_1298 = vector.bitcast %get3A_1297 : vector<16xi32> to vector<32xbf16>
        %unpack3A_1299 = tpu.unpack_subelements %bitcast3A_1298, 0 {pack_format = #tpu.pack_format<interleaved>} : vector<32xbf16> -> vector<16xf32>
        %unpack3A_1300 = tpu.unpack_subelements %bitcast3A_1298, 1 {pack_format = #tpu.pack_format<interleaved>} : vector<32xbf16> -> vector<16xf32>
        %add3A_1301 = arith.constant 11 : i32
        %add3A_1302 = arith.addi %mul3A_232, %add3A_1301 : i32
        %get3A_1303 = arith.index_cast %add3A_1302 : i32 to index
        %get3A_1304 = arith.constant 96 : index
        %get3A_1305 = tpu.vector_load %arg12[%get3A_1303, %get3A_1304] {strides = array<i32>} : memref<128x128xi32, #tpu.memory_space<vmem>>, vector<16xi32>,
        %bitcast3A_1306 = vector.bitcast %get3A_1305 : vector<16xi32> to vector<32xbf16>
        %unpack3A_1307 = tpu.unpack_subelements %bitcast3A_1306, 0 {pack_format = #tpu.pack_format<interleaved>} : vector<32xbf16> -> vector<16xf32>
        %unpack3A_1308 = tpu.unpack_subelements %bitcast3A_1306, 1 {pack_format = #tpu.pack_format<interleaved>} : vector<32xbf16> -> vector<16xf32>
        %add3A_1309 = arith.constant 12 : i32
        %add3A_1310 = arith.addi %mul3A_232, %add3A_1309 : i32
        %get3A_1311 = arith.index_cast %add3A_1310 : i32 to index
        %get3A_1312 = arith.constant 96 : index
        %get3A_1313 = tpu.vector_load %arg12[%get3A_1311, %get3A_1312] {strides = array<i32>} : memref<128x128xi32, #tpu.memory_space<vmem>>, vector<16xi32>,
        %bitcast3A_1314 = vector.bitcast %get3A_1313 : vector<16xi32> to vector<32xbf16>
        %unpack3A_1315 = tpu.unpack_subelements %bitcast3A_1314, 0 {pack_format = #tpu.pack_format<interleaved>} : vector<32xbf16> -> vector<16xf32>
        %unpack3A_1316 = tpu.unpack_subelements %bitcast3A_1314, 1 {pack_format = #tpu.pack_format<interleaved>} : vector<32xbf16> -> vector<16xf32>
        %add3A_1317 = arith.constant 13 : i32
        %add3A_1318 = arith.addi %mul3A_232, %add3A_1317 : i32
        %get3A_1319 = arith.index_cast %add3A_1318 : i32 to index
        %get3A_1320 = arith.constant 96 : index
        %get3A_1321 = tpu.vector_load %arg12[%get3A_1319, %get3A_1320] {strides = array<i32>} : memref<128x128xi32, #tpu.memory_space<vmem>>, vector<16xi32>,
        %bitcast3A_1322 = vector.bitcast %get3A_1321 : vector<16xi32> to vector<32xbf16>
        %unpack3A_1323 = tpu.unpack_subelements %bitcast3A_1322, 0 {pack_format = #tpu.pack_format<interleaved>} : vector<32xbf16> -> vector<16xf32>
        %unpack3A_1324 = tpu.unpack_subelements %bitcast3A_1322, 1 {pack_format = #tpu.pack_format<interleaved>} : vector<32xbf16> -> vector<16xf32>
        %add3A_1325 = arith.constant 14 : i32
        %add3A_1326 = arith.addi %mul3A_232, %add3A_1325 : i32
        %get3A_1327 = arith.index_cast %add3A_1326 : i32 to index
        %get3A_1328 = arith.constant 96 : index
        %get3A_1329 = tpu.vector_load %arg12[%get3A_1327, %get3A_1328] {strides = array<i32>} : memref<128x128xi32, #tpu.memory_space<vmem>>, vector<16xi32>,
        %bitcast3A_1330 = vector.bitcast %get3A_1329 : vector<16xi32> to vector<32xbf16>
        %unpack3A_1331 = tpu.unpack_subelements %bitcast3A_1330, 0 {pack_format = #tpu.pack_format<interleaved>} : vector<32xbf16> -> vector<16xf32>
        %unpack3A_1332 = tpu.unpack_subelements %bitcast3A_1330, 1 {pack_format = #tpu.pack_format<interleaved>} : vector<32xbf16> -> vector<16xf32>
        %add3A_1333 = arith.constant 15 : i32
        %add3A_1334 = arith.addi %mul3A_232, %add3A_1333 : i32
        %get3A_1335 = arith.index_cast %add3A_1334 : i32 to index
        %get3A_1336 = arith.constant 96 : index
        %get3A_1337 = tpu.vector_load %arg12[%get3A_1335, %get3A_1336] {strides = array<i32>} : memref<128x128xi32, #tpu.memory_space<vmem>>, vector<16xi32>,
        %bitcast3A_1338 = vector.bitcast %get3A_1337 : vector<16xi32> to vector<32xbf16>
        %unpack3A_1339 = tpu.unpack_subelements %bitcast3A_1338, 0 {pack_format = #tpu.pack_format<interleaved>} : vector<32xbf16> -> vector<16xf32>
        %unpack3A_1340 = tpu.unpack_subelements %bitcast3A_1338, 1 {pack_format = #tpu.pack_format<interleaved>} : vector<32xbf16> -> vector<16xf32>
        %add3A_1341 = arith.addf %unpack3A_1219, %unpack3A_1227 : vector<16xf32>
        %add3A_1342 = arith.addf %unpack3A_1235, %unpack3A_1243 : vector<16xf32>
        %add3A_1343 = arith.addf %unpack3A_1251, %unpack3A_1259 : vector<16xf32>
        %add3A_1344 = arith.addf %unpack3A_1267, %unpack3A_1275 : vector<16xf32>
        %add3A_1345 = arith.addf %unpack3A_1283, %unpack3A_1291 : vector<16xf32>
        %add3A_1346 = arith.addf %unpack3A_1299, %unpack3A_1307 : vector<16xf32>
        %add3A_1347 = arith.addf %unpack3A_1315, %unpack3A_1323 : vector<16xf32>
        %add3A_1348 = arith.addf %unpack3A_1331, %unpack3A_1339 : vector<16xf32>
        %add3A_1349 = arith.addf %add3A_1341, %add3A_1342 : vector<16xf32>
        %add3A_1350 = arith.addf %add3A_1343, %add3A_1344 : vector<16xf32>
        %add3A_1351 = arith.addf %add3A_1345, %add3A_1346 : vector<16xf32>
        %add3A_1352 = arith.addf %add3A_1347, %add3A_1348 : vector<16xf32>
        %add3A_1353 = arith.addf %add3A_1349, %add3A_1350 : vector<16xf32>
        %add3A_1354 = arith.addf %add3A_1351, %add3A_1352 : vector<16xf32>
        %add3A_1355 = arith.addf %add3A_1353, %add3A_1354 : vector<16xf32>
        %swap3A_1356 = arith.index_cast %scan3A_229 : i32 to index
        %swap3A_1357 = arith.constant 192 : index
        %swap3A_1358 = tpu.vector_load %arg14[%swap3A_1356, %swap3A_1357] {strides = array<i32>} : memref<8x256xf32, #tpu.memory_space<vmem>>, vector<16xf32>,
        tpu.vector_store %arg14[%swap3A_1356, %swap3A_1357], %add3A_1355 {strides = array<i32>} : memref<8x256xf32, #tpu.memory_space<vmem>>, vector<16xf32>,
        %add3A_1359 = arith.addf %unpack3A_1220, %unpack3A_1228 : vector<16xf32>
        %add3A_1360 = arith.addf %unpack3A_1236, %unpack3A_1244 : vector<16xf32>
        %add3A_1361 = arith.addf %unpack3A_1252, %unpack3A_1260 : vector<16xf32>
        %add3A_1362 = arith.addf %unpack3A_1268, %unpack3A_1276 : vector<16xf32>
        %add3A_1363 = arith.addf %unpack3A_1284, %unpack3A_1292 : vector<16xf32>
        %add3A_1364 = arith.addf %unpack3A_1300, %unpack3A_1308 : vector<16xf32>
        %add3A_1365 = arith.addf %unpack3A_1316, %unpack3A_1324 : vector<16xf32>
        %add3A_1366 = arith.addf %unpack3A_1332, %unpack3A_1340 : vector<16xf32>
        %add3A_1367 = arith.addf %add3A_1359, %add3A_1360 : vector<16xf32>
        %add3A_1368 = arith.addf %add3A_1361, %add3A_1362 : vector<16xf32>
        %add3A_1369 = arith.addf %add3A_1363, %add3A_1364 : vector<16xf32>
        %add3A_1370 = arith.addf %add3A_1365, %add3A_1366 : vector<16xf32>
        %add3A_1371 = arith.addf %add3A_1367, %add3A_1368 : vector<16xf32>
        %add3A_1372 = arith.addf %add3A_1369, %add3A_1370 : vector<16xf32>
        %add3A_1373 = arith.addf %add3A_1371, %add3A_1372 : vector<16xf32>
        %swap3A_1374 = arith.index_cast %scan3A_229 : i32 to index
        %swap3A_1375 = arith.constant 208 : index
        %swap3A_1376 = tpu.vector_load %arg14[%swap3A_1374, %swap3A_1375] {strides = array<i32>} : memref<8x256xf32, #tpu.memory_space<vmem>>, vector<16xf32>,
        tpu.vector_store %arg14[%swap3A_1374, %swap3A_1375], %add3A_1373 {strides = array<i32>} : memref<8x256xf32, #tpu.memory_space<vmem>>, vector<16xf32>,
        %add3A_1377 = arith.constant 0 : i32
        %add3A_1378 = arith.addi %mul3A_232, %add3A_1377 : i32
        %get3A_1379 = arith.index_cast %add3A_1378 : i32 to index
        %get3A_1380 = arith.constant 112 : index
        %get3A_1381 = tpu.vector_load %arg12[%get3A_1379, %get3A_1380] {strides = array<i32>} : memref<128x128xi32, #tpu.memory_space<vmem>>, vector<16xi32>,
        %bitcast3A_1382 = vector.bitcast %get3A_1381 : vector<16xi32> to vector<32xbf16>
        %unpack3A_1383 = tpu.unpack_subelements %bitcast3A_1382, 0 {pack_format = #tpu.pack_format<interleaved>} : vector<32xbf16> -> vector<16xf32>
        %unpack3A_1384 = tpu.unpack_subelements %bitcast3A_1382, 1 {pack_format = #tpu.pack_format<interleaved>} : vector<32xbf16> -> vector<16xf32>
        %add3A_1385 = arith.constant 1 : i32
        %add3A_1386 = arith.addi %mul3A_232, %add3A_1385 : i32
        %get3A_1387 = arith.index_cast %add3A_1386 : i32 to index
        %get3A_1388 = arith.constant 112 : index
        %get3A_1389 = tpu.vector_load %arg12[%get3A_1387, %get3A_1388] {strides = array<i32>} : memref<128x128xi32, #tpu.memory_space<vmem>>, vector<16xi32>,
        %bitcast3A_1390 = vector.bitcast %get3A_1389 : vector<16xi32> to vector<32xbf16>
        %unpack3A_1391 = tpu.unpack_subelements %bitcast3A_1390, 0 {pack_format = #tpu.pack_format<interleaved>} : vector<32xbf16> -> vector<16xf32>
        %unpack3A_1392 = tpu.unpack_subelements %bitcast3A_1390, 1 {pack_format = #tpu.pack_format<interleaved>} : vector<32xbf16> -> vector<16xf32>
        %add3A_1393 = arith.constant 2 : i32
        %add3A_1394 = arith.addi %mul3A_232, %add3A_1393 : i32
        %get3A_1395 = arith.index_cast %add3A_1394 : i32 to index
        %get3A_1396 = arith.constant 112 : index
        %get3A_1397 = tpu.vector_load %arg12[%get3A_1395, %get3A_1396] {strides = array<i32>} : memref<128x128xi32, #tpu.memory_space<vmem>>, vector<16xi32>,
        %bitcast3A_1398 = vector.bitcast %get3A_1397 : vector<16xi32> to vector<32xbf16>
        %unpack3A_1399 = tpu.unpack_subelements %bitcast3A_1398, 0 {pack_format = #tpu.pack_format<interleaved>} : vector<32xbf16> -> vector<16xf32>
        %unpack3A_1400 = tpu.unpack_subelements %bitcast3A_1398, 1 {pack_format = #tpu.pack_format<interleaved>} : vector<32xbf16> -> vector<16xf32>
        %add3A_1401 = arith.constant 3 : i32
        %add3A_1402 = arith.addi %mul3A_232, %add3A_1401 : i32
        %get3A_1403 = arith.index_cast %add3A_1402 : i32 to index
        %get3A_1404 = arith.constant 112 : index
        %get3A_1405 = tpu.vector_load %arg12[%get3A_1403, %get3A_1404] {strides = array<i32>} : memref<128x128xi32, #tpu.memory_space<vmem>>, vector<16xi32>,
        %bitcast3A_1406 = vector.bitcast %get3A_1405 : vector<16xi32> to vector<32xbf16>
        %unpack3A_1407 = tpu.unpack_subelements %bitcast3A_1406, 0 {pack_format = #tpu.pack_format<interleaved>} : vector<32xbf16> -> vector<16xf32>
        %unpack3A_1408 = tpu.unpack_subelements %bitcast3A_1406, 1 {pack_format = #tpu.pack_format<interleaved>} : vector<32xbf16> -> vector<16xf32>
        %add3A_1409 = arith.constant 4 : i32
        %add3A_1410 = arith.addi %mul3A_232, %add3A_1409 : i32
        %get3A_1411 = arith.index_cast %add3A_1410 : i32 to index
        %get3A_1412 = arith.constant 112 : index
        %get3A_1413 = tpu.vector_load %arg12[%get3A_1411, %get3A_1412] {strides = array<i32>} : memref<128x128xi32, #tpu.memory_space<vmem>>, vector<16xi32>,
        %bitcast3A_1414 = vector.bitcast %get3A_1413 : vector<16xi32> to vector<32xbf16>
        %unpack3A_1415 = tpu.unpack_subelements %bitcast3A_1414, 0 {pack_format = #tpu.pack_format<interleaved>} : vector<32xbf16> -> vector<16xf32>
        %unpack3A_1416 = tpu.unpack_subelements %bitcast3A_1414, 1 {pack_format = #tpu.pack_format<interleaved>} : vector<32xbf16> -> vector<16xf32>
        %add3A_1417 = arith.constant 5 : i32
        %add3A_1418 = arith.addi %mul3A_232, %add3A_1417 : i32
        %get3A_1419 = arith.index_cast %add3A_1418 : i32 to index
        %get3A_1420 = arith.constant 112 : index
        %get3A_1421 = tpu.vector_load %arg12[%get3A_1419, %get3A_1420] {strides = array<i32>} : memref<128x128xi32, #tpu.memory_space<vmem>>, vector<16xi32>,
        %bitcast3A_1422 = vector.bitcast %get3A_1421 : vector<16xi32> to vector<32xbf16>
        %unpack3A_1423 = tpu.unpack_subelements %bitcast3A_1422, 0 {pack_format = #tpu.pack_format<interleaved>} : vector<32xbf16> -> vector<16xf32>
        %unpack3A_1424 = tpu.unpack_subelements %bitcast3A_1422, 1 {pack_format = #tpu.pack_format<interleaved>} : vector<32xbf16> -> vector<16xf32>
        %add3A_1425 = arith.constant 6 : i32
        %add3A_1426 = arith.addi %mul3A_232, %add3A_1425 : i32
        %get3A_1427 = arith.index_cast %add3A_1426 : i32 to index
        %get3A_1428 = arith.constant 112 : index
        %get3A_1429 = tpu.vector_load %arg12[%get3A_1427, %get3A_1428] {strides = array<i32>} : memref<128x128xi32, #tpu.memory_space<vmem>>, vector<16xi32>,
        %bitcast3A_1430 = vector.bitcast %get3A_1429 : vector<16xi32> to vector<32xbf16>
        %unpack3A_1431 = tpu.unpack_subelements %bitcast3A_1430, 0 {pack_format = #tpu.pack_format<interleaved>} : vector<32xbf16> -> vector<16xf32>
        %unpack3A_1432 = tpu.unpack_subelements %bitcast3A_1430, 1 {pack_format = #tpu.pack_format<interleaved>} : vector<32xbf16> -> vector<16xf32>
        %add3A_1433 = arith.constant 7 : i32
        %add3A_1434 = arith.addi %mul3A_232, %add3A_1433 : i32
        %get3A_1435 = arith.index_cast %add3A_1434 : i32 to index
        %get3A_1436 = arith.constant 112 : index
        %get3A_1437 = tpu.vector_load %arg12[%get3A_1435, %get3A_1436] {strides = array<i32>} : memref<128x128xi32, #tpu.memory_space<vmem>>, vector<16xi32>,
        %bitcast3A_1438 = vector.bitcast %get3A_1437 : vector<16xi32> to vector<32xbf16>
        %unpack3A_1439 = tpu.unpack_subelements %bitcast3A_1438, 0 {pack_format = #tpu.pack_format<interleaved>} : vector<32xbf16> -> vector<16xf32>
        %unpack3A_1440 = tpu.unpack_subelements %bitcast3A_1438, 1 {pack_format = #tpu.pack_format<interleaved>} : vector<32xbf16> -> vector<16xf32>
        %add3A_1441 = arith.constant 8 : i32
        %add3A_1442 = arith.addi %mul3A_232, %add3A_1441 : i32
        %get3A_1443 = arith.index_cast %add3A_1442 : i32 to index
        %get3A_1444 = arith.constant 112 : index
        %get3A_1445 = tpu.vector_load %arg12[%get3A_1443, %get3A_1444] {strides = array<i32>} : memref<128x128xi32, #tpu.memory_space<vmem>>, vector<16xi32>,
        %bitcast3A_1446 = vector.bitcast %get3A_1445 : vector<16xi32> to vector<32xbf16>
        %unpack3A_1447 = tpu.unpack_subelements %bitcast3A_1446, 0 {pack_format = #tpu.pack_format<interleaved>} : vector<32xbf16> -> vector<16xf32>
        %unpack3A_1448 = tpu.unpack_subelements %bitcast3A_1446, 1 {pack_format = #tpu.pack_format<interleaved>} : vector<32xbf16> -> vector<16xf32>
        %add3A_1449 = arith.constant 9 : i32
        %add3A_1450 = arith.addi %mul3A_232, %add3A_1449 : i32
        %get3A_1451 = arith.index_cast %add3A_1450 : i32 to index
        %get3A_1452 = arith.constant 112 : index
        %get3A_1453 = tpu.vector_load %arg12[%get3A_1451, %get3A_1452] {strides = array<i32>} : memref<128x128xi32, #tpu.memory_space<vmem>>, vector<16xi32>,
        %bitcast3A_1454 = vector.bitcast %get3A_1453 : vector<16xi32> to vector<32xbf16>
        %unpack3A_1455 = tpu.unpack_subelements %bitcast3A_1454, 0 {pack_format = #tpu.pack_format<interleaved>} : vector<32xbf16> -> vector<16xf32>
        %unpack3A_1456 = tpu.unpack_subelements %bitcast3A_1454, 1 {pack_format = #tpu.pack_format<interleaved>} : vector<32xbf16> -> vector<16xf32>
        %add3A_1457 = arith.constant 10 : i32
        %add3A_1458 = arith.addi %mul3A_232, %add3A_1457 : i32
        %get3A_1459 = arith.index_cast %add3A_1458 : i32 to index
        %get3A_1460 = arith.constant 112 : index
        %get3A_1461 = tpu.vector_load %arg12[%get3A_1459, %get3A_1460] {strides = array<i32>} : memref<128x128xi32, #tpu.memory_space<vmem>>, vector<16xi32>,
        %bitcast3A_1462 = vector.bitcast %get3A_1461 : vector<16xi32> to vector<32xbf16>
        %unpack3A_1463 = tpu.unpack_subelements %bitcast3A_1462, 0 {pack_format = #tpu.pack_format<interleaved>} : vector<32xbf16> -> vector<16xf32>
        %unpack3A_1464 = tpu.unpack_subelements %bitcast3A_1462, 1 {pack_format = #tpu.pack_format<interleaved>} : vector<32xbf16> -> vector<16xf32>
        %add3A_1465 = arith.constant 11 : i32
        %add3A_1466 = arith.addi %mul3A_232, %add3A_1465 : i32
        %get3A_1467 = arith.index_cast %add3A_1466 : i32 to index
        %get3A_1468 = arith.constant 112 : index
        %get3A_1469 = tpu.vector_load %arg12[%get3A_1467, %get3A_1468] {strides = array<i32>} : memref<128x128xi32, #tpu.memory_space<vmem>>, vector<16xi32>,
        %bitcast3A_1470 = vector.bitcast %get3A_1469 : vector<16xi32> to vector<32xbf16>
        %unpack3A_1471 = tpu.unpack_subelements %bitcast3A_1470, 0 {pack_format = #tpu.pack_format<interleaved>} : vector<32xbf16> -> vector<16xf32>
        %unpack3A_1472 = tpu.unpack_subelements %bitcast3A_1470, 1 {pack_format = #tpu.pack_format<interleaved>} : vector<32xbf16> -> vector<16xf32>
        %add3A_1473 = arith.constant 12 : i32
        %add3A_1474 = arith.addi %mul3A_232, %add3A_1473 : i32
        %get3A_1475 = arith.index_cast %add3A_1474 : i32 to index
        %get3A_1476 = arith.constant 112 : index
        %get3A_1477 = tpu.vector_load %arg12[%get3A_1475, %get3A_1476] {strides = array<i32>} : memref<128x128xi32, #tpu.memory_space<vmem>>, vector<16xi32>,
        %bitcast3A_1478 = vector.bitcast %get3A_1477 : vector<16xi32> to vector<32xbf16>
        %unpack3A_1479 = tpu.unpack_subelements %bitcast3A_1478, 0 {pack_format = #tpu.pack_format<interleaved>} : vector<32xbf16> -> vector<16xf32>
        %unpack3A_1480 = tpu.unpack_subelements %bitcast3A_1478, 1 {pack_format = #tpu.pack_format<interleaved>} : vector<32xbf16> -> vector<16xf32>
        %add3A_1481 = arith.constant 13 : i32
        %add3A_1482 = arith.addi %mul3A_232, %add3A_1481 : i32
        %get3A_1483 = arith.index_cast %add3A_1482 : i32 to index
        %get3A_1484 = arith.constant 112 : index
        %get3A_1485 = tpu.vector_load %arg12[%get3A_1483, %get3A_1484] {strides = array<i32>} : memref<128x128xi32, #tpu.memory_space<vmem>>, vector<16xi32>,
        %bitcast3A_1486 = vector.bitcast %get3A_1485 : vector<16xi32> to vector<32xbf16>
        %unpack3A_1487 = tpu.unpack_subelements %bitcast3A_1486, 0 {pack_format = #tpu.pack_format<interleaved>} : vector<32xbf16> -> vector<16xf32>
        %unpack3A_1488 = tpu.unpack_subelements %bitcast3A_1486, 1 {pack_format = #tpu.pack_format<interleaved>} : vector<32xbf16> -> vector<16xf32>
        %add3A_1489 = arith.constant 14 : i32
        %add3A_1490 = arith.addi %mul3A_232, %add3A_1489 : i32
        %get3A_1491 = arith.index_cast %add3A_1490 : i32 to index
        %get3A_1492 = arith.constant 112 : index
        %get3A_1493 = tpu.vector_load %arg12[%get3A_1491, %get3A_1492] {strides = array<i32>} : memref<128x128xi32, #tpu.memory_space<vmem>>, vector<16xi32>,
        %bitcast3A_1494 = vector.bitcast %get3A_1493 : vector<16xi32> to vector<32xbf16>
        %unpack3A_1495 = tpu.unpack_subelements %bitcast3A_1494, 0 {pack_format = #tpu.pack_format<interleaved>} : vector<32xbf16> -> vector<16xf32>
        %unpack3A_1496 = tpu.unpack_subelements %bitcast3A_1494, 1 {pack_format = #tpu.pack_format<interleaved>} : vector<32xbf16> -> vector<16xf32>
        %add3A_1497 = arith.constant 15 : i32
        %add3A_1498 = arith.addi %mul3A_232, %add3A_1497 : i32
        %get3A_1499 = arith.index_cast %add3A_1498 : i32 to index
        %get3A_1500 = arith.constant 112 : index
        %get3A_1501 = tpu.vector_load %arg12[%get3A_1499, %get3A_1500] {strides = array<i32>} : memref<128x128xi32, #tpu.memory_space<vmem>>, vector<16xi32>,
        %bitcast3A_1502 = vector.bitcast %get3A_1501 : vector<16xi32> to vector<32xbf16>
        %unpack3A_1503 = tpu.unpack_subelements %bitcast3A_1502, 0 {pack_format = #tpu.pack_format<interleaved>} : vector<32xbf16> -> vector<16xf32>
        %unpack3A_1504 = tpu.unpack_subelements %bitcast3A_1502, 1 {pack_format = #tpu.pack_format<interleaved>} : vector<32xbf16> -> vector<16xf32>
        %add3A_1505 = arith.addf %unpack3A_1383, %unpack3A_1391 : vector<16xf32>
        %add3A_1506 = arith.addf %unpack3A_1399, %unpack3A_1407 : vector<16xf32>
        %add3A_1507 = arith.addf %unpack3A_1415, %unpack3A_1423 : vector<16xf32>
        %add3A_1508 = arith.addf %unpack3A_1431, %unpack3A_1439 : vector<16xf32>
        %add3A_1509 = arith.addf %unpack3A_1447, %unpack3A_1455 : vector<16xf32>
        %add3A_1510 = arith.addf %unpack3A_1463, %unpack3A_1471 : vector<16xf32>
        %add3A_1511 = arith.addf %unpack3A_1479, %unpack3A_1487 : vector<16xf32>
        %add3A_1512 = arith.addf %unpack3A_1495, %unpack3A_1503 : vector<16xf32>
        %add3A_1513 = arith.addf %add3A_1505, %add3A_1506 : vector<16xf32>
        %add3A_1514 = arith.addf %add3A_1507, %add3A_1508 : vector<16xf32>
        %add3A_1515 = arith.addf %add3A_1509, %add3A_1510 : vector<16xf32>
        %add3A_1516 = arith.addf %add3A_1511, %add3A_1512 : vector<16xf32>
        %add3A_1517 = arith.addf %add3A_1513, %add3A_1514 : vector<16xf32>
        %add3A_1518 = arith.addf %add3A_1515, %add3A_1516 : vector<16xf32>
        %add3A_1519 = arith.addf %add3A_1517, %add3A_1518 : vector<16xf32>
        %swap3A_1520 = arith.index_cast %scan3A_229 : i32 to index
        %swap3A_1521 = arith.constant 224 : index
        %swap3A_1522 = tpu.vector_load %arg14[%swap3A_1520, %swap3A_1521] {strides = array<i32>} : memref<8x256xf32, #tpu.memory_space<vmem>>, vector<16xf32>,
        tpu.vector_store %arg14[%swap3A_1520, %swap3A_1521], %add3A_1519 {strides = array<i32>} : memref<8x256xf32, #tpu.memory_space<vmem>>, vector<16xf32>,
        %add3A_1523 = arith.addf %unpack3A_1384, %unpack3A_1392 : vector<16xf32>
        %add3A_1524 = arith.addf %unpack3A_1400, %unpack3A_1408 : vector<16xf32>
        %add3A_1525 = arith.addf %unpack3A_1416, %unpack3A_1424 : vector<16xf32>
        %add3A_1526 = arith.addf %unpack3A_1432, %unpack3A_1440 : vector<16xf32>
        %add3A_1527 = arith.addf %unpack3A_1448, %unpack3A_1456 : vector<16xf32>
        %add3A_1528 = arith.addf %unpack3A_1464, %unpack3A_1472 : vector<16xf32>
        %add3A_1529 = arith.addf %unpack3A_1480, %unpack3A_1488 : vector<16xf32>
        %add3A_1530 = arith.addf %unpack3A_1496, %unpack3A_1504 : vector<16xf32>
        %add3A_1531 = arith.addf %add3A_1523, %add3A_1524 : vector<16xf32>
        %add3A_1532 = arith.addf %add3A_1525, %add3A_1526 : vector<16xf32>
        %add3A_1533 = arith.addf %add3A_1527, %add3A_1528 : vector<16xf32>
        %add3A_1534 = arith.addf %add3A_1529, %add3A_1530 : vector<16xf32>
        %add3A_1535 = arith.addf %add3A_1531, %add3A_1532 : vector<16xf32>
        %add3A_1536 = arith.addf %add3A_1533, %add3A_1534 : vector<16xf32>
        %add3A_1537 = arith.addf %add3A_1535, %add3A_1536 : vector<16xf32>
        %swap3A_1538 = arith.index_cast %scan3A_229 : i32 to index
        %swap3A_1539 = arith.constant 240 : index
        %swap3A_1540 = tpu.vector_load %arg14[%swap3A_1538, %swap3A_1539] {strides = array<i32>} : memref<8x256xf32, #tpu.memory_space<vmem>>, vector<16xf32>,
        tpu.vector_store %arg14[%swap3A_1538, %swap3A_1539], %add3A_1537 {strides = array<i32>} : memref<8x256xf32, #tpu.memory_space<vmem>>, vector<16xf32>,
        %scan3A_1541 = arith.constant 0 : i32
        scf.yield %scan3A_1541 : i32
      }
      %scan3A_220 = arith.constant 8 : i32
      %add3A_221 = arith.constant 2 : i32
      %add3A_222 = arith.addi %add3A_193, %add3A_221 : i32
      %lt3A_223 = arith.constant 40 : i32
      %lt3A_224 = arith.cmpi slt, %add3A_222, %lt3A_223 : i32
      %convert_element_type3A_225 = arith.extui %lt3A_224 : i1 to i32
      %cond3A_226 = arith.constant 0 : i32
      %cond3A_227 = arith.cmpi ne, %convert_element_type3A_225, %cond3A_226 : i32
      scf.if %cond3A_227 {
        %add3A_229 = arith.constant 2 : i32
        %add3A_230 = arith.addi %add3A_193, %add3A_229 : i32
        %mul3A_231 = arith.constant 128 : i32
        %mul3A_232 = arith.muli %add3A_230, %mul3A_231 : i32
        %dma_start3A_233 = tpu.memref_slice %arg10[%mul3A_232] : memref<5120xi32, #tpu.memory_space<vmem>> -> memref<128xi32, #tpu.memory_space<vmem>>
        %dma_start3A_234 = arith.constant 0 : i32
        %dma_start3A_235 = arith.constant 0 : i32
        %dma_start3A_236 = tpu.memref_slice %arg7[%arg0, %dma_start3A_234, %dma_start3A_235] : memref<2x10000x128xi32, #tpu.memory_space<hbm>> -> memref<1x10000x128xi32, #tpu.memory_space<hbm>>
        %dma_start3A_237 = tpu.memref_squeeze %dma_start3A_236 : memref<1x10000x128xi32, #tpu.memory_space<hbm>> -> memref<10000x128xi32, #tpu.memory_space<hbm>>
        %dma_start3A_238 = arith.constant 0 : i32
        %dma_start3A_239 = arith.constant 0 : i32
        %dma_start3A_240 = tpu.memref_slice %dma_start3A_237[%dma_start3A_238, %dma_start3A_239] : memref<10000x128xi32, #tpu.memory_space<hbm>> -> memref<10000x128xi32, #tpu.memory_space<hbm>>
        tpu.enqueue_indirect_dma source(%dma_start3A_240 : memref<10000x128xi32, #tpu.memory_space<hbm>>) target(%arg12 : memref<128x128xi32, #tpu.memory_space<vmem>>) offsets(%dma_start3A_233 : memref<128xi32, #tpu.memory_space<vmem>>) semaphore(%arg22 : memref<!tpu.dma_semaphore, #tpu.memory_space<semaphore_mem>>)
      } else {
      }
      %scan3A_228 = arith.constant 0 : i32
      scf.yield %scan3A_228 : i32
    }
    %scan3A_147 = arith.constant 20 : i32
    "tpu.trace_stop"() : () -> ()
    "tpu.trace_start"() <{level = 10 : i32, message = "sc_drain"}> : () -> ()
    %dma_wait3A_148 = arith.constant 0 : i32
    %dma_wait3A_149 = tpu.memref_slice %arg6[%mul3A_2, %dma_wait3A_148] : memref<10240x256xf32, #tpu.memory_space<hbm>> -> memref<8x256xf32, #tpu.memory_space<hbm>>
    %dma_wait3A_150 = arith.constant 0 : i32
    %dma_wait3A_151 = tpu.memref_slice %arg6[%mul3A_2, %dma_wait3A_150] : memref<10240x256xf32, #tpu.memory_space<hbm>> -> memref<8x256xf32, #tpu.memory_space<hbm>>
    tpu.wait_dma2 semaphore(%arg23 : memref<!tpu.dma_semaphore, #tpu.memory_space<semaphore_mem>>) src(%arg13 : memref<8x256xf32, #tpu.memory_space<vmem>>) dst(%dma_wait3A_151 : memref<8x256xf32, #tpu.memory_space<hbm>>)
    %delay3A = arith.constant 256 : i32
    tpu.delay %delay3A
    %add3A_152 = arith.constant 312 : i32
    %add3A_153 = arith.addi %mul3A_2, %add3A_152 : i32
    "tpu.region"() ({
      %run_scoped3A = tpu.sem_alloc : memref<!tpu.dma_semaphore, #tpu.memory_space<semaphore_mem>>
      %dma_start3A_154 = arith.constant 0 : i32
      %dma_start3A_155 = tpu.memref_slice %arg6[%add3A_153, %dma_start3A_154] : memref<10240x256xf32, #tpu.memory_space<hbm>> -> memref<8x256xf32, #tpu.memory_space<hbm>>
      %dma_start3A_156 = arith.constant 0 : i32
      %dma_start3A_157 = tpu.memref_slice %arg6[%add3A_153, %dma_start3A_156] : memref<10240x256xf32, #tpu.memory_space<hbm>> -> memref<8x256xf32, #tpu.memory_space<hbm>>
      tpu.enqueue_dma source(%arg14 : memref<8x256xf32, #tpu.memory_space<vmem>>) target(%dma_start3A_157 : memref<8x256xf32, #tpu.memory_space<hbm>>) target_semaphore(%run_scoped3A : memref<!tpu.dma_semaphore, #tpu.memory_space<semaphore_mem>>)
      %dma_wait3A_158 = arith.constant 0 : i32
      %dma_wait3A_159 = tpu.memref_slice %arg6[%add3A_153, %dma_wait3A_158] : memref<10240x256xf32, #tpu.memory_space<hbm>> -> memref<8x256xf32, #tpu.memory_space<hbm>>
      %dma_wait3A_160 = arith.constant 0 : i32
      %dma_wait3A_161 = tpu.memref_slice %arg6[%add3A_153, %dma_wait3A_160] : memref<10240x256xf32, #tpu.memory_space<hbm>> -> memref<8x256xf32, #tpu.memory_space<hbm>>
      tpu.wait_dma2 semaphore(%run_scoped3A : memref<!tpu.dma_semaphore, #tpu.memory_space<semaphore_mem>>) src(%arg14 : memref<8x256xf32, #tpu.memory_space<vmem>>) dst(%dma_wait3A_161 : memref<8x256xf32, #tpu.memory_space<hbm>>)
      tpu.yield
    }) : () -> ()
    "tpu.trace_stop"() : () -> ()
    return
  }
}

module attributes {stable_mosaic.version = 14 : i64} {
  func.func @_tc_body(%arg0: i32, %arg1: memref<256x256xf32, #tpu.memory_space<vmem>>, %arg2: memref<256x256xf32, #tpu.memory_space<vmem>>, %arg3: memref<2048x256xf32, #tpu.memory_space<vmem>>, %arg4: memref<2048x256xf32, #tpu.memory_space<vmem>>, %arg5: memref<256x2048xf32, #tpu.memory_space<vmem>>) attributes {dimension_semantics = [#tpu.dimension_semantics<arbitrary>], iteration_bounds = array<i64: 5>, scalar_prefetch = 0 : i64, scratch_operands = 0 : i64, tpu.core_type = #tpu.core_type<tc>, window_params = [{pipeline_mode = #tpu.pipeline_mode<synchronous>, transform_indices = @transform_0, window_bounds = array<i64: 256, 256>}, {pipeline_mode = #tpu.pipeline_mode<synchronous>, transform_indices = @transform_1, window_bounds = array<i64: 256, 256>}, {transform_indices = @transform_2, window_bounds = array<i64: 2048, 256>}, {transform_indices = @transform_3, window_bounds = array<i64: 2048, 256>}, {transform_indices = @transform_4, window_bounds = array<i64: 256, 2048>}]} {
    %get3A = arith.constant 0 : index
    %get3A_0 = arith.constant 0 : index
    %get3A_1 = vector.load %arg1[%get3A, %get3A_0] : memref<256x256xf32, #tpu.memory_space<vmem>>, vector<256x256xf32>
    %get3A_2 = arith.constant 0 : index
    %get3A_3 = arith.constant 0 : index
    %get3A_4 = vector.load %arg3[%get3A_2, %get3A_3] : memref<2048x256xf32, #tpu.memory_space<vmem>>, vector<2048x256xf32>
    %dot_general3A = arith.constant dense<0.000000e+00> : vector<256x2048xf32>
    %dot_general3A_5 = tpu.matmul %get3A_1, %get3A_4, %dot_general3A {dimension_numbers = #tpu.dot_dimension_numbers<[1], [1], [0], [0], [0, 0, 1, 0], [], []>, transpose_lhs_hint = false} : vector<256x256xf32>, vector<2048x256xf32>, vector<256x2048xf32> -> vector<256x2048xf32>
    %get3A_6 = arith.constant 0 : index
    %get3A_7 = arith.constant 0 : index
    %get3A_8 = vector.load %arg2[%get3A_6, %get3A_7] : memref<256x256xf32, #tpu.memory_space<vmem>>, vector<256x256xf32>
    %get3A_9 = arith.constant 0 : index
    %get3A_10 = arith.constant 0 : index
    %get3A_11 = vector.load %arg4[%get3A_9, %get3A_10] : memref<2048x256xf32, #tpu.memory_space<vmem>>, vector<2048x256xf32>
    %dot_general3A_12 = arith.constant dense<0.000000e+00> : vector<256x2048xf32>
    %dot_general3A_13 = tpu.matmul %get3A_8, %get3A_11, %dot_general3A_12 {dimension_numbers = #tpu.dot_dimension_numbers<[1], [1], [0], [0], [0, 0, 1, 0], [], []>, transpose_lhs_hint = false} : vector<256x256xf32>, vector<2048x256xf32>, vector<256x2048xf32> -> vector<256x2048xf32>
    %add3A = arith.addf %dot_general3A_5, %dot_general3A_13 : vector<256x2048xf32>
    %max3A = arith.constant 0.000000e+00 : f32
    %max3A_14 = vector.broadcast %max3A : f32 to vector<256x2048xf32>
    %max3A_15 = arith.maximumf %add3A, %max3A_14 : vector<256x2048xf32>
    %swap3A = arith.constant 0 : index
    %swap3A_16 = arith.constant 0 : index
    %swap3A_17 = vector.load %arg5[%swap3A, %swap3A_16] : memref<256x2048xf32, #tpu.memory_space<vmem>>, vector<256x2048xf32>
    tpu.vector_store %arg5[%swap3A, %swap3A_16], %max3A_15 {strides = array<i32>} : memref<256x2048xf32, #tpu.memory_space<vmem>>, vector<256x2048xf32>,
    return
  }
  func.func @transform_0(%arg0: i32) -> (i32, i32) {
    %c0_i32 = arith.constant 0 : i32
    %c0_i32_0 = arith.constant 0 : i32
    %c0_i32_1 = arith.constant 0 : i32
    return %c0_i32, %c0_i32_0 : i32, i32
  }
  func.func @transform_1(%arg0: i32) -> (i32, i32) {
    %c0_i32 = arith.constant 0 : i32
    %c0_i32_0 = arith.constant 0 : i32
    %c0_i32_1 = arith.constant 0 : i32
    return %c0_i32, %c0_i32_0 : i32, i32
  }
  func.func @transform_2(%arg0: i32) -> (i32, i32) {
    %c0_i32 = arith.constant 0 : i32
    %c0_i32_0 = arith.constant 0 : i32
    return %arg0, %c0_i32 : i32, i32
  }
  func.func @transform_3(%arg0: i32) -> (i32, i32) {
    %c0_i32 = arith.constant 0 : i32
    %c0_i32_0 = arith.constant 0 : i32
    return %arg0, %c0_i32 : i32, i32
  }
  func.func @transform_4(%arg0: i32) -> (i32, i32) {
    %c0_i32 = arith.constant 0 : i32
    %c0_i32_0 = arith.constant 0 : i32
    return %c0_i32, %arg0 : i32, i32
  }
}

</mosaic_0001>

<sc_bundles>
// kernel: kernel.4.cloned.1.call-start
scs
__scs_entry_jumppad:
0x0: {  	(pc) =	sbr.rel $0x88, $3  }
0x1: {  	(tag) =	ssettag $0x0;
	lr =	simm.s32 $0x1  }
0x2: {  	[smem:$0x3F9D] =	sst lr;
	_ =	strace $0xD0000000  }
0x3: {  	_ = 	snop  }
0x4: {  	_ = 	snop  }
0x5: {  	_ = 	snop  }
0x6: {  	_ = 	snop  }
0x7: {  	_ = 	snop  }
__scs_overlays_trampoline_lowered:
0x8: {  	[smem:$0x3FAC] =	sst s0  }
0x9: {  	[smem:$0x3FAD] =	sst s1  }
0xa: {  	[smem:$0x3FAE] =	sst s2  }
0xb: {  	[smem:$0x3FAF] =	sst s3  }
0xc: {  	[smem:$0x3FB0] =	sst s4  }
0xd: {  	[smem:$0x3FB1] =	sst s5  }
0xe: {  	[smem:$0x3FB2] =	sst s6  }
0xf: {  	[smem:$0x3FB3] =	sst s7  }
0x10: {  	[smem:$0x3FB4] =	sst s8  }
0x11: {  	[smem:$0x3FB5] =	sst s9;
	s0 =	simm.s32 @!p0 $0x0  }
0x12: {  	s1 =	sld [smem:$0x3F9B];
	s0 =	simm.s32 @p0 $0x1  }
0x13: {  	[smem:$0x3FB6] =	sst s0;
	s0 =	simm.s32 @!p1 $0x0  }
0x14: {  	s2 =	sld [smem:$0x3F9A];
	s0 =	simm.s32 @p1 $0x1  }
0x15: {  	[smem:$0x3FB7] =	sst s0;
	s0 =	simm.s32 @!p2 $0x0  }
0x16: {  	s3 =	sld [smem:$0x3FDB];
	s0 =	simm.s32 @p2 $0x1  }
0x17: {  	s4 =	simm.s32 $0x1BF5;
	[smem:$0x3FB9] =	sst s0  }
0x18: {  	s0 =	sld [smem:$0x3F9C];
	_ =	swait.ge [sflag:s4], $0x0  }
0x19: {  	s7 =	sld [smem:$0x3F9D]  }
0x1a: {  	s8 =	sadd.s32 $0xFFFFE003, lr  }
0x1b: {  	s9 =	sadd.s32 $0xFFFFFEF7, lr;
	s5 =	simm.s32 $0xFFFFFFFF;
	p2 =	slt.u32 s8, $0xFFFFF086  }
0x1c: {  	p1 =	slt.u32 s9, $0xF7A;
	s5 =	simm.s32 @!p2 $0x0  }
0x1d: {  	s5 =	simm.s32 @p1 $0x1;
	p0 =	seq.s32 s7, s2  }
0x1e: {  	s7 =	smul.u32 @!p0 $0xF7A, s2;
	p2 =	seq.s32 @!p0 s5, $0x0  }
0x1f: {  	s9 =	smul.u32 $0xF7A, s1;
	s8 =	simm.s32 @!p0 $0x1BF5;
	p2 =	por !p2, p0  }
0x20: {  	[sflag:s8] =	ssyncset.s32 @!p0 $0xFFFFF086;
	s6 =	sadd.s32 @!p0 s3, s7;
	s7 =	simm.s32 @!p0 $0x108  }
0x21: {  	s3 =	sadd.s32 s3, s9;
	s6 =	sadd.s32 @!p0 $0x88, s6;
	s7 =	simm.s32 @p2 $0x1082  }
0x22: {  	[simem:s7], [sflag:s8] =	dma.local @!p0 [hbm:s6], $0xF7A  }
0x23: {  	s9 =	sor.u32 $0xD0000000, s2;
	s6 =	simm.s32 $0x108;
	_ =	swait.ge @!p0 [sflag:s8], $0x0  }
0x24: {  	s3 =	sadd.s32 $0x88, s3;
	s6 =	simm.s32 @!p1 $0x1082;
	[sflag:s4] =	ssyncset.s32 $0xFFFFF086  }
0x25: {  	[simem:s6], [sflag:s4] =	dma.local [hbm:s3], $0xF7A  }
0x26: {  	[smem:$0x3F9D] =	sst s1;
	(tag) =	ssettag s2;
	_ =	strace s9  }
0x27: {  	s1 =	sld [smem:$0x3FAD]  }
0x28: {  	s2 =	sld [smem:$0x3FAE]  }
0x29: {  	s4 =	sld [smem:$0x3FB0]  }
0x2a: {  	p0 =	seq.s32 s5, $0x0;
	s5 =	sld [smem:$0x3FB1]  }
0x2b: {  	s6 =	sld [smem:$0x3FB2]  }
0x2c: {  	s7 =	sld [smem:$0x3FB3]  }
0x2d: {  	s3 =	simm.s32 $0x108;
	s8 =	sld [smem:$0x3FB4]  }
0x2e: {  	s3 =	simm.s32 @!p0 $0x1082;
	s9 =	sld [smem:$0x3FB5]  }
0x2f: {  	lr =	sadd.s32 s0, s3;
	s0 =	sld [smem:$0x3FAC]  }
0x30: {  	s3 =	sld [smem:$0x3FAF]  }
0x31: {  	[smem:$0x3FB8] =	sst s10  }
0x32: {  	s10 =	sld [smem:$0x3FB6];
	_ =	sdelay $0x3  }
0x33: {  	p0 =	seq.s32 s10, $0x1;
	s10 =	sld [smem:$0x3FB8];
	_ =	sdelay $0x3  }
0x34: {  	[smem:$0x3FB8] =	sst s10  }
0x35: {  	s10 =	sld [smem:$0x3FB7];
	_ =	sdelay $0x3  }
0x36: {  	p1 =	seq.s32 s10, $0x1;
	s10 =	sld [smem:$0x3FB8];
	_ =	sdelay $0x3  }
0x37: {  	[smem:$0x3FB8] =	sst s10  }
0x38: {  	s10 =	sld [smem:$0x3FB9]  }
0x39: {  	_ = 	snop;
	(pc) =	sbr.ind lr, $3  }
0x3a: {  	_ = 	snop  }
0x3b: {  	_ = 	snop  }
0x3c: {  	p2 =	seq.s32 s10, $0x1;
	s10 =	sld [smem:$0x3FB8]  }
0x3d: {  	_ =	shalt  }
0x3e: {  	_ =	shalt  }
0x3f: {  	_ =	shalt  }
0x40: {  	_ =	shalt  }
0x41: {  	_ =	shalt  }
0x42: {  	_ =	shalt  }
0x43: {  	_ =	shalt  }
0x44: {  	_ =	shalt  }
0x45: {  	_ =	shalt  }
0x46: {  	_ =	shalt  }
0x47: {  	_ =	shalt  }
0x48: {  	_ =	shalt  }
0x49: {  	_ =	shalt  }
0x4a: {  	_ =	shalt  }
0x4b: {  	_ =	shalt  }
0x4c: {  	_ =	shalt  }
0x4d: {  	_ =	shalt  }
0x4e: {  	_ =	shalt  }
0x4f: {  	_ =	shalt  }
0x50: {  	_ =	shalt  }
0x51: {  	_ =	shalt  }
0x52: {  	_ =	shalt  }
0x53: {  	_ =	shalt  }
0x54: {  	_ =	shalt  }
0x55: {  	_ =	shalt  }
0x56: {  	_ =	shalt  }
0x57: {  	_ =	shalt  }
0x58: {  	_ =	shalt  }
0x59: {  	_ =	shalt  }
0x5a: {  	_ =	shalt  }
0x5b: {  	_ =	shalt  }
0x5c: {  	_ =	shalt  }
0x5d: {  	_ =	shalt  }
0x5e: {  	_ =	shalt  }
0x5f: {  	_ =	shalt  }
0x60: {  	_ =	shalt  }
0x61: {  	_ =	shalt  }
0x62: {  	_ =	shalt  }
0x63: {  	_ =	shalt  }
0x64: {  	_ =	shalt  }
0x65: {  	_ =	shalt  }
0x66: {  	_ =	shalt  }
0x67: {  	_ =	shalt  }
0x68: {  	_ =	shalt  }
0x69: {  	_ =	shalt  }
0x6a: {  	_ =	shalt  }
0x6b: {  	_ =	shalt  }
0x6c: {  	_ =	shalt  }
0x6d: {  	_ =	shalt  }
0x6e: {  	_ =	shalt  }
0x6f: {  	_ =	shalt  }
0x70: {  	_ =	shalt  }
0x71: {  	_ =	shalt  }
0x72: {  	_ =	shalt  }
0x73: {  	_ =	shalt  }
0x74: {  	_ =	shalt  }
0x75: {  	_ =	shalt  }
0x76: {  	_ =	shalt  }
0x77: {  	_ =	shalt  }
0x78: {  	_ =	shalt  }
0x79: {  	_ =	shalt  }
0x7a: {  	_ =	shalt  }
0x7b: {  	_ =	shalt  }
0x7c: {  	_ =	shalt  }
0x7d: {  	_ =	shalt  }
0x7e: {  	_ =	shalt  }
0x7f: {  	_ =	shalt  }
0x80: {  	_ =	shalt  }
0x81: {  	_ =	shalt  }
0x82: {  	_ =	shalt  }
0x83: {  	_ =	shalt  }
0x84: {  	_ =	shalt  }
0x85: {  	_ =	shalt  }
0x86: {  	_ =	shalt  }
0x87: {  	_ =	shalt  }
.Lfunc_end0:
.L_simem_size_0:
called_computation_lowered:
.L_overlay_start_0:
0x88: {  	s2 =	sld [smem:$0x3FD9]  }
0x89: {  	s3 =	sld [smem:$0x3FFE];
	_ =	sdelay $0x1  }
0x8a: {  	s1 =	srdreg.scid  }
0x8b: {  	s0 =	sand.u32 $0x1, s1  }
0x8c: {  	s17 =	sshll.u32 s0, $0xA;
	s2 =	sadd.s32 s3, s2  }
0x8d: {  	s2 =	sadd.s32 s2, s17  }
0x8e: {  	[smem:$0x3FC4] =	sst s2  }
0x8f: {  	_ = 	snop  }
0x90: {  	s2 =	sld [smem:$0x3FC8]  }
0x91: {  	s18 =	sld [smem:$0x3FD0];
	(tm) =	ssettm $0x1  }
0x92: {  	s4 =	sld [smem:$0x3FFB];
	_ =	sdelay $0x3  }
0x93: {  	_ =	strace s4  }
0x94: {  	s4 =	sld [smem:$0x3FFC];
	_ =	sdelay $0x3  }
0x95: {  	_ =	strace s4  }
0x96: {  	s4 =	sld [smem:$0x3FFD];
	_ =	sdelay $0x3  }
0x97: {  	_ =	strace s4  }
0x98: {  	_ =	strace $0x8FFFFFFF  }
0x99: {  	s19 =	sld [smem:$0x3FDB];
	_ =	sdelay $0x1  }
0x9a: {  	s5 =	simm.s32 $_scs_section_size  }
0x9b: {  	s6 =	simm.s32 $_size__tile_overlayer_lowered;
	s7 =	simm.s32 $_tile_overlayer_lowered  }
0x9c: {  	s22 =	simm.s32 $0x1BFF;
	s21 =	sshll.u32 s7, $0x1;
	s4 =	sadd.s32 s5, s19  }
0x9d: {  	s8 =	simm.s32 $0x0;
	s20 =	sshll.u32 s6, $0x1;
	s6 =	sadd.s32 s21, s4  }
0x9e: {  	[timem:s8], [sflag:s22] =	dma.local [hbm:s6], s20  }
0x9f: {  	_ =	swait.ge [sflag:s22], s20  }
0xa0: {  	s5 =	ssub.s32 $0x0, s20;
	[sflag:s22] =	ssyncset.done $0x0  }
0xa1: {  	[sflag:s22] =	ssyncadd.s32 s5;
	_ =	sdelay $0x1  }
0xa2: {  	s23 =	simm.s32 $0x1B8B  }
0xa3: {  	_ =	swait.ge [sflag:s23], $0x1  }
0xa4: {  	[sflag:s23] =	ssyncset.done $0x0  }
0xa5: {  	s25 =	simm.s32 $0x1B8E;
	s24 =	sld [smem:$0x3FFE];
	[sflag:s23] =	ssyncadd.s32 $0xFFFFFFFF  }
0xa6: {  	s26 =	simm.s32 $execute0_lowered;
	[smem:$0x3FD2] =	sst s25  }
0xa7: {  	s6 =	sshll.u32 s26, $0x1;
	_ =	strace $0x80000046;
	[dreg:$0x1] =	wrdreg $0xFFFFFFFF  }
0xa8: {  	s28 =	simm.s32 $_size_execute0_lowered;
	s4 =	sadd.s32 s4, s6;
	[dreg:$0x0] =	wrdreg $0x0  }
0xa9: {  	s6 =	sshll.u32 s28, $0x1;
	[dreg:$0x2] =	wrdreg s4  }
0xaa: {  	[dreg:$0x3] =	wrdreg s6  }
0xab: {  	[dreg:$0x4] =	wrdreg $0xC0  }
0xac: {  	_ =	task [dreg:s8], $0x5FFFF  }
0xad: {  	[dreg:$0x1] =	wrdreg $0xFFFFFFFF  }
0xae: {  	[dreg:$0x0] =	wrdreg $0x60  }
0xaf: {  	[dreg:$0x2] =	wrdreg s24  }
0xb0: {  	[dreg:$0x3] =	wrdreg s2  }
0xb1: {  	[dreg:$0x4] =	wrdreg s18  }
0xb2: {  	[dreg:$0x5] =	wrdreg $0x9  }
0xb3: {  	_ =	task.clear_ibuf [dreg:s8], $0x6FFFF;
	_ =	strace $0x90000046  }
0xb4: {  	s29 =	simm.s32 $0x9;
	_ =	strace $0x8000004E  }
0xb5: {  	_ =	swait.ge [sflag:s29], $0x1  }
0xb6: {  	[sflag:s29] =	ssyncadd.s32 $0xFFFFFFFF  }
0xb7: {  	_ =	strace $0x9000004E  }
0xb8: {  	_ =	sfence  }
0xb9: {  	s30 =	sld [smem:$0x0];
	_ =	sdelay $0x2  }
0xba: {  	s31 =	sshll.u32 s1, $0xD;
	s1 =	sshrl.u32 s1, $0x2  }
0xbb: {  	s3 =	sand.u32 $0x4000, s31;
	s1 =	sadd.s32 s1, s30  }
0xbc: {  	s0 =	sor.u32 s3, s0;
	s1 =	sshll.u32 s1, $0x11  }
0xbd: {  	s0 =	sor.u32 s1, s0  }
0xbe: {  	s0 =	sadd.s32 $0x8F2B, s0  }
0xbf: {  	[sflag:s0] =	ssyncadd.remote.s32 $0x1  }
0xc0: {  	_ =	sfence.sel $0xFFFF  }
0xc1: {  	[dreg:$0x0] =	wrdreg $0xFFFFFFFF;
	(pc) =	sbr.abs _section_cstart, $3  }
0xc2: {  	[dreg:$0x1] =	wrdreg $0xFFFFFFFF  }
0xc3: {  	_ =	task.clear_ibuf [dreg:s8], $0x2FFFF;
	_ =	strace $0x9FFFFFFF  }
0xc4: {  	(tm) =	ssettm $0x7FFFFFFF  }
0xc5: {  	_ =	shalt  }
tec
execute0_lowered:
.L_overlay_start_1:
0x0: {  	(tag) =	ssettag $0x1  }
0x1: {  	s0 =	rddreg [dreg:$0x0];
	s1 =	srdreg.scid  }
0x2: {  	s2 =	rddreg [dreg:$0x1];
	s9 =	sand.u32 $0x1, s1  }
0x3: {  	s3 =	rddreg [dreg:$0x2];
	s1 =	stileid.u32;
	s5 =	sshll.u32 s9, $0x4  }
0x4: {  	s4 =	simm.s32 $0x0;
	s19 =	simm.s32 $0x8;
	s8 =	sor.u32 s1, s5  }
0x5: {  	s18 =	simm.s32 $0x19580;
	s28 =	simm.s32 $0x4;
	s5 =	smul.u32 $0x28, s8  }
0x6: {  	s30 =	simm.s32 $0x11580;
	s31 =	simm.s32 $0x16580;
	s6 =	smul.u32 $0x14000, s8  }
0x7: {  	[smem:$0x7FF] =	sst s4;
	s12 =	sadd.s32 $0x28800, s0;
	s21 =	smul.u32 $0x2800, s8  }
0x8: {  	s7 =	sadd.s32 $0x78800, s0;
	s11 =	ssub.s32 $0x2, s9;
	s8 =	smul.u32 $0x138800, s9  }
0x9: {  	_ =	strace $0x80000047;
	s13 =	sshrl.u32 s11, $0x1;
	s9 =	smul.u32 $0x27100, s9  }
0xa: {  	s20 =	ssub.s32 s11, s13;
	s10 =	sadd.s32 s5, s0;
	s5 =	sadd.s32 $0x1000, s0  }
0xb: {  	s22 =	sshrl.u32 s6, $0x3;
	s23 =	sadd.s32 s12, s21;
	s14 =	sadd.s32 s3, s9  }
0xc: {  	s29 =	sadd.s32 s7, s21;
	s0 =	smax.u32 s20, $0x1;
	[dreg:$0xc] =	wrdreg s8  }
0xd: {  	s21 =	simm.s32 $0x7;
	s20 =	simm.s32 $0x12580;
	[dreg:$0x5] =	wrdreg s23  }
0xe: {  	s10 =	sadd.s32 $0x28200, s10;
	s12 =	sadd.s32 s12, s22;
	[dreg:$0xa] =	wrdreg s0  }
0xf: {  	s26 =	sadd.s32 s7, s22;
	s17 =	sadd.s32 $0xFFFFFF00, s29;
	[dreg:$0xb] =	wrdreg s5  }
.Ltmp0:
0x10: {  	[dreg:$0x4] =	wrdreg s10;
	s24 =	sadd.s32 $0xA00, s12;
	(pc) =	sbr.rel .LBB2_1-.Ltmp0, $4  }
0x11: {  	s23 =	simm.s32 $0x13580;
	s25 =	sadd.s32 $0x1400, s12;
	[dreg:$0x6] =	wrdreg s24  }
0x12: {  	v2 =	vlaneseq.u32;
	s12 =	sadd.s32 $0x1E00, s12;
	s9 =	sadd.s32 $0x2700, s26;
	[dreg:$0x7] =	wrdreg s25  }
0x13: {  	vm0 =	vmmov $0xffff;
	v1 =	vshrl.u32 v2, $0x3;
	s26 =	simm.s32 $0x1;
	s10 =	simm.s32 $0x0;
	[dreg:$0x8] =	wrdreg s12  }
0x14: {  	v0 =	vand.u32 $0x7, v2;
	v2 =	vor.u32 $0x8, v2;
	v1 =	vmul.u32 $0x8, v1;
	[dreg:$0x9] =	wrdreg s9;
	s9 =	simm.s32 $0x16D80;
	s25 =	simm.s32 $0x14D80  }
.LBB2_22:
0x15: {  	_ =	strace $0x9000004C  }
0x16: {  	s0 =	simm.s32 $0x5;
	_ =	strace $0x8000004D  }
0x17: {  	_ =	swait.ge [sflag:s0], $0x800  }
0x18: {  	[sflag:s0] =	ssyncset.done $0x0  }
0x19: {  	[sflag:s0] =	ssyncadd.s32 $0xFFFFF800  }
0x1a: {  	_ =	sdelay $0x7ff  }
0x1b: {  	_ =	sdelay $0x1c0  }
0x1c: {  	s10 =	simm.s32 $0xC580;
	s22 =	rddreg [dreg:$0x9]  }
0x1d: {  	[hbm4b:s22+s4] =	stream.linear.scatter [tilespmem:s10], [sflag:$0x7], $0x800, $0x200038;
	[tilespmem:$0x1A980] =	vst v63  }
0x1e: {  	_ =	swait.ge [sflag:s21], $0x800  }
0x1f: {  	s24 =	rddreg [dreg:$0xd]  }
0x20: {  	s29 =	rddreg [dreg:$0xa];
	s10 =	sadd.s32 $0x1, s24  }
0x21: {  	p0 =	sne.s32 s10, s29  }
.Ltmp1:
0x22: {  	_ = 	snop;
	(pc) =	sbr.rel @!p0 .LBB2_23-.Ltmp1, $4  }
0x23: {  	_ = 	snop  }
0x24: {  	[sflag:s21] =	ssyncset.done $0x0  }
0x25: {  	[sflag:s21] =	ssyncadd.s32 $0xFFFFF800  }
0x26: {  	_ =	strace $0x9000004D  }
.LBB2_1:
.Ltmp2:
0x27: {  	(pc) =	sbr.rel .LBB2_2-.Ltmp2, $3  }
0x28: {  	_ =	sdelay $0x1  }
0x29: {  	[dreg:$0xd] =	wrdreg s10  }
0x2a: {  	s0 =	simm.s32 $0x0;
	_ =	strace $0x80000048  }
.LBB2_6:
0x2b: {  	s0 =	sadd.s32 $0x1, s0  }
0x2c: {  	p0 =	sne.s32 s0, $0x10  }
.Ltmp3:
0x2d: {  	_ = 	snop;
	(pc) =	sbr.rel @!p0 .LBB2_7-.Ltmp3, $1  }
0x2e: {  	_ =	sdelay $0x3  }
.LBB2_2:
0x2f: {  	s10 =	sshll.u32 s0, $0x4  }
0x30: {  	s10 =	sor.u32 s1, s10  }
0x31: {  	p0 =	sgt.u32 s10, $0xF9  }
.Ltmp4:
0x32: {  	_ = 	snop;
	(pc) =	sbr.rel @p0 .LBB2_6-.Ltmp4, $1  }
0x33: {  	_ =	sdelay $0x3  }
0x34: {  	s13 =	smul.u32 $0x500, s10;
	_ =	sdelay $0x1  }
0x35: {  	s15 =	simm.s32 $0x0;
	s13 =	sadd.s32 s2, s13  }
0x36: {  	[tilespmem:s9], [sflag:$0x8] =	stream.linear.gather [hbm4b:s13+s15], $0x2800, $0x200038;
	[tilespmem:$0x1A980] =	vst v63  }
0x37: {  	_ =	swait.ge [sflag:s19], $0x2800  }
0x38: {  	s24 =	sand.u32 $0x3800, s15;
	s16 =	sand.u32 $0x380, s15;
	[sflag:s19] =	ssyncset.done $0x0  }
0x39: {  	s13 =	sor.u32 s16, s24;
	[sflag:s19] =	ssyncadd.s32 $0xFFFFD800  }
0x3a: {  	s29 =	sadd.s32 $0x16D80, s13;
	v3 =	vld [tilespmem:s13+$0x16D80]  }
0x3b: {  	v4 =	vld [tilespmem:s29+$0x10];
	_ =	sdelay $0x4  }
0x3c: {  	s24 =	simm.s32 $0x195C0;
	v3 =	vpack.i.f32.bf16 v4, v3  }
0x3d: {  	[tilespmem:s24+$0xFFFFFFC0] =	vst v3  }
0x3e: {  	v3 =	vld [tilespmem:s29+$0x20]  }
0x3f: {  	v58 =	vld [tilespmem:s29+$0x30];
	_ =	sdelay $0x4  }
0x40: {  	v3 =	vpack.i.f32.bf16 v58, v3  }
0x41: {  	[tilespmem:s24+$0xFFFFFFD0] =	vst v3  }
0x42: {  	v3 =	vld [tilespmem:s29+$0x40]  }
0x43: {  	v59 =	vld [tilespmem:s29+$0x50];
	_ =	sdelay $0x4  }
0x44: {  	v3 =	vpack.i.f32.bf16 v59, v3  }
0x45: {  	[tilespmem:s24+$0xFFFFFFE0] =	vst v3  }
0x46: {  	v3 =	vld [tilespmem:s29+$0x60]  }
0x47: {  	v60 =	vld [tilespmem:s29+$0x70];
	_ =	sdelay $0x4  }
0x48: {  	v3 =	vpack.i.f32.bf16 v60, v3  }
0x49: {  	[tilespmem:s24+$0xFFFFFFF0] =	vst v3  }
0x4a: {  	v3 =	vld [tilespmem:s29+$0x400]  }
0x4b: {  	v61 =	vld [tilespmem:s29+$0x410];
	_ =	sdelay $0x4  }
0x4c: {  	v3 =	vpack.i.f32.bf16 v61, v3  }
0x4d: {  	[tilespmem:s24+$0x0] =	vst v3  }
0x4e: {  	v3 =	vld [tilespmem:s29+$0x420]  }
0x4f: {  	v62 =	vld [tilespmem:s29+$0x430];
	_ =	sdelay $0x4  }
0x50: {  	v3 =	vpack.i.f32.bf16 v62, v3  }
0x51: {  	[tilespmem:s24+$0x10] =	vst v3  }
0x52: {  	v3 =	vld [tilespmem:s29+$0x440]  }
0x53: {  	v63 =	vld [tilespmem:s29+$0x450];
	_ =	sdelay $0x4  }
0x54: {  	v3 =	vpack.i.f32.bf16 v63, v3  }
0x55: {  	s16 =	simm.s32 $0x195C0;
	s13 =	simm.s32 $0x100;
	[tilespmem:s24+$0x20] =	vst v3  }
.LBB2_4:
0x56: {  	p0 =	sne.s32 s13, $0x2700;
	v3 =	vld [tilespmem:s29+$0x460];
	s15 =	sadd.s32 $0x80, s15;
	s24 =	sadd.s32 $0x80, s24  }
0x57: {  	v4 =	vld [tilespmem:s29+$0x470];
	s29 =	smov.u32 s13;
	s13 =	sadd.s32 $0x100, s13;
	_ =	sdelay $0x4  }
0x58: {  	s22 =	sand.u32 $0x380, s15;
	s29 =	sand.u32 $0x3800, s29;
	v3 =	vpack.i.f32.bf16 v4, v3  }
0x59: {  	s22 =	sor.u32 s22, s29;
	[tilespmem:s16+$0x30] =	vst v3;
	s16 =	smov.u32 s24  }
0x5a: {  	s29 =	sadd.s32 $0x16D80, s22;
	v3 =	vld [tilespmem:s22+$0x16D80]  }
0x5b: {  	v4 =	vld [tilespmem:s29+$0x10];
	_ =	sdelay $0x4  }
0x5c: {  	v3 =	vpack.i.f32.bf16 v4, v3  }
0x5d: {  	[tilespmem:s24+$0xFFFFFFC0] =	vst v3  }
0x5e: {  	v3 =	vld [tilespmem:s29+$0x20]  }
0x5f: {  	v4 =	vld [tilespmem:s29+$0x30];
	_ =	sdelay $0x4  }
0x60: {  	v3 =	vpack.i.f32.bf16 v4, v3  }
0x61: {  	[tilespmem:s24+$0xFFFFFFD0] =	vst v3  }
0x62: {  	v3 =	vld [tilespmem:s29+$0x40]  }
0x63: {  	v4 =	vld [tilespmem:s29+$0x50];
	_ =	sdelay $0x4  }
0x64: {  	v3 =	vpack.i.f32.bf16 v4, v3  }
0x65: {  	[tilespmem:s24+$0xFFFFFFE0] =	vst v3  }
0x66: {  	v3 =	vld [tilespmem:s29+$0x60]  }
0x67: {  	v4 =	vld [tilespmem:s29+$0x70];
	_ =	sdelay $0x4  }
0x68: {  	v3 =	vpack.i.f32.bf16 v4, v3  }
0x69: {  	[tilespmem:s24+$0xFFFFFFF0] =	vst v3  }
0x6a: {  	v3 =	vld [tilespmem:s29+$0x400]  }
0x6b: {  	v4 =	vld [tilespmem:s29+$0x410];
	_ =	sdelay $0x4  }
0x6c: {  	v3 =	vpack.i.f32.bf16 v4, v3  }
0x6d: {  	[tilespmem:s24+$0x0] =	vst v3  }
0x6e: {  	v3 =	vld [tilespmem:s29+$0x420]  }
0x6f: {  	v4 =	vld [tilespmem:s29+$0x430];
	_ =	sdelay $0x4  }
0x70: {  	v3 =	vpack.i.f32.bf16 v4, v3  }
0x71: {  	[tilespmem:s24+$0x10] =	vst v3  }
0x72: {  	v3 =	vld [tilespmem:s29+$0x440]  }
0x73: {  	v4 =	vld [tilespmem:s29+$0x450];
	_ =	sdelay $0x1  }
.Ltmp5:
0x74: {  	(pc) =	sbr.rel @p0 .LBB2_4-.Ltmp5, $3  }
0x75: {  	_ =	sdelay $0x1  }
0x76: {  	v3 =	vpack.i.f32.bf16 v4, v3  }
0x77: {  	[tilespmem:s24+$0x20] =	vst v3  }
0x78: {  	v3 =	vld [tilespmem:s29+$0x460]  }
0x79: {  	v4 =	vld [tilespmem:s29+$0x470];
	_ =	sdelay $0x1  }
0x7a: {  	s10 =	smul.u32 $0x1400, s10;
	_ =	sdelay $0x1  }
0x7b: {  	s10 =	sadd.s32 s8, s10  }
0x7c: {  	s10 =	sshrl.u32 s10, $0x3;
	v3 =	vpack.i.f32.bf16 v4, v3  }
.Ltmp6:
0x7d: {  	s10 =	sadd.s32 s3, s10;
	[tilespmem:s16+$0x30] =	vst v3;
	(pc) =	sbr.rel .LBB2_6-.Ltmp6, $4  }
0x7e: {  	[hbm4b:s10+s4] =	stream.linear.scatter [tilespmem:s18], [sflag:$0x7], $0x1400, $0x200038;
	[tilespmem:$0x1A980] =	vst v63  }
0x7f: {  	_ =	swait.ge [sflag:s21], $0x1400  }
0x80: {  	[sflag:s21] =	ssyncset.done $0x0  }
0x81: {  	[sflag:s21] =	ssyncadd.s32 $0xFFFFEC00  }
.LBB2_7:
0x82: {  	_ =	strace $0x90000048  }
0x83: {  	_ =	strace $0x80000049  }
0x84: {  	s10 =	simm.s32 $0x0;
	s0 =	rddreg [dreg:$0x4]  }
0x85: {  	[tilespmem:s10], [sflag:$0x7] =	stream.linear.gather [hbm4b:s0+s10], $0x140, $0x200038;
	[tilespmem:$0x1A980] =	vst v63  }
0x86: {  	_ =	swait.ge [sflag:s21], $0x140  }
0x87: {  	[sflag:s21] =	ssyncset.done $0x0  }
0x88: {  	s13 =	simm.s32 $0x50;
	s0 =	simm.s32 $0x180;
	[sflag:s21] =	ssyncadd.s32 $0xFFFFFEC0  }
0x89: {  	[tilespmem:s0], [sflag:$0x1] =	stream.indirect.gather [hbm4b:s5+s13], $0x80, s10, s13, $0x2000b8;
	[tilespmem:$0x1A980] =	vst v63  }
0x8a: {  	_ =	swait.ge [sflag:s26], $0x2800  }
0x8b: {  	[sflag:s26] =	ssyncset.done $0x0  }
0x8c: {  	[sflag:s26] =	ssyncadd.s32 $0xFFFFD800  }
0x8d: {  	v3 =	vld [tilespmem:s0+$0x0];
	_ =	sdelay $0x2  }
0x8e: {  	s10 =	simm.s32 $0x40;
	s13 =	simm.s32 $0x0  }
.LBB2_8:
0x8f: {  	p0 =	sne.s32 s10, $0x13C0  }
0x90: {  	[tilespmem:s13+$0x2980] =	vst v3;
	s0 =	sadd.s32 $0x80, s0;
	s13 =	smov.u32 s10;
	s10 =	sadd.s32 $0x40, s10  }
.Ltmp7:
0x91: {  	v3 =	vld [tilespmem:s0+$0x0];
	(pc) =	sbr.rel @p0 .LBB2_8-.Ltmp7, $2  }
0x92: {  	_ =	sdelay $0x2  }
0x93: {  	s13 =	sshra.s32 s13, $0x2  }
0x94: {  	[tilespmem:s13+$0x2980] =	vst v3;
	s0 =	simm.s32 $0x180;
	s10 =	simm.s32 $0x50  }
0x95: {  	[tilespmem:s0], [sflag:$0x1] =	stream.indirect.gather [hbm4b:s5+s10], $0x80, s10, s10, $0x2000b8;
	[tilespmem:$0x1A980] =	vst v63  }
0x96: {  	_ =	swait.ge [sflag:s26], $0x2800  }
0x97: {  	[sflag:s26] =	ssyncset.done $0x0  }
0x98: {  	[sflag:s26] =	ssyncadd.s32 $0xFFFFD800  }
0x99: {  	v3 =	vld [tilespmem:s0+$0x0];
	_ =	sdelay $0x1  }
0x9a: {  	s29 =	simm.s32 $0x0  }
0x9b: {  	s10 =	simm.s32 $0x10;
	s13 =	sand.u32 $0x7F0, s29  }
.LBB2_10:
0x9c: {  	p0 =	sne.s32 s10, $0x4F0  }
0x9d: {  	[tilespmem:s13+$0x2E80] =	vst v3;
	s0 =	sadd.s32 $0x80, s0;
	s13 =	smov.u32 s10;
	s10 =	sadd.s32 $0x10, s10  }
.Ltmp8:
0x9e: {  	v3 =	vld [tilespmem:s0+$0x0];
	(pc) =	sbr.rel @p0 .LBB2_10-.Ltmp8, $2  }
0x9f: {  	_ =	sdelay $0x2  }
0xa0: {  	s13 =	sand.u32 $0x7F0, s13  }
0xa1: {  	[tilespmem:s13+$0x2E80] =	vst v3;
	s0 =	simm.s32 $0x180;
	s10 =	simm.s32 $0x50;
	s24 =	simm.s32 $0xA0  }
0xa2: {  	[tilespmem:s0], [sflag:$0x1] =	stream.indirect.gather [hbm4b:s5+s10], $0x80, s24, s10, $0x2000b8;
	[tilespmem:$0x1A980] =	vst v63  }
0xa3: {  	_ =	swait.ge [sflag:s26], $0x2800  }
0xa4: {  	[sflag:s26] =	ssyncset.done $0x0  }
0xa5: {  	[sflag:s26] =	ssyncadd.s32 $0xFFFFD800  }
0xa6: {  	v3 =	vld [tilespmem:s0+$0x0];
	_ =	sdelay $0x1  }
0xa7: {  	s29 =	simm.s32 $0x0  }
0xa8: {  	s10 =	simm.s32 $0x10;
	s13 =	sand.u32 $0x7F0, s29  }
.LBB2_12:
0xa9: {  	p0 =	sne.s32 s10, $0x4F0  }
0xaa: {  	[tilespmem:s13+$0x3380] =	vst v3;
	s0 =	sadd.s32 $0x80, s0;
	s13 =	smov.u32 s10;
	s10 =	sadd.s32 $0x10, s10  }
.Ltmp9:
0xab: {  	v3 =	vld [tilespmem:s0+$0x0];
	(pc) =	sbr.rel @p0 .LBB2_12-.Ltmp9, $2  }
0xac: {  	_ =	sdelay $0x2  }
0xad: {  	s13 =	sand.u32 $0x7F0, s13  }
0xae: {  	[tilespmem:s13+$0x3380] =	vst v3;
	s0 =	simm.s32 $0x180;
	s10 =	simm.s32 $0x50;
	s24 =	simm.s32 $0xF0  }
0xaf: {  	[tilespmem:s0], [sflag:$0x1] =	stream.indirect.gather [hbm4b:s5+s10], $0x80, s24, s10, $0x2000b8;
	[tilespmem:$0x1A980] =	vst v63  }
0xb0: {  	_ =	swait.ge [sflag:s26], $0x2800  }
0xb1: {  	[sflag:s26] =	ssyncset.done $0x0  }
0xb2: {  	[sflag:s26] =	ssyncadd.s32 $0xFFFFD800  }
0xb3: {  	v3 =	vld [tilespmem:s0+$0x0];
	_ =	sdelay $0x1  }
0xb4: {  	s29 =	simm.s32 $0x0  }
0xb5: {  	s10 =	simm.s32 $0x10;
	s13 =	sand.u32 $0x7F0, s29  }
.LBB2_14:
0xb6: {  	p0 =	sne.s32 s10, $0x4F0  }
0xb7: {  	[tilespmem:s13+$0x3880] =	vst v3;
	s0 =	sadd.s32 $0x80, s0;
	s13 =	smov.u32 s10;
	s10 =	sadd.s32 $0x10, s10  }
.Ltmp10:
0xb8: {  	v3 =	vld [tilespmem:s0+$0x0];
	(pc) =	sbr.rel @p0 .LBB2_14-.Ltmp10, $2  }
0xb9: {  	_ =	sdelay $0x2  }
0xba: {  	s13 =	sand.u32 $0x7F0, s13  }
0xbb: {  	[tilespmem:s13+$0x3880] =	vst v3  }
0xbc: {  	_ =	strace $0x90000049  }
0xbd: {  	_ =	strace $0x8000004A  }
0xbe: {  	v3 =	vld [tilespmem:$0x0];
	_ =	sdelay $0x4  }
0xbf: {  	v4 =	vshll.u32 v3, $0x1  }
0xc0: {  	v3 =	vand.u32 $0x7, v3;
	v4 =	vand.u32 $0xFFFFFFF0, v4  }
0xc1: {  	v3 =	vor.u32 v3, v4  }
0xc2: {  	v4 =	vperm.xlane v3, v0;
	_ =	sdelay $0x1  }
0xc3: {  	v3 =	vperm.xlane v3, v2;
	v4 =	vadd.s32 v1, v4;
	_ =	sdelay $0x1  }
0xc4: {  	v3 =	vadd.s32 v1, v3;
	_ =	sdelay $0x1  }
0xc5: {  	s29 =	simm.s32 $0x0;
	s0 =	simm.s32 $0xCD80  }
0xc6: {  	[tilespmem:s0], [sflag:$0x2] =	stream.indirect_vreg.gather [hbm4b:s2+s29], $0x80, v4, vm0, $0x2000b8;
	[tilespmem:$0x1A980] =	vst v63  }
0xc7: {  	s10 =	simm.s32 $0xD580  }
0xc8: {  	[tilespmem:s10], [sflag:$0x2] =	stream.indirect_vreg.gather [hbm4b:s2+s29], $0x80, v3, vm0, $0x2000b8;
	[tilespmem:$0x1A980] =	vst v63  }
0xc9: {  	v3 =	vld [tilespmem:$0x10];
	_ =	sdelay $0x4  }
0xca: {  	v45 =	vshll.u32 v3, $0x1  }
0xcb: {  	v3 =	vand.u32 $0x7, v3;
	v4 =	vand.u32 $0xFFFFFFF0, v45  }
0xcc: {  	v3 =	vor.u32 v3, v4  }
0xcd: {  	v4 =	vperm.xlane v3, v0;
	_ =	sdelay $0x1  }
0xce: {  	v3 =	vperm.xlane v3, v2;
	v4 =	vadd.s32 v1, v4;
	_ =	sdelay $0x1  }
0xcf: {  	v3 =	vadd.s32 v1, v3;
	_ =	sdelay $0x1  }
0xd0: {  	s13 =	simm.s32 $0xDD80  }
0xd1: {  	[tilespmem:s13], [sflag:$0x2] =	stream.indirect_vreg.gather [hbm4b:s2+s29], $0x80, v4, vm0, $0x2000b8;
	[tilespmem:$0x1A980] =	vst v63  }
0xd2: {  	s15 =	simm.s32 $0xE580  }
0xd3: {  	[tilespmem:s15], [sflag:$0x2] =	stream.indirect_vreg.gather [hbm4b:s2+s29], $0x80, v3, vm0, $0x2000b8;
	[tilespmem:$0x1A980] =	vst v63  }
0xd4: {  	v3 =	vld [tilespmem:$0x20];
	_ =	sdelay $0x4  }
0xd5: {  	v46 =	vshll.u32 v3, $0x1  }
0xd6: {  	v3 =	vand.u32 $0x7, v3;
	v4 =	vand.u32 $0xFFFFFFF0, v46  }
0xd7: {  	v3 =	vor.u32 v3, v4  }
0xd8: {  	v4 =	vperm.xlane v3, v0;
	_ =	sdelay $0x1  }
0xd9: {  	v3 =	vperm.xlane v3, v2;
	v4 =	vadd.s32 v1, v4;
	_ =	sdelay $0x1  }
0xda: {  	v3 =	vadd.s32 v1, v3;
	_ =	sdelay $0x1  }
0xdb: {  	s16 =	simm.s32 $0xED80  }
0xdc: {  	[tilespmem:s16], [sflag:$0x2] =	stream.indirect_vreg.gather [hbm4b:s2+s29], $0x80, v4, vm0, $0x2000b8;
	[tilespmem:$0x1A980] =	vst v63  }
0xdd: {  	s22 =	simm.s32 $0xF580  }
0xde: {  	[tilespmem:s22], [sflag:$0x2] =	stream.indirect_vreg.gather [hbm4b:s2+s29], $0x80, v3, vm0, $0x2000b8;
	[tilespmem:$0x1A980] =	vst v63  }
0xdf: {  	v3 =	vld [tilespmem:$0x30];
	_ =	sdelay $0x4  }
0xe0: {  	v47 =	vshll.u32 v3, $0x1  }
0xe1: {  	v3 =	vand.u32 $0x7, v3;
	v4 =	vand.u32 $0xFFFFFFF0, v47  }
0xe2: {  	v3 =	vor.u32 v3, v4  }
0xe3: {  	v4 =	vperm.xlane v3, v0;
	_ =	sdelay $0x1  }
0xe4: {  	v3 =	vperm.xlane v3, v2;
	v4 =	vadd.s32 v1, v4;
	_ =	sdelay $0x1  }
0xe5: {  	v3 =	vadd.s32 v1, v3;
	_ =	sdelay $0x1  }
0xe6: {  	s24 =	simm.s32 $0xFD80  }
0xe7: {  	[tilespmem:s24], [sflag:$0x2] =	stream.indirect_vreg.gather [hbm4b:s2+s29], $0x80, v4, vm0, $0x2000b8;
	[tilespmem:$0x1A980] =	vst v63  }
0xe8: {  	s26 =	simm.s32 $0x10580  }
0xe9: {  	[tilespmem:s26], [sflag:$0x2] =	stream.indirect_vreg.gather [hbm4b:s2+s29], $0x80, v3, vm0, $0x2000b8;
	[tilespmem:$0x1A980] =	vst v63  }
0xea: {  	v3 =	vld [tilespmem:$0x40];
	_ =	sdelay $0x4  }
0xeb: {  	v48 =	vshll.u32 v3, $0x1  }
0xec: {  	v3 =	vand.u32 $0x7, v3;
	v4 =	vand.u32 $0xFFFFFFF0, v48  }
0xed: {  	v3 =	vor.u32 v3, v4  }
0xee: {  	v4 =	vperm.xlane v3, v0;
	_ =	sdelay $0x1  }
0xef: {  	v3 =	vperm.xlane v3, v2;
	v4 =	vadd.s32 v1, v4;
	_ =	sdelay $0x1  }
0xf0: {  	v3 =	vadd.s32 v1, v3;
	_ =	sdelay $0x1  }
0xf1: {  	s5 =	simm.s32 $0x10D80  }
0xf2: {  	[tilespmem:s5], [sflag:$0x2] =	stream.indirect_vreg.gather [hbm4b:s2+s29], $0x80, v4, vm0, $0x2000b8;
	[tilespmem:$0x1A980] =	vst v63  }
0xf3: {  	s9 =	simm.s32 $0x2  }
0xf4: {  	[tilespmem:s30], [sflag:$0x2] =	stream.indirect_vreg.gather [hbm4b:s2+s29], $0x80, v3, vm0, $0x2000b8;
	[tilespmem:$0x1A980] =	vst v63  }
0xf5: {  	_ =	swait.ge [sflag:s9], $0x5000  }
0xf6: {  	[sflag:s9] =	ssyncset.done $0x0  }
0xf7: {  	[sflag:s9] =	ssyncadd.s32 $0xFFFFB000  }
0xf8: {  	v3 =	vld [tilespmem:$0x50];
	_ =	sdelay $0x4  }
0xf9: {  	v49 =	vshll.u32 v3, $0x1  }
0xfa: {  	v3 =	vand.u32 $0x7, v3;
	v4 =	vand.u32 $0xFFFFFFF0, v49  }
0xfb: {  	v3 =	vor.u32 v3, v4  }
0xfc: {  	v4 =	vperm.xlane v3, v0;
	_ =	sdelay $0x1  }
0xfd: {  	v3 =	vperm.xlane v3, v2;
	v4 =	vadd.s32 v1, v4;
	_ =	sdelay $0x1  }
0xfe: {  	v3 =	vadd.s32 v1, v3;
	_ =	sdelay $0x1  }
0xff: {  	s3 =	simm.s32 $0x11D80  }
0x100: {  	[tilespmem:s3], [sflag:$0x2] =	stream.indirect_vreg.gather [hbm4b:s2+s29], $0x80, v4, vm0, $0x2000b8;
	[tilespmem:$0x1A980] =	vst v63  }
0x101: {  	_ = 	snop  }
0x102: {  	[tilespmem:s20], [sflag:$0x2] =	stream.indirect_vreg.gather [hbm4b:s2+s29], $0x80, v3, vm0, $0x2000b8;
	[tilespmem:$0x1A980] =	vst v63  }
0x103: {  	v3 =	vld [tilespmem:$0x60];
	_ =	sdelay $0x4  }
0x104: {  	v50 =	vshll.u32 v3, $0x1  }
0x105: {  	v3 =	vand.u32 $0x7, v3;
	v4 =	vand.u32 $0xFFFFFFF0, v50  }
0x106: {  	v3 =	vor.u32 v3, v4  }
0x107: {  	v4 =	vperm.xlane v3, v0;
	_ =	sdelay $0x1  }
0x108: {  	v3 =	vperm.xlane v3, v2;
	v4 =	vadd.s32 v1, v4;
	_ =	sdelay $0x1  }
0x109: {  	v3 =	vadd.s32 v1, v3;
	_ =	sdelay $0x1  }
0x10a: {  	s18 =	simm.s32 $0x12D80  }
0x10b: {  	[tilespmem:s18], [sflag:$0x2] =	stream.indirect_vreg.gather [hbm4b:s2+s29], $0x80, v4, vm0, $0x2000b8;
	[tilespmem:$0x1A980] =	vst v63  }
0x10c: {  	_ = 	snop  }
0x10d: {  	[tilespmem:s23], [sflag:$0x2] =	stream.indirect_vreg.gather [hbm4b:s2+s29], $0x80, v3, vm0, $0x2000b8;
	[tilespmem:$0x1A980] =	vst v63  }
0x10e: {  	v3 =	vld [tilespmem:$0x70];
	_ =	sdelay $0x4  }
0x10f: {  	v51 =	vshll.u32 v3, $0x1  }
0x110: {  	v3 =	vand.u32 $0x7, v3;
	v4 =	vand.u32 $0xFFFFFFF0, v51  }
0x111: {  	v3 =	vor.u32 v3, v4  }
0x112: {  	v4 =	vperm.xlane v3, v0;
	_ =	sdelay $0x1  }
0x113: {  	v3 =	vperm.xlane v3, v2;
	v4 =	vadd.s32 v1, v4;
	_ =	sdelay $0x1  }
0x114: {  	v3 =	vadd.s32 v1, v3;
	_ =	sdelay $0x1  }
0x115: {  	s12 =	simm.s32 $0x13D80  }
0x116: {  	[tilespmem:s12], [sflag:$0x2] =	stream.indirect_vreg.gather [hbm4b:s2+s29], $0x80, v4, vm0, $0x2000b8;
	[tilespmem:$0x1A980] =	vst v63  }
0x117: {  	s8 =	simm.s32 $0x14580  }
0x118: {  	[tilespmem:s8], [sflag:$0x2] =	stream.indirect_vreg.gather [hbm4b:s2+s29], $0x80, v3, vm0, $0x2000b8;
	[tilespmem:$0x1A980] =	vst v63  }
0x119: {  	v3 =	vld [tilespmem:$0x80];
	_ =	sdelay $0x4  }
0x11a: {  	v52 =	vshll.u32 v3, $0x1  }
0x11b: {  	v3 =	vand.u32 $0x7, v3;
	v4 =	vand.u32 $0xFFFFFFF0, v52  }
0x11c: {  	v3 =	vor.u32 v3, v4  }
0x11d: {  	v4 =	vperm.xlane v3, v0;
	_ =	sdelay $0x1  }
0x11e: {  	v3 =	vperm.xlane v3, v2;
	v4 =	vadd.s32 v1, v4;
	_ =	sdelay $0x1  }
0x11f: {  	v3 =	vadd.s32 v1, v3;
	_ =	sdelay $0x2  }
0x120: {  	[tilespmem:s25], [sflag:$0x2] =	stream.indirect_vreg.gather [hbm4b:s2+s29], $0x80, v4, vm0, $0x2000b8;
	[tilespmem:$0x1A980] =	vst v63  }
0x121: {  	s12 =	simm.s32 $0x15580  }
0x122: {  	[tilespmem:s12], [sflag:$0x2] =	stream.indirect_vreg.gather [hbm4b:s2+s29], $0x80, v3, vm0, $0x2000b8;
	[tilespmem:$0x1A980] =	vst v63  }
0x123: {  	v3 =	vld [tilespmem:$0x90];
	_ =	sdelay $0x4  }
0x124: {  	v53 =	vshll.u32 v3, $0x1  }
0x125: {  	v3 =	vand.u32 $0x7, v3;
	v4 =	vand.u32 $0xFFFFFFF0, v53  }
0x126: {  	v3 =	vor.u32 v3, v4  }
0x127: {  	v4 =	vperm.xlane v3, v0;
	_ =	sdelay $0x1  }
0x128: {  	v3 =	vperm.xlane v3, v2;
	v4 =	vadd.s32 v1, v4;
	_ =	sdelay $0x1  }
0x129: {  	v3 =	vadd.s32 v1, v3;
	_ =	sdelay $0x1  }
0x12a: {  	s11 =	simm.s32 $0x15D80  }
0x12b: {  	[tilespmem:s11], [sflag:$0x2] =	stream.indirect_vreg.gather [hbm4b:s2+s29], $0x80, v4, vm0, $0x2000b8;
	[tilespmem:$0x1A980] =	vst v63  }
0x12c: {  	_ = 	snop  }
0x12d: {  	[tilespmem:s31], [sflag:$0x2] =	stream.indirect_vreg.gather [hbm4b:s2+s29], $0x80, v3, vm0, $0x2000b8;
	[tilespmem:$0x1A980] =	vst v63  }
0x12e: {  	s1 =	simm.s32 $0xCD80;
	s0 =	rddreg [dreg:$0x5]  }
0x12f: {  	[hbm4b:s0+s29] =	stream.linear.scatter [tilespmem:s1], [sflag:$0x7], $0x5000, $0x200038;
	[tilespmem:$0x1A980] =	vst v63  }
0x130: {  	_ =	swait.ge [sflag:s21], $0x5000  }
0x131: {  	[sflag:s21] =	ssyncset.done $0x0  }
0x132: {  	[sflag:s21] =	ssyncadd.s32 $0xFFFFB000  }
0x133: {  	_ =	swait.ge [sflag:s9], $0x5000  }
0x134: {  	[sflag:s9] =	ssyncset.done $0x0  }
0x135: {  	[sflag:s9] =	ssyncadd.s32 $0xFFFFB000  }
0x136: {  	v3 =	vld [tilespmem:$0xA0];
	_ =	sdelay $0x4  }
0x137: {  	v54 =	vshll.u32 v3, $0x1  }
0x138: {  	v3 =	vand.u32 $0x7, v3;
	v4 =	vand.u32 $0xFFFFFFF0, v54  }
0x139: {  	v3 =	vor.u32 v3, v4  }
0x13a: {  	v4 =	vperm.xlane v3, v0;
	_ =	sdelay $0x1  }
0x13b: {  	v3 =	vperm.xlane v3, v2;
	v4 =	vadd.s32 v1, v4;
	_ =	sdelay $0x1  }
0x13c: {  	v3 =	vadd.s32 v1, v3;
	_ =	sdelay $0x2  }
0x13d: {  	[tilespmem:s1], [sflag:$0x2] =	stream.indirect_vreg.gather [hbm4b:s2+s29], $0x80, v4, vm0, $0x2000b8;
	[tilespmem:$0x1A980] =	vst v63  }
0x13e: {  	_ = 	snop  }
0x13f: {  	[tilespmem:s10], [sflag:$0x2] =	stream.indirect_vreg.gather [hbm4b:s2+s29], $0x80, v3, vm0, $0x2000b8;
	[tilespmem:$0x1A980] =	vst v63  }
0x140: {  	v3 =	vld [tilespmem:$0xB0];
	_ =	sdelay $0x4  }
0x141: {  	v55 =	vshll.u32 v3, $0x1  }
0x142: {  	v3 =	vand.u32 $0x7, v3;
	v4 =	vand.u32 $0xFFFFFFF0, v55  }
0x143: {  	v3 =	vor.u32 v3, v4  }
0x144: {  	v4 =	vperm.xlane v3, v0;
	_ =	sdelay $0x1  }
0x145: {  	v3 =	vperm.xlane v3, v2;
	v4 =	vadd.s32 v1, v4;
	_ =	sdelay $0x1  }
0x146: {  	v3 =	vadd.s32 v1, v3;
	_ =	sdelay $0x2  }
0x147: {  	[tilespmem:s13], [sflag:$0x2] =	stream.indirect_vreg.gather [hbm4b:s2+s29], $0x80, v4, vm0, $0x2000b8;
	[tilespmem:$0x1A980] =	vst v63  }
0x148: {  	_ = 	snop  }
0x149: {  	[tilespmem:s15], [sflag:$0x2] =	stream.indirect_vreg.gather [hbm4b:s2+s29], $0x80, v3, vm0, $0x2000b8;
	[tilespmem:$0x1A980] =	vst v63  }
0x14a: {  	v3 =	vld [tilespmem:$0xC0];
	_ =	sdelay $0x4  }
0x14b: {  	v56 =	vshll.u32 v3, $0x1  }
0x14c: {  	v3 =	vand.u32 $0x7, v3;
	v4 =	vand.u32 $0xFFFFFFF0, v56  }
0x14d: {  	v3 =	vor.u32 v3, v4  }
0x14e: {  	v4 =	vperm.xlane v3, v0;
	_ =	sdelay $0x1  }
0x14f: {  	v3 =	vperm.xlane v3, v2;
	v4 =	vadd.s32 v1, v4;
	_ =	sdelay $0x1  }
0x150: {  	v3 =	vadd.s32 v1, v3;
	_ =	sdelay $0x2  }
0x151: {  	[tilespmem:s16], [sflag:$0x2] =	stream.indirect_vreg.gather [hbm4b:s2+s29], $0x80, v4, vm0, $0x2000b8;
	[tilespmem:$0x1A980] =	vst v63  }
0x152: {  	_ = 	snop  }
0x153: {  	[tilespmem:s22], [sflag:$0x2] =	stream.indirect_vreg.gather [hbm4b:s2+s29], $0x80, v3, vm0, $0x2000b8;
	[tilespmem:$0x1A980] =	vst v63  }
0x154: {  	v3 =	vld [tilespmem:$0xD0];
	_ =	sdelay $0x4  }
0x155: {  	v57 =	vshll.u32 v3, $0x1  }
0x156: {  	v3 =	vand.u32 $0x7, v3;
	v4 =	vand.u32 $0xFFFFFFF0, v57  }
0x157: {  	v3 =	vor.u32 v3, v4  }
0x158: {  	v4 =	vperm.xlane v3, v0;
	_ =	sdelay $0x1  }
0x159: {  	v3 =	vperm.xlane v3, v2;
	v4 =	vadd.s32 v1, v4;
	_ =	sdelay $0x1  }
0x15a: {  	v3 =	vadd.s32 v1, v3;
	_ =	sdelay $0x2  }
0x15b: {  	[tilespmem:s24], [sflag:$0x2] =	stream.indirect_vreg.gather [hbm4b:s2+s29], $0x80, v4, vm0, $0x2000b8;
	[tilespmem:$0x1A980] =	vst v63  }
0x15c: {  	_ = 	snop  }
0x15d: {  	[tilespmem:s26], [sflag:$0x2] =	stream.indirect_vreg.gather [hbm4b:s2+s29], $0x80, v3, vm0, $0x2000b8;
	[tilespmem:$0x1A980] =	vst v63  }
0x15e: {  	v3 =	vld [tilespmem:$0xE0];
	_ =	sdelay $0x4  }
0x15f: {  	v58 =	vshll.u32 v3, $0x1  }
0x160: {  	v3 =	vand.u32 $0x7, v3;
	v4 =	vand.u32 $0xFFFFFFF0, v58  }
0x161: {  	v3 =	vor.u32 v3, v4  }
0x162: {  	v4 =	vperm.xlane v3, v0;
	_ =	sdelay $0x1  }
0x163: {  	v3 =	vperm.xlane v3, v2;
	v4 =	vadd.s32 v1, v4;
	_ =	sdelay $0x1  }
0x164: {  	v3 =	vadd.s32 v1, v3;
	_ =	sdelay $0x2  }
0x165: {  	[tilespmem:s5], [sflag:$0x2] =	stream.indirect_vreg.gather [hbm4b:s2+s29], $0x80, v4, vm0, $0x2000b8;
	[tilespmem:$0x1A980] =	vst v63  }
0x166: {  	_ = 	snop  }
0x167: {  	[tilespmem:s30], [sflag:$0x2] =	stream.indirect_vreg.gather [hbm4b:s2+s29], $0x80, v3, vm0, $0x2000b8;
	[tilespmem:$0x1A980] =	vst v63  }
0x168: {  	s13 =	rddreg [dreg:$0x6]  }
0x169: {  	[hbm4b:s13+s29] =	stream.linear.scatter [tilespmem:s3], [sflag:$0x7], $0x5000, $0x200038;
	[tilespmem:$0x1A980] =	vst v63  }
0x16a: {  	_ =	swait.ge [sflag:s21], $0x5000  }
0x16b: {  	[sflag:s21] =	ssyncset.done $0x0  }
0x16c: {  	[sflag:s21] =	ssyncadd.s32 $0xFFFFB000  }
0x16d: {  	_ =	swait.ge [sflag:s9], $0x5000  }
0x16e: {  	[sflag:s9] =	ssyncset.done $0x0  }
0x16f: {  	[sflag:s9] =	ssyncadd.s32 $0xFFFFB000  }
0x170: {  	v3 =	vld [tilespmem:$0xF0];
	_ =	sdelay $0x4  }
0x171: {  	v59 =	vshll.u32 v3, $0x1  }
0x172: {  	v3 =	vand.u32 $0x7, v3;
	v4 =	vand.u32 $0xFFFFFFF0, v59  }
0x173: {  	v3 =	vor.u32 v3, v4  }
0x174: {  	v4 =	vperm.xlane v3, v0;
	_ =	sdelay $0x1  }
0x175: {  	v3 =	vperm.xlane v3, v2;
	v4 =	vadd.s32 v1, v4;
	_ =	sdelay $0x1  }
0x176: {  	v3 =	vadd.s32 v1, v3;
	_ =	sdelay $0x2  }
0x177: {  	[tilespmem:s3], [sflag:$0x2] =	stream.indirect_vreg.gather [hbm4b:s2+s29], $0x80, v4, vm0, $0x2000b8;
	[tilespmem:$0x1A980] =	vst v63  }
0x178: {  	_ = 	snop  }
0x179: {  	[tilespmem:s20], [sflag:$0x2] =	stream.indirect_vreg.gather [hbm4b:s2+s29], $0x80, v3, vm0, $0x2000b8;
	[tilespmem:$0x1A980] =	vst v63  }
0x17a: {  	v3 =	vld [tilespmem:$0x100];
	_ =	sdelay $0x4  }
0x17b: {  	v60 =	vshll.u32 v3, $0x1  }
0x17c: {  	v3 =	vand.u32 $0x7, v3;
	v4 =	vand.u32 $0xFFFFFFF0, v60  }
0x17d: {  	v3 =	vor.u32 v3, v4  }
0x17e: {  	v4 =	vperm.xlane v3, v0;
	_ =	sdelay $0x1  }
0x17f: {  	v3 =	vperm.xlane v3, v2;
	v4 =	vadd.s32 v1, v4;
	_ =	sdelay $0x1  }
0x180: {  	v3 =	vadd.s32 v1, v3;
	_ =	sdelay $0x2  }
0x181: {  	[tilespmem:s18], [sflag:$0x2] =	stream.indirect_vreg.gather [hbm4b:s2+s29], $0x80, v4, vm0, $0x2000b8;
	[tilespmem:$0x1A980] =	vst v63  }
0x182: {  	_ = 	snop  }
0x183: {  	[tilespmem:s23], [sflag:$0x2] =	stream.indirect_vreg.gather [hbm4b:s2+s29], $0x80, v3, vm0, $0x2000b8;
	[tilespmem:$0x1A980] =	vst v63  }
0x184: {  	v3 =	vld [tilespmem:$0x110];
	_ =	sdelay $0x4  }
0x185: {  	v61 =	vshll.u32 v3, $0x1  }
0x186: {  	v3 =	vand.u32 $0x7, v3;
	v4 =	vand.u32 $0xFFFFFFF0, v61  }
0x187: {  	v3 =	vor.u32 v3, v4  }
0x188: {  	v4 =	vperm.xlane v3, v0;
	_ =	sdelay $0x1  }
0x189: {  	v3 =	vperm.xlane v3, v2;
	v4 =	vadd.s32 v1, v4;
	_ =	sdelay $0x1  }
0x18a: {  	v3 =	vadd.s32 v1, v3;
	_ =	sdelay $0x1  }
0x18b: {  	s15 =	simm.s32 $0x13D80  }
0x18c: {  	[tilespmem:s15], [sflag:$0x2] =	stream.indirect_vreg.gather [hbm4b:s2+s29], $0x80, v4, vm0, $0x2000b8;
	[tilespmem:$0x1A980] =	vst v63  }
0x18d: {  	_ = 	snop  }
0x18e: {  	[tilespmem:s8], [sflag:$0x2] =	stream.indirect_vreg.gather [hbm4b:s2+s29], $0x80, v3, vm0, $0x2000b8;
	[tilespmem:$0x1A980] =	vst v63  }
0x18f: {  	v3 =	vld [tilespmem:$0x120];
	_ =	sdelay $0x4  }
0x190: {  	v62 =	vshll.u32 v3, $0x1  }
0x191: {  	v3 =	vand.u32 $0x7, v3;
	v4 =	vand.u32 $0xFFFFFFF0, v62  }
0x192: {  	v3 =	vor.u32 v3, v4  }
0x193: {  	v4 =	vperm.xlane v3, v0;
	_ =	sdelay $0x1  }
0x194: {  	v3 =	vperm.xlane v3, v2;
	v4 =	vadd.s32 v1, v4;
	_ =	sdelay $0x1  }
0x195: {  	v3 =	vadd.s32 v1, v3;
	_ =	sdelay $0x2  }
0x196: {  	[tilespmem:s25], [sflag:$0x2] =	stream.indirect_vreg.gather [hbm4b:s2+s29], $0x80, v4, vm0, $0x2000b8;
	[tilespmem:$0x1A980] =	vst v63  }
0x197: {  	_ = 	snop  }
0x198: {  	[tilespmem:s12], [sflag:$0x2] =	stream.indirect_vreg.gather [hbm4b:s2+s29], $0x80, v3, vm0, $0x2000b8;
	[tilespmem:$0x1A980] =	vst v63  }
0x199: {  	v3 =	vld [tilespmem:$0x130];
	_ =	sdelay $0x4  }
0x19a: {  	v63 =	vshll.u32 v3, $0x1  }
0x19b: {  	v3 =	vand.u32 $0x7, v3;
	v4 =	vand.u32 $0xFFFFFFF0, v63  }
0x19c: {  	v3 =	vor.u32 v3, v4  }
0x19d: {  	v4 =	vperm.xlane v3, v0;
	_ =	sdelay $0x1  }
0x19e: {  	v3 =	vperm.xlane v3, v2;
	v4 =	vadd.s32 v1, v4;
	_ =	sdelay $0x1  }
0x19f: {  	v3 =	vadd.s32 v1, v3;
	_ =	sdelay $0x2  }
0x1a0: {  	[tilespmem:s11], [sflag:$0x2] =	stream.indirect_vreg.gather [hbm4b:s2+s29], $0x80, v4, vm0, $0x2000b8;
	[tilespmem:$0x1A980] =	vst v63  }
0x1a1: {  	_ = 	snop  }
0x1a2: {  	[tilespmem:s31], [sflag:$0x2] =	stream.indirect_vreg.gather [hbm4b:s2+s29], $0x80, v3, vm0, $0x2000b8;
	[tilespmem:$0x1A980] =	vst v63  }
0x1a3: {  	s1 =	simm.s32 $0xCD80;
	s16 =	rddreg [dreg:$0x7]  }
0x1a4: {  	[hbm4b:s16+s29] =	stream.linear.scatter [tilespmem:s1], [sflag:$0x7], $0x5000, $0x200038;
	[tilespmem:$0x1A980] =	vst v63  }
0x1a5: {  	_ =	swait.ge [sflag:s21], $0x5000  }
0x1a6: {  	[sflag:s21] =	ssyncset.done $0x0  }
0x1a7: {  	[sflag:s21] =	ssyncadd.s32 $0xFFFFB000  }
0x1a8: {  	_ =	swait.ge [sflag:s9], $0x5000  }
0x1a9: {  	[sflag:s9] =	ssyncset.done $0x0  }
0x1aa: {  	s18 =	rddreg [dreg:$0x8];
	[sflag:s9] =	ssyncadd.s32 $0xFFFFB000  }
0x1ab: {  	[hbm4b:s18+s29] =	stream.linear.scatter [tilespmem:s3], [sflag:$0x7], $0x5000, $0x200038;
	[tilespmem:$0x1A980] =	vst v63  }
0x1ac: {  	_ =	swait.ge [sflag:s21], $0x5000  }
0x1ad: {  	[sflag:s21] =	ssyncset.done $0x0  }
0x1ae: {  	[sflag:s21] =	ssyncadd.s32 $0xFFFFB000  }
0x1af: {  	_ =	strace $0x9000004A  }
0x1b0: {  	s22 =	simm.s32 $0x2980;
	_ =	strace $0x8000004B  }
0x1b1: {  	s24 =	simm.s32 $0x3D80;
	s11 =	simm.s32 $0x80;
	[bflag:$0x0] =	sbarrier.arrive $0xFFFF  }
0x1b2: {  	[tilespmem:s24], [sflag:$0x3] =	stream.indirect.gather [hbm4b:s14+s11], $0x80, s22, s11, $0x2000b8;
	[tilespmem:$0x1A980] =	vst v63  }
0x1b3: {  	s26 =	simm.s32 $0x2A00;
	s12 =	simm.s32 $0x7D80  }
0x1b4: {  	[tilespmem:s12], [sflag:$0x4] =	stream.indirect.gather [hbm4b:s14+s11], $0x80, s26, s11, $0x2000b8;
	[tilespmem:$0x1A980] =	vst v63  }
0x1b5: {  	_ =	strace $0x9000004B  }
0x1b6: {  	_ =	strace $0x8000004C  }
0x1b7: {  	s1 =	stileid.u32;
	s5 =	rddreg [dreg:$0xb]  }
0x1b8: {  	s16 =	simm.s32 $0xBD80;
	s9 =	simm.s32 $0x16D80;
	s3 =	rddreg [dreg:$0x2]  }
0x1b9: {  	s18 =	simm.s32 $0x19580;
	s26 =	simm.s32 $0x1;
	s8 =	rddreg [dreg:$0xc]  }
.LBB2_16:
0x1ba: {  	p0 =	sne.s32 s29, $0x0  }
0x1bb: {  	s0 =	sshll.u32 @p0 s29, $0x9  }
0x1bc: {  	s10 =	simm.s32 @p0 $0x0;
	s13 =	simm.s32 @p0 $0xC580;
	s0 =	sadd.s32 @p0 s17, s0  }
0x1bd: {  	[hbm4b:s0+s10] =	stream.linear.scatter @p0 [tilespmem:s13], [sflag:$0x6], $0x800, $0x200038;
	[tilespmem:$0x1A980] =	vst v63  }
0x1be: {  	s0 =	simm.s32 @p0 $0x3  }
0x1bf: {  	_ =	swait.ge @p0 [sflag:s0], $0x4000  }
0x1c0: {  	[sflag:s0] =	ssyncset.done @p0 $0x0  }
0x1c1: {  	[sflag:s0] =	ssyncadd.s32 @p0 $0xFFFFC000;
	s0 =	simm.s32 @p0 $0x5  }
0x1c2: {  	_ =	swait.ge @p0 [sflag:s0], $0x800  }
0x1c3: {  	[sflag:s0] =	ssyncset.done @p0 $0x0  }
0x1c4: {  	[sflag:s0] =	ssyncadd.s32 @p0 $0xFFFFF800;
	s0 =	simm.s32 @!p0 $0x3  }
0x1c5: {  	_ =	swait.ge @!p0 [sflag:s0], $0x4000  }
0x1c6: {  	s15 =	simm.s32 $0x4180;
	[sflag:s0] =	ssyncset.done @!p0 $0x0  }
0x1c7: {  	s10 =	sshll.u32 s29, $0xA;
	[sflag:s0] =	ssyncadd.s32 @!p0 $0xFFFFC000;
	s0 =	simm.s32 $0x100  }
.LBB2_17:
0x1c8: {  	v3 =	vld [tilespmem:s15+$0xFFFFFC00]  }
0x1c9: {  	v4 =	vld [tilespmem:s15+$0xFFFFFC80]  }
0x1ca: {  	v5 =	vld [tilespmem:s15+$0xFFFFFD00]  }
0x1cb: {  	v6 =	vld [tilespmem:s15+$0xFFFFFD80]  }
0x1cc: {  	v7 =	vld [tilespmem:s15+$0xFFFFFE00]  }
0x1cd: {  	v8 =	vld [tilespmem:s15+$0xFFFFFE80]  }
0x1ce: {  	v9 =	vld [tilespmem:s15+$0xFFFFFF00]  }
0x1cf: {  	v10 =	vld [tilespmem:s15+$0xFFFFFF80]  }
0x1d0: {  	v11 =	vld [tilespmem:s15+$0x0]  }
0x1d1: {  	v12 =	vld [tilespmem:s15+$0x80]  }
0x1d2: {  	v14 =	vld [tilespmem:s15+$0x100]  }
0x1d3: {  	v17 =	vld [tilespmem:s15+$0x180];
	v13 =	vunpack.i.u.bf16.f32 v3  }
0x1d4: {  	v19 =	vld [tilespmem:s15+$0x200];
	v3 =	vunpack.i.l.bf16.f32 v3;
	v15 =	vunpack.i.u.bf16.f32 v4;
	v4 =	vunpack.i.l.bf16.f32 v4  }
0x1d5: {  	v22 =	vld [tilespmem:s15+$0x280];
	v16 =	vunpack.i.u.bf16.f32 v5;
	v5 =	vunpack.i.l.bf16.f32 v5;
	v18 =	vunpack.i.u.bf16.f32 v6  }
0x1d6: {  	v24 =	vld [tilespmem:s15+$0x300];
	v6 =	vunpack.i.l.bf16.f32 v6;
	v20 =	vunpack.i.u.bf16.f32 v7;
	v7 =	vunpack.i.l.bf16.f32 v7  }
0x1d7: {  	v27 =	vld [tilespmem:s15+$0x380];
	v21 =	vunpack.i.u.bf16.f32 v8;
	v8 =	vunpack.i.l.bf16.f32 v8;
	v23 =	vunpack.i.u.bf16.f32 v9  }
0x1d8: {  	v9 =	vunpack.i.l.bf16.f32 v9;
	v25 =	vunpack.i.u.bf16.f32 v10;
	v10 =	vunpack.i.l.bf16.f32 v10  }
0x1d9: {  	v26 =	vunpack.i.u.bf16.f32 v11;
	v11 =	vunpack.i.l.bf16.f32 v11;
	v28 =	vunpack.i.u.bf16.f32 v12  }
0x1da: {  	v12 =	vunpack.i.l.bf16.f32 v12;
	v29 =	vunpack.i.l.bf16.f32 v14;
	v30 =	vunpack.i.l.bf16.f32 v17  }
0x1db: {  	v31 =	vunpack.i.l.bf16.f32 v19;
	v32 =	vunpack.i.l.bf16.f32 v22;
	v48 =	vunpack.i.l.bf16.f32 v24  }
0x1dc: {  	v51 =	vunpack.i.l.bf16.f32 v27;
	v3 =	vadd.f32 v4, v3;
	v47 =	vadd.f32 v6, v5  }
0x1dd: {  	v54 =	vunpack.i.u.bf16.f32 v14;
	v49 =	vadd.f32 v8, v7;
	v50 =	vadd.f32 v10, v9  }
0x1de: {  	v56 =	vunpack.i.u.bf16.f32 v17;
	v52 =	vadd.f32 v12, v11;
	v53 =	vadd.f32 v30, v29  }
0x1df: {  	v58 =	vunpack.i.u.bf16.f32 v19;
	v55 =	vadd.f32 v32, v31;
	v5 =	vadd.f32 v51, v48  }
0x1e0: {  	v60 =	vunpack.i.u.bf16.f32 v22;
	v61 =	vadd.f32 v15, v13;
	v62 =	vadd.f32 v18, v16  }
0x1e1: {  	v63 =	vunpack.i.u.bf16.f32 v24;
	v22 =	vadd.f32 v21, v20;
	v23 =	vadd.f32 v25, v23  }
0x1e2: {  	v24 =	vunpack.i.u.bf16.f32 v27;
	v25 =	vadd.f32 v28, v26;
	v8 =	vadd.f32 v56, v54  }
0x1e3: {  	v6 =	vadd.f32 v60, v58;
	v26 =	vadd.f32 v24, v63  }
0x1e4: {  	v3 =	vadd.f32 v47, v3;
	v57 =	vadd.f32 v50, v49  }
0x1e5: {  	v59 =	vadd.f32 v53, v52;
	v5 =	vadd.f32 v5, v55  }
0x1e6: {  	v10 =	vadd.f32 v62, v61;
	v27 =	vadd.f32 v23, v22  }
0x1e7: {  	v8 =	vadd.f32 v8, v25;
	v6 =	vadd.f32 v26, v6  }
0x1e8: {  	v3 =	vadd.f32 v57, v3;
	v28 =	vadd.f32 v5, v59  }
0x1e9: {  	v29 =	vadd.f32 v27, v10;
	v6 =	vadd.f32 v6, v8  }
0x1ea: {  	v3 =	vadd.f32 v28, v3  }
0x1eb: {  	s24 =	sshra.s32 s0, $0x2;
	v30 =	vadd.f32 v6, v29  }
0x1ec: {  	[tilespmem:s24+$0xBD40] =	vst v3  }
0x1ed: {  	[tilespmem:s24+$0xBD50] =	vst v30  }
0x1ee: {  	v3 =	vld [tilespmem:s15+$0xFFFFFC10]  }
0x1ef: {  	v4 =	vld [tilespmem:s15+$0xFFFFFC90]  }
0x1f0: {  	v31 =	vld [tilespmem:s15+$0xFFFFFD10]  }
0x1f1: {  	v32 =	vld [tilespmem:s15+$0xFFFFFD90]  }
0x1f2: {  	v33 =	vld [tilespmem:s15+$0xFFFFFE10]  }
0x1f3: {  	v34 =	vld [tilespmem:s15+$0xFFFFFE90]  }
0x1f4: {  	v35 =	vld [tilespmem:s15+$0xFFFFFF10]  }
0x1f5: {  	v36 =	vld [tilespmem:s15+$0xFFFFFF90]  }
0x1f6: {  	v37 =	vld [tilespmem:s15+$0x10]  }
0x1f7: {  	v38 =	vld [tilespmem:s15+$0x90]  }
0x1f8: {  	v39 =	vld [tilespmem:s15+$0x110]  }
0x1f9: {  	v42 =	vld [tilespmem:s15+$0x190];
	v13 =	vunpack.i.u.bf16.f32 v3  }
0x1fa: {  	v44 =	vld [tilespmem:s15+$0x210];
	v3 =	vunpack.i.l.bf16.f32 v3;
	v40 =	vunpack.i.u.bf16.f32 v4;
	v4 =	vunpack.i.l.bf16.f32 v4  }
0x1fb: {  	v47 =	vld [tilespmem:s15+$0x290];
	v41 =	vunpack.i.u.bf16.f32 v31;
	v5 =	vunpack.i.l.bf16.f32 v31;
	v43 =	vunpack.i.u.bf16.f32 v32  }
0x1fc: {  	v49 =	vld [tilespmem:s15+$0x310];
	v6 =	vunpack.i.l.bf16.f32 v32;
	v45 =	vunpack.i.u.bf16.f32 v33;
	v7 =	vunpack.i.l.bf16.f32 v33  }
0x1fd: {  	v52 =	vld [tilespmem:s15+$0x390];
	v46 =	vunpack.i.u.bf16.f32 v34;
	v8 =	vunpack.i.l.bf16.f32 v34;
	v48 =	vunpack.i.u.bf16.f32 v35  }
0x1fe: {  	v9 =	vunpack.i.l.bf16.f32 v35;
	v50 =	vunpack.i.u.bf16.f32 v36;
	v10 =	vunpack.i.l.bf16.f32 v36  }
0x1ff: {  	v51 =	vunpack.i.u.bf16.f32 v37;
	v11 =	vunpack.i.l.bf16.f32 v37;
	v53 =	vunpack.i.u.bf16.f32 v38  }
0x200: {  	v12 =	vunpack.i.l.bf16.f32 v38;
	v54 =	vunpack.i.l.bf16.f32 v39;
	v55 =	vunpack.i.l.bf16.f32 v42  }
0x201: {  	v56 =	vunpack.i.l.bf16.f32 v44;
	v57 =	vunpack.i.l.bf16.f32 v47;
	v59 =	vunpack.i.l.bf16.f32 v49  }
0x202: {  	v62 =	vunpack.i.l.bf16.f32 v52;
	v3 =	vadd.f32 v4, v3;
	v58 =	vadd.f32 v6, v5  }
0x203: {  	v33 =	vunpack.i.u.bf16.f32 v39;
	v60 =	vadd.f32 v8, v7;
	v61 =	vadd.f32 v10, v9  }
0x204: {  	v35 =	vunpack.i.u.bf16.f32 v42;
	v63 =	vadd.f32 v12, v11;
	v30 =	vadd.f32 v55, v54  }
0x205: {  	v37 =	vunpack.i.u.bf16.f32 v44;
	v34 =	vadd.f32 v57, v56;
	v5 =	vadd.f32 v62, v59  }
0x206: {  	v39 =	vunpack.i.u.bf16.f32 v47;
	v40 =	vadd.f32 v40, v13;
	v41 =	vadd.f32 v43, v41  }
0x207: {  	v42 =	vunpack.i.u.bf16.f32 v49;
	v43 =	vadd.f32 v46, v45;
	v44 =	vadd.f32 v50, v48  }
0x208: {  	v45 =	vunpack.i.u.bf16.f32 v52;
	v46 =	vadd.f32 v53, v51;
	v8 =	vadd.f32 v35, v33  }
0x209: {  	v6 =	vadd.f32 v39, v37;
	v47 =	vadd.f32 v45, v42  }
0x20a: {  	v3 =	vadd.f32 v58, v3;
	v36 =	vadd.f32 v61, v60  }
0x20b: {  	v38 =	vadd.f32 v30, v63;
	v5 =	vadd.f32 v5, v34  }
0x20c: {  	v10 =	vadd.f32 v41, v40;
	v48 =	vadd.f32 v44, v43  }
0x20d: {  	v8 =	vadd.f32 v8, v46;
	v6 =	vadd.f32 v47, v6  }
0x20e: {  	v3 =	vadd.f32 v36, v3;
	v49 =	vadd.f32 v5, v38  }
0x20f: {  	v50 =	vadd.f32 v48, v10;
	v6 =	vadd.f32 v6, v8  }
0x210: {  	v3 =	vadd.f32 v49, v3  }
0x211: {  	v51 =	vadd.f32 v6, v50  }
0x212: {  	[tilespmem:s24+$0xBD60] =	vst v3  }
0x213: {  	[tilespmem:s24+$0xBD70] =	vst v51  }
0x214: {  	v3 =	vld [tilespmem:s15+$0xFFFFFC20]  }
0x215: {  	v4 =	vld [tilespmem:s15+$0xFFFFFCA0]  }
0x216: {  	v52 =	vld [tilespmem:s15+$0xFFFFFD20]  }
0x217: {  	v53 =	vld [tilespmem:s15+$0xFFFFFDA0]  }
0x218: {  	v54 =	vld [tilespmem:s15+$0xFFFFFE20]  }
0x219: {  	v55 =	vld [tilespmem:s15+$0xFFFFFEA0]  }
0x21a: {  	v56 =	vld [tilespmem:s15+$0xFFFFFF20]  }
0x21b: {  	v57 =	vld [tilespmem:s15+$0xFFFFFFA0]  }
0x21c: {  	v58 =	vld [tilespmem:s15+$0x20]  }
0x21d: {  	v59 =	vld [tilespmem:s15+$0xA0]  }
0x21e: {  	v60 =	vld [tilespmem:s15+$0x120]  }
0x21f: {  	v61 =	vld [tilespmem:s15+$0x1A0];
	v13 =	vunpack.i.u.bf16.f32 v3  }
0x220: {  	v63 =	vld [tilespmem:s15+$0x220];
	v3 =	vunpack.i.l.bf16.f32 v3;
	v15 =	vunpack.i.u.bf16.f32 v4;
	v4 =	vunpack.i.l.bf16.f32 v4  }
0x221: {  	v36 =	vld [tilespmem:s15+$0x2A0];
	v16 =	vunpack.i.u.bf16.f32 v52;
	v5 =	vunpack.i.l.bf16.f32 v52;
	v62 =	vunpack.i.u.bf16.f32 v53  }
0x222: {  	v38 =	vld [tilespmem:s15+$0x320];
	v6 =	vunpack.i.l.bf16.f32 v53;
	v20 =	vunpack.i.u.bf16.f32 v54;
	v7 =	vunpack.i.l.bf16.f32 v54  }
0x223: {  	v41 =	vld [tilespmem:s15+$0x3A0];
	v21 =	vunpack.i.u.bf16.f32 v55;
	v8 =	vunpack.i.l.bf16.f32 v55;
	v37 =	vunpack.i.u.bf16.f32 v56  }
0x224: {  	v9 =	vunpack.i.l.bf16.f32 v56;
	v39 =	vunpack.i.u.bf16.f32 v57;
	v10 =	vunpack.i.l.bf16.f32 v57  }
0x225: {  	v40 =	vunpack.i.u.bf16.f32 v58;
	v11 =	vunpack.i.l.bf16.f32 v58;
	v42 =	vunpack.i.u.bf16.f32 v59  }
0x226: {  	v12 =	vunpack.i.l.bf16.f32 v59;
	v43 =	vunpack.i.l.bf16.f32 v60;
	v44 =	vunpack.i.l.bf16.f32 v61  }
0x227: {  	v45 =	vunpack.i.l.bf16.f32 v63;
	v46 =	vunpack.i.l.bf16.f32 v36;
	v48 =	vunpack.i.l.bf16.f32 v38  }
0x228: {  	v51 =	vunpack.i.l.bf16.f32 v41;
	v3 =	vadd.f32 v4, v3;
	v47 =	vadd.f32 v6, v5  }
0x229: {  	v54 =	vunpack.i.u.bf16.f32 v60;
	v49 =	vadd.f32 v8, v7;
	v50 =	vadd.f32 v10, v9  }
0x22a: {  	v56 =	vunpack.i.u.bf16.f32 v61;
	v52 =	vadd.f32 v12, v11;
	v53 =	vadd.f32 v44, v43  }
0x22b: {  	v58 =	vunpack.i.u.bf16.f32 v63;
	v55 =	vadd.f32 v46, v45;
	v5 =	vadd.f32 v51, v48  }
0x22c: {  	v60 =	vunpack.i.u.bf16.f32 v36;
	v61 =	vadd.f32 v15, v13;
	v62 =	vadd.f32 v62, v16  }
0x22d: {  	v63 =	vunpack.i.u.bf16.f32 v38;
	v22 =	vadd.f32 v21, v20;
	v24 =	vadd.f32 v39, v37  }
0x22e: {  	v25 =	vunpack.i.u.bf16.f32 v41;
	v26 =	vadd.f32 v42, v40;
	v8 =	vadd.f32 v56, v54  }
0x22f: {  	v6 =	vadd.f32 v60, v58;
	v27 =	vadd.f32 v25, v63  }
0x230: {  	v3 =	vadd.f32 v47, v3;
	v57 =	vadd.f32 v50, v49  }
0x231: {  	v59 =	vadd.f32 v53, v52;
	v5 =	vadd.f32 v5, v55  }
0x232: {  	v10 =	vadd.f32 v62, v61;
	v28 =	vadd.f32 v24, v22  }
0x233: {  	v8 =	vadd.f32 v8, v26;
	v6 =	vadd.f32 v27, v6  }
0x234: {  	v3 =	vadd.f32 v57, v3;
	v29 =	vadd.f32 v5, v59  }
0x235: {  	v30 =	vadd.f32 v28, v10;
	v6 =	vadd.f32 v6, v8  }
0x236: {  	v3 =	vadd.f32 v29, v3  }
0x237: {  	v31 =	vadd.f32 v6, v30  }
0x238: {  	[tilespmem:s24+$0xBD80] =	vst v3  }
0x239: {  	[tilespmem:s24+$0xBD90] =	vst v31  }
0x23a: {  	v3 =	vld [tilespmem:s15+$0xFFFFFC30]  }
0x23b: {  	v4 =	vld [tilespmem:s15+$0xFFFFFCB0]  }
0x23c: {  	v32 =	vld [tilespmem:s15+$0xFFFFFD30]  }
0x23d: {  	v33 =	vld [tilespmem:s15+$0xFFFFFDB0]  }
0x23e: {  	v34 =	vld [tilespmem:s15+$0xFFFFFE30]  }
0x23f: {  	v35 =	vld [tilespmem:s15+$0xFFFFFEB0]  }
0x240: {  	v36 =	vld [tilespmem:s15+$0xFFFFFF30]  }
0x241: {  	v37 =	vld [tilespmem:s15+$0xFFFFFFB0]  }
0x242: {  	v38 =	vld [tilespmem:s15+$0x30]  }
0x243: {  	v39 =	vld [tilespmem:s15+$0xB0]  }
0x244: {  	v40 =	vld [tilespmem:s15+$0x130]  }
0x245: {  	v42 =	vld [tilespmem:s15+$0x1B0];
	v13 =	vunpack.i.u.bf16.f32 v3  }
0x246: {  	v44 =	vld [tilespmem:s15+$0x230];
	v3 =	vunpack.i.l.bf16.f32 v3;
	v41 =	vunpack.i.u.bf16.f32 v4;
	v4 =	vunpack.i.l.bf16.f32 v4  }
0x247: {  	v47 =	vld [tilespmem:s15+$0x2B0];
	v16 =	vunpack.i.u.bf16.f32 v32;
	v5 =	vunpack.i.l.bf16.f32 v32;
	v43 =	vunpack.i.u.bf16.f32 v33  }
0x248: {  	v49 =	vld [tilespmem:s15+$0x330];
	v6 =	vunpack.i.l.bf16.f32 v33;
	v45 =	vunpack.i.u.bf16.f32 v34;
	v7 =	vunpack.i.l.bf16.f32 v34  }
0x249: {  	v52 =	vld [tilespmem:s15+$0x3B0];
	v46 =	vunpack.i.u.bf16.f32 v35;
	v8 =	vunpack.i.l.bf16.f32 v35;
	v48 =	vunpack.i.u.bf16.f32 v36  }
0x24a: {  	v9 =	vunpack.i.l.bf16.f32 v36;
	v50 =	vunpack.i.u.bf16.f32 v37;
	v10 =	vunpack.i.l.bf16.f32 v37  }
0x24b: {  	v51 =	vunpack.i.u.bf16.f32 v38;
	v11 =	vunpack.i.l.bf16.f32 v38;
	v53 =	vunpack.i.u.bf16.f32 v39  }
0x24c: {  	v12 =	vunpack.i.l.bf16.f32 v39;
	v54 =	vunpack.i.l.bf16.f32 v40;
	v55 =	vunpack.i.l.bf16.f32 v42  }
0x24d: {  	v56 =	vunpack.i.l.bf16.f32 v44;
	v57 =	vunpack.i.l.bf16.f32 v47;
	v59 =	vunpack.i.l.bf16.f32 v49  }
0x24e: {  	v62 =	vunpack.i.l.bf16.f32 v52;
	v3 =	vadd.f32 v4, v3;
	v58 =	vadd.f32 v6, v5  }
0x24f: {  	v34 =	vunpack.i.u.bf16.f32 v40;
	v60 =	vadd.f32 v8, v7;
	v61 =	vadd.f32 v10, v9  }
0x250: {  	v36 =	vunpack.i.u.bf16.f32 v42;
	v63 =	vadd.f32 v12, v11;
	v33 =	vadd.f32 v55, v54  }
0x251: {  	v38 =	vunpack.i.u.bf16.f32 v44;
	v35 =	vadd.f32 v57, v56;
	v5 =	vadd.f32 v62, v59  }
0x252: {  	v40 =	vunpack.i.u.bf16.f32 v47;
	v41 =	vadd.f32 v41, v13;
	v42 =	vadd.f32 v43, v16  }
0x253: {  	v43 =	vunpack.i.u.bf16.f32 v49;
	v44 =	vadd.f32 v46, v45;
	v45 =	vadd.f32 v50, v48  }
0x254: {  	v46 =	vunpack.i.u.bf16.f32 v52;
	v47 =	vadd.f32 v53, v51;
	v8 =	vadd.f32 v36, v34  }
0x255: {  	v6 =	vadd.f32 v40, v38;
	v48 =	vadd.f32 v46, v43  }
0x256: {  	v3 =	vadd.f32 v58, v3;
	v37 =	vadd.f32 v61, v60  }
0x257: {  	v39 =	vadd.f32 v33, v63;
	v5 =	vadd.f32 v5, v35  }
0x258: {  	v10 =	vadd.f32 v42, v41;
	v49 =	vadd.f32 v45, v44  }
0x259: {  	v8 =	vadd.f32 v8, v47;
	v6 =	vadd.f32 v48, v6  }
0x25a: {  	v3 =	vadd.f32 v37, v3;
	v50 =	vadd.f32 v5, v39  }
0x25b: {  	v51 =	vadd.f32 v49, v10;
	v6 =	vadd.f32 v6, v8  }
0x25c: {  	v3 =	vadd.f32 v50, v3  }
0x25d: {  	v52 =	vadd.f32 v6, v51  }
0x25e: {  	[tilespmem:s24+$0xBDA0] =	vst v3  }
0x25f: {  	[tilespmem:s24+$0xBDB0] =	vst v52  }
0x260: {  	v3 =	vld [tilespmem:s15+$0xFFFFFC40]  }
0x261: {  	v4 =	vld [tilespmem:s15+$0xFFFFFCC0]  }
0x262: {  	v53 =	vld [tilespmem:s15+$0xFFFFFD40]  }
0x263: {  	v54 =	vld [tilespmem:s15+$0xFFFFFDC0]  }
0x264: {  	v55 =	vld [tilespmem:s15+$0xFFFFFE40]  }
0x265: {  	v56 =	vld [tilespmem:s15+$0xFFFFFEC0]  }
0x266: {  	v57 =	vld [tilespmem:s15+$0xFFFFFF40]  }
0x267: {  	v58 =	vld [tilespmem:s15+$0xFFFFFFC0]  }
0x268: {  	v59 =	vld [tilespmem:s15+$0x40]  }
0x269: {  	v60 =	vld [tilespmem:s15+$0xC0]  }
0x26a: {  	v61 =	vld [tilespmem:s15+$0x140]  }
0x26b: {  	v62 =	vld [tilespmem:s15+$0x1C0];
	v13 =	vunpack.i.u.bf16.f32 v3  }
0x26c: {  	v63 =	vld [tilespmem:s15+$0x240];
	v3 =	vunpack.i.l.bf16.f32 v3;
	v15 =	vunpack.i.u.bf16.f32 v4;
	v4 =	vunpack.i.l.bf16.f32 v4  }
0x26d: {  	v37 =	vld [tilespmem:s15+$0x2C0];
	v16 =	vunpack.i.u.bf16.f32 v53;
	v5 =	vunpack.i.l.bf16.f32 v53;
	v18 =	vunpack.i.u.bf16.f32 v54  }
0x26e: {  	v39 =	vld [tilespmem:s15+$0x340];
	v6 =	vunpack.i.l.bf16.f32 v54;
	v20 =	vunpack.i.u.bf16.f32 v55;
	v7 =	vunpack.i.l.bf16.f32 v55  }
0x26f: {  	v42 =	vld [tilespmem:s15+$0x3C0];
	v36 =	vunpack.i.u.bf16.f32 v56;
	v8 =	vunpack.i.l.bf16.f32 v56;
	v38 =	vunpack.i.u.bf16.f32 v57  }
0x270: {  	v9 =	vunpack.i.l.bf16.f32 v57;
	v40 =	vunpack.i.u.bf16.f32 v58;
	v10 =	vunpack.i.l.bf16.f32 v58  }
0x271: {  	v41 =	vunpack.i.u.bf16.f32 v59;
	v11 =	vunpack.i.l.bf16.f32 v59;
	v43 =	vunpack.i.u.bf16.f32 v60  }
0x272: {  	v12 =	vunpack.i.l.bf16.f32 v60;
	v44 =	vunpack.i.l.bf16.f32 v61;
	v45 =	vunpack.i.l.bf16.f32 v62  }
0x273: {  	v46 =	vunpack.i.l.bf16.f32 v63;
	v47 =	vunpack.i.l.bf16.f32 v37;
	v49 =	vunpack.i.l.bf16.f32 v39  }
0x274: {  	v52 =	vunpack.i.l.bf16.f32 v42;
	v3 =	vadd.f32 v4, v3;
	v48 =	vadd.f32 v6, v5  }
0x275: {  	v55 =	vunpack.i.u.bf16.f32 v61;
	v50 =	vadd.f32 v8, v7;
	v51 =	vadd.f32 v10, v9  }
0x276: {  	v57 =	vunpack.i.u.bf16.f32 v62;
	v53 =	vadd.f32 v12, v11;
	v54 =	vadd.f32 v45, v44  }
0x277: {  	v59 =	vunpack.i.u.bf16.f32 v63;
	v56 =	vadd.f32 v47, v46;
	v5 =	vadd.f32 v52, v49  }
0x278: {  	v61 =	vunpack.i.u.bf16.f32 v37;
	v62 =	vadd.f32 v15, v13;
	v63 =	vadd.f32 v18, v16  }
0x279: {  	v22 =	vunpack.i.u.bf16.f32 v39;
	v24 =	vadd.f32 v36, v20;
	v25 =	vadd.f32 v40, v38  }
0x27a: {  	v27 =	vunpack.i.u.bf16.f32 v42;
	v28 =	vadd.f32 v43, v41;
	v8 =	vadd.f32 v57, v55  }
0x27b: {  	v6 =	vadd.f32 v61, v59;
	v29 =	vadd.f32 v27, v22  }
0x27c: {  	v3 =	vadd.f32 v48, v3;
	v58 =	vadd.f32 v51, v50  }
0x27d: {  	v60 =	vadd.f32 v54, v53;
	v5 =	vadd.f32 v5, v56  }
0x27e: {  	v10 =	vadd.f32 v63, v62;
	v30 =	vadd.f32 v25, v24  }
0x27f: {  	v8 =	vadd.f32 v8, v28;
	v6 =	vadd.f32 v29, v6  }
0x280: {  	v3 =	vadd.f32 v58, v3;
	v31 =	vadd.f32 v5, v60  }
0x281: {  	v32 =	vadd.f32 v30, v10;
	v6 =	vadd.f32 v6, v8  }
0x282: {  	v3 =	vadd.f32 v31, v3  }
0x283: {  	v33 =	vadd.f32 v6, v32  }
0x284: {  	[tilespmem:s24+$0xC140] =	vst v3  }
0x285: {  	[tilespmem:s24+$0xC150] =	vst v33  }
0x286: {  	v3 =	vld [tilespmem:s15+$0xFFFFFC50]  }
0x287: {  	v4 =	vld [tilespmem:s15+$0xFFFFFCD0]  }
0x288: {  	v34 =	vld [tilespmem:s15+$0xFFFFFD50]  }
0x289: {  	v35 =	vld [tilespmem:s15+$0xFFFFFDD0]  }
0x28a: {  	v36 =	vld [tilespmem:s15+$0xFFFFFE50]  }
0x28b: {  	v37 =	vld [tilespmem:s15+$0xFFFFFED0]  }
0x28c: {  	v38 =	vld [tilespmem:s15+$0xFFFFFF50]  }
0x28d: {  	v39 =	vld [tilespmem:s15+$0xFFFFFFD0]  }
0x28e: {  	v40 =	vld [tilespmem:s15+$0x50]  }
0x28f: {  	v41 =	vld [tilespmem:s15+$0xD0]  }
0x290: {  	v42 =	vld [tilespmem:s15+$0x150]  }
0x291: {  	v44 =	vld [tilespmem:s15+$0x1D0];
	v13 =	vunpack.i.u.bf16.f32 v3  }
0x292: {  	v46 =	vld [tilespmem:s15+$0x250];
	v3 =	vunpack.i.l.bf16.f32 v3;
	v43 =	vunpack.i.u.bf16.f32 v4;
	v4 =	vunpack.i.l.bf16.f32 v4  }
0x293: {  	v49 =	vld [tilespmem:s15+$0x2D0];
	v16 =	vunpack.i.u.bf16.f32 v34;
	v5 =	vunpack.i.l.bf16.f32 v34;
	v45 =	vunpack.i.u.bf16.f32 v35  }
0x294: {  	v51 =	vld [tilespmem:s15+$0x350];
	v6 =	vunpack.i.l.bf16.f32 v35;
	v47 =	vunpack.i.u.bf16.f32 v36;
	v7 =	vunpack.i.l.bf16.f32 v36  }
0x295: {  	v54 =	vld [tilespmem:s15+$0x3D0];
	v48 =	vunpack.i.u.bf16.f32 v37;
	v8 =	vunpack.i.l.bf16.f32 v37;
	v50 =	vunpack.i.u.bf16.f32 v38  }
0x296: {  	v9 =	vunpack.i.l.bf16.f32 v38;
	v52 =	vunpack.i.u.bf16.f32 v39;
	v10 =	vunpack.i.l.bf16.f32 v39  }
0x297: {  	v53 =	vunpack.i.u.bf16.f32 v40;
	v11 =	vunpack.i.l.bf16.f32 v40;
	v55 =	vunpack.i.u.bf16.f32 v41  }
0x298: {  	v12 =	vunpack.i.l.bf16.f32 v41;
	v56 =	vunpack.i.l.bf16.f32 v42;
	v57 =	vunpack.i.l.bf16.f32 v44  }
0x299: {  	v58 =	vunpack.i.l.bf16.f32 v46;
	v59 =	vunpack.i.l.bf16.f32 v49;
	v61 =	vunpack.i.l.bf16.f32 v51  }
0x29a: {  	v33 =	vunpack.i.l.bf16.f32 v54;
	v3 =	vadd.f32 v4, v3;
	v60 =	vadd.f32 v6, v5  }
0x29b: {  	v36 =	vunpack.i.u.bf16.f32 v42;
	v62 =	vadd.f32 v8, v7;
	v63 =	vadd.f32 v10, v9  }
0x29c: {  	v38 =	vunpack.i.u.bf16.f32 v44;
	v34 =	vadd.f32 v12, v11;
	v35 =	vadd.f32 v57, v56  }
0x29d: {  	v40 =	vunpack.i.u.bf16.f32 v46;
	v37 =	vadd.f32 v59, v58;
	v5 =	vadd.f32 v33, v61  }
0x29e: {  	v42 =	vunpack.i.u.bf16.f32 v49;
	v43 =	vadd.f32 v43, v13;
	v44 =	vadd.f32 v45, v16  }
0x29f: {  	v45 =	vunpack.i.u.bf16.f32 v51;
	v46 =	vadd.f32 v48, v47;
	v47 =	vadd.f32 v52, v50  }
0x2a0: {  	v48 =	vunpack.i.u.bf16.f32 v54;
	v49 =	vadd.f32 v55, v53;
	v8 =	vadd.f32 v38, v36  }
0x2a1: {  	v6 =	vadd.f32 v42, v40;
	v50 =	vadd.f32 v48, v45  }
0x2a2: {  	v3 =	vadd.f32 v60, v3;
	v39 =	vadd.f32 v63, v62  }
0x2a3: {  	v41 =	vadd.f32 v35, v34;
	v5 =	vadd.f32 v5, v37  }
0x2a4: {  	v10 =	vadd.f32 v44, v43;
	v51 =	vadd.f32 v47, v46  }
0x2a5: {  	v8 =	vadd.f32 v8, v49;
	v6 =	vadd.f32 v50, v6  }
0x2a6: {  	v3 =	vadd.f32 v39, v3;
	v52 =	vadd.f32 v5, v41  }
0x2a7: {  	v53 =	vadd.f32 v51, v10;
	v6 =	vadd.f32 v6, v8  }
0x2a8: {  	v3 =	vadd.f32 v52, v3  }
0x2a9: {  	v54 =	vadd.f32 v6, v53  }
0x2aa: {  	[tilespmem:s24+$0xC160] =	vst v3  }
0x2ab: {  	[tilespmem:s24+$0xC170] =	vst v54  }
0x2ac: {  	v3 =	vld [tilespmem:s15+$0xFFFFFC60]  }
0x2ad: {  	v4 =	vld [tilespmem:s15+$0xFFFFFCE0]  }
0x2ae: {  	v55 =	vld [tilespmem:s15+$0xFFFFFD60]  }
0x2af: {  	v56 =	vld [tilespmem:s15+$0xFFFFFDE0]  }
0x2b0: {  	v57 =	vld [tilespmem:s15+$0xFFFFFE60]  }
0x2b1: {  	v58 =	vld [tilespmem:s15+$0xFFFFFEE0]  }
0x2b2: {  	v59 =	vld [tilespmem:s15+$0xFFFFFF60]  }
0x2b3: {  	v60 =	vld [tilespmem:s15+$0xFFFFFFE0]  }
0x2b4: {  	v61 =	vld [tilespmem:s15+$0x60]  }
0x2b5: {  	v62 =	vld [tilespmem:s15+$0xE0]  }
0x2b6: {  	v63 =	vld [tilespmem:s15+$0x160]  }
0x2b7: {  	v36 =	vld [tilespmem:s15+$0x1E0];
	v13 =	vunpack.i.u.bf16.f32 v3  }
0x2b8: {  	v38 =	vld [tilespmem:s15+$0x260];
	v3 =	vunpack.i.l.bf16.f32 v3;
	v15 =	vunpack.i.u.bf16.f32 v4;
	v4 =	vunpack.i.l.bf16.f32 v4  }
0x2b9: {  	v41 =	vld [tilespmem:s15+$0x2E0];
	v16 =	vunpack.i.u.bf16.f32 v55;
	v5 =	vunpack.i.l.bf16.f32 v55;
	v37 =	vunpack.i.u.bf16.f32 v56  }
0x2ba: {  	v43 =	vld [tilespmem:s15+$0x360];
	v6 =	vunpack.i.l.bf16.f32 v56;
	v39 =	vunpack.i.u.bf16.f32 v57;
	v7 =	vunpack.i.l.bf16.f32 v57  }
0x2bb: {  	v46 =	vld [tilespmem:s15+$0x3E0];
	v40 =	vunpack.i.u.bf16.f32 v58;
	v8 =	vunpack.i.l.bf16.f32 v58;
	v42 =	vunpack.i.u.bf16.f32 v59  }
0x2bc: {  	v9 =	vunpack.i.l.bf16.f32 v59;
	v44 =	vunpack.i.u.bf16.f32 v60;
	v10 =	vunpack.i.l.bf16.f32 v60  }
0x2bd: {  	v45 =	vunpack.i.u.bf16.f32 v61;
	v11 =	vunpack.i.l.bf16.f32 v61;
	v47 =	vunpack.i.u.bf16.f32 v62  }
0x2be: {  	v12 =	vunpack.i.l.bf16.f32 v62;
	v48 =	vunpack.i.l.bf16.f32 v63;
	v49 =	vunpack.i.l.bf16.f32 v36  }
0x2bf: {  	v50 =	vunpack.i.l.bf16.f32 v38;
	v51 =	vunpack.i.l.bf16.f32 v41;
	v53 =	vunpack.i.l.bf16.f32 v43  }
0x2c0: {  	v56 =	vunpack.i.l.bf16.f32 v46;
	v3 =	vadd.f32 v4, v3;
	v52 =	vadd.f32 v6, v5  }
0x2c1: {  	v59 =	vunpack.i.u.bf16.f32 v63;
	v54 =	vadd.f32 v8, v7;
	v55 =	vadd.f32 v10, v9  }
0x2c2: {  	v61 =	vunpack.i.u.bf16.f32 v36;
	v57 =	vadd.f32 v12, v11;
	v58 =	vadd.f32 v49, v48  }
0x2c3: {  	v63 =	vunpack.i.u.bf16.f32 v38;
	v60 =	vadd.f32 v51, v50;
	v5 =	vadd.f32 v56, v53  }
0x2c4: {  	v30 =	vunpack.i.u.bf16.f32 v41;
	v31 =	vadd.f32 v15, v13;
	v32 =	vadd.f32 v37, v16  }
0x2c5: {  	v33 =	vunpack.i.u.bf16.f32 v43;
	v34 =	vadd.f32 v40, v39;
	v35 =	vadd.f32 v44, v42  }
0x2c6: {  	v36 =	vunpack.i.u.bf16.f32 v46;
	v37 =	vadd.f32 v47, v45;
	v8 =	vadd.f32 v61, v59  }
0x2c7: {  	v6 =	vadd.f32 v30, v63;
	v38 =	vadd.f32 v36, v33  }
0x2c8: {  	v3 =	vadd.f32 v52, v3;
	v62 =	vadd.f32 v55, v54  }
0x2c9: {  	v29 =	vadd.f32 v58, v57;
	v5 =	vadd.f32 v5, v60  }
0x2ca: {  	v10 =	vadd.f32 v32, v31;
	v39 =	vadd.f32 v35, v34  }
0x2cb: {  	v8 =	vadd.f32 v8, v37;
	v6 =	vadd.f32 v38, v6  }
0x2cc: {  	v3 =	vadd.f32 v62, v3;
	v40 =	vadd.f32 v5, v29  }
0x2cd: {  	v41 =	vadd.f32 v39, v10;
	v6 =	vadd.f32 v6, v8  }
0x2ce: {  	v3 =	vadd.f32 v40, v3  }
0x2cf: {  	v42 =	vadd.f32 v6, v41  }
0x2d0: {  	[tilespmem:s24+$0xC180] =	vst v3  }
0x2d1: {  	[tilespmem:s24+$0xC190] =	vst v42  }
0x2d2: {  	v3 =	vld [tilespmem:s15+$0xFFFFFC70]  }
0x2d3: {  	v4 =	vld [tilespmem:s15+$0xFFFFFCF0]  }
0x2d4: {  	v43 =	vld [tilespmem:s15+$0xFFFFFD70]  }
0x2d5: {  	v44 =	vld [tilespmem:s15+$0xFFFFFDF0]  }
0x2d6: {  	v45 =	vld [tilespmem:s15+$0xFFFFFE70]  }
0x2d7: {  	v46 =	vld [tilespmem:s15+$0xFFFFFEF0]  }
0x2d8: {  	v47 =	vld [tilespmem:s15+$0xFFFFFF70]  }
0x2d9: {  	v48 =	vld [tilespmem:s15+$0xFFFFFFF0]  }
0x2da: {  	v49 =	vld [tilespmem:s15+$0x70]  }
0x2db: {  	v50 =	vld [tilespmem:s15+$0xF0]  }
0x2dc: {  	v51 =	vld [tilespmem:s15+$0x170]  }
0x2dd: {  	v52 =	vld [tilespmem:s15+$0x1F0];
	v13 =	vunpack.i.u.bf16.f32 v3  }
0x2de: {  	v54 =	vld [tilespmem:s15+$0x270];
	v3 =	vunpack.i.l.bf16.f32 v3;
	v15 =	vunpack.i.u.bf16.f32 v4;
	v4 =	vunpack.i.l.bf16.f32 v4  }
0x2df: {  	v55 =	vld [tilespmem:s15+$0x2F0];
	v16 =	vunpack.i.u.bf16.f32 v43;
	v5 =	vunpack.i.l.bf16.f32 v43;
	v53 =	vunpack.i.u.bf16.f32 v44  }
0x2e0: {  	v57 =	vld [tilespmem:s15+$0x370];
	v6 =	vunpack.i.l.bf16.f32 v44;
	v20 =	vunpack.i.u.bf16.f32 v45;
	v7 =	vunpack.i.l.bf16.f32 v45  }
0x2e1: {  	v60 =	vld [tilespmem:s15+$0x3F0];
	v21 =	vunpack.i.u.bf16.f32 v46;
	v8 =	vunpack.i.l.bf16.f32 v46;
	v56 =	vunpack.i.u.bf16.f32 v47  }
0x2e2: {  	v9 =	vunpack.i.l.bf16.f32 v47;
	v58 =	vunpack.i.u.bf16.f32 v48;
	v10 =	vunpack.i.l.bf16.f32 v48  }
0x2e3: {  	v59 =	vunpack.i.u.bf16.f32 v49;
	v11 =	vunpack.i.l.bf16.f32 v49;
	v61 =	vunpack.i.u.bf16.f32 v50  }
0x2e4: {  	v12 =	vunpack.i.l.bf16.f32 v50;
	v62 =	vunpack.i.l.bf16.f32 v51;
	v63 =	vunpack.i.l.bf16.f32 v52  }
0x2e5: {  	v36 =	vunpack.i.l.bf16.f32 v54;
	v37 =	vunpack.i.l.bf16.f32 v55;
	v39 =	vunpack.i.l.bf16.f32 v57  }
0x2e6: {  	v42 =	vunpack.i.l.bf16.f32 v60;
	v3 =	vadd.f32 v4, v3;
	v38 =	vadd.f32 v6, v5  }
0x2e7: {  	v45 =	vunpack.i.u.bf16.f32 v51;
	v40 =	vadd.f32 v8, v7;
	v41 =	vadd.f32 v10, v9  }
0x2e8: {  	v47 =	vunpack.i.u.bf16.f32 v52;
	v43 =	vadd.f32 v12, v11;
	v44 =	vadd.f32 v63, v62  }
0x2e9: {  	v49 =	vunpack.i.u.bf16.f32 v54;
	v46 =	vadd.f32 v37, v36;
	v5 =	vadd.f32 v42, v39  }
0x2ea: {  	v51 =	vunpack.i.u.bf16.f32 v55;
	v52 =	vadd.f32 v15, v13;
	v53 =	vadd.f32 v53, v16  }
0x2eb: {  	v54 =	vunpack.i.u.bf16.f32 v57;
	v55 =	vadd.f32 v21, v20;
	v56 =	vadd.f32 v58, v56  }
0x2ec: {  	v57 =	vunpack.i.u.bf16.f32 v60;
	v58 =	vadd.f32 v61, v59;
	v8 =	vadd.f32 v47, v45  }
0x2ed: {  	v6 =	vadd.f32 v51, v49;
	v59 =	vadd.f32 v57, v54  }
0x2ee: {  	v3 =	vadd.f32 v38, v3;
	v48 =	vadd.f32 v41, v40  }
0x2ef: {  	v50 =	vadd.f32 v44, v43;
	v5 =	vadd.f32 v5, v46  }
0x2f0: {  	v10 =	vadd.f32 v53, v52;
	v60 =	vadd.f32 v56, v55  }
0x2f1: {  	v8 =	vadd.f32 v8, v58;
	v6 =	vadd.f32 v59, v6  }
0x2f2: {  	p0 =	sne.s32 s0, $0xF00;
	v3 =	vadd.f32 v48, v3;
	v61 =	vadd.f32 v5, v50  }
.Ltmp11:
0x2f3: {  	v62 =	vadd.f32 v60, v10;
	v6 =	vadd.f32 v6, v8;
	(pc) =	sbr.rel @p0 .LBB2_17-.Ltmp11, $4  }
0x2f4: {  	v3 =	vadd.f32 v61, v3  }
0x2f5: {  	v63 =	vadd.f32 v6, v62  }
0x2f6: {  	[tilespmem:s24+$0xC1A0] =	vst v3  }
0x2f7: {  	s0 =	sadd.s32 $0x200, s0;
	s15 =	sadd.s32 $0x800, s15;
	[tilespmem:s24+$0xC1B0] =	vst v63  }
0x2f8: {  	p0 =	seq.s32 s29, $0x13  }
0x2f9: {  	s24 =	sshll.u32 s29, $0xC;
	s0 =	sshrl.u32 @!p0 s10, $0x2  }
0x2fa: {  	s13 =	simm.s32 @!p0 $0x80;
	s15 =	simm.s32 @!p0 $0x3D80;
	s0 =	sadd.s32 @!p0 $0x2A80, s0  }
0x2fb: {  	[tilespmem:s15], [sflag:$0x3] =	stream.indirect.gather @!p0 [hbm4b:s14+s13], $0x80, s0, s13, $0x2000b8;
	[tilespmem:$0x1A980] =	vst v63  }
0x2fc: {  	s0 =	sadd.s32 s6, s24  }
0x2fd: {  	s0 =	sshrl.u32 s0, $0x3  }
0x2fe: {  	s0 =	sadd.s32 s7, s0  }
0x2ff: {  	[hbm4b:s0+s4] =	stream.linear.scatter [tilespmem:s16], [sflag:$0x5], $0x800, $0x200038;
	[tilespmem:$0x1A980] =	vst v63  }
0x300: {  	_ =	swait.ge [sflag:s28], $0x4000  }
0x301: {  	p1 =	seq.s32 s29, $0x0;
	[sflag:s28] =	ssyncset.done $0x0  }
0x302: {  	s0 =	simm.s32 @!p1 $0x6;
	[sflag:s28] =	ssyncadd.s32 $0xFFFFC000  }
0x303: {  	_ =	swait.ge @!p1 [sflag:s0], $0x800  }
0x304: {  	[sflag:s0] =	ssyncset.done @!p1 $0x0  }
0x305: {  	s15 =	simm.s32 $0x8180;
	[sflag:s0] =	ssyncadd.s32 @!p1 $0xFFFFF800;
	s0 =	simm.s32 $0x100  }
.LBB2_19:
0x306: {  	v3 =	vld [tilespmem:s15+$0xFFFFFC00]  }
0x307: {  	v4 =	vld [tilespmem:s15+$0xFFFFFC80]  }
0x308: {  	v5 =	vld [tilespmem:s15+$0xFFFFFD00]  }
0x309: {  	v6 =	vld [tilespmem:s15+$0xFFFFFD80]  }
0x30a: {  	v7 =	vld [tilespmem:s15+$0xFFFFFE00]  }
0x30b: {  	v8 =	vld [tilespmem:s15+$0xFFFFFE80]  }
0x30c: {  	v9 =	vld [tilespmem:s15+$0xFFFFFF00]  }
0x30d: {  	v10 =	vld [tilespmem:s15+$0xFFFFFF80]  }
0x30e: {  	v11 =	vld [tilespmem:s15+$0x0]  }
0x30f: {  	v12 =	vld [tilespmem:s15+$0x80]  }
0x310: {  	v14 =	vld [tilespmem:s15+$0x100]  }
0x311: {  	v17 =	vld [tilespmem:s15+$0x180];
	v13 =	vunpack.i.u.bf16.f32 v3  }
0x312: {  	v19 =	vld [tilespmem:s15+$0x200];
	v3 =	vunpack.i.l.bf16.f32 v3;
	v15 =	vunpack.i.u.bf16.f32 v4;
	v4 =	vunpack.i.l.bf16.f32 v4  }
0x313: {  	v22 =	vld [tilespmem:s15+$0x280];
	v16 =	vunpack.i.u.bf16.f32 v5;
	v5 =	vunpack.i.l.bf16.f32 v5;
	v18 =	vunpack.i.u.bf16.f32 v6  }
0x314: {  	v24 =	vld [tilespmem:s15+$0x300];
	v6 =	vunpack.i.l.bf16.f32 v6;
	v20 =	vunpack.i.u.bf16.f32 v7;
	v7 =	vunpack.i.l.bf16.f32 v7  }
0x315: {  	v27 =	vld [tilespmem:s15+$0x380];
	v21 =	vunpack.i.u.bf16.f32 v8;
	v8 =	vunpack.i.l.bf16.f32 v8;
	v23 =	vunpack.i.u.bf16.f32 v9  }
0x316: {  	v9 =	vunpack.i.l.bf16.f32 v9;
	v25 =	vunpack.i.u.bf16.f32 v10;
	v10 =	vunpack.i.l.bf16.f32 v10  }
0x317: {  	v26 =	vunpack.i.u.bf16.f32 v11;
	v11 =	vunpack.i.l.bf16.f32 v11;
	v28 =	vunpack.i.u.bf16.f32 v12  }
0x318: {  	v12 =	vunpack.i.l.bf16.f32 v12;
	v29 =	vunpack.i.l.bf16.f32 v14;
	v30 =	vunpack.i.l.bf16.f32 v17  }
0x319: {  	v31 =	vunpack.i.l.bf16.f32 v19;
	v32 =	vunpack.i.l.bf16.f32 v22;
	v48 =	vunpack.i.l.bf16.f32 v24  }
0x31a: {  	v51 =	vunpack.i.l.bf16.f32 v27;
	v3 =	vadd.f32 v4, v3;
	v47 =	vadd.f32 v6, v5  }
0x31b: {  	v54 =	vunpack.i.u.bf16.f32 v14;
	v49 =	vadd.f32 v8, v7;
	v50 =	vadd.f32 v10, v9  }
0x31c: {  	v56 =	vunpack.i.u.bf16.f32 v17;
	v52 =	vadd.f32 v12, v11;
	v53 =	vadd.f32 v30, v29  }
0x31d: {  	v58 =	vunpack.i.u.bf16.f32 v19;
	v55 =	vadd.f32 v32, v31;
	v5 =	vadd.f32 v51, v48  }
0x31e: {  	v60 =	vunpack.i.u.bf16.f32 v22;
	v61 =	vadd.f32 v15, v13;
	v62 =	vadd.f32 v18, v16  }
0x31f: {  	v63 =	vunpack.i.u.bf16.f32 v24;
	v22 =	vadd.f32 v21, v20;
	v23 =	vadd.f32 v25, v23  }
0x320: {  	v24 =	vunpack.i.u.bf16.f32 v27;
	v25 =	vadd.f32 v28, v26;
	v8 =	vadd.f32 v56, v54  }
0x321: {  	v6 =	vadd.f32 v60, v58;
	v26 =	vadd.f32 v24, v63  }
0x322: {  	v3 =	vadd.f32 v47, v3;
	v57 =	vadd.f32 v50, v49  }
0x323: {  	v59 =	vadd.f32 v53, v52;
	v5 =	vadd.f32 v5, v55  }
0x324: {  	v10 =	vadd.f32 v62, v61;
	v27 =	vadd.f32 v23, v22  }
0x325: {  	v8 =	vadd.f32 v8, v25;
	v6 =	vadd.f32 v26, v6  }
0x326: {  	v3 =	vadd.f32 v57, v3;
	v28 =	vadd.f32 v5, v59  }
0x327: {  	v29 =	vadd.f32 v27, v10;
	v6 =	vadd.f32 v6, v8  }
0x328: {  	v3 =	vadd.f32 v28, v3  }
0x329: {  	s24 =	sshra.s32 s0, $0x2;
	v30 =	vadd.f32 v6, v29  }
0x32a: {  	[tilespmem:s24+$0xC540] =	vst v3  }
0x32b: {  	[tilespmem:s24+$0xC550] =	vst v30  }
0x32c: {  	v3 =	vld [tilespmem:s15+$0xFFFFFC10]  }
0x32d: {  	v4 =	vld [tilespmem:s15+$0xFFFFFC90]  }
0x32e: {  	v31 =	vld [tilespmem:s15+$0xFFFFFD10]  }
0x32f: {  	v32 =	vld [tilespmem:s15+$0xFFFFFD90]  }
0x330: {  	v33 =	vld [tilespmem:s15+$0xFFFFFE10]  }
0x331: {  	v34 =	vld [tilespmem:s15+$0xFFFFFE90]  }
0x332: {  	v35 =	vld [tilespmem:s15+$0xFFFFFF10]  }
0x333: {  	v36 =	vld [tilespmem:s15+$0xFFFFFF90]  }
0x334: {  	v37 =	vld [tilespmem:s15+$0x10]  }
0x335: {  	v38 =	vld [tilespmem:s15+$0x90]  }
0x336: {  	v39 =	vld [tilespmem:s15+$0x110]  }
0x337: {  	v42 =	vld [tilespmem:s15+$0x190];
	v13 =	vunpack.i.u.bf16.f32 v3  }
0x338: {  	v44 =	vld [tilespmem:s15+$0x210];
	v3 =	vunpack.i.l.bf16.f32 v3;
	v40 =	vunpack.i.u.bf16.f32 v4;
	v4 =	vunpack.i.l.bf16.f32 v4  }
0x339: {  	v47 =	vld [tilespmem:s15+$0x290];
	v41 =	vunpack.i.u.bf16.f32 v31;
	v5 =	vunpack.i.l.bf16.f32 v31;
	v43 =	vunpack.i.u.bf16.f32 v32  }
0x33a: {  	v49 =	vld [tilespmem:s15+$0x310];
	v6 =	vunpack.i.l.bf16.f32 v32;
	v45 =	vunpack.i.u.bf16.f32 v33;
	v7 =	vunpack.i.l.bf16.f32 v33  }
0x33b: {  	v52 =	vld [tilespmem:s15+$0x390];
	v46 =	vunpack.i.u.bf16.f32 v34;
	v8 =	vunpack.i.l.bf16.f32 v34;
	v48 =	vunpack.i.u.bf16.f32 v35  }
0x33c: {  	v9 =	vunpack.i.l.bf16.f32 v35;
	v50 =	vunpack.i.u.bf16.f32 v36;
	v10 =	vunpack.i.l.bf16.f32 v36  }
0x33d: {  	v51 =	vunpack.i.u.bf16.f32 v37;
	v11 =	vunpack.i.l.bf16.f32 v37;
	v53 =	vunpack.i.u.bf16.f32 v38  }
0x33e: {  	v12 =	vunpack.i.l.bf16.f32 v38;
	v54 =	vunpack.i.l.bf16.f32 v39;
	v55 =	vunpack.i.l.bf16.f32 v42  }
0x33f: {  	v56 =	vunpack.i.l.bf16.f32 v44;
	v57 =	vunpack.i.l.bf16.f32 v47;
	v59 =	vunpack.i.l.bf16.f32 v49  }
0x340: {  	v62 =	vunpack.i.l.bf16.f32 v52;
	v3 =	vadd.f32 v4, v3;
	v58 =	vadd.f32 v6, v5  }
0x341: {  	v33 =	vunpack.i.u.bf16.f32 v39;
	v60 =	vadd.f32 v8, v7;
	v61 =	vadd.f32 v10, v9  }
0x342: {  	v35 =	vunpack.i.u.bf16.f32 v42;
	v63 =	vadd.f32 v12, v11;
	v30 =	vadd.f32 v55, v54  }
0x343: {  	v37 =	vunpack.i.u.bf16.f32 v44;
	v34 =	vadd.f32 v57, v56;
	v5 =	vadd.f32 v62, v59  }
0x344: {  	v39 =	vunpack.i.u.bf16.f32 v47;
	v40 =	vadd.f32 v40, v13;
	v41 =	vadd.f32 v43, v41  }
0x345: {  	v42 =	vunpack.i.u.bf16.f32 v49;
	v43 =	vadd.f32 v46, v45;
	v44 =	vadd.f32 v50, v48  }
0x346: {  	v45 =	vunpack.i.u.bf16.f32 v52;
	v46 =	vadd.f32 v53, v51;
	v8 =	vadd.f32 v35, v33  }
0x347: {  	v6 =	vadd.f32 v39, v37;
	v47 =	vadd.f32 v45, v42  }
0x348: {  	v3 =	vadd.f32 v58, v3;
	v36 =	vadd.f32 v61, v60  }
0x349: {  	v38 =	vadd.f32 v30, v63;
	v5 =	vadd.f32 v5, v34  }
0x34a: {  	v10 =	vadd.f32 v41, v40;
	v48 =	vadd.f32 v44, v43  }
0x34b: {  	v8 =	vadd.f32 v8, v46;
	v6 =	vadd.f32 v47, v6  }
0x34c: {  	v3 =	vadd.f32 v36, v3;
	v49 =	vadd.f32 v5, v38  }
0x34d: {  	v50 =	vadd.f32 v48, v10;
	v6 =	vadd.f32 v6, v8  }
0x34e: {  	v3 =	vadd.f32 v49, v3  }
0x34f: {  	v51 =	vadd.f32 v6, v50  }
0x350: {  	[tilespmem:s24+$0xC560] =	vst v3  }
0x351: {  	[tilespmem:s24+$0xC570] =	vst v51  }
0x352: {  	v3 =	vld [tilespmem:s15+$0xFFFFFC20]  }
0x353: {  	v4 =	vld [tilespmem:s15+$0xFFFFFCA0]  }
0x354: {  	v52 =	vld [tilespmem:s15+$0xFFFFFD20]  }
0x355: {  	v53 =	vld [tilespmem:s15+$0xFFFFFDA0]  }
0x356: {  	v54 =	vld [tilespmem:s15+$0xFFFFFE20]  }
0x357: {  	v55 =	vld [tilespmem:s15+$0xFFFFFEA0]  }
0x358: {  	v56 =	vld [tilespmem:s15+$0xFFFFFF20]  }
0x359: {  	v57 =	vld [tilespmem:s15+$0xFFFFFFA0]  }
0x35a: {  	v58 =	vld [tilespmem:s15+$0x20]  }
0x35b: {  	v59 =	vld [tilespmem:s15+$0xA0]  }
0x35c: {  	v60 =	vld [tilespmem:s15+$0x120]  }
0x35d: {  	v61 =	vld [tilespmem:s15+$0x1A0];
	v13 =	vunpack.i.u.bf16.f32 v3  }
0x35e: {  	v63 =	vld [tilespmem:s15+$0x220];
	v3 =	vunpack.i.l.bf16.f32 v3;
	v15 =	vunpack.i.u.bf16.f32 v4;
	v4 =	vunpack.i.l.bf16.f32 v4  }
0x35f: {  	v36 =	vld [tilespmem:s15+$0x2A0];
	v16 =	vunpack.i.u.bf16.f32 v52;
	v5 =	vunpack.i.l.bf16.f32 v52;
	v62 =	vunpack.i.u.bf16.f32 v53  }
0x360: {  	v38 =	vld [tilespmem:s15+$0x320];
	v6 =	vunpack.i.l.bf16.f32 v53;
	v20 =	vunpack.i.u.bf16.f32 v54;
	v7 =	vunpack.i.l.bf16.f32 v54  }
0x361: {  	v41 =	vld [tilespmem:s15+$0x3A0];
	v21 =	vunpack.i.u.bf16.f32 v55;
	v8 =	vunpack.i.l.bf16.f32 v55;
	v37 =	vunpack.i.u.bf16.f32 v56  }
0x362: {  	v9 =	vunpack.i.l.bf16.f32 v56;
	v39 =	vunpack.i.u.bf16.f32 v57;
	v10 =	vunpack.i.l.bf16.f32 v57  }
0x363: {  	v40 =	vunpack.i.u.bf16.f32 v58;
	v11 =	vunpack.i.l.bf16.f32 v58;
	v42 =	vunpack.i.u.bf16.f32 v59  }
0x364: {  	v12 =	vunpack.i.l.bf16.f32 v59;
	v43 =	vunpack.i.l.bf16.f32 v60;
	v44 =	vunpack.i.l.bf16.f32 v61  }
0x365: {  	v45 =	vunpack.i.l.bf16.f32 v63;
	v46 =	vunpack.i.l.bf16.f32 v36;
	v48 =	vunpack.i.l.bf16.f32 v38  }
0x366: {  	v51 =	vunpack.i.l.bf16.f32 v41;
	v3 =	vadd.f32 v4, v3;
	v47 =	vadd.f32 v6, v5  }
0x367: {  	v54 =	vunpack.i.u.bf16.f32 v60;
	v49 =	vadd.f32 v8, v7;
	v50 =	vadd.f32 v10, v9  }
0x368: {  	v56 =	vunpack.i.u.bf16.f32 v61;
	v52 =	vadd.f32 v12, v11;
	v53 =	vadd.f32 v44, v43  }
0x369: {  	v58 =	vunpack.i.u.bf16.f32 v63;
	v55 =	vadd.f32 v46, v45;
	v5 =	vadd.f32 v51, v48  }
0x36a: {  	v60 =	vunpack.i.u.bf16.f32 v36;
	v61 =	vadd.f32 v15, v13;
	v62 =	vadd.f32 v62, v16  }
0x36b: {  	v63 =	vunpack.i.u.bf16.f32 v38;
	v22 =	vadd.f32 v21, v20;
	v24 =	vadd.f32 v39, v37  }
0x36c: {  	v25 =	vunpack.i.u.bf16.f32 v41;
	v26 =	vadd.f32 v42, v40;
	v8 =	vadd.f32 v56, v54  }
0x36d: {  	v6 =	vadd.f32 v60, v58;
	v27 =	vadd.f32 v25, v63  }
0x36e: {  	v3 =	vadd.f32 v47, v3;
	v57 =	vadd.f32 v50, v49  }
0x36f: {  	v59 =	vadd.f32 v53, v52;
	v5 =	vadd.f32 v5, v55  }
0x370: {  	v10 =	vadd.f32 v62, v61;
	v28 =	vadd.f32 v24, v22  }
0x371: {  	v8 =	vadd.f32 v8, v26;
	v6 =	vadd.f32 v27, v6  }
0x372: {  	v3 =	vadd.f32 v57, v3;
	v29 =	vadd.f32 v5, v59  }
0x373: {  	v30 =	vadd.f32 v28, v10;
	v6 =	vadd.f32 v6, v8  }
0x374: {  	v3 =	vadd.f32 v29, v3  }
0x375: {  	v31 =	vadd.f32 v6, v30  }
0x376: {  	[tilespmem:s24+$0xC580] =	vst v3  }
0x377: {  	[tilespmem:s24+$0xC590] =	vst v31  }
0x378: {  	v3 =	vld [tilespmem:s15+$0xFFFFFC30]  }
0x379: {  	v4 =	vld [tilespmem:s15+$0xFFFFFCB0]  }
0x37a: {  	v32 =	vld [tilespmem:s15+$0xFFFFFD30]  }
0x37b: {  	v33 =	vld [tilespmem:s15+$0xFFFFFDB0]  }
0x37c: {  	v34 =	vld [tilespmem:s15+$0xFFFFFE30]  }
0x37d: {  	v35 =	vld [tilespmem:s15+$0xFFFFFEB0]  }
0x37e: {  	v36 =	vld [tilespmem:s15+$0xFFFFFF30]  }
0x37f: {  	v37 =	vld [tilespmem:s15+$0xFFFFFFB0]  }
0x380: {  	v38 =	vld [tilespmem:s15+$0x30]  }
0x381: {  	v39 =	vld [tilespmem:s15+$0xB0]  }
0x382: {  	v40 =	vld [tilespmem:s15+$0x130]  }
0x383: {  	v42 =	vld [tilespmem:s15+$0x1B0];
	v13 =	vunpack.i.u.bf16.f32 v3  }
0x384: {  	v44 =	vld [tilespmem:s15+$0x230];
	v3 =	vunpack.i.l.bf16.f32 v3;
	v41 =	vunpack.i.u.bf16.f32 v4;
	v4 =	vunpack.i.l.bf16.f32 v4  }
0x385: {  	v47 =	vld [tilespmem:s15+$0x2B0];
	v16 =	vunpack.i.u.bf16.f32 v32;
	v5 =	vunpack.i.l.bf16.f32 v32;
	v43 =	vunpack.i.u.bf16.f32 v33  }
0x386: {  	v49 =	vld [tilespmem:s15+$0x330];
	v6 =	vunpack.i.l.bf16.f32 v33;
	v45 =	vunpack.i.u.bf16.f32 v34;
	v7 =	vunpack.i.l.bf16.f32 v34  }
0x387: {  	v52 =	vld [tilespmem:s15+$0x3B0];
	v46 =	vunpack.i.u.bf16.f32 v35;
	v8 =	vunpack.i.l.bf16.f32 v35;
	v48 =	vunpack.i.u.bf16.f32 v36  }
0x388: {  	v9 =	vunpack.i.l.bf16.f32 v36;
	v50 =	vunpack.i.u.bf16.f32 v37;
	v10 =	vunpack.i.l.bf16.f32 v37  }
0x389: {  	v51 =	vunpack.i.u.bf16.f32 v38;
	v11 =	vunpack.i.l.bf16.f32 v38;
	v53 =	vunpack.i.u.bf16.f32 v39  }
0x38a: {  	v12 =	vunpack.i.l.bf16.f32 v39;
	v54 =	vunpack.i.l.bf16.f32 v40;
	v55 =	vunpack.i.l.bf16.f32 v42  }
0x38b: {  	v56 =	vunpack.i.l.bf16.f32 v44;
	v57 =	vunpack.i.l.bf16.f32 v47;
	v59 =	vunpack.i.l.bf16.f32 v49  }
0x38c: {  	v62 =	vunpack.i.l.bf16.f32 v52;
	v3 =	vadd.f32 v4, v3;
	v58 =	vadd.f32 v6, v5  }
0x38d: {  	v34 =	vunpack.i.u.bf16.f32 v40;
	v60 =	vadd.f32 v8, v7;
	v61 =	vadd.f32 v10, v9  }
0x38e: {  	v36 =	vunpack.i.u.bf16.f32 v42;
	v63 =	vadd.f32 v12, v11;
	v33 =	vadd.f32 v55, v54  }
0x38f: {  	v38 =	vunpack.i.u.bf16.f32 v44;
	v35 =	vadd.f32 v57, v56;
	v5 =	vadd.f32 v62, v59  }
0x390: {  	v40 =	vunpack.i.u.bf16.f32 v47;
	v41 =	vadd.f32 v41, v13;
	v42 =	vadd.f32 v43, v16  }
0x391: {  	v43 =	vunpack.i.u.bf16.f32 v49;
	v44 =	vadd.f32 v46, v45;
	v45 =	vadd.f32 v50, v48  }
0x392: {  	v46 =	vunpack.i.u.bf16.f32 v52;
	v47 =	vadd.f32 v53, v51;
	v8 =	vadd.f32 v36, v34  }
0x393: {  	v6 =	vadd.f32 v40, v38;
	v48 =	vadd.f32 v46, v43  }
0x394: {  	v3 =	vadd.f32 v58, v3;
	v37 =	vadd.f32 v61, v60  }
0x395: {  	v39 =	vadd.f32 v33, v63;
	v5 =	vadd.f32 v5, v35  }
0x396: {  	v10 =	vadd.f32 v42, v41;
	v49 =	vadd.f32 v45, v44  }
0x397: {  	v8 =	vadd.f32 v8, v47;
	v6 =	vadd.f32 v48, v6  }
0x398: {  	v3 =	vadd.f32 v37, v3;
	v50 =	vadd.f32 v5, v39  }
0x399: {  	v51 =	vadd.f32 v49, v10;
	v6 =	vadd.f32 v6, v8  }
0x39a: {  	v3 =	vadd.f32 v50, v3  }
0x39b: {  	v52 =	vadd.f32 v6, v51  }
0x39c: {  	[tilespmem:s24+$0xC5A0] =	vst v3  }
0x39d: {  	[tilespmem:s24+$0xC5B0] =	vst v52  }
0x39e: {  	v3 =	vld [tilespmem:s15+$0xFFFFFC40]  }
0x39f: {  	v4 =	vld [tilespmem:s15+$0xFFFFFCC0]  }
0x3a0: {  	v53 =	vld [tilespmem:s15+$0xFFFFFD40]  }
0x3a1: {  	v54 =	vld [tilespmem:s15+$0xFFFFFDC0]  }
0x3a2: {  	v55 =	vld [tilespmem:s15+$0xFFFFFE40]  }
0x3a3: {  	v56 =	vld [tilespmem:s15+$0xFFFFFEC0]  }
0x3a4: {  	v57 =	vld [tilespmem:s15+$0xFFFFFF40]  }
0x3a5: {  	v58 =	vld [tilespmem:s15+$0xFFFFFFC0]  }
0x3a6: {  	v59 =	vld [tilespmem:s15+$0x40]  }
0x3a7: {  	v60 =	vld [tilespmem:s15+$0xC0]  }
0x3a8: {  	v61 =	vld [tilespmem:s15+$0x140]  }
0x3a9: {  	v62 =	vld [tilespmem:s15+$0x1C0];
	v13 =	vunpack.i.u.bf16.f32 v3  }
0x3aa: {  	v63 =	vld [tilespmem:s15+$0x240];
	v3 =	vunpack.i.l.bf16.f32 v3;
	v15 =	vunpack.i.u.bf16.f32 v4;
	v4 =	vunpack.i.l.bf16.f32 v4  }
0x3ab: {  	v37 =	vld [tilespmem:s15+$0x2C0];
	v16 =	vunpack.i.u.bf16.f32 v53;
	v5 =	vunpack.i.l.bf16.f32 v53;
	v18 =	vunpack.i.u.bf16.f32 v54  }
0x3ac: {  	v39 =	vld [tilespmem:s15+$0x340];
	v6 =	vunpack.i.l.bf16.f32 v54;
	v20 =	vunpack.i.u.bf16.f32 v55;
	v7 =	vunpack.i.l.bf16.f32 v55  }
0x3ad: {  	v42 =	vld [tilespmem:s15+$0x3C0];
	v36 =	vunpack.i.u.bf16.f32 v56;
	v8 =	vunpack.i.l.bf16.f32 v56;
	v38 =	vunpack.i.u.bf16.f32 v57  }
0x3ae: {  	v9 =	vunpack.i.l.bf16.f32 v57;
	v40 =	vunpack.i.u.bf16.f32 v58;
	v10 =	vunpack.i.l.bf16.f32 v58  }
0x3af: {  	v41 =	vunpack.i.u.bf16.f32 v59;
	v11 =	vunpack.i.l.bf16.f32 v59;
	v43 =	vunpack.i.u.bf16.f32 v60  }
0x3b0: {  	v12 =	vunpack.i.l.bf16.f32 v60;
	v44 =	vunpack.i.l.bf16.f32 v61;
	v45 =	vunpack.i.l.bf16.f32 v62  }
0x3b1: {  	v46 =	vunpack.i.l.bf16.f32 v63;
	v47 =	vunpack.i.l.bf16.f32 v37;
	v49 =	vunpack.i.l.bf16.f32 v39  }
0x3b2: {  	v52 =	vunpack.i.l.bf16.f32 v42;
	v3 =	vadd.f32 v4, v3;
	v48 =	vadd.f32 v6, v5  }
0x3b3: {  	v55 =	vunpack.i.u.bf16.f32 v61;
	v50 =	vadd.f32 v8, v7;
	v51 =	vadd.f32 v10, v9  }
0x3b4: {  	v57 =	vunpack.i.u.bf16.f32 v62;
	v53 =	vadd.f32 v12, v11;
	v54 =	vadd.f32 v45, v44  }
0x3b5: {  	v59 =	vunpack.i.u.bf16.f32 v63;
	v56 =	vadd.f32 v47, v46;
	v5 =	vadd.f32 v52, v49  }
0x3b6: {  	v61 =	vunpack.i.u.bf16.f32 v37;
	v62 =	vadd.f32 v15, v13;
	v63 =	vadd.f32 v18, v16  }
0x3b7: {  	v22 =	vunpack.i.u.bf16.f32 v39;
	v24 =	vadd.f32 v36, v20;
	v25 =	vadd.f32 v40, v38  }
0x3b8: {  	v27 =	vunpack.i.u.bf16.f32 v42;
	v28 =	vadd.f32 v43, v41;
	v8 =	vadd.f32 v57, v55  }
0x3b9: {  	v6 =	vadd.f32 v61, v59;
	v29 =	vadd.f32 v27, v22  }
0x3ba: {  	v3 =	vadd.f32 v48, v3;
	v58 =	vadd.f32 v51, v50  }
0x3bb: {  	v60 =	vadd.f32 v54, v53;
	v5 =	vadd.f32 v5, v56  }
0x3bc: {  	v10 =	vadd.f32 v63, v62;
	v30 =	vadd.f32 v25, v24  }
0x3bd: {  	v8 =	vadd.f32 v8, v28;
	v6 =	vadd.f32 v29, v6  }
0x3be: {  	v3 =	vadd.f32 v58, v3;
	v31 =	vadd.f32 v5, v60  }
0x3bf: {  	v32 =	vadd.f32 v30, v10;
	v6 =	vadd.f32 v6, v8  }
0x3c0: {  	v3 =	vadd.f32 v31, v3  }
0x3c1: {  	v33 =	vadd.f32 v6, v32  }
0x3c2: {  	[tilespmem:s24+$0xC940] =	vst v3  }
0x3c3: {  	[tilespmem:s24+$0xC950] =	vst v33  }
0x3c4: {  	v3 =	vld [tilespmem:s15+$0xFFFFFC50]  }
0x3c5: {  	v4 =	vld [tilespmem:s15+$0xFFFFFCD0]  }
0x3c6: {  	v34 =	vld [tilespmem:s15+$0xFFFFFD50]  }
0x3c7: {  	v35 =	vld [tilespmem:s15+$0xFFFFFDD0]  }
0x3c8: {  	v36 =	vld [tilespmem:s15+$0xFFFFFE50]  }
0x3c9: {  	v37 =	vld [tilespmem:s15+$0xFFFFFED0]  }
0x3ca: {  	v38 =	vld [tilespmem:s15+$0xFFFFFF50]  }
0x3cb: {  	v39 =	vld [tilespmem:s15+$0xFFFFFFD0]  }
0x3cc: {  	v40 =	vld [tilespmem:s15+$0x50]  }
0x3cd: {  	v41 =	vld [tilespmem:s15+$0xD0]  }
0x3ce: {  	v42 =	vld [tilespmem:s15+$0x150]  }
0x3cf: {  	v44 =	vld [tilespmem:s15+$0x1D0];
	v13 =	vunpack.i.u.bf16.f32 v3  }
0x3d0: {  	v46 =	vld [tilespmem:s15+$0x250];
	v3 =	vunpack.i.l.bf16.f32 v3;
	v43 =	vunpack.i.u.bf16.f32 v4;
	v4 =	vunpack.i.l.bf16.f32 v4  }
0x3d1: {  	v49 =	vld [tilespmem:s15+$0x2D0];
	v16 =	vunpack.i.u.bf16.f32 v34;
	v5 =	vunpack.i.l.bf16.f32 v34;
	v45 =	vunpack.i.u.bf16.f32 v35  }
0x3d2: {  	v51 =	vld [tilespmem:s15+$0x350];
	v6 =	vunpack.i.l.bf16.f32 v35;
	v47 =	vunpack.i.u.bf16.f32 v36;
	v7 =	vunpack.i.l.bf16.f32 v36  }
0x3d3: {  	v54 =	vld [tilespmem:s15+$0x3D0];
	v48 =	vunpack.i.u.bf16.f32 v37;
	v8 =	vunpack.i.l.bf16.f32 v37;
	v50 =	vunpack.i.u.bf16.f32 v38  }
0x3d4: {  	v9 =	vunpack.i.l.bf16.f32 v38;
	v52 =	vunpack.i.u.bf16.f32 v39;
	v10 =	vunpack.i.l.bf16.f32 v39  }
0x3d5: {  	v53 =	vunpack.i.u.bf16.f32 v40;
	v11 =	vunpack.i.l.bf16.f32 v40;
	v55 =	vunpack.i.u.bf16.f32 v41  }
0x3d6: {  	v12 =	vunpack.i.l.bf16.f32 v41;
	v56 =	vunpack.i.l.bf16.f32 v42;
	v57 =	vunpack.i.l.bf16.f32 v44  }
0x3d7: {  	v58 =	vunpack.i.l.bf16.f32 v46;
	v59 =	vunpack.i.l.bf16.f32 v49;
	v61 =	vunpack.i.l.bf16.f32 v51  }
0x3d8: {  	v33 =	vunpack.i.l.bf16.f32 v54;
	v3 =	vadd.f32 v4, v3;
	v60 =	vadd.f32 v6, v5  }
0x3d9: {  	v36 =	vunpack.i.u.bf16.f32 v42;
	v62 =	vadd.f32 v8, v7;
	v63 =	vadd.f32 v10, v9  }
0x3da: {  	v38 =	vunpack.i.u.bf16.f32 v44;
	v34 =	vadd.f32 v12, v11;
	v35 =	vadd.f32 v57, v56  }
0x3db: {  	v40 =	vunpack.i.u.bf16.f32 v46;
	v37 =	vadd.f32 v59, v58;
	v5 =	vadd.f32 v33, v61  }
0x3dc: {  	v42 =	vunpack.i.u.bf16.f32 v49;
	v43 =	vadd.f32 v43, v13;
	v44 =	vadd.f32 v45, v16  }
0x3dd: {  	v45 =	vunpack.i.u.bf16.f32 v51;
	v46 =	vadd.f32 v48, v47;
	v47 =	vadd.f32 v52, v50  }
0x3de: {  	v48 =	vunpack.i.u.bf16.f32 v54;
	v49 =	vadd.f32 v55, v53;
	v8 =	vadd.f32 v38, v36  }
0x3df: {  	v6 =	vadd.f32 v42, v40;
	v50 =	vadd.f32 v48, v45  }
0x3e0: {  	v3 =	vadd.f32 v60, v3;
	v39 =	vadd.f32 v63, v62  }
0x3e1: {  	v41 =	vadd.f32 v35, v34;
	v5 =	vadd.f32 v5, v37  }
0x3e2: {  	v10 =	vadd.f32 v44, v43;
	v51 =	vadd.f32 v47, v46  }
0x3e3: {  	v8 =	vadd.f32 v8, v49;
	v6 =	vadd.f32 v50, v6  }
0x3e4: {  	v3 =	vadd.f32 v39, v3;
	v52 =	vadd.f32 v5, v41  }
0x3e5: {  	v53 =	vadd.f32 v51, v10;
	v6 =	vadd.f32 v6, v8  }
0x3e6: {  	v3 =	vadd.f32 v52, v3  }
0x3e7: {  	v54 =	vadd.f32 v6, v53  }
0x3e8: {  	[tilespmem:s24+$0xC960] =	vst v3  }
0x3e9: {  	[tilespmem:s24+$0xC970] =	vst v54  }
0x3ea: {  	v3 =	vld [tilespmem:s15+$0xFFFFFC60]  }
0x3eb: {  	v4 =	vld [tilespmem:s15+$0xFFFFFCE0]  }
0x3ec: {  	v55 =	vld [tilespmem:s15+$0xFFFFFD60]  }
0x3ed: {  	v56 =	vld [tilespmem:s15+$0xFFFFFDE0]  }
0x3ee: {  	v57 =	vld [tilespmem:s15+$0xFFFFFE60]  }
0x3ef: {  	v58 =	vld [tilespmem:s15+$0xFFFFFEE0]  }
0x3f0: {  	v59 =	vld [tilespmem:s15+$0xFFFFFF60]  }
0x3f1: {  	v60 =	vld [tilespmem:s15+$0xFFFFFFE0]  }
0x3f2: {  	v61 =	vld [tilespmem:s15+$0x60]  }
0x3f3: {  	v62 =	vld [tilespmem:s15+$0xE0]  }
0x3f4: {  	v63 =	vld [tilespmem:s15+$0x160]  }
0x3f5: {  	v36 =	vld [tilespmem:s15+$0x1E0];
	v13 =	vunpack.i.u.bf16.f32 v3  }
0x3f6: {  	v38 =	vld [tilespmem:s15+$0x260];
	v3 =	vunpack.i.l.bf16.f32 v3;
	v15 =	vunpack.i.u.bf16.f32 v4;
	v4 =	vunpack.i.l.bf16.f32 v4  }
0x3f7: {  	v41 =	vld [tilespmem:s15+$0x2E0];
	v16 =	vunpack.i.u.bf16.f32 v55;
	v5 =	vunpack.i.l.bf16.f32 v55;
	v37 =	vunpack.i.u.bf16.f32 v56  }
0x3f8: {  	v43 =	vld [tilespmem:s15+$0x360];
	v6 =	vunpack.i.l.bf16.f32 v56;
	v39 =	vunpack.i.u.bf16.f32 v57;
	v7 =	vunpack.i.l.bf16.f32 v57  }
0x3f9: {  	v46 =	vld [tilespmem:s15+$0x3E0];
	v40 =	vunpack.i.u.bf16.f32 v58;
	v8 =	vunpack.i.l.bf16.f32 v58;
	v42 =	vunpack.i.u.bf16.f32 v59  }
0x3fa: {  	v9 =	vunpack.i.l.bf16.f32 v59;
	v44 =	vunpack.i.u.bf16.f32 v60;
	v10 =	vunpack.i.l.bf16.f32 v60  }
0x3fb: {  	v45 =	vunpack.i.u.bf16.f32 v61;
	v11 =	vunpack.i.l.bf16.f32 v61;
	v47 =	vunpack.i.u.bf16.f32 v62  }
0x3fc: {  	v12 =	vunpack.i.l.bf16.f32 v62;
	v48 =	vunpack.i.l.bf16.f32 v63;
	v49 =	vunpack.i.l.bf16.f32 v36  }
0x3fd: {  	v50 =	vunpack.i.l.bf16.f32 v38;
	v51 =	vunpack.i.l.bf16.f32 v41;
	v53 =	vunpack.i.l.bf16.f32 v43  }
0x3fe: {  	v56 =	vunpack.i.l.bf16.f32 v46;
	v3 =	vadd.f32 v4, v3;
	v52 =	vadd.f32 v6, v5  }
0x3ff: {  	v59 =	vunpack.i.u.bf16.f32 v63;
	v54 =	vadd.f32 v8, v7;
	v55 =	vadd.f32 v10, v9  }
0x400: {  	v61 =	vunpack.i.u.bf16.f32 v36;
	v57 =	vadd.f32 v12, v11;
	v58 =	vadd.f32 v49, v48  }
0x401: {  	v63 =	vunpack.i.u.bf16.f32 v38;
	v60 =	vadd.f32 v51, v50;
	v5 =	vadd.f32 v56, v53  }
0x402: {  	v30 =	vunpack.i.u.bf16.f32 v41;
	v31 =	vadd.f32 v15, v13;
	v32 =	vadd.f32 v37, v16  }
0x403: {  	v33 =	vunpack.i.u.bf16.f32 v43;
	v34 =	vadd.f32 v40, v39;
	v35 =	vadd.f32 v44, v42  }
0x404: {  	v36 =	vunpack.i.u.bf16.f32 v46;
	v37 =	vadd.f32 v47, v45;
	v8 =	vadd.f32 v61, v59  }
0x405: {  	v6 =	vadd.f32 v30, v63;
	v38 =	vadd.f32 v36, v33  }
0x406: {  	v3 =	vadd.f32 v52, v3;
	v62 =	vadd.f32 v55, v54  }
0x407: {  	v29 =	vadd.f32 v58, v57;
	v5 =	vadd.f32 v5, v60  }
0x408: {  	v10 =	vadd.f32 v32, v31;
	v39 =	vadd.f32 v35, v34  }
0x409: {  	v8 =	vadd.f32 v8, v37;
	v6 =	vadd.f32 v38, v6  }
0x40a: {  	v3 =	vadd.f32 v62, v3;
	v40 =	vadd.f32 v5, v29  }
0x40b: {  	v41 =	vadd.f32 v39, v10;
	v6 =	vadd.f32 v6, v8  }
0x40c: {  	v3 =	vadd.f32 v40, v3  }
0x40d: {  	v42 =	vadd.f32 v6, v41  }
0x40e: {  	[tilespmem:s24+$0xC980] =	vst v3  }
0x40f: {  	[tilespmem:s24+$0xC990] =	vst v42  }
0x410: {  	v3 =	vld [tilespmem:s15+$0xFFFFFC70]  }
0x411: {  	v4 =	vld [tilespmem:s15+$0xFFFFFCF0]  }
0x412: {  	v43 =	vld [tilespmem:s15+$0xFFFFFD70]  }
0x413: {  	v44 =	vld [tilespmem:s15+$0xFFFFFDF0]  }
0x414: {  	v45 =	vld [tilespmem:s15+$0xFFFFFE70]  }
0x415: {  	v46 =	vld [tilespmem:s15+$0xFFFFFEF0]  }
0x416: {  	v47 =	vld [tilespmem:s15+$0xFFFFFF70]  }
0x417: {  	v48 =	vld [tilespmem:s15+$0xFFFFFFF0]  }
0x418: {  	v49 =	vld [tilespmem:s15+$0x70]  }
0x419: {  	v50 =	vld [tilespmem:s15+$0xF0]  }
0x41a: {  	v51 =	vld [tilespmem:s15+$0x170]  }
0x41b: {  	v52 =	vld [tilespmem:s15+$0x1F0];
	v13 =	vunpack.i.u.bf16.f32 v3  }
0x41c: {  	v54 =	vld [tilespmem:s15+$0x270];
	v3 =	vunpack.i.l.bf16.f32 v3;
	v15 =	vunpack.i.u.bf16.f32 v4;
	v4 =	vunpack.i.l.bf16.f32 v4  }
0x41d: {  	v55 =	vld [tilespmem:s15+$0x2F0];
	v16 =	vunpack.i.u.bf16.f32 v43;
	v5 =	vunpack.i.l.bf16.f32 v43;
	v53 =	vunpack.i.u.bf16.f32 v44  }
0x41e: {  	v57 =	vld [tilespmem:s15+$0x370];
	v6 =	vunpack.i.l.bf16.f32 v44;
	v20 =	vunpack.i.u.bf16.f32 v45;
	v7 =	vunpack.i.l.bf16.f32 v45  }
0x41f: {  	v60 =	vld [tilespmem:s15+$0x3F0];
	v21 =	vunpack.i.u.bf16.f32 v46;
	v8 =	vunpack.i.l.bf16.f32 v46;
	v56 =	vunpack.i.u.bf16.f32 v47  }
0x420: {  	v9 =	vunpack.i.l.bf16.f32 v47;
	v58 =	vunpack.i.u.bf16.f32 v48;
	v10 =	vunpack.i.l.bf16.f32 v48  }
0x421: {  	v59 =	vunpack.i.u.bf16.f32 v49;
	v11 =	vunpack.i.l.bf16.f32 v49;
	v61 =	vunpack.i.u.bf16.f32 v50  }
0x422: {  	v12 =	vunpack.i.l.bf16.f32 v50;
	v62 =	vunpack.i.l.bf16.f32 v51;
	v63 =	vunpack.i.l.bf16.f32 v52  }
0x423: {  	v36 =	vunpack.i.l.bf16.f32 v54;
	v37 =	vunpack.i.l.bf16.f32 v55;
	v39 =	vunpack.i.l.bf16.f32 v57  }
0x424: {  	v42 =	vunpack.i.l.bf16.f32 v60;
	v3 =	vadd.f32 v4, v3;
	v38 =	vadd.f32 v6, v5  }
0x425: {  	v45 =	vunpack.i.u.bf16.f32 v51;
	v40 =	vadd.f32 v8, v7;
	v41 =	vadd.f32 v10, v9  }
0x426: {  	v47 =	vunpack.i.u.bf16.f32 v52;
	v43 =	vadd.f32 v12, v11;
	v44 =	vadd.f32 v63, v62  }
0x427: {  	v49 =	vunpack.i.u.bf16.f32 v54;
	v46 =	vadd.f32 v37, v36;
	v5 =	vadd.f32 v42, v39  }
0x428: {  	v51 =	vunpack.i.u.bf16.f32 v55;
	v52 =	vadd.f32 v15, v13;
	v53 =	vadd.f32 v53, v16  }
0x429: {  	v54 =	vunpack.i.u.bf16.f32 v57;
	v55 =	vadd.f32 v21, v20;
	v56 =	vadd.f32 v58, v56  }
0x42a: {  	v57 =	vunpack.i.u.bf16.f32 v60;
	v58 =	vadd.f32 v61, v59;
	v8 =	vadd.f32 v47, v45  }
0x42b: {  	v6 =	vadd.f32 v51, v49;
	v59 =	vadd.f32 v57, v54  }
0x42c: {  	v3 =	vadd.f32 v38, v3;
	v48 =	vadd.f32 v41, v40  }
0x42d: {  	v50 =	vadd.f32 v44, v43;
	v5 =	vadd.f32 v5, v46  }
0x42e: {  	v10 =	vadd.f32 v53, v52;
	v60 =	vadd.f32 v56, v55  }
0x42f: {  	v8 =	vadd.f32 v8, v58;
	v6 =	vadd.f32 v59, v6  }
0x430: {  	p1 =	sne.s32 s0, $0xF00;
	v3 =	vadd.f32 v48, v3;
	v61 =	vadd.f32 v5, v50  }
.Ltmp12:
0x431: {  	v62 =	vadd.f32 v60, v10;
	v6 =	vadd.f32 v6, v8;
	(pc) =	sbr.rel @p1 .LBB2_19-.Ltmp12, $4  }
0x432: {  	v3 =	vadd.f32 v61, v3  }
0x433: {  	v63 =	vadd.f32 v6, v62  }
0x434: {  	[tilespmem:s24+$0xC9A0] =	vst v3  }
0x435: {  	s0 =	sadd.s32 $0x200, s0;
	s15 =	sadd.s32 $0x800, s15;
	[tilespmem:s24+$0xC9B0] =	vst v63  }
.Ltmp13:
0x436: {  	(pc) =	sbr.rel @p0 .LBB2_22-.Ltmp13, $1  }
0x437: {  	_ =	sdelay $0x3  }
.Ltmp14:
0x438: {  	(pc) =	sbr.rel .LBB2_16-.Ltmp14, $4  }
0x439: {  	_ = 	snop  }
0x43a: {  	s0 =	sshrl.u32 s10, $0x2  }
0x43b: {  	s29 =	sadd.s32 $0x1, s29;
	s0 =	sadd.s32 $0x2B00, s0  }
0x43c: {  	[tilespmem:s12], [sflag:$0x4] =	stream.indirect.gather [hbm4b:s14+s11], $0x80, s0, s11, $0x2000b8;
	[tilespmem:$0x1A980] =	vst v63  }
.LBB2_23:
0x43d: {  	_ =	sfence.sel $0x180000  }
0x43e: {  	[bflag:$0x0] =	sbarrier.arrive $0xFFFF  }
0x43f: {  	_ =	strace $0x90000047  }
0x440: {  	[bflag:$0x2] =	sbarrier.arrive $0xFFFF  }
0x441: {  	p0 =	sne.s32 s1, $0x0;
	s0 =	rddreg [dreg:$0x3]  }
0x442: {  	s0 =	sadd.s32 @!p0 $0x100000, s0  }
0x443: {  	[sflag:s0] =	ssyncadd.tile.s32 @!p0 $0x1;
	_ =	shalt  }
.Lfunc_end2:
_tile_overlayer_lowered:
.L_overlay_start_2:
0x444: {  	(tag) =	ssettag $0x2  }
0x445: {  	s0 =	rddreg [dreg:$0x0];
	s2 =	stileid.u32  }
0x446: {  	s1 =	rddreg [dreg:$0x1];
	p0 =	sne.s32 s2, $0x0  }
0x447: {  	s3 =	rddreg [dreg:$0x2];
	[bflag:$0x3] =	sbarrier.arrive $0xFFFF;
	s2 =	simm.s32 @!p0 $0x1C07  }
0x448: {  	[timem:s3], [sflag:s2] =	dma.local @!p0 [hbm:s0], s1  }
0x449: {  	s0 =	simm.s32 @!p0 $0x7  }
0x44a: {  	_ =	swait.ge @!p0 [sflag:s0], s1  }
0x44b: {  	s1 =	ssub.s32 @!p0 $0x0, s1;
	[sflag:s0] =	ssyncset.done @!p0 $0x0  }
0x44c: {  	[sflag:s0] =	ssyncadd.s32 @!p0 s1  }
0x44d: {  	[bflag:$0x3] =	sbarrier.arrive $0xFFFF  }
0x44e: {  	_ =	shalt  }

</sc_bundles>
